<compile_context>
chip_gen: v7x
topology: tpu7x:2x2x1
jax: 0.10.2.dev20260603
libtpu: 0.0.44.dev20260713+nightly
codegen_flags: <defaults>
</compile_context>

<pallas_src>
import functools

import jax
import jax.numpy as jnp
from jax import lax
from jax.experimental import pallas as pl
from jax.experimental.pallas import tpu as pltpu
from jax.experimental.pallas import tpu_sc as plsc

_NC = 2
_NS = 16
_NW = _NC * _NS
_CHUNK = 1000

_SC_PARAMS = pltpu.CompilerParams(use_tc_tiling_on_sc=False)


def _sc_gather(table, idx2):
    nch, c = idx2.shape
    h = table.shape[1]
    e = nch * c
    cpw = nch // _NW
    epw = e // _NW
    mesh = plsc.VectorSubcoreMesh(core_axis_name="c", subcore_axis_name="s")

    @functools.partial(
        pl.kernel,
        out_type=jax.ShapeDtypeStruct((e, h), jnp.float32),
        mesh=mesh,
        scratch_types=[
            pltpu.VMEM((cpw, c), jnp.int32),
            pltpu.VMEM((2, c, h), jnp.float32),
            pltpu.SemaphoreType.DMA,
            pltpu.SemaphoreType.DMA,
        ],
        compiler_params=_SC_PARAMS,
    )
    def k(table_hbm, idx_hbm, out_hbm, idx_v, rows_v, gsem, ssem):
        wid = lax.axis_index("s") * _NC + lax.axis_index("c")
        pltpu.sync_copy(idx_hbm.at[pl.ds(wid * cpw, cpw)], idx_v)
        ga = [None] * cpw
        st = [None] * cpw
        ga[0] = pltpu.async_copy(table_hbm.at[idx_v.at[0]], rows_v.at[0],
                                 gsem)
        for j in range(cpw):
            if j + 1 < cpw:
                if j >= 1:
                    st[j - 1].wait()
                ga[j + 1] = pltpu.async_copy(
                    table_hbm.at[idx_v.at[j + 1]], rows_v.at[(j + 1) % 2],
                    gsem)
            ga[j].wait()
            st[j] = pltpu.async_copy(
                rows_v.at[j % 2], out_hbm.at[pl.ds(wid * epw + j * c, c)],
                ssem)
        st[cpw - 2].wait()
        st[cpw - 1].wait()

    return k(table, idx2)


def _sc_scatter_add(vals, idx2, npad, with_deg):
    e, h = vals.shape
    nch, c = idx2.shape
    cpw = nch // _NW
    epw = e // _NW
    rpt = npad // _NS
    mesh = plsc.VectorSubcoreMesh(core_axis_name="c", subcore_axis_name="s")

    out_type = [jax.ShapeDtypeStruct((2 * npad, h), jnp.float32)]
    scratch = [
        pltpu.VMEM((cpw, c), jnp.int32),
        pltpu.VMEM((2, c, h), jnp.float32),
        pltpu.VMEM_SHARED((npad, h), jnp.float32),
        pltpu.SemaphoreType.DMA,
    ]
    if with_deg:
        out_type.append(jax.ShapeDtypeStruct((2 * npad, 16), jnp.float32))
        scratch.append(pltpu.VMEM((c, 16), jnp.float32))
        scratch.append(pltpu.VMEM_SHARED((npad, 16), jnp.float32))

    zeros_h = jnp.zeros((npad, h), jnp.float32)
    inputs = [vals, idx2, zeros_h]
    if with_deg:
        inputs.append(jnp.ones((c, 16), jnp.float32))
        inputs.append(jnp.zeros((npad, 16), jnp.float32))

    @functools.partial(
        pl.kernel,
        out_type=tuple(out_type),
        mesh=mesh,
        scratch_types=tuple(scratch),
        compiler_params=_SC_PARAMS,
    )
    def k(*refs):
        if with_deg:
            (vals_hbm, idx_hbm, zh_hbm, ones_hbm, z16_hbm,
             out_hbm, deg_hbm,
             idx_v, rows_v, acc_sh, lsem, ones_v, deg_sh) = refs
        else:
            (vals_hbm, idx_hbm, zh_hbm,
             out_hbm,
             idx_v, rows_v, acc_sh, lsem) = refs
        cid = lax.axis_index("c")
        sid = lax.axis_index("s")
        wid = sid * _NC + cid

        pltpu.sync_copy(idx_hbm.at[pl.ds(wid * cpw, cpw)], idx_v)
        pltpu.sync_copy(zh_hbm.at[pl.ds(sid * rpt, rpt)],
                        acc_sh.at[pl.ds(sid * rpt, rpt)])
        if with_deg:
            pltpu.sync_copy(z16_hbm.at[pl.ds(sid * rpt, rpt)],
                            deg_sh.at[pl.ds(sid * rpt, rpt)])
            pltpu.sync_copy(ones_hbm, ones_v)
        plsc.subcore_barrier()

        ld = [None] * cpw
        ld[0] = pltpu.async_copy(vals_hbm.at[pl.ds(wid * epw, c)],
                                 rows_v.at[0], lsem)
        for j in range(cpw):
            if j + 1 < cpw:
                ld[j + 1] = pltpu.async_copy(
                    vals_hbm.at[pl.ds(wid * epw + (j + 1) * c, c)],
                    rows_v.at[(j + 1) % 2], lsem)
            ld[j].wait()
            pltpu.sync_copy(rows_v.at[j % 2], acc_sh.at[idx_v.at[j]],
                            add=True)
            if with_deg:
                pltpu.sync_copy(ones_v, deg_sh.at[idx_v.at[j]], add=True)
        plsc.subcore_barrier()

        pltpu.sync_copy(acc_sh.at[pl.ds(sid * rpt, rpt)],
                        out_hbm.at[pl.ds(cid * npad + sid * rpt, rpt)])
        if with_deg:
            pltpu.sync_copy(deg_sh.at[pl.ds(sid * rpt, rpt)],
                            deg_hbm.at[pl.ds(cid * npad + sid * rpt, rpt)])

    return k(*inputs)


def _sc_gather_scatter(table, sidx2, didx2, npad):
    h = table.shape[1]
    nch, c = sidx2.shape
    cpw = nch // _NW
    rpt = npad // _NS
    mesh = plsc.VectorSubcoreMesh(core_axis_name="c", subcore_axis_name="s")

    @functools.partial(
        pl.kernel,
        out_type=jax.ShapeDtypeStruct((2 * npad, h), jnp.float32),
        mesh=mesh,
        scratch_types=[
            pltpu.VMEM((cpw, c), jnp.int32),
            pltpu.VMEM((cpw, c), jnp.int32),
            pltpu.VMEM((2, c, h), jnp.float32),
            pltpu.VMEM_SHARED((npad, h), jnp.float32),
            pltpu.SemaphoreType.DMA,
        ],
        compiler_params=_SC_PARAMS,
    )
    def k(table_hbm, sidx_hbm, didx_hbm, zh_hbm, out_hbm,
          sidx_v, didx_v, rows_v, acc_sh, gsem):
        cid = lax.axis_index("c")
        sid = lax.axis_index("s")
        wid = sid * _NC + cid

        pltpu.sync_copy(sidx_hbm.at[pl.ds(wid * cpw, cpw)], sidx_v)
        pltpu.sync_copy(didx_hbm.at[pl.ds(wid * cpw, cpw)], didx_v)
        pltpu.sync_copy(zh_hbm.at[pl.ds(sid * rpt, rpt)],
                        acc_sh.at[pl.ds(sid * rpt, rpt)])
        plsc.subcore_barrier()

        ga = [None] * cpw
        ga[0] = pltpu.async_copy(table_hbm.at[sidx_v.at[0]], rows_v.at[0],
                                 gsem)
        for j in range(cpw):
            if j + 1 < cpw:
                ga[j + 1] = pltpu.async_copy(
                    table_hbm.at[sidx_v.at[j + 1]], rows_v.at[(j + 1) % 2],
                    gsem)
            ga[j].wait()
            pltpu.sync_copy(rows_v.at[j % 2], acc_sh.at[didx_v.at[j]],
                            add=True)
        plsc.subcore_barrier()

        pltpu.sync_copy(acc_sh.at[pl.ds(sid * rpt, rpt)],
                        out_hbm.at[pl.ds(cid * npad + sid * rpt, rpt)])

    return k(table, sidx2, didx2, jnp.zeros((npad, h), jnp.float32))


def _tc_lin0(n_feat, w, b):
    n, _ = n_feat.shape
    h = w.shape[1]

    def body(x_ref, w_ref, b_ref, o_ref):
        x = jnp.dot(x_ref[...], w_ref[...], preferred_element_type=jnp.float32)
        o_ref[...] = jnp.maximum(x + b_ref[...], 0.0)

    return pl.pallas_call(
        body,
        out_shape=jax.ShapeDtypeStruct((n, h), jnp.float32),
    )(n_feat, w, b.reshape(1, h))


def _tc_msg(e_feat, g, en_w1, en_b1, en_g, en_bt, w2p, selb):
    e, d_e = e_feat.shape
    h = g.shape[1]
    eh = en_w1.shape[1]
    blk = 2000
    grid = e // blk

    def body(ef_ref, g_ref, w1_ref, b1_ref, gam_ref, bet_ref, w2_ref,
             sel_ref, o_ref):
        h1 = jnp.dot(ef_ref[...], w1_ref[...],
                     preferred_element_type=jnp.float32) + b1_ref[...]
        h1 = jnp.maximum(h1, 0.0)
        mu = jnp.mean(h1, axis=-1, keepdims=True)
        var = jnp.mean((h1 - mu) ** 2, axis=-1, keepdims=True)
        h1n = (h1 - mu) / jnp.sqrt(var + 1e-5) * gam_ref[...] + bet_ref[...]
        ew = jnp.dot(h1n.astype(jnp.bfloat16), w2_ref[...],
                     preferred_element_type=jnp.float32)
        gb = g_ref[...]
        p = ew * jnp.tile(gb, (1, h))
        p = jnp.concatenate([p, gb], axis=1)
        o_ref[...] = jnp.dot(p.astype(jnp.bfloat16), sel_ref[...],
                             preferred_element_type=jnp.float32)

    return pl.pallas_call(
        body,
        grid=(grid,),
        in_specs=[
            pl.BlockSpec((blk, d_e), lambda i: (i, 0)),
            pl.BlockSpec((blk, h), lambda i: (i, 0)),
            pl.BlockSpec((d_e, eh), lambda i: (0, 0)),
            pl.BlockSpec((1, eh), lambda i: (0, 0)),
            pl.BlockSpec((1, eh), lambda i: (0, 0)),
            pl.BlockSpec((1, eh), lambda i: (0, 0)),
            pl.BlockSpec((eh, h * h), lambda i: (0, 0)),
            pl.BlockSpec((h * h + h, h), lambda i: (0, 0)),
        ],
        out_specs=pl.BlockSpec((blk, h), lambda i: (i, 0)),
        out_shape=jax.ShapeDtypeStruct((e, h), jnp.float32),
    )(e_feat, g, en_w1, en_b1.reshape(1, eh), en_g.reshape(1, eh),
      en_bt.reshape(1, eh), w2p, selb)


def _tc_node_first(parts, degp, out, conv_bias, msg_w, msg_b, npad):
    n, h = out.shape

    def body(p_ref, d_ref, out_ref, cb_ref, wm_ref, wo_ref, b_ref,
             o_ref, dinv_ref):
        p = p_ref[0:n, :] + p_ref[npad:npad + n, :]
        deg = d_ref[0:n, 0:1] + d_ref[npad:npad + n, 0:1]
        dinv = 1.0 / jnp.maximum(deg, 1.0)
        dinv_ref[...] = dinv
        o = out_ref[...]
        m = jnp.maximum(p * dinv + o + cb_ref[...], 0.0)
        o_ref[...] = (jnp.dot(m, wm_ref[...], preferred_element_type=jnp.float32)
                      + jnp.dot(o, wo_ref[...], preferred_element_type=jnp.float32)
                      + b_ref[...])

    return pl.pallas_call(
        body,
        out_shape=(jax.ShapeDtypeStruct((n, h), jnp.float32),
                   jax.ShapeDtypeStruct((n, 1), jnp.float32)),
    )(parts, degp, out, conv_bias.reshape(1, h), msg_w[:h], msg_w[h:],
      msg_b.reshape(1, h))


def _tc_node_next(parts, dinv, out, conv_bias, msg_w, msg_b, npad):
    n, h = out.shape

    def body(p_ref, dinv_ref, out_ref, cb_ref, wm_ref, wo_ref, b_ref, o_ref):
        p = p_ref[0:n, :] + p_ref[npad:npad + n, :]
        o = out_ref[...]
        m = jnp.maximum(p * dinv_ref[...] + o + cb_ref[...], 0.0)
        o_ref[...] = (jnp.dot(m, wm_ref[...], preferred_element_type=jnp.float32)
                      + jnp.dot(o, wo_ref[...], preferred_element_type=jnp.float32)
                      + b_ref[...])

    return pl.pallas_call(
        body,
        out_shape=jax.ShapeDtypeStruct((n, h), jnp.float32),
    )(parts, dinv, out, conv_bias.reshape(1, h), msg_w[:h], msg_w[h:],
      msg_b.reshape(1, h))


def _tc_final(parts, dinv, out, init, sub_w, sub_b, npad):
    n, h = out.shape

    def body(p_ref, dinv_ref, out_ref, init_ref, wo_ref, wg_ref, b_ref,
             o_ref):
        p = p_ref[0:n, :] + p_ref[npad:npad + n, :]
        group = p * dinv_ref[...]
        o = out_ref[...]
        o_ref[...] = (jnp.dot(o, wo_ref[...], preferred_element_type=jnp.float32)
                      + jnp.dot(group, wg_ref[...], preferred_element_type=jnp.float32)
                      + b_ref[...] + init_ref[...])

    return pl.pallas_call(
        body,
        out_shape=jax.ShapeDtypeStruct((n, h), jnp.float32),
    )(parts, dinv, out, init, sub_w[:h], sub_w[h:], sub_b.reshape(1, h))


def kernel(n_feat, e_feat, edge_index, lin0_w, lin0_b, en_w1, en_b1, en_g,
           en_bt, en_w2, en_b2, conv_bias, msg_w, msg_b, sub_w, sub_b):
    n, _ = n_feat.shape
    h = lin0_w.shape[1]
    npad = ((n + _NS * 8 - 1) // (_NS * 8)) * (_NS * 8)
    e = e_feat.shape[0]

    src2 = edge_index[0].astype(jnp.int32).reshape(e // _CHUNK, _CHUNK)
    dst2 = edge_index[1].astype(jnp.int32).reshape(e // _CHUNK, _CHUNK)
    eh = en_w1.shape[1]
    w2p = (en_w2.reshape(eh, h, h).transpose(0, 2, 1).reshape(eh, h * h)
           .astype(jnp.bfloat16))
    selb = jnp.concatenate(
        [jnp.repeat(jnp.eye(h, dtype=jnp.float32), h, axis=0),
         en_b2.reshape(h, h)], axis=0).astype(jnp.bfloat16)

    out = _tc_lin0(n_feat, lin0_w, lin0_b)

    g = _sc_gather(out, src2)
    msg = _tc_msg(e_feat, g, en_w1, en_b1, en_g, en_bt, w2p, selb)
    parts, degp = _sc_scatter_add(msg, dst2, npad, with_deg=True)
    out, dinv = _tc_node_first(parts, degp, out, conv_bias, msg_w, msg_b,
                               npad)

    g = _sc_gather(out, src2)
    msg = _tc_msg(e_feat, g, en_w1, en_b1, en_g, en_bt, w2p, selb)
    parts = _sc_scatter_add(msg, dst2, npad, with_deg=False)[0]
    out = _tc_node_next(parts, dinv, out, conv_bias, msg_w, msg_b, npad)

    parts = _sc_gather_scatter(out, src2, dst2, npad)
    return _tc_final(parts, dinv, out, n_feat, sub_w, sub_b, npad)

# --- scband reference (transcript-rebuilt; emitter-appended) ---
"""Pipeline reference for scband-gather-model-84542136254724 (READ-ONLY COPY).

The authoritative reference and input builder live on the scoring server;
editing this copy changes nothing except your own understanding.
"""

import jax, jax.numpy as jnp
import numpy as np

N = 10000
E = 160000
D_IN = 32
D_EDGE = 16
H = 32
EH = 64
NUM_STEPS = 4  # num_step_message_passing


def _linear_params(key, fan_in, fan_out):
    kw, kb = jax.random.split(key)
    w = jax.random.normal(kw, (fan_in, fan_out), dtype=jnp.float32) / np.sqrt(fan_in)
    b = jax.random.normal(kb, (fan_out,), dtype=jnp.float32) * 0.01
    return w, b


def setup_inputs(seed: int = 0) -> dict:
    key = jax.random.key(seed)
    ks = jax.random.split(key, 10)
    n_feat = jax.random.normal(ks[0], (N, D_IN), dtype=jnp.float32)
    e_feat = jax.random.normal(ks[1], (E, D_EDGE), dtype=jnp.float32)
    edge_index = jax.random.randint(ks[2], (2, E), 0, N)
    lin0_w, lin0_b = _linear_params(ks[3], D_IN, H)
    en_w1, en_b1 = _linear_params(ks[4], D_EDGE, EH)
    en_g = jnp.ones((EH,), dtype=jnp.float32)
    en_bt = jnp.zeros((EH,), dtype=jnp.float32)
    en_w2, en_b2 = _linear_params(ks[5], EH, H * H)
    conv_bias = jnp.zeros((H,), dtype=jnp.float32)
    msg_w, msg_b = _linear_params(ks[6], 2 * H, H)
    sub_w, sub_b = _linear_params(ks[7], 2 * H, H)
    return {
        'n_feat': n_feat, 'e_feat': e_feat, 'edge_index': edge_index,
        'lin0_w': lin0_w, 'lin0_b': lin0_b,
        'en_w1': en_w1, 'en_b1': en_b1, 'en_g': en_g, 'en_bt': en_bt,
        'en_w2': en_w2, 'en_b2': en_b2, 'conv_bias': conv_bias,
        'msg_w': msg_w, 'msg_b': msg_b, 'sub_w': sub_w, 'sub_b': sub_b,
    }


def reference(n_feat, e_feat, edge_index, lin0_w, lin0_b, en_w1, en_b1, en_g, en_bt,
              en_w2, en_b2, conv_bias, msg_w, msg_b, sub_w, sub_b):
    src = edge_index[0]
    dst = edge_index[1]
    n = n_feat.shape[0]
    h_dim = lin0_w.shape[1]
    # in-degree for mean aggregation (DGL mean: isolated nodes get 0)
    deg = jnp.zeros((n,), jnp.float32).at[dst].add(1.0)
    denom = jnp.maximum(deg, 1.0)[:, None]

    init = n_feat
    out = jax.nn.relu(n_feat @ lin0_w + lin0_b)

    for _ in range(NUM_STEPS // 2):
        # edge_network: Linear -> ReLU -> LayerNorm -> Linear(H*H)
        h1 = jax.nn.relu(e_feat @ en_w1 + en_b1)
        mu = jnp.mean(h1, axis=-1, keepdims=True)
        var = jnp.var(h1, axis=-1, keepdims=True)
        h1 = (h1 - mu) / jnp.sqrt(var + 1e-5) * en_g + en_bt
        ew = (h1 @ en_w2 + en_b2).reshape(-1, h_dim, h_dim)
        # NNConv: message = h_src @ W_e, mean-aggregated over incoming edges
        msg = jnp.einsum('eh,eho->eo', out[src], ew)
        aggr = jnp.zeros((n, h_dim), jnp.float32).at[dst].add(msg) / denom
        # residual (in_feats == out_feats -> identity res_fc) + bias, then ReLU
        m = jax.nn.relu(aggr + out + conv_bias)
        out = jnp.concatenate([m, out], axis=1) @ msg_w + msg_b

    # update_all(copy_u, mean): mean of src features over incoming edges
    group = jnp.zeros((n, h_dim), jnp.float32).at[dst].add(out[src]) / denom
    out = jnp.concatenate([out, group], axis=1) @ sub_w + sub_b
    return out + init

if __name__ == "__main__":
    import jax
    _d = setup_inputs()
    print(jax.jit(kernel)(*tuple(_d.values())))

</pallas_src>

<mosaic_0001>
#map = affine_map<(d0, d1) -> (0, 0)>
module attributes {stable_mosaic.version = 14 : i64} {
  func.func @k(%arg0: i32, %arg1: i32, %arg2: memref<10000x32xf32, #tpu.memory_space<hbm>>, %arg3: memref<160x1000xi32, #tpu.memory_space<hbm>>, %arg4: memref<160000x32xf32, #tpu.memory_space<hbm>>, %arg5: memref<5x1000xi32, #tpu.memory_space<vmem>>, %arg6: memref<2x1000x32xf32, #tpu.memory_space<vmem>>, %arg7: memref<!tpu.dma_semaphore, #tpu.memory_space<semaphore_mem>>, %arg8: memref<!tpu.dma_semaphore, #tpu.memory_space<semaphore_mem>>) attributes {dimension_semantics = [#tpu.dimension_semantics<core_parallel>, #tpu.dimension_semantics<subcore_parallel>], iteration_bounds = array<i64: 2, 16>, scalar_prefetch = 0 : i64, scratch_operands = 4 : i64, tpu.core_type = #tpu.core_type<sc_vector_subcore>, window_params = [{transform_indices = #map}, {transform_indices = #map}, {transform_indices = #map}]} {
    %mul3A = arith.constant 2 : i32
    %mul3A_0 = arith.muli %arg1, %mul3A : i32
    %add3A = arith.addi %mul3A_0, %arg0 : i32
    %mul3A_1 = arith.constant 5 : i32
    %mul3A_2 = arith.muli %add3A, %mul3A_1 : i32
    "tpu.region"() ({
      %run_scoped3A = tpu.sem_alloc : memref<!tpu.dma_semaphore, #tpu.memory_space<semaphore_mem>>
      %dma_start3A_271 = arith.constant 0 : i32
      %dma_start3A_272 = tpu.memref_slice %arg3[%mul3A_2, %dma_start3A_271] : memref<160x1000xi32, #tpu.memory_space<hbm>> -> memref<5x1000xi32, #tpu.memory_space<hbm>>
      %dma_start3A_273 = arith.constant 0 : i32
      %dma_start3A_274 = tpu.memref_slice %arg3[%mul3A_2, %dma_start3A_273] : memref<160x1000xi32, #tpu.memory_space<hbm>> -> memref<5x1000xi32, #tpu.memory_space<hbm>>
      tpu.enqueue_dma source(%dma_start3A_274 : memref<5x1000xi32, #tpu.memory_space<hbm>>) target(%arg5 : memref<5x1000xi32, #tpu.memory_space<vmem>>) target_semaphore(%run_scoped3A : memref<!tpu.dma_semaphore, #tpu.memory_space<semaphore_mem>>)
      %dma_wait3A_275 = arith.constant 0 : i32
      %dma_wait3A_276 = tpu.memref_slice %arg3[%mul3A_2, %dma_wait3A_275] : memref<160x1000xi32, #tpu.memory_space<hbm>> -> memref<5x1000xi32, #tpu.memory_space<hbm>>
      %dma_wait3A_277 = arith.constant 0 : i32
      %dma_wait3A_278 = tpu.memref_slice %arg3[%mul3A_2, %dma_wait3A_277] : memref<160x1000xi32, #tpu.memory_space<hbm>> -> memref<5x1000xi32, #tpu.memory_space<hbm>>
      tpu.wait_dma2 semaphore(%run_scoped3A : memref<!tpu.dma_semaphore, #tpu.memory_space<semaphore_mem>>) src(%dma_wait3A_278 : memref<5x1000xi32, #tpu.memory_space<hbm>>) dst(%arg5 : memref<5x1000xi32, #tpu.memory_space<vmem>>)
      tpu.yield
    }) : () -> ()
    %dma_start3A = arith.constant 0 : i32
    %dma_start3A_3 = arith.constant 0 : i32
    %dma_start3A_4 = arith.constant 0 : i32
    %dma_start3A_5 = arith.constant 0 : i32
    %dma_start3A_6 = tpu.memref_slice %arg6[%dma_start3A_3, %dma_start3A_4, %dma_start3A_5] : memref<2x1000x32xf32, #tpu.memory_space<vmem>> -> memref<1x1000x32xf32, #tpu.memory_space<vmem>>
    %dma_start3A_7 = tpu.memref_squeeze %dma_start3A_6 : memref<1x1000x32xf32, #tpu.memory_space<vmem>> -> memref<1000x32xf32, #tpu.memory_space<vmem>>
    %dma_start3A_8 = arith.constant 0 : i32
    %dma_start3A_9 = tpu.memref_slice %arg5[%dma_start3A, %dma_start3A_8] : memref<5x1000xi32, #tpu.memory_space<vmem>> -> memref<1x1000xi32, #tpu.memory_space<vmem>>
    %dma_start3A_10 = tpu.memref_squeeze %dma_start3A_9 : memref<1x1000xi32, #tpu.memory_space<vmem>> -> memref<1000xi32, #tpu.memory_space<vmem>>
    %dma_start3A_11 = arith.constant 0 : i32
    %dma_start3A_12 = arith.constant 0 : i32
    %dma_start3A_13 = tpu.memref_slice %arg2[%dma_start3A_11, %dma_start3A_12] : memref<10000x32xf32, #tpu.memory_space<hbm>> -> memref<10000x32xf32, #tpu.memory_space<hbm>>
    tpu.enqueue_indirect_dma source(%dma_start3A_13 : memref<10000x32xf32, #tpu.memory_space<hbm>>) target(%dma_start3A_7 : memref<1000x32xf32, #tpu.memory_space<vmem>>) offsets(%dma_start3A_10 : memref<1000xi32, #tpu.memory_space<vmem>>) semaphore(%arg7 : memref<!tpu.dma_semaphore, #tpu.memory_space<semaphore_mem>>)
    %dma_start3A_14 = arith.constant 1 : i32
    %dma_start3A_15 = arith.constant 1 : i32
    %dma_start3A_16 = arith.constant 0 : i32
    %dma_start3A_17 = arith.constant 0 : i32
    %dma_start3A_18 = tpu.memref_slice %arg6[%dma_start3A_15, %dma_start3A_16, %dma_start3A_17] : memref<2x1000x32xf32, #tpu.memory_space<vmem>> -> memref<1x1000x32xf32, #tpu.memory_space<vmem>>
    %dma_start3A_19 = tpu.memref_squeeze %dma_start3A_18 : memref<1x1000x32xf32, #tpu.memory_space<vmem>> -> memref<1000x32xf32, #tpu.memory_space<vmem>>
    %dma_start3A_20 = arith.constant 0 : i32
    %dma_start3A_21 = tpu.memref_slice %arg5[%dma_start3A_14, %dma_start3A_20] : memref<5x1000xi32, #tpu.memory_space<vmem>> -> memref<1x1000xi32, #tpu.memory_space<vmem>>
    %dma_start3A_22 = tpu.memref_squeeze %dma_start3A_21 : memref<1x1000xi32, #tpu.memory_space<vmem>> -> memref<1000xi32, #tpu.memory_space<vmem>>
    %dma_start3A_23 = arith.constant 0 : i32
    %dma_start3A_24 = arith.constant 0 : i32
    %dma_start3A_25 = tpu.memref_slice %arg2[%dma_start3A_23, %dma_start3A_24] : memref<10000x32xf32, #tpu.memory_space<hbm>> -> memref<10000x32xf32, #tpu.memory_space<hbm>>
    tpu.enqueue_indirect_dma source(%dma_start3A_25 : memref<10000x32xf32, #tpu.memory_space<hbm>>) target(%dma_start3A_19 : memref<1000x32xf32, #tpu.memory_space<vmem>>) offsets(%dma_start3A_22 : memref<1000xi32, #tpu.memory_space<vmem>>) semaphore(%arg7 : memref<!tpu.dma_semaphore, #tpu.memory_space<semaphore_mem>>)
    %dma_wait3A = arith.constant 0 : i32
    %dma_wait3A_26 = arith.constant 0 : i32
    %dma_wait3A_27 = arith.constant 0 : i32
    %dma_wait3A_28 = arith.constant 0 : i32
    %dma_wait3A_29 = tpu.memref_slice %arg6[%dma_wait3A_26, %dma_wait3A_27, %dma_wait3A_28] : memref<2x1000x32xf32, #tpu.memory_space<vmem>> -> memref<1x1000x32xf32, #tpu.memory_space<vmem>>
    %dma_wait3A_30 = tpu.memref_squeeze %dma_wait3A_29 : memref<1x1000x32xf32, #tpu.memory_space<vmem>> -> memref<1000x32xf32, #tpu.memory_space<vmem>>
    %dma_wait3A_31 = arith.constant 0 : i32
    %dma_wait3A_32 = tpu.memref_slice %arg5[%dma_wait3A, %dma_wait3A_31] : memref<5x1000xi32, #tpu.memory_space<vmem>> -> memref<1x1000xi32, #tpu.memory_space<vmem>>
    %dma_wait3A_33 = tpu.memref_squeeze %dma_wait3A_32 : memref<1x1000xi32, #tpu.memory_space<vmem>> -> memref<1000xi32, #tpu.memory_space<vmem>>
    %dma_wait3A_34 = arith.constant 0 : i32
    %dma_wait3A_35 = arith.constant 0 : i32
    %dma_wait3A_36 = tpu.memref_slice %arg2[%dma_wait3A_34, %dma_wait3A_35] : memref<10000x32xf32, #tpu.memory_space<hbm>> -> memref<10000x32xf32, #tpu.memory_space<hbm>>
    tpu.wait_indirect_dma semaphore(%arg7 : memref<!tpu.dma_semaphore, #tpu.memory_space<semaphore_mem>>) src(%dma_wait3A_36 : memref<10000x32xf32, #tpu.memory_space<hbm>>) dst(%dma_wait3A_30 : memref<1000x32xf32, #tpu.memory_space<vmem>>)
    %mul3A_37 = arith.constant 5000 : i32
    %mul3A_38 = arith.muli %add3A, %mul3A_37 : i32
    %add3A_39 = arith.constant 0 : i32
    %add3A_40 = arith.addi %mul3A_38, %add3A_39 : i32
    %dma_start3A_41 = arith.constant 0 : i32
    %dma_start3A_42 = arith.constant 0 : i32
    %dma_start3A_43 = arith.constant 0 : i32
    %dma_start3A_44 = tpu.memref_slice %arg6[%dma_start3A_41, %dma_start3A_42, %dma_start3A_43] : memref<2x1000x32xf32, #tpu.memory_space<vmem>> -> memref<1x1000x32xf32, #tpu.memory_space<vmem>>
    %dma_start3A_45 = tpu.memref_squeeze %dma_start3A_44 : memref<1x1000x32xf32, #tpu.memory_space<vmem>> -> memref<1000x32xf32, #tpu.memory_space<vmem>>
    %dma_start3A_46 = arith.constant 0 : i32
    %dma_start3A_47 = tpu.memref_slice %arg4[%add3A_40, %dma_start3A_46] : memref<160000x32xf32, #tpu.memory_space<hbm>> -> memref<1000x32xf32, #tpu.memory_space<hbm>>
    %dma_start3A_48 = arith.constant 0 : i32
    %dma_start3A_49 = tpu.memref_slice %arg4[%add3A_40, %dma_start3A_48] : memref<160000x32xf32, #tpu.memory_space<hbm>> -> memref<1000x32xf32, #tpu.memory_space<hbm>>
    %dma_start3A_50 = arith.constant 0 : i32
    %dma_start3A_51 = arith.constant 0 : i32
    %dma_start3A_52 = tpu.memref_slice %arg6[%dma_start3A_41, %dma_start3A_50, %dma_start3A_51] : memref<2x1000x32xf32, #tpu.memory_space<vmem>> -> memref<1x1000x32xf32, #tpu.memory_space<vmem>>
    %dma_start3A_53 = tpu.memref_squeeze %dma_start3A_52 : memref<1x1000x32xf32, #tpu.memory_space<vmem>> -> memref<1000x32xf32, #tpu.memory_space<vmem>>
    tpu.enqueue_dma source(%dma_start3A_53 : memref<1000x32xf32, #tpu.memory_space<vmem>>) target(%dma_start3A_49 : memref<1000x32xf32, #tpu.memory_space<hbm>>) target_semaphore(%arg8 : memref<!tpu.dma_semaphore, #tpu.memory_space<semaphore_mem>>)
    %dma_wait3A_54 = arith.constant 0 : i32
    %dma_wait3A_55 = arith.constant 0 : i32
    %dma_wait3A_56 = arith.constant 0 : i32
    %dma_wait3A_57 = tpu.memref_slice %arg6[%dma_wait3A_54, %dma_wait3A_55, %dma_wait3A_56] : memref<2x1000x32xf32, #tpu.memory_space<vmem>> -> memref<1x1000x32xf32, #tpu.memory_space<vmem>>
    %dma_wait3A_58 = tpu.memref_squeeze %dma_wait3A_57 : memref<1x1000x32xf32, #tpu.memory_space<vmem>> -> memref<1000x32xf32, #tpu.memory_space<vmem>>
    %dma_wait3A_59 = arith.constant 0 : i32
    %dma_wait3A_60 = tpu.memref_slice %arg4[%add3A_40, %dma_wait3A_59] : memref<160000x32xf32, #tpu.memory_space<hbm>> -> memref<1000x32xf32, #tpu.memory_space<hbm>>
    %dma_wait3A_61 = arith.constant 0 : i32
    %dma_wait3A_62 = tpu.memref_slice %arg4[%add3A_40, %dma_wait3A_61] : memref<160000x32xf32, #tpu.memory_space<hbm>> -> memref<1000x32xf32, #tpu.memory_space<hbm>>
    %dma_wait3A_63 = arith.constant 0 : i32
    %dma_wait3A_64 = arith.constant 0 : i32
    %dma_wait3A_65 = tpu.memref_slice %arg6[%dma_wait3A_54, %dma_wait3A_63, %dma_wait3A_64] : memref<2x1000x32xf32, #tpu.memory_space<vmem>> -> memref<1x1000x32xf32, #tpu.memory_space<vmem>>
    %dma_wait3A_66 = tpu.memref_squeeze %dma_wait3A_65 : memref<1x1000x32xf32, #tpu.memory_space<vmem>> -> memref<1000x32xf32, #tpu.memory_space<vmem>>
    tpu.wait_dma2 semaphore(%arg8 : memref<!tpu.dma_semaphore, #tpu.memory_space<semaphore_mem>>) src(%dma_wait3A_66 : memref<1000x32xf32, #tpu.memory_space<vmem>>) dst(%dma_wait3A_62 : memref<1000x32xf32, #tpu.memory_space<hbm>>)
    %dma_start3A_67 = arith.constant 2 : i32
    %dma_start3A_68 = arith.constant 0 : i32
    %dma_start3A_69 = arith.constant 0 : i32
    %dma_start3A_70 = arith.constant 0 : i32
    %dma_start3A_71 = tpu.memref_slice %arg6[%dma_start3A_68, %dma_start3A_69, %dma_start3A_70] : memref<2x1000x32xf32, #tpu.memory_space<vmem>> -> memref<1x1000x32xf32, #tpu.memory_space<vmem>>
    %dma_start3A_72 = tpu.memref_squeeze %dma_start3A_71 : memref<1x1000x32xf32, #tpu.memory_space<vmem>> -> memref<1000x32xf32, #tpu.memory_space<vmem>>
    %dma_start3A_73 = arith.constant 0 : i32
    %dma_start3A_74 = tpu.memref_slice %arg5[%dma_start3A_67, %dma_start3A_73] : memref<5x1000xi32, #tpu.memory_space<vmem>> -> memref<1x1000xi32, #tpu.memory_space<vmem>>
    %dma_start3A_75 = tpu.memref_squeeze %dma_start3A_74 : memref<1x1000xi32, #tpu.memory_space<vmem>> -> memref<1000xi32, #tpu.memory_space<vmem>>
    %dma_start3A_76 = arith.constant 0 : i32
    %dma_start3A_77 = arith.constant 0 : i32
    %dma_start3A_78 = tpu.memref_slice %arg2[%dma_start3A_76, %dma_start3A_77] : memref<10000x32xf32, #tpu.memory_space<hbm>> -> memref<10000x32xf32, #tpu.memory_space<hbm>>
    tpu.enqueue_indirect_dma source(%dma_start3A_78 : memref<10000x32xf32, #tpu.memory_space<hbm>>) target(%dma_start3A_72 : memref<1000x32xf32, #tpu.memory_space<vmem>>) offsets(%dma_start3A_75 : memref<1000xi32, #tpu.memory_space<vmem>>) semaphore(%arg7 : memref<!tpu.dma_semaphore, #tpu.memory_space<semaphore_mem>>)
    %dma_wait3A_79 = arith.constant 1 : i32
    %dma_wait3A_80 = arith.constant 1 : i32
    %dma_wait3A_81 = arith.constant 0 : i32
    %dma_wait3A_82 = arith.constant 0 : i32
    %dma_wait3A_83 = tpu.memref_slice %arg6[%dma_wait3A_80, %dma_wait3A_81, %dma_wait3A_82] : memref<2x1000x32xf32, #tpu.memory_space<vmem>> -> memref<1x1000x32xf32, #tpu.memory_space<vmem>>
    %dma_wait3A_84 = tpu.memref_squeeze %dma_wait3A_83 : memref<1x1000x32xf32, #tpu.memory_space<vmem>> -> memref<1000x32xf32, #tpu.memory_space<vmem>>
    %dma_wait3A_85 = arith.constant 0 : i32
    %dma_wait3A_86 = tpu.memref_slice %arg5[%dma_wait3A_79, %dma_wait3A_85] : memref<5x1000xi32, #tpu.memory_space<vmem>> -> memref<1x1000xi32, #tpu.memory_space<vmem>>
    %dma_wait3A_87 = tpu.memref_squeeze %dma_wait3A_86 : memref<1x1000xi32, #tpu.memory_space<vmem>> -> memref<1000xi32, #tpu.memory_space<vmem>>
    %dma_wait3A_88 = arith.constant 0 : i32
    %dma_wait3A_89 = arith.constant 0 : i32
    %dma_wait3A_90 = tpu.memref_slice %arg2[%dma_wait3A_88, %dma_wait3A_89] : memref<10000x32xf32, #tpu.memory_space<hbm>> -> memref<10000x32xf32, #tpu.memory_space<hbm>>
    tpu.wait_indirect_dma semaphore(%arg7 : memref<!tpu.dma_semaphore, #tpu.memory_space<semaphore_mem>>) src(%dma_wait3A_90 : memref<10000x32xf32, #tpu.memory_space<hbm>>) dst(%dma_wait3A_84 : memref<1000x32xf32, #tpu.memory_space<vmem>>)
    %mul3A_91 = arith.constant 5000 : i32
    %mul3A_92 = arith.muli %add3A, %mul3A_91 : i32
    %add3A_93 = arith.constant 1000 : i32
    %add3A_94 = arith.addi %mul3A_92, %add3A_93 : i32
    %dma_start3A_95 = arith.constant 1 : i32
    %dma_start3A_96 = arith.constant 0 : i32
    %dma_start3A_97 = arith.constant 0 : i32
    %dma_start3A_98 = tpu.memref_slice %arg6[%dma_start3A_95, %dma_start3A_96, %dma_start3A_97] : memref<2x1000x32xf32, #tpu.memory_space<vmem>> -> memref<1x1000x32xf32, #tpu.memory_space<vmem>>
    %dma_start3A_99 = tpu.memref_squeeze %dma_start3A_98 : memref<1x1000x32xf32, #tpu.memory_space<vmem>> -> memref<1000x32xf32, #tpu.memory_space<vmem>>
    %dma_start3A_100 = arith.constant 0 : i32
    %dma_start3A_101 = tpu.memref_slice %arg4[%add3A_94, %dma_start3A_100] : memref<160000x32xf32, #tpu.memory_space<hbm>> -> memref<1000x32xf32, #tpu.memory_space<hbm>>
    %dma_start3A_102 = arith.constant 0 : i32
    %dma_start3A_103 = tpu.memref_slice %arg4[%add3A_94, %dma_start3A_102] : memref<160000x32xf32, #tpu.memory_space<hbm>> -> memref<1000x32xf32, #tpu.memory_space<hbm>>
    %dma_start3A_104 = arith.constant 0 : i32
    %dma_start3A_105 = arith.constant 0 : i32
    %dma_start3A_106 = tpu.memref_slice %arg6[%dma_start3A_95, %dma_start3A_104, %dma_start3A_105] : memref<2x1000x32xf32, #tpu.memory_space<vmem>> -> memref<1x1000x32xf32, #tpu.memory_space<vmem>>
    %dma_start3A_107 = tpu.memref_squeeze %dma_start3A_106 : memref<1x1000x32xf32, #tpu.memory_space<vmem>> -> memref<1000x32xf32, #tpu.memory_space<vmem>>
    tpu.enqueue_dma source(%dma_start3A_107 : memref<1000x32xf32, #tpu.memory_space<vmem>>) target(%dma_start3A_103 : memref<1000x32xf32, #tpu.memory_space<hbm>>) target_semaphore(%arg8 : memref<!tpu.dma_semaphore, #tpu.memory_space<semaphore_mem>>)
    %dma_wait3A_108 = arith.constant 1 : i32
    %dma_wait3A_109 = arith.constant 0 : i32
    %dma_wait3A_110 = arith.constant 0 : i32
    %dma_wait3A_111 = tpu.memref_slice %arg6[%dma_wait3A_108, %dma_wait3A_109, %dma_wait3A_110] : memref<2x1000x32xf32, #tpu.memory_space<vmem>> -> memref<1x1000x32xf32, #tpu.memory_space<vmem>>
    %dma_wait3A_112 = tpu.memref_squeeze %dma_wait3A_111 : memref<1x1000x32xf32, #tpu.memory_space<vmem>> -> memref<1000x32xf32, #tpu.memory_space<vmem>>
    %dma_wait3A_113 = arith.constant 0 : i32
    %dma_wait3A_114 = tpu.memref_slice %arg4[%add3A_94, %dma_wait3A_113] : memref<160000x32xf32, #tpu.memory_space<hbm>> -> memref<1000x32xf32, #tpu.memory_space<hbm>>
    %dma_wait3A_115 = arith.constant 0 : i32
    %dma_wait3A_116 = tpu.memref_slice %arg4[%add3A_94, %dma_wait3A_115] : memref<160000x32xf32, #tpu.memory_space<hbm>> -> memref<1000x32xf32, #tpu.memory_space<hbm>>
    %dma_wait3A_117 = arith.constant 0 : i32
    %dma_wait3A_118 = arith.constant 0 : i32
    %dma_wait3A_119 = tpu.memref_slice %arg6[%dma_wait3A_108, %dma_wait3A_117, %dma_wait3A_118] : memref<2x1000x32xf32, #tpu.memory_space<vmem>> -> memref<1x1000x32xf32, #tpu.memory_space<vmem>>
    %dma_wait3A_120 = tpu.memref_squeeze %dma_wait3A_119 : memref<1x1000x32xf32, #tpu.memory_space<vmem>> -> memref<1000x32xf32, #tpu.memory_space<vmem>>
    tpu.wait_dma2 semaphore(%arg8 : memref<!tpu.dma_semaphore, #tpu.memory_space<semaphore_mem>>) src(%dma_wait3A_120 : memref<1000x32xf32, #tpu.memory_space<vmem>>) dst(%dma_wait3A_116 : memref<1000x32xf32, #tpu.memory_space<hbm>>)
    %dma_start3A_121 = arith.constant 3 : i32
    %dma_start3A_122 = arith.constant 1 : i32
    %dma_start3A_123 = arith.constant 0 : i32
    %dma_start3A_124 = arith.constant 0 : i32
    %dma_start3A_125 = tpu.memref_slice %arg6[%dma_start3A_122, %dma_start3A_123, %dma_start3A_124] : memref<2x1000x32xf32, #tpu.memory_space<vmem>> -> memref<1x1000x32xf32, #tpu.memory_space<vmem>>
    %dma_start3A_126 = tpu.memref_squeeze %dma_start3A_125 : memref<1x1000x32xf32, #tpu.memory_space<vmem>> -> memref<1000x32xf32, #tpu.memory_space<vmem>>
    %dma_start3A_127 = arith.constant 0 : i32
    %dma_start3A_128 = tpu.memref_slice %arg5[%dma_start3A_121, %dma_start3A_127] : memref<5x1000xi32, #tpu.memory_space<vmem>> -> memref<1x1000xi32, #tpu.memory_space<vmem>>
    %dma_start3A_129 = tpu.memref_squeeze %dma_start3A_128 : memref<1x1000xi32, #tpu.memory_space<vmem>> -> memref<1000xi32, #tpu.memory_space<vmem>>
    %dma_start3A_130 = arith.constant 0 : i32
    %dma_start3A_131 = arith.constant 0 : i32
    %dma_start3A_132 = tpu.memref_slice %arg2[%dma_start3A_130, %dma_start3A_131] : memref<10000x32xf32, #tpu.memory_space<hbm>> -> memref<10000x32xf32, #tpu.memory_space<hbm>>
    tpu.enqueue_indirect_dma source(%dma_start3A_132 : memref<10000x32xf32, #tpu.memory_space<hbm>>) target(%dma_start3A_126 : memref<1000x32xf32, #tpu.memory_space<vmem>>) offsets(%dma_start3A_129 : memref<1000xi32, #tpu.memory_space<vmem>>) semaphore(%arg7 : memref<!tpu.dma_semaphore, #tpu.memory_space<semaphore_mem>>)
    %dma_wait3A_133 = arith.constant 2 : i32
    %dma_wait3A_134 = arith.constant 0 : i32
    %dma_wait3A_135 = arith.constant 0 : i32
    %dma_wait3A_136 = arith.constant 0 : i32
    %dma_wait3A_137 = tpu.memref_slice %arg6[%dma_wait3A_134, %dma_wait3A_135, %dma_wait3A_136] : memref<2x1000x32xf32, #tpu.memory_space<vmem>> -> memref<1x1000x32xf32, #tpu.memory_space<vmem>>
    %dma_wait3A_138 = tpu.memref_squeeze %dma_wait3A_137 : memref<1x1000x32xf32, #tpu.memory_space<vmem>> -> memref<1000x32xf32, #tpu.memory_space<vmem>>
    %dma_wait3A_139 = arith.constant 0 : i32
    %dma_wait3A_140 = tpu.memref_slice %arg5[%dma_wait3A_133, %dma_wait3A_139] : memref<5x1000xi32, #tpu.memory_space<vmem>> -> memref<1x1000xi32, #tpu.memory_space<vmem>>
    %dma_wait3A_141 = tpu.memref_squeeze %dma_wait3A_140 : memref<1x1000xi32, #tpu.memory_space<vmem>> -> memref<1000xi32, #tpu.memory_space<vmem>>
    %dma_wait3A_142 = arith.constant 0 : i32
    %dma_wait3A_143 = arith.constant 0 : i32
    %dma_wait3A_144 = tpu.memref_slice %arg2[%dma_wait3A_142, %dma_wait3A_143] : memref<10000x32xf32, #tpu.memory_space<hbm>> -> memref<10000x32xf32, #tpu.memory_space<hbm>>
    tpu.wait_indirect_dma semaphore(%arg7 : memref<!tpu.dma_semaphore, #tpu.memory_space<semaphore_mem>>) src(%dma_wait3A_144 : memref<10000x32xf32, #tpu.memory_space<hbm>>) dst(%dma_wait3A_138 : memref<1000x32xf32, #tpu.memory_space<vmem>>)
    %mul3A_145 = arith.constant 5000 : i32
    %mul3A_146 = arith.muli %add3A, %mul3A_145 : i32
    %add3A_147 = arith.constant 2000 : i32
    %add3A_148 = arith.addi %mul3A_146, %add3A_147 : i32
    %dma_start3A_149 = arith.constant 0 : i32
    %dma_start3A_150 = arith.constant 0 : i32
    %dma_start3A_151 = arith.constant 0 : i32
    %dma_start3A_152 = tpu.memref_slice %arg6[%dma_start3A_149, %dma_start3A_150, %dma_start3A_151] : memref<2x1000x32xf32, #tpu.memory_space<vmem>> -> memref<1x1000x32xf32, #tpu.memory_space<vmem>>
    %dma_start3A_153 = tpu.memref_squeeze %dma_start3A_152 : memref<1x1000x32xf32, #tpu.memory_space<vmem>> -> memref<1000x32xf32, #tpu.memory_space<vmem>>
    %dma_start3A_154 = arith.constant 0 : i32
    %dma_start3A_155 = tpu.memref_slice %arg4[%add3A_148, %dma_start3A_154] : memref<160000x32xf32, #tpu.memory_space<hbm>> -> memref<1000x32xf32, #tpu.memory_space<hbm>>
    %dma_start3A_156 = arith.constant 0 : i32
    %dma_start3A_157 = tpu.memref_slice %arg4[%add3A_148, %dma_start3A_156] : memref<160000x32xf32, #tpu.memory_space<hbm>> -> memref<1000x32xf32, #tpu.memory_space<hbm>>
    %dma_start3A_158 = arith.constant 0 : i32
    %dma_start3A_159 = arith.constant 0 : i32
    %dma_start3A_160 = tpu.memref_slice %arg6[%dma_start3A_149, %dma_start3A_158, %dma_start3A_159] : memref<2x1000x32xf32, #tpu.memory_space<vmem>> -> memref<1x1000x32xf32, #tpu.memory_space<vmem>>
    %dma_start3A_161 = tpu.memref_squeeze %dma_start3A_160 : memref<1x1000x32xf32, #tpu.memory_space<vmem>> -> memref<1000x32xf32, #tpu.memory_space<vmem>>
    tpu.enqueue_dma source(%dma_start3A_161 : memref<1000x32xf32, #tpu.memory_space<vmem>>) target(%dma_start3A_157 : memref<1000x32xf32, #tpu.memory_space<hbm>>) target_semaphore(%arg8 : memref<!tpu.dma_semaphore, #tpu.memory_space<semaphore_mem>>)
    %dma_wait3A_162 = arith.constant 0 : i32
    %dma_wait3A_163 = arith.constant 0 : i32
    %dma_wait3A_164 = arith.constant 0 : i32
    %dma_wait3A_165 = tpu.memref_slice %arg6[%dma_wait3A_162, %dma_wait3A_163, %dma_wait3A_164] : memref<2x1000x32xf32, #tpu.memory_space<vmem>> -> memref<1x1000x32xf32, #tpu.memory_space<vmem>>
    %dma_wait3A_166 = tpu.memref_squeeze %dma_wait3A_165 : memref<1x1000x32xf32, #tpu.memory_space<vmem>> -> memref<1000x32xf32, #tpu.memory_space<vmem>>
    %dma_wait3A_167 = arith.constant 0 : i32
    %dma_wait3A_168 = tpu.memref_slice %arg4[%add3A_148, %dma_wait3A_167] : memref<160000x32xf32, #tpu.memory_space<hbm>> -> memref<1000x32xf32, #tpu.memory_space<hbm>>
    %dma_wait3A_169 = arith.constant 0 : i32
    %dma_wait3A_170 = tpu.memref_slice %arg4[%add3A_148, %dma_wait3A_169] : memref<160000x32xf32, #tpu.memory_space<hbm>> -> memref<1000x32xf32, #tpu.memory_space<hbm>>
    %dma_wait3A_171 = arith.constant 0 : i32
    %dma_wait3A_172 = arith.constant 0 : i32
    %dma_wait3A_173 = tpu.memref_slice %arg6[%dma_wait3A_162, %dma_wait3A_171, %dma_wait3A_172] : memref<2x1000x32xf32, #tpu.memory_space<vmem>> -> memref<1x1000x32xf32, #tpu.memory_space<vmem>>
    %dma_wait3A_174 = tpu.memref_squeeze %dma_wait3A_173 : memref<1x1000x32xf32, #tpu.memory_space<vmem>> -> memref<1000x32xf32, #tpu.memory_space<vmem>>
    tpu.wait_dma2 semaphore(%arg8 : memref<!tpu.dma_semaphore, #tpu.memory_space<semaphore_mem>>) src(%dma_wait3A_174 : memref<1000x32xf32, #tpu.memory_space<vmem>>) dst(%dma_wait3A_170 : memref<1000x32xf32, #tpu.memory_space<hbm>>)
    %dma_start3A_175 = arith.constant 4 : i32
    %dma_start3A_176 = arith.constant 0 : i32
    %dma_start3A_177 = arith.constant 0 : i32
    %dma_start3A_178 = arith.constant 0 : i32
    %dma_start3A_179 = tpu.memref_slice %arg6[%dma_start3A_176, %dma_start3A_177, %dma_start3A_178] : memref<2x1000x32xf32, #tpu.memory_space<vmem>> -> memref<1x1000x32xf32, #tpu.memory_space<vmem>>
    %dma_start3A_180 = tpu.memref_squeeze %dma_start3A_179 : memref<1x1000x32xf32, #tpu.memory_space<vmem>> -> memref<1000x32xf32, #tpu.memory_space<vmem>>
    %dma_start3A_181 = arith.constant 0 : i32
    %dma_start3A_182 = tpu.memref_slice %arg5[%dma_start3A_175, %dma_start3A_181] : memref<5x1000xi32, #tpu.memory_space<vmem>> -> memref<1x1000xi32, #tpu.memory_space<vmem>>
    %dma_start3A_183 = tpu.memref_squeeze %dma_start3A_182 : memref<1x1000xi32, #tpu.memory_space<vmem>> -> memref<1000xi32, #tpu.memory_space<vmem>>
    %dma_start3A_184 = arith.constant 0 : i32
    %dma_start3A_185 = arith.constant 0 : i32
    %dma_start3A_186 = tpu.memref_slice %arg2[%dma_start3A_184, %dma_start3A_185] : memref<10000x32xf32, #tpu.memory_space<hbm>> -> memref<10000x32xf32, #tpu.memory_space<hbm>>
    tpu.enqueue_indirect_dma source(%dma_start3A_186 : memref<10000x32xf32, #tpu.memory_space<hbm>>) target(%dma_start3A_180 : memref<1000x32xf32, #tpu.memory_space<vmem>>) offsets(%dma_start3A_183 : memref<1000xi32, #tpu.memory_space<vmem>>) semaphore(%arg7 : memref<!tpu.dma_semaphore, #tpu.memory_space<semaphore_mem>>)
    %dma_wait3A_187 = arith.constant 3 : i32
    %dma_wait3A_188 = arith.constant 1 : i32
    %dma_wait3A_189 = arith.constant 0 : i32
    %dma_wait3A_190 = arith.constant 0 : i32
    %dma_wait3A_191 = tpu.memref_slice %arg6[%dma_wait3A_188, %dma_wait3A_189, %dma_wait3A_190] : memref<2x1000x32xf32, #tpu.memory_space<vmem>> -> memref<1x1000x32xf32, #tpu.memory_space<vmem>>
    %dma_wait3A_192 = tpu.memref_squeeze %dma_wait3A_191 : memref<1x1000x32xf32, #tpu.memory_space<vmem>> -> memref<1000x32xf32, #tpu.memory_space<vmem>>
    %dma_wait3A_193 = arith.constant 0 : i32
    %dma_wait3A_194 = tpu.memref_slice %arg5[%dma_wait3A_187, %dma_wait3A_193] : memref<5x1000xi32, #tpu.memory_space<vmem>> -> memref<1x1000xi32, #tpu.memory_space<vmem>>
    %dma_wait3A_195 = tpu.memref_squeeze %dma_wait3A_194 : memref<1x1000xi32, #tpu.memory_space<vmem>> -> memref<1000xi32, #tpu.memory_space<vmem>>
    %dma_wait3A_196 = arith.constant 0 : i32
    %dma_wait3A_197 = arith.constant 0 : i32
    %dma_wait3A_198 = tpu.memref_slice %arg2[%dma_wait3A_196, %dma_wait3A_197] : memref<10000x32xf32, #tpu.memory_space<hbm>> -> memref<10000x32xf32, #tpu.memory_space<hbm>>
    tpu.wait_indirect_dma semaphore(%arg7 : memref<!tpu.dma_semaphore, #tpu.memory_space<semaphore_mem>>) src(%dma_wait3A_198 : memref<10000x32xf32, #tpu.memory_space<hbm>>) dst(%dma_wait3A_192 : memref<1000x32xf32, #tpu.memory_space<vmem>>)
    %mul3A_199 = arith.constant 5000 : i32
    %mul3A_200 = arith.muli %add3A, %mul3A_199 : i32
    %add3A_201 = arith.constant 3000 : i32
    %add3A_202 = arith.addi %mul3A_200, %add3A_201 : i32
    %dma_start3A_203 = arith.constant 1 : i32
    %dma_start3A_204 = arith.constant 0 : i32
    %dma_start3A_205 = arith.constant 0 : i32
    %dma_start3A_206 = tpu.memref_slice %arg6[%dma_start3A_203, %dma_start3A_204, %dma_start3A_205] : memref<2x1000x32xf32, #tpu.memory_space<vmem>> -> memref<1x1000x32xf32, #tpu.memory_space<vmem>>
    %dma_start3A_207 = tpu.memref_squeeze %dma_start3A_206 : memref<1x1000x32xf32, #tpu.memory_space<vmem>> -> memref<1000x32xf32, #tpu.memory_space<vmem>>
    %dma_start3A_208 = arith.constant 0 : i32
    %dma_start3A_209 = tpu.memref_slice %arg4[%add3A_202, %dma_start3A_208] : memref<160000x32xf32, #tpu.memory_space<hbm>> -> memref<1000x32xf32, #tpu.memory_space<hbm>>
    %dma_start3A_210 = arith.constant 0 : i32
    %dma_start3A_211 = tpu.memref_slice %arg4[%add3A_202, %dma_start3A_210] : memref<160000x32xf32, #tpu.memory_space<hbm>> -> memref<1000x32xf32, #tpu.memory_space<hbm>>
    %dma_start3A_212 = arith.constant 0 : i32
    %dma_start3A_213 = arith.constant 0 : i32
    %dma_start3A_214 = tpu.memref_slice %arg6[%dma_start3A_203, %dma_start3A_212, %dma_start3A_213] : memref<2x1000x32xf32, #tpu.memory_space<vmem>> -> memref<1x1000x32xf32, #tpu.memory_space<vmem>>
    %dma_start3A_215 = tpu.memref_squeeze %dma_start3A_214 : memref<1x1000x32xf32, #tpu.memory_space<vmem>> -> memref<1000x32xf32, #tpu.memory_space<vmem>>
    tpu.enqueue_dma source(%dma_start3A_215 : memref<1000x32xf32, #tpu.memory_space<vmem>>) target(%dma_start3A_211 : memref<1000x32xf32, #tpu.memory_space<hbm>>) target_semaphore(%arg8 : memref<!tpu.dma_semaphore, #tpu.memory_space<semaphore_mem>>)
    %dma_wait3A_216 = arith.constant 4 : i32
    %dma_wait3A_217 = arith.constant 0 : i32
    %dma_wait3A_218 = arith.constant 0 : i32
    %dma_wait3A_219 = arith.constant 0 : i32
    %dma_wait3A_220 = tpu.memref_slice %arg6[%dma_wait3A_217, %dma_wait3A_218, %dma_wait3A_219] : memref<2x1000x32xf32, #tpu.memory_space<vmem>> -> memref<1x1000x32xf32, #tpu.memory_space<vmem>>
    %dma_wait3A_221 = tpu.memref_squeeze %dma_wait3A_220 : memref<1x1000x32xf32, #tpu.memory_space<vmem>> -> memref<1000x32xf32, #tpu.memory_space<vmem>>
    %dma_wait3A_222 = arith.constant 0 : i32
    %dma_wait3A_223 = tpu.memref_slice %arg5[%dma_wait3A_216, %dma_wait3A_222] : memref<5x1000xi32, #tpu.memory_space<vmem>> -> memref<1x1000xi32, #tpu.memory_space<vmem>>
    %dma_wait3A_224 = tpu.memref_squeeze %dma_wait3A_223 : memref<1x1000xi32, #tpu.memory_space<vmem>> -> memref<1000xi32, #tpu.memory_space<vmem>>
    %dma_wait3A_225 = arith.constant 0 : i32
    %dma_wait3A_226 = arith.constant 0 : i32
    %dma_wait3A_227 = tpu.memref_slice %arg2[%dma_wait3A_225, %dma_wait3A_226] : memref<10000x32xf32, #tpu.memory_space<hbm>> -> memref<10000x32xf32, #tpu.memory_space<hbm>>
    tpu.wait_indirect_dma semaphore(%arg7 : memref<!tpu.dma_semaphore, #tpu.memory_space<semaphore_mem>>) src(%dma_wait3A_227 : memref<10000x32xf32, #tpu.memory_space<hbm>>) dst(%dma_wait3A_221 : memref<1000x32xf32, #tpu.memory_space<vmem>>)
    %mul3A_228 = arith.constant 5000 : i32
    %mul3A_229 = arith.muli %add3A, %mul3A_228 : i32
    %add3A_230 = arith.constant 4000 : i32
    %add3A_231 = arith.addi %mul3A_229, %add3A_230 : i32
    %dma_start3A_232 = arith.constant 0 : i32
    %dma_start3A_233 = arith.constant 0 : i32
    %dma_start3A_234 = arith.constant 0 : i32
    %dma_start3A_235 = tpu.memref_slice %arg6[%dma_start3A_232, %dma_start3A_233, %dma_start3A_234] : memref<2x1000x32xf32, #tpu.memory_space<vmem>> -> memref<1x1000x32xf32, #tpu.memory_space<vmem>>
    %dma_start3A_236 = tpu.memref_squeeze %dma_start3A_235 : memref<1x1000x32xf32, #tpu.memory_space<vmem>> -> memref<1000x32xf32, #tpu.memory_space<vmem>>
    %dma_start3A_237 = arith.constant 0 : i32
    %dma_start3A_238 = tpu.memref_slice %arg4[%add3A_231, %dma_start3A_237] : memref<160000x32xf32, #tpu.memory_space<hbm>> -> memref<1000x32xf32, #tpu.memory_space<hbm>>
    %dma_start3A_239 = arith.constant 0 : i32
    %dma_start3A_240 = tpu.memref_slice %arg4[%add3A_231, %dma_start3A_239] : memref<160000x32xf32, #tpu.memory_space<hbm>> -> memref<1000x32xf32, #tpu.memory_space<hbm>>
    %dma_start3A_241 = arith.constant 0 : i32
    %dma_start3A_242 = arith.constant 0 : i32
    %dma_start3A_243 = tpu.memref_slice %arg6[%dma_start3A_232, %dma_start3A_241, %dma_start3A_242] : memref<2x1000x32xf32, #tpu.memory_space<vmem>> -> memref<1x1000x32xf32, #tpu.memory_space<vmem>>
    %dma_start3A_244 = tpu.memref_squeeze %dma_start3A_243 : memref<1x1000x32xf32, #tpu.memory_space<vmem>> -> memref<1000x32xf32, #tpu.memory_space<vmem>>
    tpu.enqueue_dma source(%dma_start3A_244 : memref<1000x32xf32, #tpu.memory_space<vmem>>) target(%dma_start3A_240 : memref<1000x32xf32, #tpu.memory_space<hbm>>) target_semaphore(%arg8 : memref<!tpu.dma_semaphore, #tpu.memory_space<semaphore_mem>>)
    %dma_wait3A_245 = arith.constant 1 : i32
    %dma_wait3A_246 = arith.constant 0 : i32
    %dma_wait3A_247 = arith.constant 0 : i32
    %dma_wait3A_248 = tpu.memref_slice %arg6[%dma_wait3A_245, %dma_wait3A_246, %dma_wait3A_247] : memref<2x1000x32xf32, #tpu.memory_space<vmem>> -> memref<1x1000x32xf32, #tpu.memory_space<vmem>>
    %dma_wait3A_249 = tpu.memref_squeeze %dma_wait3A_248 : memref<1x1000x32xf32, #tpu.memory_space<vmem>> -> memref<1000x32xf32, #tpu.memory_space<vmem>>
    %dma_wait3A_250 = arith.constant 0 : i32
    %dma_wait3A_251 = tpu.memref_slice %arg4[%add3A_202, %dma_wait3A_250] : memref<160000x32xf32, #tpu.memory_space<hbm>> -> memref<1000x32xf32, #tpu.memory_space<hbm>>
    %dma_wait3A_252 = arith.constant 0 : i32
    %dma_wait3A_253 = tpu.memref_slice %arg4[%add3A_202, %dma_wait3A_252] : memref<160000x32xf32, #tpu.memory_space<hbm>> -> memref<1000x32xf32, #tpu.memory_space<hbm>>
    %dma_wait3A_254 = arith.constant 0 : i32
    %dma_wait3A_255 = arith.constant 0 : i32
    %dma_wait3A_256 = tpu.memref_slice %arg6[%dma_wait3A_245, %dma_wait3A_254, %dma_wait3A_255] : memref<2x1000x32xf32, #tpu.memory_space<vmem>> -> memref<1x1000x32xf32, #tpu.memory_space<vmem>>
    %dma_wait3A_257 = tpu.memref_squeeze %dma_wait3A_256 : memref<1x1000x32xf32, #tpu.memory_space<vmem>> -> memref<1000x32xf32, #tpu.memory_space<vmem>>
    tpu.wait_dma2 semaphore(%arg8 : memref<!tpu.dma_semaphore, #tpu.memory_space<semaphore_mem>>) src(%dma_wait3A_257 : memref<1000x32xf32, #tpu.memory_space<vmem>>) dst(%dma_wait3A_253 : memref<1000x32xf32, #tpu.memory_space<hbm>>)
    %dma_wait3A_258 = arith.constant 0 : i32
    %dma_wait3A_259 = arith.constant 0 : i32
    %dma_wait3A_260 = arith.constant 0 : i32
    %dma_wait3A_261 = tpu.memref_slice %arg6[%dma_wait3A_258, %dma_wait3A_259, %dma_wait3A_260] : memref<2x1000x32xf32, #tpu.memory_space<vmem>> -> memref<1x1000x32xf32, #tpu.memory_space<vmem>>
    %dma_wait3A_262 = tpu.memref_squeeze %dma_wait3A_261 : memref<1x1000x32xf32, #tpu.memory_space<vmem>> -> memref<1000x32xf32, #tpu.memory_space<vmem>>
    %dma_wait3A_263 = arith.constant 0 : i32
    %dma_wait3A_264 = tpu.memref_slice %arg4[%add3A_231, %dma_wait3A_263] : memref<160000x32xf32, #tpu.memory_space<hbm>> -> memref<1000x32xf32, #tpu.memory_space<hbm>>
    %dma_wait3A_265 = arith.constant 0 : i32
    %dma_wait3A_266 = tpu.memref_slice %arg4[%add3A_231, %dma_wait3A_265] : memref<160000x32xf32, #tpu.memory_space<hbm>> -> memref<1000x32xf32, #tpu.memory_space<hbm>>
    %dma_wait3A_267 = arith.constant 0 : i32
    %dma_wait3A_268 = arith.constant 0 : i32
    %dma_wait3A_269 = tpu.memref_slice %arg6[%dma_wait3A_258, %dma_wait3A_267, %dma_wait3A_268] : memref<2x1000x32xf32, #tpu.memory_space<vmem>> -> memref<1x1000x32xf32, #tpu.memory_space<vmem>>
    %dma_wait3A_270 = tpu.memref_squeeze %dma_wait3A_269 : memref<1x1000x32xf32, #tpu.memory_space<vmem>> -> memref<1000x32xf32, #tpu.memory_space<vmem>>
    tpu.wait_dma2 semaphore(%arg8 : memref<!tpu.dma_semaphore, #tpu.memory_space<semaphore_mem>>) src(%dma_wait3A_270 : memref<1000x32xf32, #tpu.memory_space<vmem>>) dst(%dma_wait3A_266 : memref<1000x32xf32, #tpu.memory_space<hbm>>)
    return
  }
}

#map = affine_map<(d0, d1) -> (0, 0)>
module attributes {stable_mosaic.version = 14 : i64} {
  func.func @k(%arg0: i32, %arg1: i32, %arg2: memref<160000x32xf32, #tpu.memory_space<hbm>>, %arg3: memref<160x1000xi32, #tpu.memory_space<hbm>>, %arg4: memref<10112x32xf32, #tpu.memory_space<hbm>>, %arg5: memref<1000x16xf32, #tpu.memory_space<hbm>>, %arg6: memref<10112x16xf32, #tpu.memory_space<hbm>>, %arg7: memref<20224x32xf32, #tpu.memory_space<hbm>>, %arg8: memref<20224x16xf32, #tpu.memory_space<hbm>>, %arg9: memref<5x1000xi32, #tpu.memory_space<vmem>>, %arg10: memref<2x1000x32xf32, #tpu.memory_space<vmem>>, %arg11: memref<10112x32xf32, #tpu.memory_space<vmem_shared>>, %arg12: memref<!tpu.dma_semaphore, #tpu.memory_space<semaphore_mem>>, %arg13: memref<1000x16xf32, #tpu.memory_space<vmem>>, %arg14: memref<10112x16xf32, #tpu.memory_space<vmem_shared>>) attributes {dimension_semantics = [#tpu.dimension_semantics<core_parallel>, #tpu.dimension_semantics<subcore_parallel>], iteration_bounds = array<i64: 2, 16>, scalar_prefetch = 0 : i64, scratch_operands = 6 : i64, tpu.core_type = #tpu.core_type<sc_vector_subcore>, window_params = [{transform_indices = #map}, {transform_indices = #map}, {transform_indices = #map}, {transform_indices = #map}, {transform_indices = #map}, {transform_indices = #map}, {transform_indices = #map}]} {
    %mul3A = arith.constant 2 : i32
    %mul3A_0 = arith.muli %arg1, %mul3A : i32
    %add3A = arith.addi %mul3A_0, %arg0 : i32
    %mul3A_1 = arith.constant 5 : i32
    %mul3A_2 = arith.muli %add3A, %mul3A_1 : i32
    "tpu.region"() ({
      %run_scoped3A_186 = tpu.sem_alloc : memref<!tpu.dma_semaphore, #tpu.memory_space<semaphore_mem>>
      %dma_start3A_187 = arith.constant 0 : i32
      %dma_start3A_188 = tpu.memref_slice %arg3[%mul3A_2, %dma_start3A_187] : memref<160x1000xi32, #tpu.memory_space<hbm>> -> memref<5x1000xi32, #tpu.memory_space<hbm>>
      %dma_start3A_189 = arith.constant 0 : i32
      %dma_start3A_190 = tpu.memref_slice %arg3[%mul3A_2, %dma_start3A_189] : memref<160x1000xi32, #tpu.memory_space<hbm>> -> memref<5x1000xi32, #tpu.memory_space<hbm>>
      tpu.enqueue_dma source(%dma_start3A_190 : memref<5x1000xi32, #tpu.memory_space<hbm>>) target(%arg9 : memref<5x1000xi32, #tpu.memory_space<vmem>>) target_semaphore(%run_scoped3A_186 : memref<!tpu.dma_semaphore, #tpu.memory_space<semaphore_mem>>)
      %dma_wait3A_191 = arith.constant 0 : i32
      %dma_wait3A_192 = tpu.memref_slice %arg3[%mul3A_2, %dma_wait3A_191] : memref<160x1000xi32, #tpu.memory_space<hbm>> -> memref<5x1000xi32, #tpu.memory_space<hbm>>
      %dma_wait3A_193 = arith.constant 0 : i32
      %dma_wait3A_194 = tpu.memref_slice %arg3[%mul3A_2, %dma_wait3A_193] : memref<160x1000xi32, #tpu.memory_space<hbm>> -> memref<5x1000xi32, #tpu.memory_space<hbm>>
      tpu.wait_dma2 semaphore(%run_scoped3A_186 : memref<!tpu.dma_semaphore, #tpu.memory_space<semaphore_mem>>) src(%dma_wait3A_194 : memref<5x1000xi32, #tpu.memory_space<hbm>>) dst(%arg9 : memref<5x1000xi32, #tpu.memory_space<vmem>>)
      tpu.yield
    }) : () -> ()
    %mul3A_3 = arith.constant 632 : i32
    %mul3A_4 = arith.muli %arg1, %mul3A_3 : i32
    %mul3A_5 = arith.constant 632 : i32
    %mul3A_6 = arith.muli %arg1, %mul3A_5 : i32
    "tpu.region"() ({
      %run_scoped3A_186 = tpu.sem_alloc : memref<!tpu.dma_semaphore, #tpu.memory_space<semaphore_mem>>
      %dma_start3A_187 = arith.constant 0 : i32
      %dma_start3A_188 = tpu.memref_slice %arg11[%mul3A_6, %dma_start3A_187] : memref<10112x32xf32, #tpu.memory_space<vmem_shared>> -> memref<632x32xf32, #tpu.memory_space<vmem_shared>>
      %dma_start3A_189 = arith.constant 0 : i32
      %dma_start3A_190 = tpu.memref_slice %arg4[%mul3A_4, %dma_start3A_189] : memref<10112x32xf32, #tpu.memory_space<hbm>> -> memref<632x32xf32, #tpu.memory_space<hbm>>
      tpu.enqueue_dma source(%dma_start3A_190 : memref<632x32xf32, #tpu.memory_space<hbm>>) target(%dma_start3A_188 : memref<632x32xf32, #tpu.memory_space<vmem_shared>>) target_semaphore(%run_scoped3A_186 : memref<!tpu.dma_semaphore, #tpu.memory_space<semaphore_mem>>)
      %dma_wait3A_191 = arith.constant 0 : i32
      %dma_wait3A_192 = tpu.memref_slice %arg11[%mul3A_6, %dma_wait3A_191] : memref<10112x32xf32, #tpu.memory_space<vmem_shared>> -> memref<632x32xf32, #tpu.memory_space<vmem_shared>>
      %dma_wait3A_193 = arith.constant 0 : i32
      %dma_wait3A_194 = tpu.memref_slice %arg4[%mul3A_4, %dma_wait3A_193] : memref<10112x32xf32, #tpu.memory_space<hbm>> -> memref<632x32xf32, #tpu.memory_space<hbm>>
      tpu.wait_dma2 semaphore(%run_scoped3A_186 : memref<!tpu.dma_semaphore, #tpu.memory_space<semaphore_mem>>) src(%dma_wait3A_194 : memref<632x32xf32, #tpu.memory_space<hbm>>) dst(%dma_wait3A_192 : memref<632x32xf32, #tpu.memory_space<vmem_shared>>)
      tpu.yield
    }) : () -> ()
    %mul3A_7 = arith.constant 632 : i32
    %mul3A_8 = arith.muli %arg1, %mul3A_7 : i32
    %mul3A_9 = arith.constant 632 : i32
    %mul3A_10 = arith.muli %arg1, %mul3A_9 : i32
    "tpu.region"() ({
      %run_scoped3A_186 = tpu.sem_alloc : memref<!tpu.dma_semaphore, #tpu.memory_space<semaphore_mem>>
      %dma_start3A_187 = arith.constant 0 : i32
      %dma_start3A_188 = tpu.memref_slice %arg14[%mul3A_10, %dma_start3A_187] : memref<10112x16xf32, #tpu.memory_space<vmem_shared>> -> memref<632x16xf32, #tpu.memory_space<vmem_shared>>
      %dma_start3A_189 = arith.constant 0 : i32
      %dma_start3A_190 = tpu.memref_slice %arg6[%mul3A_8, %dma_start3A_189] : memref<10112x16xf32, #tpu.memory_space<hbm>> -> memref<632x16xf32, #tpu.memory_space<hbm>>
      tpu.enqueue_dma source(%dma_start3A_190 : memref<632x16xf32, #tpu.memory_space<hbm>>) target(%dma_start3A_188 : memref<632x16xf32, #tpu.memory_space<vmem_shared>>) target_semaphore(%run_scoped3A_186 : memref<!tpu.dma_semaphore, #tpu.memory_space<semaphore_mem>>)
      %dma_wait3A_191 = arith.constant 0 : i32
      %dma_wait3A_192 = tpu.memref_slice %arg14[%mul3A_10, %dma_wait3A_191] : memref<10112x16xf32, #tpu.memory_space<vmem_shared>> -> memref<632x16xf32, #tpu.memory_space<vmem_shared>>
      %dma_wait3A_193 = arith.constant 0 : i32
      %dma_wait3A_194 = tpu.memref_slice %arg6[%mul3A_8, %dma_wait3A_193] : memref<10112x16xf32, #tpu.memory_space<hbm>> -> memref<632x16xf32, #tpu.memory_space<hbm>>
      tpu.wait_dma2 semaphore(%run_scoped3A_186 : memref<!tpu.dma_semaphore, #tpu.memory_space<semaphore_mem>>) src(%dma_wait3A_194 : memref<632x16xf32, #tpu.memory_space<hbm>>) dst(%dma_wait3A_192 : memref<632x16xf32, #tpu.memory_space<vmem_shared>>)
      tpu.yield
    }) : () -> ()
    "tpu.region"() ({
      %run_scoped3A_186 = tpu.sem_alloc : memref<!tpu.dma_semaphore, #tpu.memory_space<semaphore_mem>>
      tpu.enqueue_dma source(%arg5 : memref<1000x16xf32, #tpu.memory_space<hbm>>) target(%arg13 : memref<1000x16xf32, #tpu.memory_space<vmem>>) target_semaphore(%run_scoped3A_186 : memref<!tpu.dma_semaphore, #tpu.memory_space<semaphore_mem>>)
      tpu.wait_dma2 semaphore(%run_scoped3A_186 : memref<!tpu.dma_semaphore, #tpu.memory_space<semaphore_mem>>) src(%arg5 : memref<1000x16xf32, #tpu.memory_space<hbm>>) dst(%arg13 : memref<1000x16xf32, #tpu.memory_space<vmem>>)
      tpu.yield
    }) : () -> ()
    %barrier3A = arith.constant 0 : index
    tpu.barrier barrier_id(%barrier3A)
    %mul3A_11 = arith.constant 5000 : i32
    %mul3A_12 = arith.muli %add3A, %mul3A_11 : i32
    %dma_start3A = arith.constant 0 : i32
    %dma_start3A_13 = arith.constant 0 : i32
    %dma_start3A_14 = arith.constant 0 : i32
    %dma_start3A_15 = tpu.memref_slice %arg10[%dma_start3A, %dma_start3A_13, %dma_start3A_14] : memref<2x1000x32xf32, #tpu.memory_space<vmem>> -> memref<1x1000x32xf32, #tpu.memory_space<vmem>>
    %dma_start3A_16 = tpu.memref_squeeze %dma_start3A_15 : memref<1x1000x32xf32, #tpu.memory_space<vmem>> -> memref<1000x32xf32, #tpu.memory_space<vmem>>
    %dma_start3A_17 = arith.constant 0 : i32
    %dma_start3A_18 = tpu.memref_slice %arg2[%mul3A_12, %dma_start3A_17] : memref<160000x32xf32, #tpu.memory_space<hbm>> -> memref<1000x32xf32, #tpu.memory_space<hbm>>
    %dma_start3A_19 = arith.constant 0 : i32
    %dma_start3A_20 = arith.constant 0 : i32
    %dma_start3A_21 = tpu.memref_slice %arg10[%dma_start3A, %dma_start3A_19, %dma_start3A_20] : memref<2x1000x32xf32, #tpu.memory_space<vmem>> -> memref<1x1000x32xf32, #tpu.memory_space<vmem>>
    %dma_start3A_22 = tpu.memref_squeeze %dma_start3A_21 : memref<1x1000x32xf32, #tpu.memory_space<vmem>> -> memref<1000x32xf32, #tpu.memory_space<vmem>>
    %dma_start3A_23 = arith.constant 0 : i32
    %dma_start3A_24 = tpu.memref_slice %arg2[%mul3A_12, %dma_start3A_23] : memref<160000x32xf32, #tpu.memory_space<hbm>> -> memref<1000x32xf32, #tpu.memory_space<hbm>>
    tpu.enqueue_dma source(%dma_start3A_24 : memref<1000x32xf32, #tpu.memory_space<hbm>>) target(%dma_start3A_22 : memref<1000x32xf32, #tpu.memory_space<vmem>>) target_semaphore(%arg12 : memref<!tpu.dma_semaphore, #tpu.memory_space<semaphore_mem>>)
    %mul3A_25 = arith.constant 5000 : i32
    %mul3A_26 = arith.muli %add3A, %mul3A_25 : i32
    %add3A_27 = arith.constant 1000 : i32
    %add3A_28 = arith.addi %mul3A_26, %add3A_27 : i32
    %dma_start3A_29 = arith.constant 1 : i32
    %dma_start3A_30 = arith.constant 0 : i32
    %dma_start3A_31 = arith.constant 0 : i32
    %dma_start3A_32 = tpu.memref_slice %arg10[%dma_start3A_29, %dma_start3A_30, %dma_start3A_31] : memref<2x1000x32xf32, #tpu.memory_space<vmem>> -> memref<1x1000x32xf32, #tpu.memory_space<vmem>>
    %dma_start3A_33 = tpu.memref_squeeze %dma_start3A_32 : memref<1x1000x32xf32, #tpu.memory_space<vmem>> -> memref<1000x32xf32, #tpu.memory_space<vmem>>
    %dma_start3A_34 = arith.constant 0 : i32
    %dma_start3A_35 = tpu.memref_slice %arg2[%add3A_28, %dma_start3A_34] : memref<160000x32xf32, #tpu.memory_space<hbm>> -> memref<1000x32xf32, #tpu.memory_space<hbm>>
    %dma_start3A_36 = arith.constant 0 : i32
    %dma_start3A_37 = arith.constant 0 : i32
    %dma_start3A_38 = tpu.memref_slice %arg10[%dma_start3A_29, %dma_start3A_36, %dma_start3A_37] : memref<2x1000x32xf32, #tpu.memory_space<vmem>> -> memref<1x1000x32xf32, #tpu.memory_space<vmem>>
    %dma_start3A_39 = tpu.memref_squeeze %dma_start3A_38 : memref<1x1000x32xf32, #tpu.memory_space<vmem>> -> memref<1000x32xf32, #tpu.memory_space<vmem>>
    %dma_start3A_40 = arith.constant 0 : i32
    %dma_start3A_41 = tpu.memref_slice %arg2[%add3A_28, %dma_start3A_40] : memref<160000x32xf32, #tpu.memory_space<hbm>> -> memref<1000x32xf32, #tpu.memory_space<hbm>>
    tpu.enqueue_dma source(%dma_start3A_41 : memref<1000x32xf32, #tpu.memory_space<hbm>>) target(%dma_start3A_39 : memref<1000x32xf32, #tpu.memory_space<vmem>>) target_semaphore(%arg12 : memref<!tpu.dma_semaphore, #tpu.memory_space<semaphore_mem>>)
    %dma_wait3A = arith.constant 0 : i32
    %dma_wait3A_42 = arith.constant 0 : i32
    %dma_wait3A_43 = arith.constant 0 : i32
    %dma_wait3A_44 = tpu.memref_slice %arg10[%dma_wait3A, %dma_wait3A_42, %dma_wait3A_43] : memref<2x1000x32xf32, #tpu.memory_space<vmem>> -> memref<1x1000x32xf32, #tpu.memory_space<vmem>>
    %dma_wait3A_45 = tpu.memref_squeeze %dma_wait3A_44 : memref<1x1000x32xf32, #tpu.memory_space<vmem>> -> memref<1000x32xf32, #tpu.memory_space<vmem>>
    %dma_wait3A_46 = arith.constant 0 : i32
    %dma_wait3A_47 = tpu.memref_slice %arg2[%mul3A_12, %dma_wait3A_46] : memref<160000x32xf32, #tpu.memory_space<hbm>> -> memref<1000x32xf32, #tpu.memory_space<hbm>>
    %dma_wait3A_48 = arith.constant 0 : i32
    %dma_wait3A_49 = arith.constant 0 : i32
    %dma_wait3A_50 = tpu.memref_slice %arg10[%dma_wait3A, %dma_wait3A_48, %dma_wait3A_49] : memref<2x1000x32xf32, #tpu.memory_space<vmem>> -> memref<1x1000x32xf32, #tpu.memory_space<vmem>>
    %dma_wait3A_51 = tpu.memref_squeeze %dma_wait3A_50 : memref<1x1000x32xf32, #tpu.memory_space<vmem>> -> memref<1000x32xf32, #tpu.memory_space<vmem>>
    %dma_wait3A_52 = arith.constant 0 : i32
    %dma_wait3A_53 = tpu.memref_slice %arg2[%mul3A_12, %dma_wait3A_52] : memref<160000x32xf32, #tpu.memory_space<hbm>> -> memref<1000x32xf32, #tpu.memory_space<hbm>>
    tpu.wait_dma2 semaphore(%arg12 : memref<!tpu.dma_semaphore, #tpu.memory_space<semaphore_mem>>) src(%dma_wait3A_53 : memref<1000x32xf32, #tpu.memory_space<hbm>>) dst(%dma_wait3A_51 : memref<1000x32xf32, #tpu.memory_space<vmem>>)
    %run_scoped3A = arith.constant 0 : i32
    %run_scoped3A_54 = arith.constant 0 : i32
    "tpu.region"() ({
      %run_scoped3A_186 = tpu.sem_alloc : memref<!tpu.dma_semaphore, #tpu.memory_space<semaphore_mem>>
      %dma_start3A_187 = arith.constant 0 : i32
      %dma_start3A_188 = arith.constant 0 : i32
      %dma_start3A_189 = tpu.memref_slice %arg10[%run_scoped3A, %dma_start3A_187, %dma_start3A_188] : memref<2x1000x32xf32, #tpu.memory_space<vmem>> -> memref<1x1000x32xf32, #tpu.memory_space<vmem>>
      %dma_start3A_190 = tpu.memref_squeeze %dma_start3A_189 : memref<1x1000x32xf32, #tpu.memory_space<vmem>> -> memref<1000x32xf32, #tpu.memory_space<vmem>>
      %dma_start3A_191 = arith.constant 0 : i32
      %dma_start3A_192 = tpu.memref_slice %arg9[%run_scoped3A_54, %dma_start3A_191] : memref<5x1000xi32, #tpu.memory_space<vmem>> -> memref<1x1000xi32, #tpu.memory_space<vmem>>
      %dma_start3A_193 = tpu.memref_squeeze %dma_start3A_192 : memref<1x1000xi32, #tpu.memory_space<vmem>> -> memref<1000xi32, #tpu.memory_space<vmem>>
      %dma_start3A_194 = arith.constant 0 : i32
      %dma_start3A_195 = arith.constant 0 : i32
      %dma_start3A_196 = tpu.memref_slice %arg11[%dma_start3A_194, %dma_start3A_195] : memref<10112x32xf32, #tpu.memory_space<vmem_shared>> -> memref<10112x32xf32, #tpu.memory_space<vmem_shared>>
      tpu.enqueue_indirect_dma source(%dma_start3A_190 : memref<1000x32xf32, #tpu.memory_space<vmem>>) target(%dma_start3A_196 : memref<10112x32xf32, #tpu.memory_space<vmem_shared>>) offsets(%dma_start3A_193 : memref<1000xi32, #tpu.memory_space<vmem>>) semaphore(%run_scoped3A_186 : memref<!tpu.dma_semaphore, #tpu.memory_space<semaphore_mem>>) {add = true}
      %dma_wait3A_197 = arith.constant 0 : i32
      %dma_wait3A_198 = arith.constant 0 : i32
      %dma_wait3A_199 = tpu.memref_slice %arg10[%run_scoped3A, %dma_wait3A_197, %dma_wait3A_198] : memref<2x1000x32xf32, #tpu.memory_space<vmem>> -> memref<1x1000x32xf32, #tpu.memory_space<vmem>>
      %dma_wait3A_200 = tpu.memref_squeeze %dma_wait3A_199 : memref<1x1000x32xf32, #tpu.memory_space<vmem>> -> memref<1000x32xf32, #tpu.memory_space<vmem>>
      %dma_wait3A_201 = arith.constant 0 : i32
      %dma_wait3A_202 = tpu.memref_slice %arg9[%run_scoped3A_54, %dma_wait3A_201] : memref<5x1000xi32, #tpu.memory_space<vmem>> -> memref<1x1000xi32, #tpu.memory_space<vmem>>
      %dma_wait3A_203 = tpu.memref_squeeze %dma_wait3A_202 : memref<1x1000xi32, #tpu.memory_space<vmem>> -> memref<1000xi32, #tpu.memory_space<vmem>>
      %dma_wait3A_204 = arith.constant 0 : i32
      %dma_wait3A_205 = arith.constant 0 : i32
      %dma_wait3A_206 = tpu.memref_slice %arg11[%dma_wait3A_204, %dma_wait3A_205] : memref<10112x32xf32, #tpu.memory_space<vmem_shared>> -> memref<10112x32xf32, #tpu.memory_space<vmem_shared>>
      tpu.wait_indirect_dma semaphore(%run_scoped3A_186 : memref<!tpu.dma_semaphore, #tpu.memory_space<semaphore_mem>>) src(%dma_wait3A_200 : memref<1000x32xf32, #tpu.memory_space<vmem>>) dst(%dma_wait3A_206 : memref<10112x32xf32, #tpu.memory_space<vmem_shared>>)
      tpu.yield
    }) : () -> ()
    %run_scoped3A_55 = arith.constant 0 : i32
    "tpu.region"() ({
      %run_scoped3A_186 = tpu.sem_alloc : memref<!tpu.dma_semaphore, #tpu.memory_space<semaphore_mem>>
      %dma_start3A_187 = arith.constant 0 : i32
      %dma_start3A_188 = tpu.memref_slice %arg9[%run_scoped3A_55, %dma_start3A_187] : memref<5x1000xi32, #tpu.memory_space<vmem>> -> memref<1x1000xi32, #tpu.memory_space<vmem>>
      %dma_start3A_189 = tpu.memref_squeeze %dma_start3A_188 : memref<1x1000xi32, #tpu.memory_space<vmem>> -> memref<1000xi32, #tpu.memory_space<vmem>>
      %dma_start3A_190 = arith.constant 0 : i32
      %dma_start3A_191 = arith.constant 0 : i32
      %dma_start3A_192 = tpu.memref_slice %arg14[%dma_start3A_190, %dma_start3A_191] : memref<10112x16xf32, #tpu.memory_space<vmem_shared>> -> memref<10112x16xf32, #tpu.memory_space<vmem_shared>>
      tpu.enqueue_indirect_dma source(%arg13 : memref<1000x16xf32, #tpu.memory_space<vmem>>) target(%dma_start3A_192 : memref<10112x16xf32, #tpu.memory_space<vmem_shared>>) offsets(%dma_start3A_189 : memref<1000xi32, #tpu.memory_space<vmem>>) semaphore(%run_scoped3A_186 : memref<!tpu.dma_semaphore, #tpu.memory_space<semaphore_mem>>) {add = true}
      %dma_wait3A_193 = arith.constant 0 : i32
      %dma_wait3A_194 = tpu.memref_slice %arg9[%run_scoped3A_55, %dma_wait3A_193] : memref<5x1000xi32, #tpu.memory_space<vmem>> -> memref<1x1000xi32, #tpu.memory_space<vmem>>
      %dma_wait3A_195 = tpu.memref_squeeze %dma_wait3A_194 : memref<1x1000xi32, #tpu.memory_space<vmem>> -> memref<1000xi32, #tpu.memory_space<vmem>>
      %dma_wait3A_196 = arith.constant 0 : i32
      %dma_wait3A_197 = arith.constant 0 : i32
      %dma_wait3A_198 = tpu.memref_slice %arg14[%dma_wait3A_196, %dma_wait3A_197] : memref<10112x16xf32, #tpu.memory_space<vmem_shared>> -> memref<10112x16xf32, #tpu.memory_space<vmem_shared>>
      tpu.wait_indirect_dma semaphore(%run_scoped3A_186 : memref<!tpu.dma_semaphore, #tpu.memory_space<semaphore_mem>>) src(%arg13 : memref<1000x16xf32, #tpu.memory_space<vmem>>) dst(%dma_wait3A_198 : memref<10112x16xf32, #tpu.memory_space<vmem_shared>>)
      tpu.yield
    }) : () -> ()
    %mul3A_56 = arith.constant 5000 : i32
    %mul3A_57 = arith.muli %add3A, %mul3A_56 : i32
    %add3A_58 = arith.constant 2000 : i32
    %add3A_59 = arith.addi %mul3A_57, %add3A_58 : i32
    %dma_start3A_60 = arith.constant 0 : i32
    %dma_start3A_61 = arith.constant 0 : i32
    %dma_start3A_62 = arith.constant 0 : i32
    %dma_start3A_63 = tpu.memref_slice %arg10[%dma_start3A_60, %dma_start3A_61, %dma_start3A_62] : memref<2x1000x32xf32, #tpu.memory_space<vmem>> -> memref<1x1000x32xf32, #tpu.memory_space<vmem>>
    %dma_start3A_64 = tpu.memref_squeeze %dma_start3A_63 : memref<1x1000x32xf32, #tpu.memory_space<vmem>> -> memref<1000x32xf32, #tpu.memory_space<vmem>>
    %dma_start3A_65 = arith.constant 0 : i32
    %dma_start3A_66 = tpu.memref_slice %arg2[%add3A_59, %dma_start3A_65] : memref<160000x32xf32, #tpu.memory_space<hbm>> -> memref<1000x32xf32, #tpu.memory_space<hbm>>
    %dma_start3A_67 = arith.constant 0 : i32
    %dma_start3A_68 = arith.constant 0 : i32
    %dma_start3A_69 = tpu.memref_slice %arg10[%dma_start3A_60, %dma_start3A_67, %dma_start3A_68] : memref<2x1000x32xf32, #tpu.memory_space<vmem>> -> memref<1x1000x32xf32, #tpu.memory_space<vmem>>
    %dma_start3A_70 = tpu.memref_squeeze %dma_start3A_69 : memref<1x1000x32xf32, #tpu.memory_space<vmem>> -> memref<1000x32xf32, #tpu.memory_space<vmem>>
    %dma_start3A_71 = arith.constant 0 : i32
    %dma_start3A_72 = tpu.memref_slice %arg2[%add3A_59, %dma_start3A_71] : memref<160000x32xf32, #tpu.memory_space<hbm>> -> memref<1000x32xf32, #tpu.memory_space<hbm>>
    tpu.enqueue_dma source(%dma_start3A_72 : memref<1000x32xf32, #tpu.memory_space<hbm>>) target(%dma_start3A_70 : memref<1000x32xf32, #tpu.memory_space<vmem>>) target_semaphore(%arg12 : memref<!tpu.dma_semaphore, #tpu.memory_space<semaphore_mem>>)
    %dma_wait3A_73 = arith.constant 1 : i32
    %dma_wait3A_74 = arith.constant 0 : i32
    %dma_wait3A_75 = arith.constant 0 : i32
    %dma_wait3A_76 = tpu.memref_slice %arg10[%dma_wait3A_73, %dma_wait3A_74, %dma_wait3A_75] : memref<2x1000x32xf32, #tpu.memory_space<vmem>> -> memref<1x1000x32xf32, #tpu.memory_space<vmem>>
    %dma_wait3A_77 = tpu.memref_squeeze %dma_wait3A_76 : memref<1x1000x32xf32, #tpu.memory_space<vmem>> -> memref<1000x32xf32, #tpu.memory_space<vmem>>
    %dma_wait3A_78 = arith.constant 0 : i32
    %dma_wait3A_79 = tpu.memref_slice %arg2[%add3A_28, %dma_wait3A_78] : memref<160000x32xf32, #tpu.memory_space<hbm>> -> memref<1000x32xf32, #tpu.memory_space<hbm>>
    %dma_wait3A_80 = arith.constant 0 : i32
    %dma_wait3A_81 = arith.constant 0 : i32
    %dma_wait3A_82 = tpu.memref_slice %arg10[%dma_wait3A_73, %dma_wait3A_80, %dma_wait3A_81] : memref<2x1000x32xf32, #tpu.memory_space<vmem>> -> memref<1x1000x32xf32, #tpu.memory_space<vmem>>
    %dma_wait3A_83 = tpu.memref_squeeze %dma_wait3A_82 : memref<1x1000x32xf32, #tpu.memory_space<vmem>> -> memref<1000x32xf32, #tpu.memory_space<vmem>>
    %dma_wait3A_84 = arith.constant 0 : i32
    %dma_wait3A_85 = tpu.memref_slice %arg2[%add3A_28, %dma_wait3A_84] : memref<160000x32xf32, #tpu.memory_space<hbm>> -> memref<1000x32xf32, #tpu.memory_space<hbm>>
    tpu.wait_dma2 semaphore(%arg12 : memref<!tpu.dma_semaphore, #tpu.memory_space<semaphore_mem>>) src(%dma_wait3A_85 : memref<1000x32xf32, #tpu.memory_space<hbm>>) dst(%dma_wait3A_83 : memref<1000x32xf32, #tpu.memory_space<vmem>>)
    %run_scoped3A_86 = arith.constant 1 : i32
    %run_scoped3A_87 = arith.constant 1 : i32
    "tpu.region"() ({
      %run_scoped3A_186 = tpu.sem_alloc : memref<!tpu.dma_semaphore, #tpu.memory_space<semaphore_mem>>
      %dma_start3A_187 = arith.constant 0 : i32
      %dma_start3A_188 = arith.constant 0 : i32
      %dma_start3A_189 = tpu.memref_slice %arg10[%run_scoped3A_86, %dma_start3A_187, %dma_start3A_188] : memref<2x1000x32xf32, #tpu.memory_space<vmem>> -> memref<1x1000x32xf32, #tpu.memory_space<vmem>>
      %dma_start3A_190 = tpu.memref_squeeze %dma_start3A_189 : memref<1x1000x32xf32, #tpu.memory_space<vmem>> -> memref<1000x32xf32, #tpu.memory_space<vmem>>
      %dma_start3A_191 = arith.constant 0 : i32
      %dma_start3A_192 = tpu.memref_slice %arg9[%run_scoped3A_87, %dma_start3A_191] : memref<5x1000xi32, #tpu.memory_space<vmem>> -> memref<1x1000xi32, #tpu.memory_space<vmem>>
      %dma_start3A_193 = tpu.memref_squeeze %dma_start3A_192 : memref<1x1000xi32, #tpu.memory_space<vmem>> -> memref<1000xi32, #tpu.memory_space<vmem>>
      %dma_start3A_194 = arith.constant 0 : i32
      %dma_start3A_195 = arith.constant 0 : i32
      %dma_start3A_196 = tpu.memref_slice %arg11[%dma_start3A_194, %dma_start3A_195] : memref<10112x32xf32, #tpu.memory_space<vmem_shared>> -> memref<10112x32xf32, #tpu.memory_space<vmem_shared>>
      tpu.enqueue_indirect_dma source(%dma_start3A_190 : memref<1000x32xf32, #tpu.memory_space<vmem>>) target(%dma_start3A_196 : memref<10112x32xf32, #tpu.memory_space<vmem_shared>>) offsets(%dma_start3A_193 : memref<1000xi32, #tpu.memory_space<vmem>>) semaphore(%run_scoped3A_186 : memref<!tpu.dma_semaphore, #tpu.memory_space<semaphore_mem>>) {add = true}
      %dma_wait3A_197 = arith.constant 0 : i32
      %dma_wait3A_198 = arith.constant 0 : i32
      %dma_wait3A_199 = tpu.memref_slice %arg10[%run_scoped3A_86, %dma_wait3A_197, %dma_wait3A_198] : memref<2x1000x32xf32, #tpu.memory_space<vmem>> -> memref<1x1000x32xf32, #tpu.memory_space<vmem>>
      %dma_wait3A_200 = tpu.memref_squeeze %dma_wait3A_199 : memref<1x1000x32xf32, #tpu.memory_space<vmem>> -> memref<1000x32xf32, #tpu.memory_space<vmem>>
      %dma_wait3A_201 = arith.constant 0 : i32
      %dma_wait3A_202 = tpu.memref_slice %arg9[%run_scoped3A_87, %dma_wait3A_201] : memref<5x1000xi32, #tpu.memory_space<vmem>> -> memref<1x1000xi32, #tpu.memory_space<vmem>>
      %dma_wait3A_203 = tpu.memref_squeeze %dma_wait3A_202 : memref<1x1000xi32, #tpu.memory_space<vmem>> -> memref<1000xi32, #tpu.memory_space<vmem>>
      %dma_wait3A_204 = arith.constant 0 : i32
      %dma_wait3A_205 = arith.constant 0 : i32
      %dma_wait3A_206 = tpu.memref_slice %arg11[%dma_wait3A_204, %dma_wait3A_205] : memref<10112x32xf32, #tpu.memory_space<vmem_shared>> -> memref<10112x32xf32, #tpu.memory_space<vmem_shared>>
      tpu.wait_indirect_dma semaphore(%run_scoped3A_186 : memref<!tpu.dma_semaphore, #tpu.memory_space<semaphore_mem>>) src(%dma_wait3A_200 : memref<1000x32xf32, #tpu.memory_space<vmem>>) dst(%dma_wait3A_206 : memref<10112x32xf32, #tpu.memory_space<vmem_shared>>)
      tpu.yield
    }) : () -> ()
    %run_scoped3A_88 = arith.constant 1 : i32
    "tpu.region"() ({
      %run_scoped3A_186 = tpu.sem_alloc : memref<!tpu.dma_semaphore, #tpu.memory_space<semaphore_mem>>
      %dma_start3A_187 = arith.constant 0 : i32
      %dma_start3A_188 = tpu.memref_slice %arg9[%run_scoped3A_88, %dma_start3A_187] : memref<5x1000xi32, #tpu.memory_space<vmem>> -> memref<1x1000xi32, #tpu.memory_space<vmem>>
      %dma_start3A_189 = tpu.memref_squeeze %dma_start3A_188 : memref<1x1000xi32, #tpu.memory_space<vmem>> -> memref<1000xi32, #tpu.memory_space<vmem>>
      %dma_start3A_190 = arith.constant 0 : i32
      %dma_start3A_191 = arith.constant 0 : i32
      %dma_start3A_192 = tpu.memref_slice %arg14[%dma_start3A_190, %dma_start3A_191] : memref<10112x16xf32, #tpu.memory_space<vmem_shared>> -> memref<10112x16xf32, #tpu.memory_space<vmem_shared>>
      tpu.enqueue_indirect_dma source(%arg13 : memref<1000x16xf32, #tpu.memory_space<vmem>>) target(%dma_start3A_192 : memref<10112x16xf32, #tpu.memory_space<vmem_shared>>) offsets(%dma_start3A_189 : memref<1000xi32, #tpu.memory_space<vmem>>) semaphore(%run_scoped3A_186 : memref<!tpu.dma_semaphore, #tpu.memory_space<semaphore_mem>>) {add = true}
      %dma_wait3A_193 = arith.constant 0 : i32
      %dma_wait3A_194 = tpu.memref_slice %arg9[%run_scoped3A_88, %dma_wait3A_193] : memref<5x1000xi32, #tpu.memory_space<vmem>> -> memref<1x1000xi32, #tpu.memory_space<vmem>>
      %dma_wait3A_195 = tpu.memref_squeeze %dma_wait3A_194 : memref<1x1000xi32, #tpu.memory_space<vmem>> -> memref<1000xi32, #tpu.memory_space<vmem>>
      %dma_wait3A_196 = arith.constant 0 : i32
      %dma_wait3A_197 = arith.constant 0 : i32
      %dma_wait3A_198 = tpu.memref_slice %arg14[%dma_wait3A_196, %dma_wait3A_197] : memref<10112x16xf32, #tpu.memory_space<vmem_shared>> -> memref<10112x16xf32, #tpu.memory_space<vmem_shared>>
      tpu.wait_indirect_dma semaphore(%run_scoped3A_186 : memref<!tpu.dma_semaphore, #tpu.memory_space<semaphore_mem>>) src(%arg13 : memref<1000x16xf32, #tpu.memory_space<vmem>>) dst(%dma_wait3A_198 : memref<10112x16xf32, #tpu.memory_space<vmem_shared>>)
      tpu.yield
    }) : () -> ()
    %mul3A_89 = arith.constant 5000 : i32
    %mul3A_90 = arith.muli %add3A, %mul3A_89 : i32
    %add3A_91 = arith.constant 3000 : i32
    %add3A_92 = arith.addi %mul3A_90, %add3A_91 : i32
    %dma_start3A_93 = arith.constant 1 : i32
    %dma_start3A_94 = arith.constant 0 : i32
    %dma_start3A_95 = arith.constant 0 : i32
    %dma_start3A_96 = tpu.memref_slice %arg10[%dma_start3A_93, %dma_start3A_94, %dma_start3A_95] : memref<2x1000x32xf32, #tpu.memory_space<vmem>> -> memref<1x1000x32xf32, #tpu.memory_space<vmem>>
    %dma_start3A_97 = tpu.memref_squeeze %dma_start3A_96 : memref<1x1000x32xf32, #tpu.memory_space<vmem>> -> memref<1000x32xf32, #tpu.memory_space<vmem>>
    %dma_start3A_98 = arith.constant 0 : i32
    %dma_start3A_99 = tpu.memref_slice %arg2[%add3A_92, %dma_start3A_98] : memref<160000x32xf32, #tpu.memory_space<hbm>> -> memref<1000x32xf32, #tpu.memory_space<hbm>>
    %dma_start3A_100 = arith.constant 0 : i32
    %dma_start3A_101 = arith.constant 0 : i32
    %dma_start3A_102 = tpu.memref_slice %arg10[%dma_start3A_93, %dma_start3A_100, %dma_start3A_101] : memref<2x1000x32xf32, #tpu.memory_space<vmem>> -> memref<1x1000x32xf32, #tpu.memory_space<vmem>>
    %dma_start3A_103 = tpu.memref_squeeze %dma_start3A_102 : memref<1x1000x32xf32, #tpu.memory_space<vmem>> -> memref<1000x32xf32, #tpu.memory_space<vmem>>
    %dma_start3A_104 = arith.constant 0 : i32
    %dma_start3A_105 = tpu.memref_slice %arg2[%add3A_92, %dma_start3A_104] : memref<160000x32xf32, #tpu.memory_space<hbm>> -> memref<1000x32xf32, #tpu.memory_space<hbm>>
    tpu.enqueue_dma source(%dma_start3A_105 : memref<1000x32xf32, #tpu.memory_space<hbm>>) target(%dma_start3A_103 : memref<1000x32xf32, #tpu.memory_space<vmem>>) target_semaphore(%arg12 : memref<!tpu.dma_semaphore, #tpu.memory_space<semaphore_mem>>)
    %dma_wait3A_106 = arith.constant 0 : i32
    %dma_wait3A_107 = arith.constant 0 : i32
    %dma_wait3A_108 = arith.constant 0 : i32
    %dma_wait3A_109 = tpu.memref_slice %arg10[%dma_wait3A_106, %dma_wait3A_107, %dma_wait3A_108] : memref<2x1000x32xf32, #tpu.memory_space<vmem>> -> memref<1x1000x32xf32, #tpu.memory_space<vmem>>
    %dma_wait3A_110 = tpu.memref_squeeze %dma_wait3A_109 : memref<1x1000x32xf32, #tpu.memory_space<vmem>> -> memref<1000x32xf32, #tpu.memory_space<vmem>>
    %dma_wait3A_111 = arith.constant 0 : i32
    %dma_wait3A_112 = tpu.memref_slice %arg2[%add3A_59, %dma_wait3A_111] : memref<160000x32xf32, #tpu.memory_space<hbm>> -> memref<1000x32xf32, #tpu.memory_space<hbm>>
    %dma_wait3A_113 = arith.constant 0 : i32
    %dma_wait3A_114 = arith.constant 0 : i32
    %dma_wait3A_115 = tpu.memref_slice %arg10[%dma_wait3A_106, %dma_wait3A_113, %dma_wait3A_114] : memref<2x1000x32xf32, #tpu.memory_space<vmem>> -> memref<1x1000x32xf32, #tpu.memory_space<vmem>>
    %dma_wait3A_116 = tpu.memref_squeeze %dma_wait3A_115 : memref<1x1000x32xf32, #tpu.memory_space<vmem>> -> memref<1000x32xf32, #tpu.memory_space<vmem>>
    %dma_wait3A_117 = arith.constant 0 : i32
    %dma_wait3A_118 = tpu.memref_slice %arg2[%add3A_59, %dma_wait3A_117] : memref<160000x32xf32, #tpu.memory_space<hbm>> -> memref<1000x32xf32, #tpu.memory_space<hbm>>
    tpu.wait_dma2 semaphore(%arg12 : memref<!tpu.dma_semaphore, #tpu.memory_space<semaphore_mem>>) src(%dma_wait3A_118 : memref<1000x32xf32, #tpu.memory_space<hbm>>) dst(%dma_wait3A_116 : memref<1000x32xf32, #tpu.memory_space<vmem>>)
    %run_scoped3A_119 = arith.constant 0 : i32
    %run_scoped3A_120 = arith.constant 2 : i32
    "tpu.region"() ({
      %run_scoped3A_186 = tpu.sem_alloc : memref<!tpu.dma_semaphore, #tpu.memory_space<semaphore_mem>>
      %dma_start3A_187 = arith.constant 0 : i32
      %dma_start3A_188 = arith.constant 0 : i32
      %dma_start3A_189 = tpu.memref_slice %arg10[%run_scoped3A_119, %dma_start3A_187, %dma_start3A_188] : memref<2x1000x32xf32, #tpu.memory_space<vmem>> -> memref<1x1000x32xf32, #tpu.memory_space<vmem>>
      %dma_start3A_190 = tpu.memref_squeeze %dma_start3A_189 : memref<1x1000x32xf32, #tpu.memory_space<vmem>> -> memref<1000x32xf32, #tpu.memory_space<vmem>>
      %dma_start3A_191 = arith.constant 0 : i32
      %dma_start3A_192 = tpu.memref_slice %arg9[%run_scoped3A_120, %dma_start3A_191] : memref<5x1000xi32, #tpu.memory_space<vmem>> -> memref<1x1000xi32, #tpu.memory_space<vmem>>
      %dma_start3A_193 = tpu.memref_squeeze %dma_start3A_192 : memref<1x1000xi32, #tpu.memory_space<vmem>> -> memref<1000xi32, #tpu.memory_space<vmem>>
      %dma_start3A_194 = arith.constant 0 : i32
      %dma_start3A_195 = arith.constant 0 : i32
      %dma_start3A_196 = tpu.memref_slice %arg11[%dma_start3A_194, %dma_start3A_195] : memref<10112x32xf32, #tpu.memory_space<vmem_shared>> -> memref<10112x32xf32, #tpu.memory_space<vmem_shared>>
      tpu.enqueue_indirect_dma source(%dma_start3A_190 : memref<1000x32xf32, #tpu.memory_space<vmem>>) target(%dma_start3A_196 : memref<10112x32xf32, #tpu.memory_space<vmem_shared>>) offsets(%dma_start3A_193 : memref<1000xi32, #tpu.memory_space<vmem>>) semaphore(%run_scoped3A_186 : memref<!tpu.dma_semaphore, #tpu.memory_space<semaphore_mem>>) {add = true}
      %dma_wait3A_197 = arith.constant 0 : i32
      %dma_wait3A_198 = arith.constant 0 : i32
      %dma_wait3A_199 = tpu.memref_slice %arg10[%run_scoped3A_119, %dma_wait3A_197, %dma_wait3A_198] : memref<2x1000x32xf32, #tpu.memory_space<vmem>> -> memref<1x1000x32xf32, #tpu.memory_space<vmem>>
      %dma_wait3A_200 = tpu.memref_squeeze %dma_wait3A_199 : memref<1x1000x32xf32, #tpu.memory_space<vmem>> -> memref<1000x32xf32, #tpu.memory_space<vmem>>
      %dma_wait3A_201 = arith.constant 0 : i32
      %dma_wait3A_202 = tpu.memref_slice %arg9[%run_scoped3A_120, %dma_wait3A_201] : memref<5x1000xi32, #tpu.memory_space<vmem>> -> memref<1x1000xi32, #tpu.memory_space<vmem>>
      %dma_wait3A_203 = tpu.memref_squeeze %dma_wait3A_202 : memref<1x1000xi32, #tpu.memory_space<vmem>> -> memref<1000xi32, #tpu.memory_space<vmem>>
      %dma_wait3A_204 = arith.constant 0 : i32
      %dma_wait3A_205 = arith.constant 0 : i32
      %dma_wait3A_206 = tpu.memref_slice %arg11[%dma_wait3A_204, %dma_wait3A_205] : memref<10112x32xf32, #tpu.memory_space<vmem_shared>> -> memref<10112x32xf32, #tpu.memory_space<vmem_shared>>
      tpu.wait_indirect_dma semaphore(%run_scoped3A_186 : memref<!tpu.dma_semaphore, #tpu.memory_space<semaphore_mem>>) src(%dma_wait3A_200 : memref<1000x32xf32, #tpu.memory_space<vmem>>) dst(%dma_wait3A_206 : memref<10112x32xf32, #tpu.memory_space<vmem_shared>>)
      tpu.yield
    }) : () -> ()
    %run_scoped3A_121 = arith.constant 2 : i32
    "tpu.region"() ({
      %run_scoped3A_186 = tpu.sem_alloc : memref<!tpu.dma_semaphore, #tpu.memory_space<semaphore_mem>>
      %dma_start3A_187 = arith.constant 0 : i32
      %dma_start3A_188 = tpu.memref_slice %arg9[%run_scoped3A_121, %dma_start3A_187] : memref<5x1000xi32, #tpu.memory_space<vmem>> -> memref<1x1000xi32, #tpu.memory_space<vmem>>
      %dma_start3A_189 = tpu.memref_squeeze %dma_start3A_188 : memref<1x1000xi32, #tpu.memory_space<vmem>> -> memref<1000xi32, #tpu.memory_space<vmem>>
      %dma_start3A_190 = arith.constant 0 : i32
      %dma_start3A_191 = arith.constant 0 : i32
      %dma_start3A_192 = tpu.memref_slice %arg14[%dma_start3A_190, %dma_start3A_191] : memref<10112x16xf32, #tpu.memory_space<vmem_shared>> -> memref<10112x16xf32, #tpu.memory_space<vmem_shared>>
      tpu.enqueue_indirect_dma source(%arg13 : memref<1000x16xf32, #tpu.memory_space<vmem>>) target(%dma_start3A_192 : memref<10112x16xf32, #tpu.memory_space<vmem_shared>>) offsets(%dma_start3A_189 : memref<1000xi32, #tpu.memory_space<vmem>>) semaphore(%run_scoped3A_186 : memref<!tpu.dma_semaphore, #tpu.memory_space<semaphore_mem>>) {add = true}
      %dma_wait3A_193 = arith.constant 0 : i32
      %dma_wait3A_194 = tpu.memref_slice %arg9[%run_scoped3A_121, %dma_wait3A_193] : memref<5x1000xi32, #tpu.memory_space<vmem>> -> memref<1x1000xi32, #tpu.memory_space<vmem>>
      %dma_wait3A_195 = tpu.memref_squeeze %dma_wait3A_194 : memref<1x1000xi32, #tpu.memory_space<vmem>> -> memref<1000xi32, #tpu.memory_space<vmem>>
      %dma_wait3A_196 = arith.constant 0 : i32
      %dma_wait3A_197 = arith.constant 0 : i32
      %dma_wait3A_198 = tpu.memref_slice %arg14[%dma_wait3A_196, %dma_wait3A_197] : memref<10112x16xf32, #tpu.memory_space<vmem_shared>> -> memref<10112x16xf32, #tpu.memory_space<vmem_shared>>
      tpu.wait_indirect_dma semaphore(%run_scoped3A_186 : memref<!tpu.dma_semaphore, #tpu.memory_space<semaphore_mem>>) src(%arg13 : memref<1000x16xf32, #tpu.memory_space<vmem>>) dst(%dma_wait3A_198 : memref<10112x16xf32, #tpu.memory_space<vmem_shared>>)
      tpu.yield
    }) : () -> ()
    %mul3A_122 = arith.constant 5000 : i32
    %mul3A_123 = arith.muli %add3A, %mul3A_122 : i32
    %add3A_124 = arith.constant 4000 : i32
    %add3A_125 = arith.addi %mul3A_123, %add3A_124 : i32
    %dma_start3A_126 = arith.constant 0 : i32
    %dma_start3A_127 = arith.constant 0 : i32
    %dma_start3A_128 = arith.constant 0 : i32
    %dma_start3A_129 = tpu.memref_slice %arg10[%dma_start3A_126, %dma_start3A_127, %dma_start3A_128] : memref<2x1000x32xf32, #tpu.memory_space<vmem>> -> memref<1x1000x32xf32, #tpu.memory_space<vmem>>
    %dma_start3A_130 = tpu.memref_squeeze %dma_start3A_129 : memref<1x1000x32xf32, #tpu.memory_space<vmem>> -> memref<1000x32xf32, #tpu.memory_space<vmem>>
    %dma_start3A_131 = arith.constant 0 : i32
    %dma_start3A_132 = tpu.memref_slice %arg2[%add3A_125, %dma_start3A_131] : memref<160000x32xf32, #tpu.memory_space<hbm>> -> memref<1000x32xf32, #tpu.memory_space<hbm>>
    %dma_start3A_133 = arith.constant 0 : i32
    %dma_start3A_134 = arith.constant 0 : i32
    %dma_start3A_135 = tpu.memref_slice %arg10[%dma_start3A_126, %dma_start3A_133, %dma_start3A_134] : memref<2x1000x32xf32, #tpu.memory_space<vmem>> -> memref<1x1000x32xf32, #tpu.memory_space<vmem>>
    %dma_start3A_136 = tpu.memref_squeeze %dma_start3A_135 : memref<1x1000x32xf32, #tpu.memory_space<vmem>> -> memref<1000x32xf32, #tpu.memory_space<vmem>>
    %dma_start3A_137 = arith.constant 0 : i32
    %dma_start3A_138 = tpu.memref_slice %arg2[%add3A_125, %dma_start3A_137] : memref<160000x32xf32, #tpu.memory_space<hbm>> -> memref<1000x32xf32, #tpu.memory_space<hbm>>
    tpu.enqueue_dma source(%dma_start3A_138 : memref<1000x32xf32, #tpu.memory_space<hbm>>) target(%dma_start3A_136 : memref<1000x32xf32, #tpu.memory_space<vmem>>) target_semaphore(%arg12 : memref<!tpu.dma_semaphore, #tpu.memory_space<semaphore_mem>>)
    %dma_wait3A_139 = arith.constant 1 : i32
    %dma_wait3A_140 = arith.constant 0 : i32
    %dma_wait3A_141 = arith.constant 0 : i32
    %dma_wait3A_142 = tpu.memref_slice %arg10[%dma_wait3A_139, %dma_wait3A_140, %dma_wait3A_141] : memref<2x1000x32xf32, #tpu.memory_space<vmem>> -> memref<1x1000x32xf32, #tpu.memory_space<vmem>>
    %dma_wait3A_143 = tpu.memref_squeeze %dma_wait3A_142 : memref<1x1000x32xf32, #tpu.memory_space<vmem>> -> memref<1000x32xf32, #tpu.memory_space<vmem>>
    %dma_wait3A_144 = arith.constant 0 : i32
    %dma_wait3A_145 = tpu.memref_slice %arg2[%add3A_92, %dma_wait3A_144] : memref<160000x32xf32, #tpu.memory_space<hbm>> -> memref<1000x32xf32, #tpu.memory_space<hbm>>
    %dma_wait3A_146 = arith.constant 0 : i32
    %dma_wait3A_147 = arith.constant 0 : i32
    %dma_wait3A_148 = tpu.memref_slice %arg10[%dma_wait3A_139, %dma_wait3A_146, %dma_wait3A_147] : memref<2x1000x32xf32, #tpu.memory_space<vmem>> -> memref<1x1000x32xf32, #tpu.memory_space<vmem>>
    %dma_wait3A_149 = tpu.memref_squeeze %dma_wait3A_148 : memref<1x1000x32xf32, #tpu.memory_space<vmem>> -> memref<1000x32xf32, #tpu.memory_space<vmem>>
    %dma_wait3A_150 = arith.constant 0 : i32
    %dma_wait3A_151 = tpu.memref_slice %arg2[%add3A_92, %dma_wait3A_150] : memref<160000x32xf32, #tpu.memory_space<hbm>> -> memref<1000x32xf32, #tpu.memory_space<hbm>>
    tpu.wait_dma2 semaphore(%arg12 : memref<!tpu.dma_semaphore, #tpu.memory_space<semaphore_mem>>) src(%dma_wait3A_151 : memref<1000x32xf32, #tpu.memory_space<hbm>>) dst(%dma_wait3A_149 : memref<1000x32xf32, #tpu.memory_space<vmem>>)
    %run_scoped3A_152 = arith.constant 1 : i32
    %run_scoped3A_153 = arith.constant 3 : i32
    "tpu.region"() ({
      %run_scoped3A_186 = tpu.sem_alloc : memref<!tpu.dma_semaphore, #tpu.memory_space<semaphore_mem>>
      %dma_start3A_187 = arith.constant 0 : i32
      %dma_start3A_188 = arith.constant 0 : i32
      %dma_start3A_189 = tpu.memref_slice %arg10[%run_scoped3A_152, %dma_start3A_187, %dma_start3A_188] : memref<2x1000x32xf32, #tpu.memory_space<vmem>> -> memref<1x1000x32xf32, #tpu.memory_space<vmem>>
      %dma_start3A_190 = tpu.memref_squeeze %dma_start3A_189 : memref<1x1000x32xf32, #tpu.memory_space<vmem>> -> memref<1000x32xf32, #tpu.memory_space<vmem>>
      %dma_start3A_191 = arith.constant 0 : i32
      %dma_start3A_192 = tpu.memref_slice %arg9[%run_scoped3A_153, %dma_start3A_191] : memref<5x1000xi32, #tpu.memory_space<vmem>> -> memref<1x1000xi32, #tpu.memory_space<vmem>>
      %dma_start3A_193 = tpu.memref_squeeze %dma_start3A_192 : memref<1x1000xi32, #tpu.memory_space<vmem>> -> memref<1000xi32, #tpu.memory_space<vmem>>
      %dma_start3A_194 = arith.constant 0 : i32
      %dma_start3A_195 = arith.constant 0 : i32
      %dma_start3A_196 = tpu.memref_slice %arg11[%dma_start3A_194, %dma_start3A_195] : memref<10112x32xf32, #tpu.memory_space<vmem_shared>> -> memref<10112x32xf32, #tpu.memory_space<vmem_shared>>
      tpu.enqueue_indirect_dma source(%dma_start3A_190 : memref<1000x32xf32, #tpu.memory_space<vmem>>) target(%dma_start3A_196 : memref<10112x32xf32, #tpu.memory_space<vmem_shared>>) offsets(%dma_start3A_193 : memref<1000xi32, #tpu.memory_space<vmem>>) semaphore(%run_scoped3A_186 : memref<!tpu.dma_semaphore, #tpu.memory_space<semaphore_mem>>) {add = true}
      %dma_wait3A_197 = arith.constant 0 : i32
      %dma_wait3A_198 = arith.constant 0 : i32
      %dma_wait3A_199 = tpu.memref_slice %arg10[%run_scoped3A_152, %dma_wait3A_197, %dma_wait3A_198] : memref<2x1000x32xf32, #tpu.memory_space<vmem>> -> memref<1x1000x32xf32, #tpu.memory_space<vmem>>
      %dma_wait3A_200 = tpu.memref_squeeze %dma_wait3A_199 : memref<1x1000x32xf32, #tpu.memory_space<vmem>> -> memref<1000x32xf32, #tpu.memory_space<vmem>>
      %dma_wait3A_201 = arith.constant 0 : i32
      %dma_wait3A_202 = tpu.memref_slice %arg9[%run_scoped3A_153, %dma_wait3A_201] : memref<5x1000xi32, #tpu.memory_space<vmem>> -> memref<1x1000xi32, #tpu.memory_space<vmem>>
      %dma_wait3A_203 = tpu.memref_squeeze %dma_wait3A_202 : memref<1x1000xi32, #tpu.memory_space<vmem>> -> memref<1000xi32, #tpu.memory_space<vmem>>
      %dma_wait3A_204 = arith.constant 0 : i32
      %dma_wait3A_205 = arith.constant 0 : i32
      %dma_wait3A_206 = tpu.memref_slice %arg11[%dma_wait3A_204, %dma_wait3A_205] : memref<10112x32xf32, #tpu.memory_space<vmem_shared>> -> memref<10112x32xf32, #tpu.memory_space<vmem_shared>>
      tpu.wait_indirect_dma semaphore(%run_scoped3A_186 : memref<!tpu.dma_semaphore, #tpu.memory_space<semaphore_mem>>) src(%dma_wait3A_200 : memref<1000x32xf32, #tpu.memory_space<vmem>>) dst(%dma_wait3A_206 : memref<10112x32xf32, #tpu.memory_space<vmem_shared>>)
      tpu.yield
    }) : () -> ()
    %run_scoped3A_154 = arith.constant 3 : i32
    "tpu.region"() ({
      %run_scoped3A_186 = tpu.sem_alloc : memref<!tpu.dma_semaphore, #tpu.memory_space<semaphore_mem>>
      %dma_start3A_187 = arith.constant 0 : i32
      %dma_start3A_188 = tpu.memref_slice %arg9[%run_scoped3A_154, %dma_start3A_187] : memref<5x1000xi32, #tpu.memory_space<vmem>> -> memref<1x1000xi32, #tpu.memory_space<vmem>>
      %dma_start3A_189 = tpu.memref_squeeze %dma_start3A_188 : memref<1x1000xi32, #tpu.memory_space<vmem>> -> memref<1000xi32, #tpu.memory_space<vmem>>
      %dma_start3A_190 = arith.constant 0 : i32
      %dma_start3A_191 = arith.constant 0 : i32
      %dma_start3A_192 = tpu.memref_slice %arg14[%dma_start3A_190, %dma_start3A_191] : memref<10112x16xf32, #tpu.memory_space<vmem_shared>> -> memref<10112x16xf32, #tpu.memory_space<vmem_shared>>
      tpu.enqueue_indirect_dma source(%arg13 : memref<1000x16xf32, #tpu.memory_space<vmem>>) target(%dma_start3A_192 : memref<10112x16xf32, #tpu.memory_space<vmem_shared>>) offsets(%dma_start3A_189 : memref<1000xi32, #tpu.memory_space<vmem>>) semaphore(%run_scoped3A_186 : memref<!tpu.dma_semaphore, #tpu.memory_space<semaphore_mem>>) {add = true}
      %dma_wait3A_193 = arith.constant 0 : i32
      %dma_wait3A_194 = tpu.memref_slice %arg9[%run_scoped3A_154, %dma_wait3A_193] : memref<5x1000xi32, #tpu.memory_space<vmem>> -> memref<1x1000xi32, #tpu.memory_space<vmem>>
      %dma_wait3A_195 = tpu.memref_squeeze %dma_wait3A_194 : memref<1x1000xi32, #tpu.memory_space<vmem>> -> memref<1000xi32, #tpu.memory_space<vmem>>
      %dma_wait3A_196 = arith.constant 0 : i32
      %dma_wait3A_197 = arith.constant 0 : i32
      %dma_wait3A_198 = tpu.memref_slice %arg14[%dma_wait3A_196, %dma_wait3A_197] : memref<10112x16xf32, #tpu.memory_space<vmem_shared>> -> memref<10112x16xf32, #tpu.memory_space<vmem_shared>>
      tpu.wait_indirect_dma semaphore(%run_scoped3A_186 : memref<!tpu.dma_semaphore, #tpu.memory_space<semaphore_mem>>) src(%arg13 : memref<1000x16xf32, #tpu.memory_space<vmem>>) dst(%dma_wait3A_198 : memref<10112x16xf32, #tpu.memory_space<vmem_shared>>)
      tpu.yield
    }) : () -> ()
    %dma_wait3A_155 = arith.constant 0 : i32
    %dma_wait3A_156 = arith.constant 0 : i32
    %dma_wait3A_157 = arith.constant 0 : i32
    %dma_wait3A_158 = tpu.memref_slice %arg10[%dma_wait3A_155, %dma_wait3A_156, %dma_wait3A_157] : memref<2x1000x32xf32, #tpu.memory_space<vmem>> -> memref<1x1000x32xf32, #tpu.memory_space<vmem>>
    %dma_wait3A_159 = tpu.memref_squeeze %dma_wait3A_158 : memref<1x1000x32xf32, #tpu.memory_space<vmem>> -> memref<1000x32xf32, #tpu.memory_space<vmem>>
    %dma_wait3A_160 = arith.constant 0 : i32
    %dma_wait3A_161 = tpu.memref_slice %arg2[%add3A_125, %dma_wait3A_160] : memref<160000x32xf32, #tpu.memory_space<hbm>> -> memref<1000x32xf32, #tpu.memory_space<hbm>>
    %dma_wait3A_162 = arith.constant 0 : i32
    %dma_wait3A_163 = arith.constant 0 : i32
    %dma_wait3A_164 = tpu.memref_slice %arg10[%dma_wait3A_155, %dma_wait3A_162, %dma_wait3A_163] : memref<2x1000x32xf32, #tpu.memory_space<vmem>> -> memref<1x1000x32xf32, #tpu.memory_space<vmem>>
    %dma_wait3A_165 = tpu.memref_squeeze %dma_wait3A_164 : memref<1x1000x32xf32, #tpu.memory_space<vmem>> -> memref<1000x32xf32, #tpu.memory_space<vmem>>
    %dma_wait3A_166 = arith.constant 0 : i32
    %dma_wait3A_167 = tpu.memref_slice %arg2[%add3A_125, %dma_wait3A_166] : memref<160000x32xf32, #tpu.memory_space<hbm>> -> memref<1000x32xf32, #tpu.memory_space<hbm>>
    tpu.wait_dma2 semaphore(%arg12 : memref<!tpu.dma_semaphore, #tpu.memory_space<semaphore_mem>>) src(%dma_wait3A_167 : memref<1000x32xf32, #tpu.memory_space<hbm>>) dst(%dma_wait3A_165 : memref<1000x32xf32, #tpu.memory_space<vmem>>)
    %run_scoped3A_168 = arith.constant 0 : i32
    %run_scoped3A_169 = arith.constant 4 : i32
    "tpu.region"() ({
      %run_scoped3A_186 = tpu.sem_alloc : memref<!tpu.dma_semaphore, #tpu.memory_space<semaphore_mem>>
      %dma_start3A_187 = arith.constant 0 : i32
      %dma_start3A_188 = arith.constant 0 : i32
      %dma_start3A_189 = tpu.memref_slice %arg10[%run_scoped3A_168, %dma_start3A_187, %dma_start3A_188] : memref<2x1000x32xf32, #tpu.memory_space<vmem>> -> memref<1x1000x32xf32, #tpu.memory_space<vmem>>
      %dma_start3A_190 = tpu.memref_squeeze %dma_start3A_189 : memref<1x1000x32xf32, #tpu.memory_space<vmem>> -> memref<1000x32xf32, #tpu.memory_space<vmem>>
      %dma_start3A_191 = arith.constant 0 : i32
      %dma_start3A_192 = tpu.memref_slice %arg9[%run_scoped3A_169, %dma_start3A_191] : memref<5x1000xi32, #tpu.memory_space<vmem>> -> memref<1x1000xi32, #tpu.memory_space<vmem>>
      %dma_start3A_193 = tpu.memref_squeeze %dma_start3A_192 : memref<1x1000xi32, #tpu.memory_space<vmem>> -> memref<1000xi32, #tpu.memory_space<vmem>>
      %dma_start3A_194 = arith.constant 0 : i32
      %dma_start3A_195 = arith.constant 0 : i32
      %dma_start3A_196 = tpu.memref_slice %arg11[%dma_start3A_194, %dma_start3A_195] : memref<10112x32xf32, #tpu.memory_space<vmem_shared>> -> memref<10112x32xf32, #tpu.memory_space<vmem_shared>>
      tpu.enqueue_indirect_dma source(%dma_start3A_190 : memref<1000x32xf32, #tpu.memory_space<vmem>>) target(%dma_start3A_196 : memref<10112x32xf32, #tpu.memory_space<vmem_shared>>) offsets(%dma_start3A_193 : memref<1000xi32, #tpu.memory_space<vmem>>) semaphore(%run_scoped3A_186 : memref<!tpu.dma_semaphore, #tpu.memory_space<semaphore_mem>>) {add = true}
      %dma_wait3A_197 = arith.constant 0 : i32
      %dma_wait3A_198 = arith.constant 0 : i32
      %dma_wait3A_199 = tpu.memref_slice %arg10[%run_scoped3A_168, %dma_wait3A_197, %dma_wait3A_198] : memref<2x1000x32xf32, #tpu.memory_space<vmem>> -> memref<1x1000x32xf32, #tpu.memory_space<vmem>>
      %dma_wait3A_200 = tpu.memref_squeeze %dma_wait3A_199 : memref<1x1000x32xf32, #tpu.memory_space<vmem>> -> memref<1000x32xf32, #tpu.memory_space<vmem>>
      %dma_wait3A_201 = arith.constant 0 : i32
      %dma_wait3A_202 = tpu.memref_slice %arg9[%run_scoped3A_169, %dma_wait3A_201] : memref<5x1000xi32, #tpu.memory_space<vmem>> -> memref<1x1000xi32, #tpu.memory_space<vmem>>
      %dma_wait3A_203 = tpu.memref_squeeze %dma_wait3A_202 : memref<1x1000xi32, #tpu.memory_space<vmem>> -> memref<1000xi32, #tpu.memory_space<vmem>>
      %dma_wait3A_204 = arith.constant 0 : i32
      %dma_wait3A_205 = arith.constant 0 : i32
      %dma_wait3A_206 = tpu.memref_slice %arg11[%dma_wait3A_204, %dma_wait3A_205] : memref<10112x32xf32, #tpu.memory_space<vmem_shared>> -> memref<10112x32xf32, #tpu.memory_space<vmem_shared>>
      tpu.wait_indirect_dma semaphore(%run_scoped3A_186 : memref<!tpu.dma_semaphore, #tpu.memory_space<semaphore_mem>>) src(%dma_wait3A_200 : memref<1000x32xf32, #tpu.memory_space<vmem>>) dst(%dma_wait3A_206 : memref<10112x32xf32, #tpu.memory_space<vmem_shared>>)
      tpu.yield
    }) : () -> ()
    %run_scoped3A_170 = arith.constant 4 : i32
    "tpu.region"() ({
      %run_scoped3A_186 = tpu.sem_alloc : memref<!tpu.dma_semaphore, #tpu.memory_space<semaphore_mem>>
      %dma_start3A_187 = arith.constant 0 : i32
      %dma_start3A_188 = tpu.memref_slice %arg9[%run_scoped3A_170, %dma_start3A_187] : memref<5x1000xi32, #tpu.memory_space<vmem>> -> memref<1x1000xi32, #tpu.memory_space<vmem>>
      %dma_start3A_189 = tpu.memref_squeeze %dma_start3A_188 : memref<1x1000xi32, #tpu.memory_space<vmem>> -> memref<1000xi32, #tpu.memory_space<vmem>>
      %dma_start3A_190 = arith.constant 0 : i32
      %dma_start3A_191 = arith.constant 0 : i32
      %dma_start3A_192 = tpu.memref_slice %arg14[%dma_start3A_190, %dma_start3A_191] : memref<10112x16xf32, #tpu.memory_space<vmem_shared>> -> memref<10112x16xf32, #tpu.memory_space<vmem_shared>>
      tpu.enqueue_indirect_dma source(%arg13 : memref<1000x16xf32, #tpu.memory_space<vmem>>) target(%dma_start3A_192 : memref<10112x16xf32, #tpu.memory_space<vmem_shared>>) offsets(%dma_start3A_189 : memref<1000xi32, #tpu.memory_space<vmem>>) semaphore(%run_scoped3A_186 : memref<!tpu.dma_semaphore, #tpu.memory_space<semaphore_mem>>) {add = true}
      %dma_wait3A_193 = arith.constant 0 : i32
      %dma_wait3A_194 = tpu.memref_slice %arg9[%run_scoped3A_170, %dma_wait3A_193] : memref<5x1000xi32, #tpu.memory_space<vmem>> -> memref<1x1000xi32, #tpu.memory_space<vmem>>
      %dma_wait3A_195 = tpu.memref_squeeze %dma_wait3A_194 : memref<1x1000xi32, #tpu.memory_space<vmem>> -> memref<1000xi32, #tpu.memory_space<vmem>>
      %dma_wait3A_196 = arith.constant 0 : i32
      %dma_wait3A_197 = arith.constant 0 : i32
      %dma_wait3A_198 = tpu.memref_slice %arg14[%dma_wait3A_196, %dma_wait3A_197] : memref<10112x16xf32, #tpu.memory_space<vmem_shared>> -> memref<10112x16xf32, #tpu.memory_space<vmem_shared>>
      tpu.wait_indirect_dma semaphore(%run_scoped3A_186 : memref<!tpu.dma_semaphore, #tpu.memory_space<semaphore_mem>>) src(%arg13 : memref<1000x16xf32, #tpu.memory_space<vmem>>) dst(%dma_wait3A_198 : memref<10112x16xf32, #tpu.memory_space<vmem_shared>>)
      tpu.yield
    }) : () -> ()
    %barrier3A_171 = arith.constant 0 : index
    tpu.barrier barrier_id(%barrier3A_171)
    %mul3A_172 = arith.constant 632 : i32
    %mul3A_173 = arith.muli %arg1, %mul3A_172 : i32
    %mul3A_174 = arith.constant 10112 : i32
    %mul3A_175 = arith.muli %arg0, %mul3A_174 : i32
    %mul3A_176 = arith.constant 632 : i32
    %mul3A_177 = arith.muli %arg1, %mul3A_176 : i32
    %add3A_178 = arith.addi %mul3A_175, %mul3A_177 : i32
    "tpu.region"() ({
      %run_scoped3A_186 = tpu.sem_alloc : memref<!tpu.dma_semaphore, #tpu.memory_space<semaphore_mem>>
      %dma_start3A_187 = arith.constant 0 : i32
      %dma_start3A_188 = tpu.memref_slice %arg7[%add3A_178, %dma_start3A_187] : memref<20224x32xf32, #tpu.memory_space<hbm>> -> memref<632x32xf32, #tpu.memory_space<hbm>>
      %dma_start3A_189 = arith.constant 0 : i32
      %dma_start3A_190 = tpu.memref_slice %arg11[%mul3A_173, %dma_start3A_189] : memref<10112x32xf32, #tpu.memory_space<vmem_shared>> -> memref<632x32xf32, #tpu.memory_space<vmem_shared>>
      tpu.enqueue_dma source(%dma_start3A_190 : memref<632x32xf32, #tpu.memory_space<vmem_shared>>) target(%dma_start3A_188 : memref<632x32xf32, #tpu.memory_space<hbm>>) target_semaphore(%run_scoped3A_186 : memref<!tpu.dma_semaphore, #tpu.memory_space<semaphore_mem>>)
      %dma_wait3A_191 = arith.constant 0 : i32
      %dma_wait3A_192 = tpu.memref_slice %arg7[%add3A_178, %dma_wait3A_191] : memref<20224x32xf32, #tpu.memory_space<hbm>> -> memref<632x32xf32, #tpu.memory_space<hbm>>
      %dma_wait3A_193 = arith.constant 0 : i32
      %dma_wait3A_194 = tpu.memref_slice %arg11[%mul3A_173, %dma_wait3A_193] : memref<10112x32xf32, #tpu.memory_space<vmem_shared>> -> memref<632x32xf32, #tpu.memory_space<vmem_shared>>
      tpu.wait_dma2 semaphore(%run_scoped3A_186 : memref<!tpu.dma_semaphore, #tpu.memory_space<semaphore_mem>>) src(%dma_wait3A_194 : memref<632x32xf32, #tpu.memory_space<vmem_shared>>) dst(%dma_wait3A_192 : memref<632x32xf32, #tpu.memory_space<hbm>>)
      tpu.yield
    }) : () -> ()
    %mul3A_179 = arith.constant 632 : i32
    %mul3A_180 = arith.muli %arg1, %mul3A_179 : i32
    %mul3A_181 = arith.constant 10112 : i32
    %mul3A_182 = arith.muli %arg0, %mul3A_181 : i32
    %mul3A_183 = arith.constant 632 : i32
    %mul3A_184 = arith.muli %arg1, %mul3A_183 : i32
    %add3A_185 = arith.addi %mul3A_182, %mul3A_184 : i32
    "tpu.region"() ({
      %run_scoped3A_186 = tpu.sem_alloc : memref<!tpu.dma_semaphore, #tpu.memory_space<semaphore_mem>>
      %dma_start3A_187 = arith.constant 0 : i32
      %dma_start3A_188 = tpu.memref_slice %arg8[%add3A_185, %dma_start3A_187] : memref<20224x16xf32, #tpu.memory_space<hbm>> -> memref<632x16xf32, #tpu.memory_space<hbm>>
      %dma_start3A_189 = arith.constant 0 : i32
      %dma_start3A_190 = tpu.memref_slice %arg14[%mul3A_180, %dma_start3A_189] : memref<10112x16xf32, #tpu.memory_space<vmem_shared>> -> memref<632x16xf32, #tpu.memory_space<vmem_shared>>
      tpu.enqueue_dma source(%dma_start3A_190 : memref<632x16xf32, #tpu.memory_space<vmem_shared>>) target(%dma_start3A_188 : memref<632x16xf32, #tpu.memory_space<hbm>>) target_semaphore(%run_scoped3A_186 : memref<!tpu.dma_semaphore, #tpu.memory_space<semaphore_mem>>)
      %dma_wait3A_191 = arith.constant 0 : i32
      %dma_wait3A_192 = tpu.memref_slice %arg8[%add3A_185, %dma_wait3A_191] : memref<20224x16xf32, #tpu.memory_space<hbm>> -> memref<632x16xf32, #tpu.memory_space<hbm>>
      %dma_wait3A_193 = arith.constant 0 : i32
      %dma_wait3A_194 = tpu.memref_slice %arg14[%mul3A_180, %dma_wait3A_193] : memref<10112x16xf32, #tpu.memory_space<vmem_shared>> -> memref<632x16xf32, #tpu.memory_space<vmem_shared>>
      tpu.wait_dma2 semaphore(%run_scoped3A_186 : memref<!tpu.dma_semaphore, #tpu.memory_space<semaphore_mem>>) src(%dma_wait3A_194 : memref<632x16xf32, #tpu.memory_space<vmem_shared>>) dst(%dma_wait3A_192 : memref<632x16xf32, #tpu.memory_space<hbm>>)
      tpu.yield
    }) : () -> ()
    return
  }
}

#map = affine_map<(d0, d1) -> (0, 0)>
module attributes {stable_mosaic.version = 14 : i64} {
  func.func @k(%arg0: i32, %arg1: i32, %arg2: memref<160000x32xf32, #tpu.memory_space<hbm>>, %arg3: memref<160x1000xi32, #tpu.memory_space<hbm>>, %arg4: memref<10112x32xf32, #tpu.memory_space<hbm>>, %arg5: memref<20224x32xf32, #tpu.memory_space<hbm>>, %arg6: memref<5x1000xi32, #tpu.memory_space<vmem>>, %arg7: memref<2x1000x32xf32, #tpu.memory_space<vmem>>, %arg8: memref<10112x32xf32, #tpu.memory_space<vmem_shared>>, %arg9: memref<!tpu.dma_semaphore, #tpu.memory_space<semaphore_mem>>) attributes {dimension_semantics = [#tpu.dimension_semantics<core_parallel>, #tpu.dimension_semantics<subcore_parallel>], iteration_bounds = array<i64: 2, 16>, scalar_prefetch = 0 : i64, scratch_operands = 4 : i64, tpu.core_type = #tpu.core_type<sc_vector_subcore>, window_params = [{transform_indices = #map}, {transform_indices = #map}, {transform_indices = #map}, {transform_indices = #map}]} {
    %mul3A = arith.constant 2 : i32
    %mul3A_0 = arith.muli %arg1, %mul3A : i32
    %add3A = arith.addi %mul3A_0, %arg0 : i32
    %mul3A_1 = arith.constant 5 : i32
    %mul3A_2 = arith.muli %add3A, %mul3A_1 : i32
    "tpu.region"() ({
      %run_scoped3A_170 = tpu.sem_alloc : memref<!tpu.dma_semaphore, #tpu.memory_space<semaphore_mem>>
      %dma_start3A_171 = arith.constant 0 : i32
      %dma_start3A_172 = tpu.memref_slice %arg3[%mul3A_2, %dma_start3A_171] : memref<160x1000xi32, #tpu.memory_space<hbm>> -> memref<5x1000xi32, #tpu.memory_space<hbm>>
      %dma_start3A_173 = arith.constant 0 : i32
      %dma_start3A_174 = tpu.memref_slice %arg3[%mul3A_2, %dma_start3A_173] : memref<160x1000xi32, #tpu.memory_space<hbm>> -> memref<5x1000xi32, #tpu.memory_space<hbm>>
      tpu.enqueue_dma source(%dma_start3A_174 : memref<5x1000xi32, #tpu.memory_space<hbm>>) target(%arg6 : memref<5x1000xi32, #tpu.memory_space<vmem>>) target_semaphore(%run_scoped3A_170 : memref<!tpu.dma_semaphore, #tpu.memory_space<semaphore_mem>>)
      %dma_wait3A_175 = arith.constant 0 : i32
      %dma_wait3A_176 = tpu.memref_slice %arg3[%mul3A_2, %dma_wait3A_175] : memref<160x1000xi32, #tpu.memory_space<hbm>> -> memref<5x1000xi32, #tpu.memory_space<hbm>>
      %dma_wait3A_177 = arith.constant 0 : i32
      %dma_wait3A_178 = tpu.memref_slice %arg3[%mul3A_2, %dma_wait3A_177] : memref<160x1000xi32, #tpu.memory_space<hbm>> -> memref<5x1000xi32, #tpu.memory_space<hbm>>
      tpu.wait_dma2 semaphore(%run_scoped3A_170 : memref<!tpu.dma_semaphore, #tpu.memory_space<semaphore_mem>>) src(%dma_wait3A_178 : memref<5x1000xi32, #tpu.memory_space<hbm>>) dst(%arg6 : memref<5x1000xi32, #tpu.memory_space<vmem>>)
      tpu.yield
    }) : () -> ()
    %mul3A_3 = arith.constant 632 : i32
    %mul3A_4 = arith.muli %arg1, %mul3A_3 : i32
    %mul3A_5 = arith.constant 632 : i32
    %mul3A_6 = arith.muli %arg1, %mul3A_5 : i32
    "tpu.region"() ({
      %run_scoped3A_170 = tpu.sem_alloc : memref<!tpu.dma_semaphore, #tpu.memory_space<semaphore_mem>>
      %dma_start3A_171 = arith.constant 0 : i32
      %dma_start3A_172 = tpu.memref_slice %arg8[%mul3A_6, %dma_start3A_171] : memref<10112x32xf32, #tpu.memory_space<vmem_shared>> -> memref<632x32xf32, #tpu.memory_space<vmem_shared>>
      %dma_start3A_173 = arith.constant 0 : i32
      %dma_start3A_174 = tpu.memref_slice %arg4[%mul3A_4, %dma_start3A_173] : memref<10112x32xf32, #tpu.memory_space<hbm>> -> memref<632x32xf32, #tpu.memory_space<hbm>>
      tpu.enqueue_dma source(%dma_start3A_174 : memref<632x32xf32, #tpu.memory_space<hbm>>) target(%dma_start3A_172 : memref<632x32xf32, #tpu.memory_space<vmem_shared>>) target_semaphore(%run_scoped3A_170 : memref<!tpu.dma_semaphore, #tpu.memory_space<semaphore_mem>>)
      %dma_wait3A_175 = arith.constant 0 : i32
      %dma_wait3A_176 = tpu.memref_slice %arg8[%mul3A_6, %dma_wait3A_175] : memref<10112x32xf32, #tpu.memory_space<vmem_shared>> -> memref<632x32xf32, #tpu.memory_space<vmem_shared>>
      %dma_wait3A_177 = arith.constant 0 : i32
      %dma_wait3A_178 = tpu.memref_slice %arg4[%mul3A_4, %dma_wait3A_177] : memref<10112x32xf32, #tpu.memory_space<hbm>> -> memref<632x32xf32, #tpu.memory_space<hbm>>
      tpu.wait_dma2 semaphore(%run_scoped3A_170 : memref<!tpu.dma_semaphore, #tpu.memory_space<semaphore_mem>>) src(%dma_wait3A_178 : memref<632x32xf32, #tpu.memory_space<hbm>>) dst(%dma_wait3A_176 : memref<632x32xf32, #tpu.memory_space<vmem_shared>>)
      tpu.yield
    }) : () -> ()
    %barrier3A = arith.constant 0 : index
    tpu.barrier barrier_id(%barrier3A)
    %mul3A_7 = arith.constant 5000 : i32
    %mul3A_8 = arith.muli %add3A, %mul3A_7 : i32
    %dma_start3A = arith.constant 0 : i32
    %dma_start3A_9 = arith.constant 0 : i32
    %dma_start3A_10 = arith.constant 0 : i32
    %dma_start3A_11 = tpu.memref_slice %arg7[%dma_start3A, %dma_start3A_9, %dma_start3A_10] : memref<2x1000x32xf32, #tpu.memory_space<vmem>> -> memref<1x1000x32xf32, #tpu.memory_space<vmem>>
    %dma_start3A_12 = tpu.memref_squeeze %dma_start3A_11 : memref<1x1000x32xf32, #tpu.memory_space<vmem>> -> memref<1000x32xf32, #tpu.memory_space<vmem>>
    %dma_start3A_13 = arith.constant 0 : i32
    %dma_start3A_14 = tpu.memref_slice %arg2[%mul3A_8, %dma_start3A_13] : memref<160000x32xf32, #tpu.memory_space<hbm>> -> memref<1000x32xf32, #tpu.memory_space<hbm>>
    %dma_start3A_15 = arith.constant 0 : i32
    %dma_start3A_16 = arith.constant 0 : i32
    %dma_start3A_17 = tpu.memref_slice %arg7[%dma_start3A, %dma_start3A_15, %dma_start3A_16] : memref<2x1000x32xf32, #tpu.memory_space<vmem>> -> memref<1x1000x32xf32, #tpu.memory_space<vmem>>
    %dma_start3A_18 = tpu.memref_squeeze %dma_start3A_17 : memref<1x1000x32xf32, #tpu.memory_space<vmem>> -> memref<1000x32xf32, #tpu.memory_space<vmem>>
    %dma_start3A_19 = arith.constant 0 : i32
    %dma_start3A_20 = tpu.memref_slice %arg2[%mul3A_8, %dma_start3A_19] : memref<160000x32xf32, #tpu.memory_space<hbm>> -> memref<1000x32xf32, #tpu.memory_space<hbm>>
    tpu.enqueue_dma source(%dma_start3A_20 : memref<1000x32xf32, #tpu.memory_space<hbm>>) target(%dma_start3A_18 : memref<1000x32xf32, #tpu.memory_space<vmem>>) target_semaphore(%arg9 : memref<!tpu.dma_semaphore, #tpu.memory_space<semaphore_mem>>)
    %mul3A_21 = arith.constant 5000 : i32
    %mul3A_22 = arith.muli %add3A, %mul3A_21 : i32
    %add3A_23 = arith.constant 1000 : i32
    %add3A_24 = arith.addi %mul3A_22, %add3A_23 : i32
    %dma_start3A_25 = arith.constant 1 : i32
    %dma_start3A_26 = arith.constant 0 : i32
    %dma_start3A_27 = arith.constant 0 : i32
    %dma_start3A_28 = tpu.memref_slice %arg7[%dma_start3A_25, %dma_start3A_26, %dma_start3A_27] : memref<2x1000x32xf32, #tpu.memory_space<vmem>> -> memref<1x1000x32xf32, #tpu.memory_space<vmem>>
    %dma_start3A_29 = tpu.memref_squeeze %dma_start3A_28 : memref<1x1000x32xf32, #tpu.memory_space<vmem>> -> memref<1000x32xf32, #tpu.memory_space<vmem>>
    %dma_start3A_30 = arith.constant 0 : i32
    %dma_start3A_31 = tpu.memref_slice %arg2[%add3A_24, %dma_start3A_30] : memref<160000x32xf32, #tpu.memory_space<hbm>> -> memref<1000x32xf32, #tpu.memory_space<hbm>>
    %dma_start3A_32 = arith.constant 0 : i32
    %dma_start3A_33 = arith.constant 0 : i32
    %dma_start3A_34 = tpu.memref_slice %arg7[%dma_start3A_25, %dma_start3A_32, %dma_start3A_33] : memref<2x1000x32xf32, #tpu.memory_space<vmem>> -> memref<1x1000x32xf32, #tpu.memory_space<vmem>>
    %dma_start3A_35 = tpu.memref_squeeze %dma_start3A_34 : memref<1x1000x32xf32, #tpu.memory_space<vmem>> -> memref<1000x32xf32, #tpu.memory_space<vmem>>
    %dma_start3A_36 = arith.constant 0 : i32
    %dma_start3A_37 = tpu.memref_slice %arg2[%add3A_24, %dma_start3A_36] : memref<160000x32xf32, #tpu.memory_space<hbm>> -> memref<1000x32xf32, #tpu.memory_space<hbm>>
    tpu.enqueue_dma source(%dma_start3A_37 : memref<1000x32xf32, #tpu.memory_space<hbm>>) target(%dma_start3A_35 : memref<1000x32xf32, #tpu.memory_space<vmem>>) target_semaphore(%arg9 : memref<!tpu.dma_semaphore, #tpu.memory_space<semaphore_mem>>)
    %dma_wait3A = arith.constant 0 : i32
    %dma_wait3A_38 = arith.constant 0 : i32
    %dma_wait3A_39 = arith.constant 0 : i32
    %dma_wait3A_40 = tpu.memref_slice %arg7[%dma_wait3A, %dma_wait3A_38, %dma_wait3A_39] : memref<2x1000x32xf32, #tpu.memory_space<vmem>> -> memref<1x1000x32xf32, #tpu.memory_space<vmem>>
    %dma_wait3A_41 = tpu.memref_squeeze %dma_wait3A_40 : memref<1x1000x32xf32, #tpu.memory_space<vmem>> -> memref<1000x32xf32, #tpu.memory_space<vmem>>
    %dma_wait3A_42 = arith.constant 0 : i32
    %dma_wait3A_43 = tpu.memref_slice %arg2[%mul3A_8, %dma_wait3A_42] : memref<160000x32xf32, #tpu.memory_space<hbm>> -> memref<1000x32xf32, #tpu.memory_space<hbm>>
    %dma_wait3A_44 = arith.constant 0 : i32
    %dma_wait3A_45 = arith.constant 0 : i32
    %dma_wait3A_46 = tpu.memref_slice %arg7[%dma_wait3A, %dma_wait3A_44, %dma_wait3A_45] : memref<2x1000x32xf32, #tpu.memory_space<vmem>> -> memref<1x1000x32xf32, #tpu.memory_space<vmem>>
    %dma_wait3A_47 = tpu.memref_squeeze %dma_wait3A_46 : memref<1x1000x32xf32, #tpu.memory_space<vmem>> -> memref<1000x32xf32, #tpu.memory_space<vmem>>
    %dma_wait3A_48 = arith.constant 0 : i32
    %dma_wait3A_49 = tpu.memref_slice %arg2[%mul3A_8, %dma_wait3A_48] : memref<160000x32xf32, #tpu.memory_space<hbm>> -> memref<1000x32xf32, #tpu.memory_space<hbm>>
    tpu.wait_dma2 semaphore(%arg9 : memref<!tpu.dma_semaphore, #tpu.memory_space<semaphore_mem>>) src(%dma_wait3A_49 : memref<1000x32xf32, #tpu.memory_space<hbm>>) dst(%dma_wait3A_47 : memref<1000x32xf32, #tpu.memory_space<vmem>>)
    %run_scoped3A = arith.constant 0 : i32
    %run_scoped3A_50 = arith.constant 0 : i32
    "tpu.region"() ({
      %run_scoped3A_170 = tpu.sem_alloc : memref<!tpu.dma_semaphore, #tpu.memory_space<semaphore_mem>>
      %dma_start3A_171 = arith.constant 0 : i32
      %dma_start3A_172 = arith.constant 0 : i32
      %dma_start3A_173 = tpu.memref_slice %arg7[%run_scoped3A, %dma_start3A_171, %dma_start3A_172] : memref<2x1000x32xf32, #tpu.memory_space<vmem>> -> memref<1x1000x32xf32, #tpu.memory_space<vmem>>
      %dma_start3A_174 = tpu.memref_squeeze %dma_start3A_173 : memref<1x1000x32xf32, #tpu.memory_space<vmem>> -> memref<1000x32xf32, #tpu.memory_space<vmem>>
      %dma_start3A_175 = arith.constant 0 : i32
      %dma_start3A_176 = tpu.memref_slice %arg6[%run_scoped3A_50, %dma_start3A_175] : memref<5x1000xi32, #tpu.memory_space<vmem>> -> memref<1x1000xi32, #tpu.memory_space<vmem>>
      %dma_start3A_177 = tpu.memref_squeeze %dma_start3A_176 : memref<1x1000xi32, #tpu.memory_space<vmem>> -> memref<1000xi32, #tpu.memory_space<vmem>>
      %dma_start3A_178 = arith.constant 0 : i32
      %dma_start3A_179 = arith.constant 0 : i32
      %dma_start3A_180 = tpu.memref_slice %arg8[%dma_start3A_178, %dma_start3A_179] : memref<10112x32xf32, #tpu.memory_space<vmem_shared>> -> memref<10112x32xf32, #tpu.memory_space<vmem_shared>>
      tpu.enqueue_indirect_dma source(%dma_start3A_174 : memref<1000x32xf32, #tpu.memory_space<vmem>>) target(%dma_start3A_180 : memref<10112x32xf32, #tpu.memory_space<vmem_shared>>) offsets(%dma_start3A_177 : memref<1000xi32, #tpu.memory_space<vmem>>) semaphore(%run_scoped3A_170 : memref<!tpu.dma_semaphore, #tpu.memory_space<semaphore_mem>>) {add = true}
      %dma_wait3A_181 = arith.constant 0 : i32
      %dma_wait3A_182 = arith.constant 0 : i32
      %dma_wait3A_183 = tpu.memref_slice %arg7[%run_scoped3A, %dma_wait3A_181, %dma_wait3A_182] : memref<2x1000x32xf32, #tpu.memory_space<vmem>> -> memref<1x1000x32xf32, #tpu.memory_space<vmem>>
      %dma_wait3A_184 = tpu.memref_squeeze %dma_wait3A_183 : memref<1x1000x32xf32, #tpu.memory_space<vmem>> -> memref<1000x32xf32, #tpu.memory_space<vmem>>
      %dma_wait3A_185 = arith.constant 0 : i32
      %dma_wait3A_186 = tpu.memref_slice %arg6[%run_scoped3A_50, %dma_wait3A_185] : memref<5x1000xi32, #tpu.memory_space<vmem>> -> memref<1x1000xi32, #tpu.memory_space<vmem>>
      %dma_wait3A_187 = tpu.memref_squeeze %dma_wait3A_186 : memref<1x1000xi32, #tpu.memory_space<vmem>> -> memref<1000xi32, #tpu.memory_space<vmem>>
      %dma_wait3A_188 = arith.constant 0 : i32
      %dma_wait3A_189 = arith.constant 0 : i32
      %dma_wait3A_190 = tpu.memref_slice %arg8[%dma_wait3A_188, %dma_wait3A_189] : memref<10112x32xf32, #tpu.memory_space<vmem_shared>> -> memref<10112x32xf32, #tpu.memory_space<vmem_shared>>
      tpu.wait_indirect_dma semaphore(%run_scoped3A_170 : memref<!tpu.dma_semaphore, #tpu.memory_space<semaphore_mem>>) src(%dma_wait3A_184 : memref<1000x32xf32, #tpu.memory_space<vmem>>) dst(%dma_wait3A_190 : memref<10112x32xf32, #tpu.memory_space<vmem_shared>>)
      tpu.yield
    }) : () -> ()
    %mul3A_51 = arith.constant 5000 : i32
    %mul3A_52 = arith.muli %add3A, %mul3A_51 : i32
    %add3A_53 = arith.constant 2000 : i32
    %add3A_54 = arith.addi %mul3A_52, %add3A_53 : i32
    %dma_start3A_55 = arith.constant 0 : i32
    %dma_start3A_56 = arith.constant 0 : i32
    %dma_start3A_57 = arith.constant 0 : i32
    %dma_start3A_58 = tpu.memref_slice %arg7[%dma_start3A_55, %dma_start3A_56, %dma_start3A_57] : memref<2x1000x32xf32, #tpu.memory_space<vmem>> -> memref<1x1000x32xf32, #tpu.memory_space<vmem>>
    %dma_start3A_59 = tpu.memref_squeeze %dma_start3A_58 : memref<1x1000x32xf32, #tpu.memory_space<vmem>> -> memref<1000x32xf32, #tpu.memory_space<vmem>>
    %dma_start3A_60 = arith.constant 0 : i32
    %dma_start3A_61 = tpu.memref_slice %arg2[%add3A_54, %dma_start3A_60] : memref<160000x32xf32, #tpu.memory_space<hbm>> -> memref<1000x32xf32, #tpu.memory_space<hbm>>
    %dma_start3A_62 = arith.constant 0 : i32
    %dma_start3A_63 = arith.constant 0 : i32
    %dma_start3A_64 = tpu.memref_slice %arg7[%dma_start3A_55, %dma_start3A_62, %dma_start3A_63] : memref<2x1000x32xf32, #tpu.memory_space<vmem>> -> memref<1x1000x32xf32, #tpu.memory_space<vmem>>
    %dma_start3A_65 = tpu.memref_squeeze %dma_start3A_64 : memref<1x1000x32xf32, #tpu.memory_space<vmem>> -> memref<1000x32xf32, #tpu.memory_space<vmem>>
    %dma_start3A_66 = arith.constant 0 : i32
    %dma_start3A_67 = tpu.memref_slice %arg2[%add3A_54, %dma_start3A_66] : memref<160000x32xf32, #tpu.memory_space<hbm>> -> memref<1000x32xf32, #tpu.memory_space<hbm>>
    tpu.enqueue_dma source(%dma_start3A_67 : memref<1000x32xf32, #tpu.memory_space<hbm>>) target(%dma_start3A_65 : memref<1000x32xf32, #tpu.memory_space<vmem>>) target_semaphore(%arg9 : memref<!tpu.dma_semaphore, #tpu.memory_space<semaphore_mem>>)
    %dma_wait3A_68 = arith.constant 1 : i32
    %dma_wait3A_69 = arith.constant 0 : i32
    %dma_wait3A_70 = arith.constant 0 : i32
    %dma_wait3A_71 = tpu.memref_slice %arg7[%dma_wait3A_68, %dma_wait3A_69, %dma_wait3A_70] : memref<2x1000x32xf32, #tpu.memory_space<vmem>> -> memref<1x1000x32xf32, #tpu.memory_space<vmem>>
    %dma_wait3A_72 = tpu.memref_squeeze %dma_wait3A_71 : memref<1x1000x32xf32, #tpu.memory_space<vmem>> -> memref<1000x32xf32, #tpu.memory_space<vmem>>
    %dma_wait3A_73 = arith.constant 0 : i32
    %dma_wait3A_74 = tpu.memref_slice %arg2[%add3A_24, %dma_wait3A_73] : memref<160000x32xf32, #tpu.memory_space<hbm>> -> memref<1000x32xf32, #tpu.memory_space<hbm>>
    %dma_wait3A_75 = arith.constant 0 : i32
    %dma_wait3A_76 = arith.constant 0 : i32
    %dma_wait3A_77 = tpu.memref_slice %arg7[%dma_wait3A_68, %dma_wait3A_75, %dma_wait3A_76] : memref<2x1000x32xf32, #tpu.memory_space<vmem>> -> memref<1x1000x32xf32, #tpu.memory_space<vmem>>
    %dma_wait3A_78 = tpu.memref_squeeze %dma_wait3A_77 : memref<1x1000x32xf32, #tpu.memory_space<vmem>> -> memref<1000x32xf32, #tpu.memory_space<vmem>>
    %dma_wait3A_79 = arith.constant 0 : i32
    %dma_wait3A_80 = tpu.memref_slice %arg2[%add3A_24, %dma_wait3A_79] : memref<160000x32xf32, #tpu.memory_space<hbm>> -> memref<1000x32xf32, #tpu.memory_space<hbm>>
    tpu.wait_dma2 semaphore(%arg9 : memref<!tpu.dma_semaphore, #tpu.memory_space<semaphore_mem>>) src(%dma_wait3A_80 : memref<1000x32xf32, #tpu.memory_space<hbm>>) dst(%dma_wait3A_78 : memref<1000x32xf32, #tpu.memory_space<vmem>>)
    %run_scoped3A_81 = arith.constant 1 : i32
    %run_scoped3A_82 = arith.constant 1 : i32
    "tpu.region"() ({
      %run_scoped3A_170 = tpu.sem_alloc : memref<!tpu.dma_semaphore, #tpu.memory_space<semaphore_mem>>
      %dma_start3A_171 = arith.constant 0 : i32
      %dma_start3A_172 = arith.constant 0 : i32
      %dma_start3A_173 = tpu.memref_slice %arg7[%run_scoped3A_81, %dma_start3A_171, %dma_start3A_172] : memref<2x1000x32xf32, #tpu.memory_space<vmem>> -> memref<1x1000x32xf32, #tpu.memory_space<vmem>>
      %dma_start3A_174 = tpu.memref_squeeze %dma_start3A_173 : memref<1x1000x32xf32, #tpu.memory_space<vmem>> -> memref<1000x32xf32, #tpu.memory_space<vmem>>
      %dma_start3A_175 = arith.constant 0 : i32
      %dma_start3A_176 = tpu.memref_slice %arg6[%run_scoped3A_82, %dma_start3A_175] : memref<5x1000xi32, #tpu.memory_space<vmem>> -> memref<1x1000xi32, #tpu.memory_space<vmem>>
      %dma_start3A_177 = tpu.memref_squeeze %dma_start3A_176 : memref<1x1000xi32, #tpu.memory_space<vmem>> -> memref<1000xi32, #tpu.memory_space<vmem>>
      %dma_start3A_178 = arith.constant 0 : i32
      %dma_start3A_179 = arith.constant 0 : i32
      %dma_start3A_180 = tpu.memref_slice %arg8[%dma_start3A_178, %dma_start3A_179] : memref<10112x32xf32, #tpu.memory_space<vmem_shared>> -> memref<10112x32xf32, #tpu.memory_space<vmem_shared>>
      tpu.enqueue_indirect_dma source(%dma_start3A_174 : memref<1000x32xf32, #tpu.memory_space<vmem>>) target(%dma_start3A_180 : memref<10112x32xf32, #tpu.memory_space<vmem_shared>>) offsets(%dma_start3A_177 : memref<1000xi32, #tpu.memory_space<vmem>>) semaphore(%run_scoped3A_170 : memref<!tpu.dma_semaphore, #tpu.memory_space<semaphore_mem>>) {add = true}
      %dma_wait3A_181 = arith.constant 0 : i32
      %dma_wait3A_182 = arith.constant 0 : i32
      %dma_wait3A_183 = tpu.memref_slice %arg7[%run_scoped3A_81, %dma_wait3A_181, %dma_wait3A_182] : memref<2x1000x32xf32, #tpu.memory_space<vmem>> -> memref<1x1000x32xf32, #tpu.memory_space<vmem>>
      %dma_wait3A_184 = tpu.memref_squeeze %dma_wait3A_183 : memref<1x1000x32xf32, #tpu.memory_space<vmem>> -> memref<1000x32xf32, #tpu.memory_space<vmem>>
      %dma_wait3A_185 = arith.constant 0 : i32
      %dma_wait3A_186 = tpu.memref_slice %arg6[%run_scoped3A_82, %dma_wait3A_185] : memref<5x1000xi32, #tpu.memory_space<vmem>> -> memref<1x1000xi32, #tpu.memory_space<vmem>>
      %dma_wait3A_187 = tpu.memref_squeeze %dma_wait3A_186 : memref<1x1000xi32, #tpu.memory_space<vmem>> -> memref<1000xi32, #tpu.memory_space<vmem>>
      %dma_wait3A_188 = arith.constant 0 : i32
      %dma_wait3A_189 = arith.constant 0 : i32
      %dma_wait3A_190 = tpu.memref_slice %arg8[%dma_wait3A_188, %dma_wait3A_189] : memref<10112x32xf32, #tpu.memory_space<vmem_shared>> -> memref<10112x32xf32, #tpu.memory_space<vmem_shared>>
      tpu.wait_indirect_dma semaphore(%run_scoped3A_170 : memref<!tpu.dma_semaphore, #tpu.memory_space<semaphore_mem>>) src(%dma_wait3A_184 : memref<1000x32xf32, #tpu.memory_space<vmem>>) dst(%dma_wait3A_190 : memref<10112x32xf32, #tpu.memory_space<vmem_shared>>)
      tpu.yield
    }) : () -> ()
    %mul3A_83 = arith.constant 5000 : i32
    %mul3A_84 = arith.muli %add3A, %mul3A_83 : i32
    %add3A_85 = arith.constant 3000 : i32
    %add3A_86 = arith.addi %mul3A_84, %add3A_85 : i32
    %dma_start3A_87 = arith.constant 1 : i32
    %dma_start3A_88 = arith.constant 0 : i32
    %dma_start3A_89 = arith.constant 0 : i32
    %dma_start3A_90 = tpu.memref_slice %arg7[%dma_start3A_87, %dma_start3A_88, %dma_start3A_89] : memref<2x1000x32xf32, #tpu.memory_space<vmem>> -> memref<1x1000x32xf32, #tpu.memory_space<vmem>>
    %dma_start3A_91 = tpu.memref_squeeze %dma_start3A_90 : memref<1x1000x32xf32, #tpu.memory_space<vmem>> -> memref<1000x32xf32, #tpu.memory_space<vmem>>
    %dma_start3A_92 = arith.constant 0 : i32
    %dma_start3A_93 = tpu.memref_slice %arg2[%add3A_86, %dma_start3A_92] : memref<160000x32xf32, #tpu.memory_space<hbm>> -> memref<1000x32xf32, #tpu.memory_space<hbm>>
    %dma_start3A_94 = arith.constant 0 : i32
    %dma_start3A_95 = arith.constant 0 : i32
    %dma_start3A_96 = tpu.memref_slice %arg7[%dma_start3A_87, %dma_start3A_94, %dma_start3A_95] : memref<2x1000x32xf32, #tpu.memory_space<vmem>> -> memref<1x1000x32xf32, #tpu.memory_space<vmem>>
    %dma_start3A_97 = tpu.memref_squeeze %dma_start3A_96 : memref<1x1000x32xf32, #tpu.memory_space<vmem>> -> memref<1000x32xf32, #tpu.memory_space<vmem>>
    %dma_start3A_98 = arith.constant 0 : i32
    %dma_start3A_99 = tpu.memref_slice %arg2[%add3A_86, %dma_start3A_98] : memref<160000x32xf32, #tpu.memory_space<hbm>> -> memref<1000x32xf32, #tpu.memory_space<hbm>>
    tpu.enqueue_dma source(%dma_start3A_99 : memref<1000x32xf32, #tpu.memory_space<hbm>>) target(%dma_start3A_97 : memref<1000x32xf32, #tpu.memory_space<vmem>>) target_semaphore(%arg9 : memref<!tpu.dma_semaphore, #tpu.memory_space<semaphore_mem>>)
    %dma_wait3A_100 = arith.constant 0 : i32
    %dma_wait3A_101 = arith.constant 0 : i32
    %dma_wait3A_102 = arith.constant 0 : i32
    %dma_wait3A_103 = tpu.memref_slice %arg7[%dma_wait3A_100, %dma_wait3A_101, %dma_wait3A_102] : memref<2x1000x32xf32, #tpu.memory_space<vmem>> -> memref<1x1000x32xf32, #tpu.memory_space<vmem>>
    %dma_wait3A_104 = tpu.memref_squeeze %dma_wait3A_103 : memref<1x1000x32xf32, #tpu.memory_space<vmem>> -> memref<1000x32xf32, #tpu.memory_space<vmem>>
    %dma_wait3A_105 = arith.constant 0 : i32
    %dma_wait3A_106 = tpu.memref_slice %arg2[%add3A_54, %dma_wait3A_105] : memref<160000x32xf32, #tpu.memory_space<hbm>> -> memref<1000x32xf32, #tpu.memory_space<hbm>>
    %dma_wait3A_107 = arith.constant 0 : i32
    %dma_wait3A_108 = arith.constant 0 : i32
    %dma_wait3A_109 = tpu.memref_slice %arg7[%dma_wait3A_100, %dma_wait3A_107, %dma_wait3A_108] : memref<2x1000x32xf32, #tpu.memory_space<vmem>> -> memref<1x1000x32xf32, #tpu.memory_space<vmem>>
    %dma_wait3A_110 = tpu.memref_squeeze %dma_wait3A_109 : memref<1x1000x32xf32, #tpu.memory_space<vmem>> -> memref<1000x32xf32, #tpu.memory_space<vmem>>
    %dma_wait3A_111 = arith.constant 0 : i32
    %dma_wait3A_112 = tpu.memref_slice %arg2[%add3A_54, %dma_wait3A_111] : memref<160000x32xf32, #tpu.memory_space<hbm>> -> memref<1000x32xf32, #tpu.memory_space<hbm>>
    tpu.wait_dma2 semaphore(%arg9 : memref<!tpu.dma_semaphore, #tpu.memory_space<semaphore_mem>>) src(%dma_wait3A_112 : memref<1000x32xf32, #tpu.memory_space<hbm>>) dst(%dma_wait3A_110 : memref<1000x32xf32, #tpu.memory_space<vmem>>)
    %run_scoped3A_113 = arith.constant 0 : i32
    %run_scoped3A_114 = arith.constant 2 : i32
    "tpu.region"() ({
      %run_scoped3A_170 = tpu.sem_alloc : memref<!tpu.dma_semaphore, #tpu.memory_space<semaphore_mem>>
      %dma_start3A_171 = arith.constant 0 : i32
      %dma_start3A_172 = arith.constant 0 : i32
      %dma_start3A_173 = tpu.memref_slice %arg7[%run_scoped3A_113, %dma_start3A_171, %dma_start3A_172] : memref<2x1000x32xf32, #tpu.memory_space<vmem>> -> memref<1x1000x32xf32, #tpu.memory_space<vmem>>
      %dma_start3A_174 = tpu.memref_squeeze %dma_start3A_173 : memref<1x1000x32xf32, #tpu.memory_space<vmem>> -> memref<1000x32xf32, #tpu.memory_space<vmem>>
      %dma_start3A_175 = arith.constant 0 : i32
      %dma_start3A_176 = tpu.memref_slice %arg6[%run_scoped3A_114, %dma_start3A_175] : memref<5x1000xi32, #tpu.memory_space<vmem>> -> memref<1x1000xi32, #tpu.memory_space<vmem>>
      %dma_start3A_177 = tpu.memref_squeeze %dma_start3A_176 : memref<1x1000xi32, #tpu.memory_space<vmem>> -> memref<1000xi32, #tpu.memory_space<vmem>>
      %dma_start3A_178 = arith.constant 0 : i32
      %dma_start3A_179 = arith.constant 0 : i32
      %dma_start3A_180 = tpu.memref_slice %arg8[%dma_start3A_178, %dma_start3A_179] : memref<10112x32xf32, #tpu.memory_space<vmem_shared>> -> memref<10112x32xf32, #tpu.memory_space<vmem_shared>>
      tpu.enqueue_indirect_dma source(%dma_start3A_174 : memref<1000x32xf32, #tpu.memory_space<vmem>>) target(%dma_start3A_180 : memref<10112x32xf32, #tpu.memory_space<vmem_shared>>) offsets(%dma_start3A_177 : memref<1000xi32, #tpu.memory_space<vmem>>) semaphore(%run_scoped3A_170 : memref<!tpu.dma_semaphore, #tpu.memory_space<semaphore_mem>>) {add = true}
      %dma_wait3A_181 = arith.constant 0 : i32
      %dma_wait3A_182 = arith.constant 0 : i32
      %dma_wait3A_183 = tpu.memref_slice %arg7[%run_scoped3A_113, %dma_wait3A_181, %dma_wait3A_182] : memref<2x1000x32xf32, #tpu.memory_space<vmem>> -> memref<1x1000x32xf32, #tpu.memory_space<vmem>>
      %dma_wait3A_184 = tpu.memref_squeeze %dma_wait3A_183 : memref<1x1000x32xf32, #tpu.memory_space<vmem>> -> memref<1000x32xf32, #tpu.memory_space<vmem>>
      %dma_wait3A_185 = arith.constant 0 : i32
      %dma_wait3A_186 = tpu.memref_slice %arg6[%run_scoped3A_114, %dma_wait3A_185] : memref<5x1000xi32, #tpu.memory_space<vmem>> -> memref<1x1000xi32, #tpu.memory_space<vmem>>
      %dma_wait3A_187 = tpu.memref_squeeze %dma_wait3A_186 : memref<1x1000xi32, #tpu.memory_space<vmem>> -> memref<1000xi32, #tpu.memory_space<vmem>>
      %dma_wait3A_188 = arith.constant 0 : i32
      %dma_wait3A_189 = arith.constant 0 : i32
      %dma_wait3A_190 = tpu.memref_slice %arg8[%dma_wait3A_188, %dma_wait3A_189] : memref<10112x32xf32, #tpu.memory_space<vmem_shared>> -> memref<10112x32xf32, #tpu.memory_space<vmem_shared>>
      tpu.wait_indirect_dma semaphore(%run_scoped3A_170 : memref<!tpu.dma_semaphore, #tpu.memory_space<semaphore_mem>>) src(%dma_wait3A_184 : memref<1000x32xf32, #tpu.memory_space<vmem>>) dst(%dma_wait3A_190 : memref<10112x32xf32, #tpu.memory_space<vmem_shared>>)
      tpu.yield
    }) : () -> ()
    %mul3A_115 = arith.constant 5000 : i32
    %mul3A_116 = arith.muli %add3A, %mul3A_115 : i32
    %add3A_117 = arith.constant 4000 : i32
    %add3A_118 = arith.addi %mul3A_116, %add3A_117 : i32
    %dma_start3A_119 = arith.constant 0 : i32
    %dma_start3A_120 = arith.constant 0 : i32
    %dma_start3A_121 = arith.constant 0 : i32
    %dma_start3A_122 = tpu.memref_slice %arg7[%dma_start3A_119, %dma_start3A_120, %dma_start3A_121] : memref<2x1000x32xf32, #tpu.memory_space<vmem>> -> memref<1x1000x32xf32, #tpu.memory_space<vmem>>
    %dma_start3A_123 = tpu.memref_squeeze %dma_start3A_122 : memref<1x1000x32xf32, #tpu.memory_space<vmem>> -> memref<1000x32xf32, #tpu.memory_space<vmem>>
    %dma_start3A_124 = arith.constant 0 : i32
    %dma_start3A_125 = tpu.memref_slice %arg2[%add3A_118, %dma_start3A_124] : memref<160000x32xf32, #tpu.memory_space<hbm>> -> memref<1000x32xf32, #tpu.memory_space<hbm>>
    %dma_start3A_126 = arith.constant 0 : i32
    %dma_start3A_127 = arith.constant 0 : i32
    %dma_start3A_128 = tpu.memref_slice %arg7[%dma_start3A_119, %dma_start3A_126, %dma_start3A_127] : memref<2x1000x32xf32, #tpu.memory_space<vmem>> -> memref<1x1000x32xf32, #tpu.memory_space<vmem>>
    %dma_start3A_129 = tpu.memref_squeeze %dma_start3A_128 : memref<1x1000x32xf32, #tpu.memory_space<vmem>> -> memref<1000x32xf32, #tpu.memory_space<vmem>>
    %dma_start3A_130 = arith.constant 0 : i32
    %dma_start3A_131 = tpu.memref_slice %arg2[%add3A_118, %dma_start3A_130] : memref<160000x32xf32, #tpu.memory_space<hbm>> -> memref<1000x32xf32, #tpu.memory_space<hbm>>
    tpu.enqueue_dma source(%dma_start3A_131 : memref<1000x32xf32, #tpu.memory_space<hbm>>) target(%dma_start3A_129 : memref<1000x32xf32, #tpu.memory_space<vmem>>) target_semaphore(%arg9 : memref<!tpu.dma_semaphore, #tpu.memory_space<semaphore_mem>>)
    %dma_wait3A_132 = arith.constant 1 : i32
    %dma_wait3A_133 = arith.constant 0 : i32
    %dma_wait3A_134 = arith.constant 0 : i32
    %dma_wait3A_135 = tpu.memref_slice %arg7[%dma_wait3A_132, %dma_wait3A_133, %dma_wait3A_134] : memref<2x1000x32xf32, #tpu.memory_space<vmem>> -> memref<1x1000x32xf32, #tpu.memory_space<vmem>>
    %dma_wait3A_136 = tpu.memref_squeeze %dma_wait3A_135 : memref<1x1000x32xf32, #tpu.memory_space<vmem>> -> memref<1000x32xf32, #tpu.memory_space<vmem>>
    %dma_wait3A_137 = arith.constant 0 : i32
    %dma_wait3A_138 = tpu.memref_slice %arg2[%add3A_86, %dma_wait3A_137] : memref<160000x32xf32, #tpu.memory_space<hbm>> -> memref<1000x32xf32, #tpu.memory_space<hbm>>
    %dma_wait3A_139 = arith.constant 0 : i32
    %dma_wait3A_140 = arith.constant 0 : i32
    %dma_wait3A_141 = tpu.memref_slice %arg7[%dma_wait3A_132, %dma_wait3A_139, %dma_wait3A_140] : memref<2x1000x32xf32, #tpu.memory_space<vmem>> -> memref<1x1000x32xf32, #tpu.memory_space<vmem>>
    %dma_wait3A_142 = tpu.memref_squeeze %dma_wait3A_141 : memref<1x1000x32xf32, #tpu.memory_space<vmem>> -> memref<1000x32xf32, #tpu.memory_space<vmem>>
    %dma_wait3A_143 = arith.constant 0 : i32
    %dma_wait3A_144 = tpu.memref_slice %arg2[%add3A_86, %dma_wait3A_143] : memref<160000x32xf32, #tpu.memory_space<hbm>> -> memref<1000x32xf32, #tpu.memory_space<hbm>>
    tpu.wait_dma2 semaphore(%arg9 : memref<!tpu.dma_semaphore, #tpu.memory_space<semaphore_mem>>) src(%dma_wait3A_144 : memref<1000x32xf32, #tpu.memory_space<hbm>>) dst(%dma_wait3A_142 : memref<1000x32xf32, #tpu.memory_space<vmem>>)
    %run_scoped3A_145 = arith.constant 1 : i32
    %run_scoped3A_146 = arith.constant 3 : i32
    "tpu.region"() ({
      %run_scoped3A_170 = tpu.sem_alloc : memref<!tpu.dma_semaphore, #tpu.memory_space<semaphore_mem>>
      %dma_start3A_171 = arith.constant 0 : i32
      %dma_start3A_172 = arith.constant 0 : i32
      %dma_start3A_173 = tpu.memref_slice %arg7[%run_scoped3A_145, %dma_start3A_171, %dma_start3A_172] : memref<2x1000x32xf32, #tpu.memory_space<vmem>> -> memref<1x1000x32xf32, #tpu.memory_space<vmem>>
      %dma_start3A_174 = tpu.memref_squeeze %dma_start3A_173 : memref<1x1000x32xf32, #tpu.memory_space<vmem>> -> memref<1000x32xf32, #tpu.memory_space<vmem>>
      %dma_start3A_175 = arith.constant 0 : i32
      %dma_start3A_176 = tpu.memref_slice %arg6[%run_scoped3A_146, %dma_start3A_175] : memref<5x1000xi32, #tpu.memory_space<vmem>> -> memref<1x1000xi32, #tpu.memory_space<vmem>>
      %dma_start3A_177 = tpu.memref_squeeze %dma_start3A_176 : memref<1x1000xi32, #tpu.memory_space<vmem>> -> memref<1000xi32, #tpu.memory_space<vmem>>
      %dma_start3A_178 = arith.constant 0 : i32
      %dma_start3A_179 = arith.constant 0 : i32
      %dma_start3A_180 = tpu.memref_slice %arg8[%dma_start3A_178, %dma_start3A_179] : memref<10112x32xf32, #tpu.memory_space<vmem_shared>> -> memref<10112x32xf32, #tpu.memory_space<vmem_shared>>
      tpu.enqueue_indirect_dma source(%dma_start3A_174 : memref<1000x32xf32, #tpu.memory_space<vmem>>) target(%dma_start3A_180 : memref<10112x32xf32, #tpu.memory_space<vmem_shared>>) offsets(%dma_start3A_177 : memref<1000xi32, #tpu.memory_space<vmem>>) semaphore(%run_scoped3A_170 : memref<!tpu.dma_semaphore, #tpu.memory_space<semaphore_mem>>) {add = true}
      %dma_wait3A_181 = arith.constant 0 : i32
      %dma_wait3A_182 = arith.constant 0 : i32
      %dma_wait3A_183 = tpu.memref_slice %arg7[%run_scoped3A_145, %dma_wait3A_181, %dma_wait3A_182] : memref<2x1000x32xf32, #tpu.memory_space<vmem>> -> memref<1x1000x32xf32, #tpu.memory_space<vmem>>
      %dma_wait3A_184 = tpu.memref_squeeze %dma_wait3A_183 : memref<1x1000x32xf32, #tpu.memory_space<vmem>> -> memref<1000x32xf32, #tpu.memory_space<vmem>>
      %dma_wait3A_185 = arith.constant 0 : i32
      %dma_wait3A_186 = tpu.memref_slice %arg6[%run_scoped3A_146, %dma_wait3A_185] : memref<5x1000xi32, #tpu.memory_space<vmem>> -> memref<1x1000xi32, #tpu.memory_space<vmem>>
      %dma_wait3A_187 = tpu.memref_squeeze %dma_wait3A_186 : memref<1x1000xi32, #tpu.memory_space<vmem>> -> memref<1000xi32, #tpu.memory_space<vmem>>
      %dma_wait3A_188 = arith.constant 0 : i32
      %dma_wait3A_189 = arith.constant 0 : i32
      %dma_wait3A_190 = tpu.memref_slice %arg8[%dma_wait3A_188, %dma_wait3A_189] : memref<10112x32xf32, #tpu.memory_space<vmem_shared>> -> memref<10112x32xf32, #tpu.memory_space<vmem_shared>>
      tpu.wait_indirect_dma semaphore(%run_scoped3A_170 : memref<!tpu.dma_semaphore, #tpu.memory_space<semaphore_mem>>) src(%dma_wait3A_184 : memref<1000x32xf32, #tpu.memory_space<vmem>>) dst(%dma_wait3A_190 : memref<10112x32xf32, #tpu.memory_space<vmem_shared>>)
      tpu.yield
    }) : () -> ()
    %dma_wait3A_147 = arith.constant 0 : i32
    %dma_wait3A_148 = arith.constant 0 : i32
    %dma_wait3A_149 = arith.constant 0 : i32
    %dma_wait3A_150 = tpu.memref_slice %arg7[%dma_wait3A_147, %dma_wait3A_148, %dma_wait3A_149] : memref<2x1000x32xf32, #tpu.memory_space<vmem>> -> memref<1x1000x32xf32, #tpu.memory_space<vmem>>
    %dma_wait3A_151 = tpu.memref_squeeze %dma_wait3A_150 : memref<1x1000x32xf32, #tpu.memory_space<vmem>> -> memref<1000x32xf32, #tpu.memory_space<vmem>>
    %dma_wait3A_152 = arith.constant 0 : i32
    %dma_wait3A_153 = tpu.memref_slice %arg2[%add3A_118, %dma_wait3A_152] : memref<160000x32xf32, #tpu.memory_space<hbm>> -> memref<1000x32xf32, #tpu.memory_space<hbm>>
    %dma_wait3A_154 = arith.constant 0 : i32
    %dma_wait3A_155 = arith.constant 0 : i32
    %dma_wait3A_156 = tpu.memref_slice %arg7[%dma_wait3A_147, %dma_wait3A_154, %dma_wait3A_155] : memref<2x1000x32xf32, #tpu.memory_space<vmem>> -> memref<1x1000x32xf32, #tpu.memory_space<vmem>>
    %dma_wait3A_157 = tpu.memref_squeeze %dma_wait3A_156 : memref<1x1000x32xf32, #tpu.memory_space<vmem>> -> memref<1000x32xf32, #tpu.memory_space<vmem>>
    %dma_wait3A_158 = arith.constant 0 : i32
    %dma_wait3A_159 = tpu.memref_slice %arg2[%add3A_118, %dma_wait3A_158] : memref<160000x32xf32, #tpu.memory_space<hbm>> -> memref<1000x32xf32, #tpu.memory_space<hbm>>
    tpu.wait_dma2 semaphore(%arg9 : memref<!tpu.dma_semaphore, #tpu.memory_space<semaphore_mem>>) src(%dma_wait3A_159 : memref<1000x32xf32, #tpu.memory_space<hbm>>) dst(%dma_wait3A_157 : memref<1000x32xf32, #tpu.memory_space<vmem>>)
    %run_scoped3A_160 = arith.constant 0 : i32
    %run_scoped3A_161 = arith.constant 4 : i32
    "tpu.region"() ({
      %run_scoped3A_170 = tpu.sem_alloc : memref<!tpu.dma_semaphore, #tpu.memory_space<semaphore_mem>>
      %dma_start3A_171 = arith.constant 0 : i32
      %dma_start3A_172 = arith.constant 0 : i32
      %dma_start3A_173 = tpu.memref_slice %arg7[%run_scoped3A_160, %dma_start3A_171, %dma_start3A_172] : memref<2x1000x32xf32, #tpu.memory_space<vmem>> -> memref<1x1000x32xf32, #tpu.memory_space<vmem>>
      %dma_start3A_174 = tpu.memref_squeeze %dma_start3A_173 : memref<1x1000x32xf32, #tpu.memory_space<vmem>> -> memref<1000x32xf32, #tpu.memory_space<vmem>>
      %dma_start3A_175 = arith.constant 0 : i32
      %dma_start3A_176 = tpu.memref_slice %arg6[%run_scoped3A_161, %dma_start3A_175] : memref<5x1000xi32, #tpu.memory_space<vmem>> -> memref<1x1000xi32, #tpu.memory_space<vmem>>
      %dma_start3A_177 = tpu.memref_squeeze %dma_start3A_176 : memref<1x1000xi32, #tpu.memory_space<vmem>> -> memref<1000xi32, #tpu.memory_space<vmem>>
      %dma_start3A_178 = arith.constant 0 : i32
      %dma_start3A_179 = arith.constant 0 : i32
      %dma_start3A_180 = tpu.memref_slice %arg8[%dma_start3A_178, %dma_start3A_179] : memref<10112x32xf32, #tpu.memory_space<vmem_shared>> -> memref<10112x32xf32, #tpu.memory_space<vmem_shared>>
      tpu.enqueue_indirect_dma source(%dma_start3A_174 : memref<1000x32xf32, #tpu.memory_space<vmem>>) target(%dma_start3A_180 : memref<10112x32xf32, #tpu.memory_space<vmem_shared>>) offsets(%dma_start3A_177 : memref<1000xi32, #tpu.memory_space<vmem>>) semaphore(%run_scoped3A_170 : memref<!tpu.dma_semaphore, #tpu.memory_space<semaphore_mem>>) {add = true}
      %dma_wait3A_181 = arith.constant 0 : i32
      %dma_wait3A_182 = arith.constant 0 : i32
      %dma_wait3A_183 = tpu.memref_slice %arg7[%run_scoped3A_160, %dma_wait3A_181, %dma_wait3A_182] : memref<2x1000x32xf32, #tpu.memory_space<vmem>> -> memref<1x1000x32xf32, #tpu.memory_space<vmem>>
      %dma_wait3A_184 = tpu.memref_squeeze %dma_wait3A_183 : memref<1x1000x32xf32, #tpu.memory_space<vmem>> -> memref<1000x32xf32, #tpu.memory_space<vmem>>
      %dma_wait3A_185 = arith.constant 0 : i32
      %dma_wait3A_186 = tpu.memref_slice %arg6[%run_scoped3A_161, %dma_wait3A_185] : memref<5x1000xi32, #tpu.memory_space<vmem>> -> memref<1x1000xi32, #tpu.memory_space<vmem>>
      %dma_wait3A_187 = tpu.memref_squeeze %dma_wait3A_186 : memref<1x1000xi32, #tpu.memory_space<vmem>> -> memref<1000xi32, #tpu.memory_space<vmem>>
      %dma_wait3A_188 = arith.constant 0 : i32
      %dma_wait3A_189 = arith.constant 0 : i32
      %dma_wait3A_190 = tpu.memref_slice %arg8[%dma_wait3A_188, %dma_wait3A_189] : memref<10112x32xf32, #tpu.memory_space<vmem_shared>> -> memref<10112x32xf32, #tpu.memory_space<vmem_shared>>
      tpu.wait_indirect_dma semaphore(%run_scoped3A_170 : memref<!tpu.dma_semaphore, #tpu.memory_space<semaphore_mem>>) src(%dma_wait3A_184 : memref<1000x32xf32, #tpu.memory_space<vmem>>) dst(%dma_wait3A_190 : memref<10112x32xf32, #tpu.memory_space<vmem_shared>>)
      tpu.yield
    }) : () -> ()
    %barrier3A_162 = arith.constant 0 : index
    tpu.barrier barrier_id(%barrier3A_162)
    %mul3A_163 = arith.constant 632 : i32
    %mul3A_164 = arith.muli %arg1, %mul3A_163 : i32
    %mul3A_165 = arith.constant 10112 : i32
    %mul3A_166 = arith.muli %arg0, %mul3A_165 : i32
    %mul3A_167 = arith.constant 632 : i32
    %mul3A_168 = arith.muli %arg1, %mul3A_167 : i32
    %add3A_169 = arith.addi %mul3A_166, %mul3A_168 : i32
    "tpu.region"() ({
      %run_scoped3A_170 = tpu.sem_alloc : memref<!tpu.dma_semaphore, #tpu.memory_space<semaphore_mem>>
      %dma_start3A_171 = arith.constant 0 : i32
      %dma_start3A_172 = tpu.memref_slice %arg5[%add3A_169, %dma_start3A_171] : memref<20224x32xf32, #tpu.memory_space<hbm>> -> memref<632x32xf32, #tpu.memory_space<hbm>>
      %dma_start3A_173 = arith.constant 0 : i32
      %dma_start3A_174 = tpu.memref_slice %arg8[%mul3A_164, %dma_start3A_173] : memref<10112x32xf32, #tpu.memory_space<vmem_shared>> -> memref<632x32xf32, #tpu.memory_space<vmem_shared>>
      tpu.enqueue_dma source(%dma_start3A_174 : memref<632x32xf32, #tpu.memory_space<vmem_shared>>) target(%dma_start3A_172 : memref<632x32xf32, #tpu.memory_space<hbm>>) target_semaphore(%run_scoped3A_170 : memref<!tpu.dma_semaphore, #tpu.memory_space<semaphore_mem>>)
      %dma_wait3A_175 = arith.constant 0 : i32
      %dma_wait3A_176 = tpu.memref_slice %arg5[%add3A_169, %dma_wait3A_175] : memref<20224x32xf32, #tpu.memory_space<hbm>> -> memref<632x32xf32, #tpu.memory_space<hbm>>
      %dma_wait3A_177 = arith.constant 0 : i32
      %dma_wait3A_178 = tpu.memref_slice %arg8[%mul3A_164, %dma_wait3A_177] : memref<10112x32xf32, #tpu.memory_space<vmem_shared>> -> memref<632x32xf32, #tpu.memory_space<vmem_shared>>
      tpu.wait_dma2 semaphore(%run_scoped3A_170 : memref<!tpu.dma_semaphore, #tpu.memory_space<semaphore_mem>>) src(%dma_wait3A_178 : memref<632x32xf32, #tpu.memory_space<vmem_shared>>) dst(%dma_wait3A_176 : memref<632x32xf32, #tpu.memory_space<hbm>>)
      tpu.yield
    }) : () -> ()
    return
  }
}

#map = affine_map<(d0, d1) -> (0, 0)>
module attributes {stable_mosaic.version = 14 : i64} {
  func.func @k(%arg0: i32, %arg1: i32, %arg2: memref<10000x32xf32, #tpu.memory_space<hbm>>, %arg3: memref<160x1000xi32, #tpu.memory_space<hbm>>, %arg4: memref<160000x32xf32, #tpu.memory_space<hbm>>, %arg5: memref<5x1000xi32, #tpu.memory_space<vmem>>, %arg6: memref<2x1000x32xf32, #tpu.memory_space<vmem>>, %arg7: memref<!tpu.dma_semaphore, #tpu.memory_space<semaphore_mem>>, %arg8: memref<!tpu.dma_semaphore, #tpu.memory_space<semaphore_mem>>) attributes {dimension_semantics = [#tpu.dimension_semantics<core_parallel>, #tpu.dimension_semantics<subcore_parallel>], iteration_bounds = array<i64: 2, 16>, scalar_prefetch = 0 : i64, scratch_operands = 4 : i64, tpu.core_type = #tpu.core_type<sc_vector_subcore>, window_params = [{transform_indices = #map}, {transform_indices = #map}, {transform_indices = #map}]} {
    %mul3A = arith.constant 2 : i32
    %mul3A_0 = arith.muli %arg1, %mul3A : i32
    %add3A = arith.addi %mul3A_0, %arg0 : i32
    %mul3A_1 = arith.constant 5 : i32
    %mul3A_2 = arith.muli %add3A, %mul3A_1 : i32
    "tpu.region"() ({
      %run_scoped3A = tpu.sem_alloc : memref<!tpu.dma_semaphore, #tpu.memory_space<semaphore_mem>>
      %dma_start3A_271 = arith.constant 0 : i32
      %dma_start3A_272 = tpu.memref_slice %arg3[%mul3A_2, %dma_start3A_271] : memref<160x1000xi32, #tpu.memory_space<hbm>> -> memref<5x1000xi32, #tpu.memory_space<hbm>>
      %dma_start3A_273 = arith.constant 0 : i32
      %dma_start3A_274 = tpu.memref_slice %arg3[%mul3A_2, %dma_start3A_273] : memref<160x1000xi32, #tpu.memory_space<hbm>> -> memref<5x1000xi32, #tpu.memory_space<hbm>>
      tpu.enqueue_dma source(%dma_start3A_274 : memref<5x1000xi32, #tpu.memory_space<hbm>>) target(%arg5 : memref<5x1000xi32, #tpu.memory_space<vmem>>) target_semaphore(%run_scoped3A : memref<!tpu.dma_semaphore, #tpu.memory_space<semaphore_mem>>)
      %dma_wait3A_275 = arith.constant 0 : i32
      %dma_wait3A_276 = tpu.memref_slice %arg3[%mul3A_2, %dma_wait3A_275] : memref<160x1000xi32, #tpu.memory_space<hbm>> -> memref<5x1000xi32, #tpu.memory_space<hbm>>
      %dma_wait3A_277 = arith.constant 0 : i32
      %dma_wait3A_278 = tpu.memref_slice %arg3[%mul3A_2, %dma_wait3A_277] : memref<160x1000xi32, #tpu.memory_space<hbm>> -> memref<5x1000xi32, #tpu.memory_space<hbm>>
      tpu.wait_dma2 semaphore(%run_scoped3A : memref<!tpu.dma_semaphore, #tpu.memory_space<semaphore_mem>>) src(%dma_wait3A_278 : memref<5x1000xi32, #tpu.memory_space<hbm>>) dst(%arg5 : memref<5x1000xi32, #tpu.memory_space<vmem>>)
      tpu.yield
    }) : () -> ()
    %dma_start3A = arith.constant 0 : i32
    %dma_start3A_3 = arith.constant 0 : i32
    %dma_start3A_4 = arith.constant 0 : i32
    %dma_start3A_5 = arith.constant 0 : i32
    %dma_start3A_6 = tpu.memref_slice %arg6[%dma_start3A_3, %dma_start3A_4, %dma_start3A_5] : memref<2x1000x32xf32, #tpu.memory_space<vmem>> -> memref<1x1000x32xf32, #tpu.memory_space<vmem>>
    %dma_start3A_7 = tpu.memref_squeeze %dma_start3A_6 : memref<1x1000x32xf32, #tpu.memory_space<vmem>> -> memref<1000x32xf32, #tpu.memory_space<vmem>>
    %dma_start3A_8 = arith.constant 0 : i32
    %dma_start3A_9 = tpu.memref_slice %arg5[%dma_start3A, %dma_start3A_8] : memref<5x1000xi32, #tpu.memory_space<vmem>> -> memref<1x1000xi32, #tpu.memory_space<vmem>>
    %dma_start3A_10 = tpu.memref_squeeze %dma_start3A_9 : memref<1x1000xi32, #tpu.memory_space<vmem>> -> memref<1000xi32, #tpu.memory_space<vmem>>
    %dma_start3A_11 = arith.constant 0 : i32
    %dma_start3A_12 = arith.constant 0 : i32
    %dma_start3A_13 = tpu.memref_slice %arg2[%dma_start3A_11, %dma_start3A_12] : memref<10000x32xf32, #tpu.memory_space<hbm>> -> memref<10000x32xf32, #tpu.memory_space<hbm>>
    tpu.enqueue_indirect_dma source(%dma_start3A_13 : memref<10000x32xf32, #tpu.memory_space<hbm>>) target(%dma_start3A_7 : memref<1000x32xf32, #tpu.memory_space<vmem>>) offsets(%dma_start3A_10 : memref<1000xi32, #tpu.memory_space<vmem>>) semaphore(%arg7 : memref<!tpu.dma_semaphore, #tpu.memory_space<semaphore_mem>>)
    %dma_start3A_14 = arith.constant 1 : i32
    %dma_start3A_15 = arith.constant 1 : i32
    %dma_start3A_16 = arith.constant 0 : i32
    %dma_start3A_17 = arith.constant 0 : i32
    %dma_start3A_18 = tpu.memref_slice %arg6[%dma_start3A_15, %dma_start3A_16, %dma_start3A_17] : memref<2x1000x32xf32, #tpu.memory_space<vmem>> -> memref<1x1000x32xf32, #tpu.memory_space<vmem>>
    %dma_start3A_19 = tpu.memref_squeeze %dma_start3A_18 : memref<1x1000x32xf32, #tpu.memory_space<vmem>> -> memref<1000x32xf32, #tpu.memory_space<vmem>>
    %dma_start3A_20 = arith.constant 0 : i32
    %dma_start3A_21 = tpu.memref_slice %arg5[%dma_start3A_14, %dma_start3A_20] : memref<5x1000xi32, #tpu.memory_space<vmem>> -> memref<1x1000xi32, #tpu.memory_space<vmem>>
    %dma_start3A_22 = tpu.memref_squeeze %dma_start3A_21 : memref<1x1000xi32, #tpu.memory_space<vmem>> -> memref<1000xi32, #tpu.memory_space<vmem>>
    %dma_start3A_23 = arith.constant 0 : i32
    %dma_start3A_24 = arith.constant 0 : i32
    %dma_start3A_25 = tpu.memref_slice %arg2[%dma_start3A_23, %dma_start3A_24] : memref<10000x32xf32, #tpu.memory_space<hbm>> -> memref<10000x32xf32, #tpu.memory_space<hbm>>
    tpu.enqueue_indirect_dma source(%dma_start3A_25 : memref<10000x32xf32, #tpu.memory_space<hbm>>) target(%dma_start3A_19 : memref<1000x32xf32, #tpu.memory_space<vmem>>) offsets(%dma_start3A_22 : memref<1000xi32, #tpu.memory_space<vmem>>) semaphore(%arg7 : memref<!tpu.dma_semaphore, #tpu.memory_space<semaphore_mem>>)
    %dma_wait3A = arith.constant 0 : i32
    %dma_wait3A_26 = arith.constant 0 : i32
    %dma_wait3A_27 = arith.constant 0 : i32
    %dma_wait3A_28 = arith.constant 0 : i32
    %dma_wait3A_29 = tpu.memref_slice %arg6[%dma_wait3A_26, %dma_wait3A_27, %dma_wait3A_28] : memref<2x1000x32xf32, #tpu.memory_space<vmem>> -> memref<1x1000x32xf32, #tpu.memory_space<vmem>>
    %dma_wait3A_30 = tpu.memref_squeeze %dma_wait3A_29 : memref<1x1000x32xf32, #tpu.memory_space<vmem>> -> memref<1000x32xf32, #tpu.memory_space<vmem>>
    %dma_wait3A_31 = arith.constant 0 : i32
    %dma_wait3A_32 = tpu.memref_slice %arg5[%dma_wait3A, %dma_wait3A_31] : memref<5x1000xi32, #tpu.memory_space<vmem>> -> memref<1x1000xi32, #tpu.memory_space<vmem>>
    %dma_wait3A_33 = tpu.memref_squeeze %dma_wait3A_32 : memref<1x1000xi32, #tpu.memory_space<vmem>> -> memref<1000xi32, #tpu.memory_space<vmem>>
    %dma_wait3A_34 = arith.constant 0 : i32
    %dma_wait3A_35 = arith.constant 0 : i32
    %dma_wait3A_36 = tpu.memref_slice %arg2[%dma_wait3A_34, %dma_wait3A_35] : memref<10000x32xf32, #tpu.memory_space<hbm>> -> memref<10000x32xf32, #tpu.memory_space<hbm>>
    tpu.wait_indirect_dma semaphore(%arg7 : memref<!tpu.dma_semaphore, #tpu.memory_space<semaphore_mem>>) src(%dma_wait3A_36 : memref<10000x32xf32, #tpu.memory_space<hbm>>) dst(%dma_wait3A_30 : memref<1000x32xf32, #tpu.memory_space<vmem>>)
    %mul3A_37 = arith.constant 5000 : i32
    %mul3A_38 = arith.muli %add3A, %mul3A_37 : i32
    %add3A_39 = arith.constant 0 : i32
    %add3A_40 = arith.addi %mul3A_38, %add3A_39 : i32
    %dma_start3A_41 = arith.constant 0 : i32
    %dma_start3A_42 = arith.constant 0 : i32
    %dma_start3A_43 = arith.constant 0 : i32
    %dma_start3A_44 = tpu.memref_slice %arg6[%dma_start3A_41, %dma_start3A_42, %dma_start3A_43] : memref<2x1000x32xf32, #tpu.memory_space<vmem>> -> memref<1x1000x32xf32, #tpu.memory_space<vmem>>
    %dma_start3A_45 = tpu.memref_squeeze %dma_start3A_44 : memref<1x1000x32xf32, #tpu.memory_space<vmem>> -> memref<1000x32xf32, #tpu.memory_space<vmem>>
    %dma_start3A_46 = arith.constant 0 : i32
    %dma_start3A_47 = tpu.memref_slice %arg4[%add3A_40, %dma_start3A_46] : memref<160000x32xf32, #tpu.memory_space<hbm>> -> memref<1000x32xf32, #tpu.memory_space<hbm>>
    %dma_start3A_48 = arith.constant 0 : i32
    %dma_start3A_49 = tpu.memref_slice %arg4[%add3A_40, %dma_start3A_48] : memref<160000x32xf32, #tpu.memory_space<hbm>> -> memref<1000x32xf32, #tpu.memory_space<hbm>>
    %dma_start3A_50 = arith.constant 0 : i32
    %dma_start3A_51 = arith.constant 0 : i32
    %dma_start3A_52 = tpu.memref_slice %arg6[%dma_start3A_41, %dma_start3A_50, %dma_start3A_51] : memref<2x1000x32xf32, #tpu.memory_space<vmem>> -> memref<1x1000x32xf32, #tpu.memory_space<vmem>>
    %dma_start3A_53 = tpu.memref_squeeze %dma_start3A_52 : memref<1x1000x32xf32, #tpu.memory_space<vmem>> -> memref<1000x32xf32, #tpu.memory_space<vmem>>
    tpu.enqueue_dma source(%dma_start3A_53 : memref<1000x32xf32, #tpu.memory_space<vmem>>) target(%dma_start3A_49 : memref<1000x32xf32, #tpu.memory_space<hbm>>) target_semaphore(%arg8 : memref<!tpu.dma_semaphore, #tpu.memory_space<semaphore_mem>>)
    %dma_wait3A_54 = arith.constant 0 : i32
    %dma_wait3A_55 = arith.constant 0 : i32
    %dma_wait3A_56 = arith.constant 0 : i32
    %dma_wait3A_57 = tpu.memref_slice %arg6[%dma_wait3A_54, %dma_wait3A_55, %dma_wait3A_56] : memref<2x1000x32xf32, #tpu.memory_space<vmem>> -> memref<1x1000x32xf32, #tpu.memory_space<vmem>>
    %dma_wait3A_58 = tpu.memref_squeeze %dma_wait3A_57 : memref<1x1000x32xf32, #tpu.memory_space<vmem>> -> memref<1000x32xf32, #tpu.memory_space<vmem>>
    %dma_wait3A_59 = arith.constant 0 : i32
    %dma_wait3A_60 = tpu.memref_slice %arg4[%add3A_40, %dma_wait3A_59] : memref<160000x32xf32, #tpu.memory_space<hbm>> -> memref<1000x32xf32, #tpu.memory_space<hbm>>
    %dma_wait3A_61 = arith.constant 0 : i32
    %dma_wait3A_62 = tpu.memref_slice %arg4[%add3A_40, %dma_wait3A_61] : memref<160000x32xf32, #tpu.memory_space<hbm>> -> memref<1000x32xf32, #tpu.memory_space<hbm>>
    %dma_wait3A_63 = arith.constant 0 : i32
    %dma_wait3A_64 = arith.constant 0 : i32
    %dma_wait3A_65 = tpu.memref_slice %arg6[%dma_wait3A_54, %dma_wait3A_63, %dma_wait3A_64] : memref<2x1000x32xf32, #tpu.memory_space<vmem>> -> memref<1x1000x32xf32, #tpu.memory_space<vmem>>
    %dma_wait3A_66 = tpu.memref_squeeze %dma_wait3A_65 : memref<1x1000x32xf32, #tpu.memory_space<vmem>> -> memref<1000x32xf32, #tpu.memory_space<vmem>>
    tpu.wait_dma2 semaphore(%arg8 : memref<!tpu.dma_semaphore, #tpu.memory_space<semaphore_mem>>) src(%dma_wait3A_66 : memref<1000x32xf32, #tpu.memory_space<vmem>>) dst(%dma_wait3A_62 : memref<1000x32xf32, #tpu.memory_space<hbm>>)
    %dma_start3A_67 = arith.constant 2 : i32
    %dma_start3A_68 = arith.constant 0 : i32
    %dma_start3A_69 = arith.constant 0 : i32
    %dma_start3A_70 = arith.constant 0 : i32
    %dma_start3A_71 = tpu.memref_slice %arg6[%dma_start3A_68, %dma_start3A_69, %dma_start3A_70] : memref<2x1000x32xf32, #tpu.memory_space<vmem>> -> memref<1x1000x32xf32, #tpu.memory_space<vmem>>
    %dma_start3A_72 = tpu.memref_squeeze %dma_start3A_71 : memref<1x1000x32xf32, #tpu.memory_space<vmem>> -> memref<1000x32xf32, #tpu.memory_space<vmem>>
    %dma_start3A_73 = arith.constant 0 : i32
    %dma_start3A_74 = tpu.memref_slice %arg5[%dma_start3A_67, %dma_start3A_73] : memref<5x1000xi32, #tpu.memory_space<vmem>> -> memref<1x1000xi32, #tpu.memory_space<vmem>>
    %dma_start3A_75 = tpu.memref_squeeze %dma_start3A_74 : memref<1x1000xi32, #tpu.memory_space<vmem>> -> memref<1000xi32, #tpu.memory_space<vmem>>
    %dma_start3A_76 = arith.constant 0 : i32
    %dma_start3A_77 = arith.constant 0 : i32
    %dma_start3A_78 = tpu.memref_slice %arg2[%dma_start3A_76, %dma_start3A_77] : memref<10000x32xf32, #tpu.memory_space<hbm>> -> memref<10000x32xf32, #tpu.memory_space<hbm>>
    tpu.enqueue_indirect_dma source(%dma_start3A_78 : memref<10000x32xf32, #tpu.memory_space<hbm>>) target(%dma_start3A_72 : memref<1000x32xf32, #tpu.memory_space<vmem>>) offsets(%dma_start3A_75 : memref<1000xi32, #tpu.memory_space<vmem>>) semaphore(%arg7 : memref<!tpu.dma_semaphore, #tpu.memory_space<semaphore_mem>>)
    %dma_wait3A_79 = arith.constant 1 : i32
    %dma_wait3A_80 = arith.constant 1 : i32
    %dma_wait3A_81 = arith.constant 0 : i32
    %dma_wait3A_82 = arith.constant 0 : i32
    %dma_wait3A_83 = tpu.memref_slice %arg6[%dma_wait3A_80, %dma_wait3A_81, %dma_wait3A_82] : memref<2x1000x32xf32, #tpu.memory_space<vmem>> -> memref<1x1000x32xf32, #tpu.memory_space<vmem>>
    %dma_wait3A_84 = tpu.memref_squeeze %dma_wait3A_83 : memref<1x1000x32xf32, #tpu.memory_space<vmem>> -> memref<1000x32xf32, #tpu.memory_space<vmem>>
    %dma_wait3A_85 = arith.constant 0 : i32
    %dma_wait3A_86 = tpu.memref_slice %arg5[%dma_wait3A_79, %dma_wait3A_85] : memref<5x1000xi32, #tpu.memory_space<vmem>> -> memref<1x1000xi32, #tpu.memory_space<vmem>>
    %dma_wait3A_87 = tpu.memref_squeeze %dma_wait3A_86 : memref<1x1000xi32, #tpu.memory_space<vmem>> -> memref<1000xi32, #tpu.memory_space<vmem>>
    %dma_wait3A_88 = arith.constant 0 : i32
    %dma_wait3A_89 = arith.constant 0 : i32
    %dma_wait3A_90 = tpu.memref_slice %arg2[%dma_wait3A_88, %dma_wait3A_89] : memref<10000x32xf32, #tpu.memory_space<hbm>> -> memref<10000x32xf32, #tpu.memory_space<hbm>>
    tpu.wait_indirect_dma semaphore(%arg7 : memref<!tpu.dma_semaphore, #tpu.memory_space<semaphore_mem>>) src(%dma_wait3A_90 : memref<10000x32xf32, #tpu.memory_space<hbm>>) dst(%dma_wait3A_84 : memref<1000x32xf32, #tpu.memory_space<vmem>>)
    %mul3A_91 = arith.constant 5000 : i32
    %mul3A_92 = arith.muli %add3A, %mul3A_91 : i32
    %add3A_93 = arith.constant 1000 : i32
    %add3A_94 = arith.addi %mul3A_92, %add3A_93 : i32
    %dma_start3A_95 = arith.constant 1 : i32
    %dma_start3A_96 = arith.constant 0 : i32
    %dma_start3A_97 = arith.constant 0 : i32
    %dma_start3A_98 = tpu.memref_slice %arg6[%dma_start3A_95, %dma_start3A_96, %dma_start3A_97] : memref<2x1000x32xf32, #tpu.memory_space<vmem>> -> memref<1x1000x32xf32, #tpu.memory_space<vmem>>
    %dma_start3A_99 = tpu.memref_squeeze %dma_start3A_98 : memref<1x1000x32xf32, #tpu.memory_space<vmem>> -> memref<1000x32xf32, #tpu.memory_space<vmem>>
    %dma_start3A_100 = arith.constant 0 : i32
    %dma_start3A_101 = tpu.memref_slice %arg4[%add3A_94, %dma_start3A_100] : memref<160000x32xf32, #tpu.memory_space<hbm>> -> memref<1000x32xf32, #tpu.memory_space<hbm>>
    %dma_start3A_102 = arith.constant 0 : i32
    %dma_start3A_103 = tpu.memref_slice %arg4[%add3A_94, %dma_start3A_102] : memref<160000x32xf32, #tpu.memory_space<hbm>> -> memref<1000x32xf32, #tpu.memory_space<hbm>>
    %dma_start3A_104 = arith.constant 0 : i32
    %dma_start3A_105 = arith.constant 0 : i32
    %dma_start3A_106 = tpu.memref_slice %arg6[%dma_start3A_95, %dma_start3A_104, %dma_start3A_105] : memref<2x1000x32xf32, #tpu.memory_space<vmem>> -> memref<1x1000x32xf32, #tpu.memory_space<vmem>>
    %dma_start3A_107 = tpu.memref_squeeze %dma_start3A_106 : memref<1x1000x32xf32, #tpu.memory_space<vmem>> -> memref<1000x32xf32, #tpu.memory_space<vmem>>
    tpu.enqueue_dma source(%dma_start3A_107 : memref<1000x32xf32, #tpu.memory_space<vmem>>) target(%dma_start3A_103 : memref<1000x32xf32, #tpu.memory_space<hbm>>) target_semaphore(%arg8 : memref<!tpu.dma_semaphore, #tpu.memory_space<semaphore_mem>>)
    %dma_wait3A_108 = arith.constant 1 : i32
    %dma_wait3A_109 = arith.constant 0 : i32
    %dma_wait3A_110 = arith.constant 0 : i32
    %dma_wait3A_111 = tpu.memref_slice %arg6[%dma_wait3A_108, %dma_wait3A_109, %dma_wait3A_110] : memref<2x1000x32xf32, #tpu.memory_space<vmem>> -> memref<1x1000x32xf32, #tpu.memory_space<vmem>>
    %dma_wait3A_112 = tpu.memref_squeeze %dma_wait3A_111 : memref<1x1000x32xf32, #tpu.memory_space<vmem>> -> memref<1000x32xf32, #tpu.memory_space<vmem>>
    %dma_wait3A_113 = arith.constant 0 : i32
    %dma_wait3A_114 = tpu.memref_slice %arg4[%add3A_94, %dma_wait3A_113] : memref<160000x32xf32, #tpu.memory_space<hbm>> -> memref<1000x32xf32, #tpu.memory_space<hbm>>
    %dma_wait3A_115 = arith.constant 0 : i32
    %dma_wait3A_116 = tpu.memref_slice %arg4[%add3A_94, %dma_wait3A_115] : memref<160000x32xf32, #tpu.memory_space<hbm>> -> memref<1000x32xf32, #tpu.memory_space<hbm>>
    %dma_wait3A_117 = arith.constant 0 : i32
    %dma_wait3A_118 = arith.constant 0 : i32
    %dma_wait3A_119 = tpu.memref_slice %arg6[%dma_wait3A_108, %dma_wait3A_117, %dma_wait3A_118] : memref<2x1000x32xf32, #tpu.memory_space<vmem>> -> memref<1x1000x32xf32, #tpu.memory_space<vmem>>
    %dma_wait3A_120 = tpu.memref_squeeze %dma_wait3A_119 : memref<1x1000x32xf32, #tpu.memory_space<vmem>> -> memref<1000x32xf32, #tpu.memory_space<vmem>>
    tpu.wait_dma2 semaphore(%arg8 : memref<!tpu.dma_semaphore, #tpu.memory_space<semaphore_mem>>) src(%dma_wait3A_120 : memref<1000x32xf32, #tpu.memory_space<vmem>>) dst(%dma_wait3A_116 : memref<1000x32xf32, #tpu.memory_space<hbm>>)
    %dma_start3A_121 = arith.constant 3 : i32
    %dma_start3A_122 = arith.constant 1 : i32
    %dma_start3A_123 = arith.constant 0 : i32
    %dma_start3A_124 = arith.constant 0 : i32
    %dma_start3A_125 = tpu.memref_slice %arg6[%dma_start3A_122, %dma_start3A_123, %dma_start3A_124] : memref<2x1000x32xf32, #tpu.memory_space<vmem>> -> memref<1x1000x32xf32, #tpu.memory_space<vmem>>
    %dma_start3A_126 = tpu.memref_squeeze %dma_start3A_125 : memref<1x1000x32xf32, #tpu.memory_space<vmem>> -> memref<1000x32xf32, #tpu.memory_space<vmem>>
    %dma_start3A_127 = arith.constant 0 : i32
    %dma_start3A_128 = tpu.memref_slice %arg5[%dma_start3A_121, %dma_start3A_127] : memref<5x1000xi32, #tpu.memory_space<vmem>> -> memref<1x1000xi32, #tpu.memory_space<vmem>>
    %dma_start3A_129 = tpu.memref_squeeze %dma_start3A_128 : memref<1x1000xi32, #tpu.memory_space<vmem>> -> memref<1000xi32, #tpu.memory_space<vmem>>
    %dma_start3A_130 = arith.constant 0 : i32
    %dma_start3A_131 = arith.constant 0 : i32
    %dma_start3A_132 = tpu.memref_slice %arg2[%dma_start3A_130, %dma_start3A_131] : memref<10000x32xf32, #tpu.memory_space<hbm>> -> memref<10000x32xf32, #tpu.memory_space<hbm>>
    tpu.enqueue_indirect_dma source(%dma_start3A_132 : memref<10000x32xf32, #tpu.memory_space<hbm>>) target(%dma_start3A_126 : memref<1000x32xf32, #tpu.memory_space<vmem>>) offsets(%dma_start3A_129 : memref<1000xi32, #tpu.memory_space<vmem>>) semaphore(%arg7 : memref<!tpu.dma_semaphore, #tpu.memory_space<semaphore_mem>>)
    %dma_wait3A_133 = arith.constant 2 : i32
    %dma_wait3A_134 = arith.constant 0 : i32
    %dma_wait3A_135 = arith.constant 0 : i32
    %dma_wait3A_136 = arith.constant 0 : i32
    %dma_wait3A_137 = tpu.memref_slice %arg6[%dma_wait3A_134, %dma_wait3A_135, %dma_wait3A_136] : memref<2x1000x32xf32, #tpu.memory_space<vmem>> -> memref<1x1000x32xf32, #tpu.memory_space<vmem>>
    %dma_wait3A_138 = tpu.memref_squeeze %dma_wait3A_137 : memref<1x1000x32xf32, #tpu.memory_space<vmem>> -> memref<1000x32xf32, #tpu.memory_space<vmem>>
    %dma_wait3A_139 = arith.constant 0 : i32
    %dma_wait3A_140 = tpu.memref_slice %arg5[%dma_wait3A_133, %dma_wait3A_139] : memref<5x1000xi32, #tpu.memory_space<vmem>> -> memref<1x1000xi32, #tpu.memory_space<vmem>>
    %dma_wait3A_141 = tpu.memref_squeeze %dma_wait3A_140 : memref<1x1000xi32, #tpu.memory_space<vmem>> -> memref<1000xi32, #tpu.memory_space<vmem>>
    %dma_wait3A_142 = arith.constant 0 : i32
    %dma_wait3A_143 = arith.constant 0 : i32
    %dma_wait3A_144 = tpu.memref_slice %arg2[%dma_wait3A_142, %dma_wait3A_143] : memref<10000x32xf32, #tpu.memory_space<hbm>> -> memref<10000x32xf32, #tpu.memory_space<hbm>>
    tpu.wait_indirect_dma semaphore(%arg7 : memref<!tpu.dma_semaphore, #tpu.memory_space<semaphore_mem>>) src(%dma_wait3A_144 : memref<10000x32xf32, #tpu.memory_space<hbm>>) dst(%dma_wait3A_138 : memref<1000x32xf32, #tpu.memory_space<vmem>>)
    %mul3A_145 = arith.constant 5000 : i32
    %mul3A_146 = arith.muli %add3A, %mul3A_145 : i32
    %add3A_147 = arith.constant 2000 : i32
    %add3A_148 = arith.addi %mul3A_146, %add3A_147 : i32
    %dma_start3A_149 = arith.constant 0 : i32
    %dma_start3A_150 = arith.constant 0 : i32
    %dma_start3A_151 = arith.constant 0 : i32
    %dma_start3A_152 = tpu.memref_slice %arg6[%dma_start3A_149, %dma_start3A_150, %dma_start3A_151] : memref<2x1000x32xf32, #tpu.memory_space<vmem>> -> memref<1x1000x32xf32, #tpu.memory_space<vmem>>
    %dma_start3A_153 = tpu.memref_squeeze %dma_start3A_152 : memref<1x1000x32xf32, #tpu.memory_space<vmem>> -> memref<1000x32xf32, #tpu.memory_space<vmem>>
    %dma_start3A_154 = arith.constant 0 : i32
    %dma_start3A_155 = tpu.memref_slice %arg4[%add3A_148, %dma_start3A_154] : memref<160000x32xf32, #tpu.memory_space<hbm>> -> memref<1000x32xf32, #tpu.memory_space<hbm>>
    %dma_start3A_156 = arith.constant 0 : i32
    %dma_start3A_157 = tpu.memref_slice %arg4[%add3A_148, %dma_start3A_156] : memref<160000x32xf32, #tpu.memory_space<hbm>> -> memref<1000x32xf32, #tpu.memory_space<hbm>>
    %dma_start3A_158 = arith.constant 0 : i32
    %dma_start3A_159 = arith.constant 0 : i32
    %dma_start3A_160 = tpu.memref_slice %arg6[%dma_start3A_149, %dma_start3A_158, %dma_start3A_159] : memref<2x1000x32xf32, #tpu.memory_space<vmem>> -> memref<1x1000x32xf32, #tpu.memory_space<vmem>>
    %dma_start3A_161 = tpu.memref_squeeze %dma_start3A_160 : memref<1x1000x32xf32, #tpu.memory_space<vmem>> -> memref<1000x32xf32, #tpu.memory_space<vmem>>
    tpu.enqueue_dma source(%dma_start3A_161 : memref<1000x32xf32, #tpu.memory_space<vmem>>) target(%dma_start3A_157 : memref<1000x32xf32, #tpu.memory_space<hbm>>) target_semaphore(%arg8 : memref<!tpu.dma_semaphore, #tpu.memory_space<semaphore_mem>>)
    %dma_wait3A_162 = arith.constant 0 : i32
    %dma_wait3A_163 = arith.constant 0 : i32
    %dma_wait3A_164 = arith.constant 0 : i32
    %dma_wait3A_165 = tpu.memref_slice %arg6[%dma_wait3A_162, %dma_wait3A_163, %dma_wait3A_164] : memref<2x1000x32xf32, #tpu.memory_space<vmem>> -> memref<1x1000x32xf32, #tpu.memory_space<vmem>>
    %dma_wait3A_166 = tpu.memref_squeeze %dma_wait3A_165 : memref<1x1000x32xf32, #tpu.memory_space<vmem>> -> memref<1000x32xf32, #tpu.memory_space<vmem>>
    %dma_wait3A_167 = arith.constant 0 : i32
    %dma_wait3A_168 = tpu.memref_slice %arg4[%add3A_148, %dma_wait3A_167] : memref<160000x32xf32, #tpu.memory_space<hbm>> -> memref<1000x32xf32, #tpu.memory_space<hbm>>
    %dma_wait3A_169 = arith.constant 0 : i32
    %dma_wait3A_170 = tpu.memref_slice %arg4[%add3A_148, %dma_wait3A_169] : memref<160000x32xf32, #tpu.memory_space<hbm>> -> memref<1000x32xf32, #tpu.memory_space<hbm>>
    %dma_wait3A_171 = arith.constant 0 : i32
    %dma_wait3A_172 = arith.constant 0 : i32
    %dma_wait3A_173 = tpu.memref_slice %arg6[%dma_wait3A_162, %dma_wait3A_171, %dma_wait3A_172] : memref<2x1000x32xf32, #tpu.memory_space<vmem>> -> memref<1x1000x32xf32, #tpu.memory_space<vmem>>
    %dma_wait3A_174 = tpu.memref_squeeze %dma_wait3A_173 : memref<1x1000x32xf32, #tpu.memory_space<vmem>> -> memref<1000x32xf32, #tpu.memory_space<vmem>>
    tpu.wait_dma2 semaphore(%arg8 : memref<!tpu.dma_semaphore, #tpu.memory_space<semaphore_mem>>) src(%dma_wait3A_174 : memref<1000x32xf32, #tpu.memory_space<vmem>>) dst(%dma_wait3A_170 : memref<1000x32xf32, #tpu.memory_space<hbm>>)
    %dma_start3A_175 = arith.constant 4 : i32
    %dma_start3A_176 = arith.constant 0 : i32
    %dma_start3A_177 = arith.constant 0 : i32
    %dma_start3A_178 = arith.constant 0 : i32
    %dma_start3A_179 = tpu.memref_slice %arg6[%dma_start3A_176, %dma_start3A_177, %dma_start3A_178] : memref<2x1000x32xf32, #tpu.memory_space<vmem>> -> memref<1x1000x32xf32, #tpu.memory_space<vmem>>
    %dma_start3A_180 = tpu.memref_squeeze %dma_start3A_179 : memref<1x1000x32xf32, #tpu.memory_space<vmem>> -> memref<1000x32xf32, #tpu.memory_space<vmem>>
    %dma_start3A_181 = arith.constant 0 : i32
    %dma_start3A_182 = tpu.memref_slice %arg5[%dma_start3A_175, %dma_start3A_181] : memref<5x1000xi32, #tpu.memory_space<vmem>> -> memref<1x1000xi32, #tpu.memory_space<vmem>>
    %dma_start3A_183 = tpu.memref_squeeze %dma_start3A_182 : memref<1x1000xi32, #tpu.memory_space<vmem>> -> memref<1000xi32, #tpu.memory_space<vmem>>
    %dma_start3A_184 = arith.constant 0 : i32
    %dma_start3A_185 = arith.constant 0 : i32
    %dma_start3A_186 = tpu.memref_slice %arg2[%dma_start3A_184, %dma_start3A_185] : memref<10000x32xf32, #tpu.memory_space<hbm>> -> memref<10000x32xf32, #tpu.memory_space<hbm>>
    tpu.enqueue_indirect_dma source(%dma_start3A_186 : memref<10000x32xf32, #tpu.memory_space<hbm>>) target(%dma_start3A_180 : memref<1000x32xf32, #tpu.memory_space<vmem>>) offsets(%dma_start3A_183 : memref<1000xi32, #tpu.memory_space<vmem>>) semaphore(%arg7 : memref<!tpu.dma_semaphore, #tpu.memory_space<semaphore_mem>>)
    %dma_wait3A_187 = arith.constant 3 : i32
    %dma_wait3A_188 = arith.constant 1 : i32
    %dma_wait3A_189 = arith.constant 0 : i32
    %dma_wait3A_190 = arith.constant 0 : i32
    %dma_wait3A_191 = tpu.memref_slice %arg6[%dma_wait3A_188, %dma_wait3A_189, %dma_wait3A_190] : memref<2x1000x32xf32, #tpu.memory_space<vmem>> -> memref<1x1000x32xf32, #tpu.memory_space<vmem>>
    %dma_wait3A_192 = tpu.memref_squeeze %dma_wait3A_191 : memref<1x1000x32xf32, #tpu.memory_space<vmem>> -> memref<1000x32xf32, #tpu.memory_space<vmem>>
    %dma_wait3A_193 = arith.constant 0 : i32
    %dma_wait3A_194 = tpu.memref_slice %arg5[%dma_wait3A_187, %dma_wait3A_193] : memref<5x1000xi32, #tpu.memory_space<vmem>> -> memref<1x1000xi32, #tpu.memory_space<vmem>>
    %dma_wait3A_195 = tpu.memref_squeeze %dma_wait3A_194 : memref<1x1000xi32, #tpu.memory_space<vmem>> -> memref<1000xi32, #tpu.memory_space<vmem>>
    %dma_wait3A_196 = arith.constant 0 : i32
    %dma_wait3A_197 = arith.constant 0 : i32
    %dma_wait3A_198 = tpu.memref_slice %arg2[%dma_wait3A_196, %dma_wait3A_197] : memref<10000x32xf32, #tpu.memory_space<hbm>> -> memref<10000x32xf32, #tpu.memory_space<hbm>>
    tpu.wait_indirect_dma semaphore(%arg7 : memref<!tpu.dma_semaphore, #tpu.memory_space<semaphore_mem>>) src(%dma_wait3A_198 : memref<10000x32xf32, #tpu.memory_space<hbm>>) dst(%dma_wait3A_192 : memref<1000x32xf32, #tpu.memory_space<vmem>>)
    %mul3A_199 = arith.constant 5000 : i32
    %mul3A_200 = arith.muli %add3A, %mul3A_199 : i32
    %add3A_201 = arith.constant 3000 : i32
    %add3A_202 = arith.addi %mul3A_200, %add3A_201 : i32
    %dma_start3A_203 = arith.constant 1 : i32
    %dma_start3A_204 = arith.constant 0 : i32
    %dma_start3A_205 = arith.constant 0 : i32
    %dma_start3A_206 = tpu.memref_slice %arg6[%dma_start3A_203, %dma_start3A_204, %dma_start3A_205] : memref<2x1000x32xf32, #tpu.memory_space<vmem>> -> memref<1x1000x32xf32, #tpu.memory_space<vmem>>
    %dma_start3A_207 = tpu.memref_squeeze %dma_start3A_206 : memref<1x1000x32xf32, #tpu.memory_space<vmem>> -> memref<1000x32xf32, #tpu.memory_space<vmem>>
    %dma_start3A_208 = arith.constant 0 : i32
    %dma_start3A_209 = tpu.memref_slice %arg4[%add3A_202, %dma_start3A_208] : memref<160000x32xf32, #tpu.memory_space<hbm>> -> memref<1000x32xf32, #tpu.memory_space<hbm>>
    %dma_start3A_210 = arith.constant 0 : i32
    %dma_start3A_211 = tpu.memref_slice %arg4[%add3A_202, %dma_start3A_210] : memref<160000x32xf32, #tpu.memory_space<hbm>> -> memref<1000x32xf32, #tpu.memory_space<hbm>>
    %dma_start3A_212 = arith.constant 0 : i32
    %dma_start3A_213 = arith.constant 0 : i32
    %dma_start3A_214 = tpu.memref_slice %arg6[%dma_start3A_203, %dma_start3A_212, %dma_start3A_213] : memref<2x1000x32xf32, #tpu.memory_space<vmem>> -> memref<1x1000x32xf32, #tpu.memory_space<vmem>>
    %dma_start3A_215 = tpu.memref_squeeze %dma_start3A_214 : memref<1x1000x32xf32, #tpu.memory_space<vmem>> -> memref<1000x32xf32, #tpu.memory_space<vmem>>
    tpu.enqueue_dma source(%dma_start3A_215 : memref<1000x32xf32, #tpu.memory_space<vmem>>) target(%dma_start3A_211 : memref<1000x32xf32, #tpu.memory_space<hbm>>) target_semaphore(%arg8 : memref<!tpu.dma_semaphore, #tpu.memory_space<semaphore_mem>>)
    %dma_wait3A_216 = arith.constant 4 : i32
    %dma_wait3A_217 = arith.constant 0 : i32
    %dma_wait3A_218 = arith.constant 0 : i32
    %dma_wait3A_219 = arith.constant 0 : i32
    %dma_wait3A_220 = tpu.memref_slice %arg6[%dma_wait3A_217, %dma_wait3A_218, %dma_wait3A_219] : memref<2x1000x32xf32, #tpu.memory_space<vmem>> -> memref<1x1000x32xf32, #tpu.memory_space<vmem>>
    %dma_wait3A_221 = tpu.memref_squeeze %dma_wait3A_220 : memref<1x1000x32xf32, #tpu.memory_space<vmem>> -> memref<1000x32xf32, #tpu.memory_space<vmem>>
    %dma_wait3A_222 = arith.constant 0 : i32
    %dma_wait3A_223 = tpu.memref_slice %arg5[%dma_wait3A_216, %dma_wait3A_222] : memref<5x1000xi32, #tpu.memory_space<vmem>> -> memref<1x1000xi32, #tpu.memory_space<vmem>>
    %dma_wait3A_224 = tpu.memref_squeeze %dma_wait3A_223 : memref<1x1000xi32, #tpu.memory_space<vmem>> -> memref<1000xi32, #tpu.memory_space<vmem>>
    %dma_wait3A_225 = arith.constant 0 : i32
    %dma_wait3A_226 = arith.constant 0 : i32
    %dma_wait3A_227 = tpu.memref_slice %arg2[%dma_wait3A_225, %dma_wait3A_226] : memref<10000x32xf32, #tpu.memory_space<hbm>> -> memref<10000x32xf32, #tpu.memory_space<hbm>>
    tpu.wait_indirect_dma semaphore(%arg7 : memref<!tpu.dma_semaphore, #tpu.memory_space<semaphore_mem>>) src(%dma_wait3A_227 : memref<10000x32xf32, #tpu.memory_space<hbm>>) dst(%dma_wait3A_221 : memref<1000x32xf32, #tpu.memory_space<vmem>>)
    %mul3A_228 = arith.constant 5000 : i32
    %mul3A_229 = arith.muli %add3A, %mul3A_228 : i32
    %add3A_230 = arith.constant 4000 : i32
    %add3A_231 = arith.addi %mul3A_229, %add3A_230 : i32
    %dma_start3A_232 = arith.constant 0 : i32
    %dma_start3A_233 = arith.constant 0 : i32
    %dma_start3A_234 = arith.constant 0 : i32
    %dma_start3A_235 = tpu.memref_slice %arg6[%dma_start3A_232, %dma_start3A_233, %dma_start3A_234] : memref<2x1000x32xf32, #tpu.memory_space<vmem>> -> memref<1x1000x32xf32, #tpu.memory_space<vmem>>
    %dma_start3A_236 = tpu.memref_squeeze %dma_start3A_235 : memref<1x1000x32xf32, #tpu.memory_space<vmem>> -> memref<1000x32xf32, #tpu.memory_space<vmem>>
    %dma_start3A_237 = arith.constant 0 : i32
    %dma_start3A_238 = tpu.memref_slice %arg4[%add3A_231, %dma_start3A_237] : memref<160000x32xf32, #tpu.memory_space<hbm>> -> memref<1000x32xf32, #tpu.memory_space<hbm>>
    %dma_start3A_239 = arith.constant 0 : i32
    %dma_start3A_240 = tpu.memref_slice %arg4[%add3A_231, %dma_start3A_239] : memref<160000x32xf32, #tpu.memory_space<hbm>> -> memref<1000x32xf32, #tpu.memory_space<hbm>>
    %dma_start3A_241 = arith.constant 0 : i32
    %dma_start3A_242 = arith.constant 0 : i32
    %dma_start3A_243 = tpu.memref_slice %arg6[%dma_start3A_232, %dma_start3A_241, %dma_start3A_242] : memref<2x1000x32xf32, #tpu.memory_space<vmem>> -> memref<1x1000x32xf32, #tpu.memory_space<vmem>>
    %dma_start3A_244 = tpu.memref_squeeze %dma_start3A_243 : memref<1x1000x32xf32, #tpu.memory_space<vmem>> -> memref<1000x32xf32, #tpu.memory_space<vmem>>
    tpu.enqueue_dma source(%dma_start3A_244 : memref<1000x32xf32, #tpu.memory_space<vmem>>) target(%dma_start3A_240 : memref<1000x32xf32, #tpu.memory_space<hbm>>) target_semaphore(%arg8 : memref<!tpu.dma_semaphore, #tpu.memory_space<semaphore_mem>>)
    %dma_wait3A_245 = arith.constant 1 : i32
    %dma_wait3A_246 = arith.constant 0 : i32
    %dma_wait3A_247 = arith.constant 0 : i32
    %dma_wait3A_248 = tpu.memref_slice %arg6[%dma_wait3A_245, %dma_wait3A_246, %dma_wait3A_247] : memref<2x1000x32xf32, #tpu.memory_space<vmem>> -> memref<1x1000x32xf32, #tpu.memory_space<vmem>>
    %dma_wait3A_249 = tpu.memref_squeeze %dma_wait3A_248 : memref<1x1000x32xf32, #tpu.memory_space<vmem>> -> memref<1000x32xf32, #tpu.memory_space<vmem>>
    %dma_wait3A_250 = arith.constant 0 : i32
    %dma_wait3A_251 = tpu.memref_slice %arg4[%add3A_202, %dma_wait3A_250] : memref<160000x32xf32, #tpu.memory_space<hbm>> -> memref<1000x32xf32, #tpu.memory_space<hbm>>
    %dma_wait3A_252 = arith.constant 0 : i32
    %dma_wait3A_253 = tpu.memref_slice %arg4[%add3A_202, %dma_wait3A_252] : memref<160000x32xf32, #tpu.memory_space<hbm>> -> memref<1000x32xf32, #tpu.memory_space<hbm>>
    %dma_wait3A_254 = arith.constant 0 : i32
    %dma_wait3A_255 = arith.constant 0 : i32
    %dma_wait3A_256 = tpu.memref_slice %arg6[%dma_wait3A_245, %dma_wait3A_254, %dma_wait3A_255] : memref<2x1000x32xf32, #tpu.memory_space<vmem>> -> memref<1x1000x32xf32, #tpu.memory_space<vmem>>
    %dma_wait3A_257 = tpu.memref_squeeze %dma_wait3A_256 : memref<1x1000x32xf32, #tpu.memory_space<vmem>> -> memref<1000x32xf32, #tpu.memory_space<vmem>>
    tpu.wait_dma2 semaphore(%arg8 : memref<!tpu.dma_semaphore, #tpu.memory_space<semaphore_mem>>) src(%dma_wait3A_257 : memref<1000x32xf32, #tpu.memory_space<vmem>>) dst(%dma_wait3A_253 : memref<1000x32xf32, #tpu.memory_space<hbm>>)
    %dma_wait3A_258 = arith.constant 0 : i32
    %dma_wait3A_259 = arith.constant 0 : i32
    %dma_wait3A_260 = arith.constant 0 : i32
    %dma_wait3A_261 = tpu.memref_slice %arg6[%dma_wait3A_258, %dma_wait3A_259, %dma_wait3A_260] : memref<2x1000x32xf32, #tpu.memory_space<vmem>> -> memref<1x1000x32xf32, #tpu.memory_space<vmem>>
    %dma_wait3A_262 = tpu.memref_squeeze %dma_wait3A_261 : memref<1x1000x32xf32, #tpu.memory_space<vmem>> -> memref<1000x32xf32, #tpu.memory_space<vmem>>
    %dma_wait3A_263 = arith.constant 0 : i32
    %dma_wait3A_264 = tpu.memref_slice %arg4[%add3A_231, %dma_wait3A_263] : memref<160000x32xf32, #tpu.memory_space<hbm>> -> memref<1000x32xf32, #tpu.memory_space<hbm>>
    %dma_wait3A_265 = arith.constant 0 : i32
    %dma_wait3A_266 = tpu.memref_slice %arg4[%add3A_231, %dma_wait3A_265] : memref<160000x32xf32, #tpu.memory_space<hbm>> -> memref<1000x32xf32, #tpu.memory_space<hbm>>
    %dma_wait3A_267 = arith.constant 0 : i32
    %dma_wait3A_268 = arith.constant 0 : i32
    %dma_wait3A_269 = tpu.memref_slice %arg6[%dma_wait3A_258, %dma_wait3A_267, %dma_wait3A_268] : memref<2x1000x32xf32, #tpu.memory_space<vmem>> -> memref<1x1000x32xf32, #tpu.memory_space<vmem>>
    %dma_wait3A_270 = tpu.memref_squeeze %dma_wait3A_269 : memref<1x1000x32xf32, #tpu.memory_space<vmem>> -> memref<1000x32xf32, #tpu.memory_space<vmem>>
    tpu.wait_dma2 semaphore(%arg8 : memref<!tpu.dma_semaphore, #tpu.memory_space<semaphore_mem>>) src(%dma_wait3A_270 : memref<1000x32xf32, #tpu.memory_space<vmem>>) dst(%dma_wait3A_266 : memref<1000x32xf32, #tpu.memory_space<hbm>>)
    return
  }
}

#map = affine_map<(d0, d1) -> (0, 0)>
module attributes {stable_mosaic.version = 14 : i64} {
  func.func @k(%arg0: i32, %arg1: i32, %arg2: memref<10000x32xf32, #tpu.memory_space<hbm>>, %arg3: memref<160x1000xi32, #tpu.memory_space<hbm>>, %arg4: memref<160x1000xi32, #tpu.memory_space<hbm>>, %arg5: memref<10112x32xf32, #tpu.memory_space<hbm>>, %arg6: memref<20224x32xf32, #tpu.memory_space<hbm>>, %arg7: memref<5x1000xi32, #tpu.memory_space<vmem>>, %arg8: memref<5x1000xi32, #tpu.memory_space<vmem>>, %arg9: memref<2x1000x32xf32, #tpu.memory_space<vmem>>, %arg10: memref<10112x32xf32, #tpu.memory_space<vmem_shared>>, %arg11: memref<!tpu.dma_semaphore, #tpu.memory_space<semaphore_mem>>) attributes {dimension_semantics = [#tpu.dimension_semantics<core_parallel>, #tpu.dimension_semantics<subcore_parallel>], iteration_bounds = array<i64: 2, 16>, scalar_prefetch = 0 : i64, scratch_operands = 5 : i64, tpu.core_type = #tpu.core_type<sc_vector_subcore>, window_params = [{transform_indices = #map}, {transform_indices = #map}, {transform_indices = #map}, {transform_indices = #map}, {transform_indices = #map}]} {
    %mul3A = arith.constant 2 : i32
    %mul3A_0 = arith.muli %arg1, %mul3A : i32
    %add3A = arith.addi %mul3A_0, %arg0 : i32
    %mul3A_1 = arith.constant 5 : i32
    %mul3A_2 = arith.muli %add3A, %mul3A_1 : i32
    "tpu.region"() ({
      %run_scoped3A_144 = tpu.sem_alloc : memref<!tpu.dma_semaphore, #tpu.memory_space<semaphore_mem>>
      %dma_start3A_145 = arith.constant 0 : i32
      %dma_start3A_146 = tpu.memref_slice %arg3[%mul3A_2, %dma_start3A_145] : memref<160x1000xi32, #tpu.memory_space<hbm>> -> memref<5x1000xi32, #tpu.memory_space<hbm>>
      %dma_start3A_147 = arith.constant 0 : i32
      %dma_start3A_148 = tpu.memref_slice %arg3[%mul3A_2, %dma_start3A_147] : memref<160x1000xi32, #tpu.memory_space<hbm>> -> memref<5x1000xi32, #tpu.memory_space<hbm>>
      tpu.enqueue_dma source(%dma_start3A_148 : memref<5x1000xi32, #tpu.memory_space<hbm>>) target(%arg7 : memref<5x1000xi32, #tpu.memory_space<vmem>>) target_semaphore(%run_scoped3A_144 : memref<!tpu.dma_semaphore, #tpu.memory_space<semaphore_mem>>)
      %dma_wait3A_149 = arith.constant 0 : i32
      %dma_wait3A_150 = tpu.memref_slice %arg3[%mul3A_2, %dma_wait3A_149] : memref<160x1000xi32, #tpu.memory_space<hbm>> -> memref<5x1000xi32, #tpu.memory_space<hbm>>
      %dma_wait3A_151 = arith.constant 0 : i32
      %dma_wait3A_152 = tpu.memref_slice %arg3[%mul3A_2, %dma_wait3A_151] : memref<160x1000xi32, #tpu.memory_space<hbm>> -> memref<5x1000xi32, #tpu.memory_space<hbm>>
      tpu.wait_dma2 semaphore(%run_scoped3A_144 : memref<!tpu.dma_semaphore, #tpu.memory_space<semaphore_mem>>) src(%dma_wait3A_152 : memref<5x1000xi32, #tpu.memory_space<hbm>>) dst(%arg7 : memref<5x1000xi32, #tpu.memory_space<vmem>>)
      tpu.yield
    }) : () -> ()
    %mul3A_3 = arith.constant 5 : i32
    %mul3A_4 = arith.muli %add3A, %mul3A_3 : i32
    "tpu.region"() ({
      %run_scoped3A_144 = tpu.sem_alloc : memref<!tpu.dma_semaphore, #tpu.memory_space<semaphore_mem>>
      %dma_start3A_145 = arith.constant 0 : i32
      %dma_start3A_146 = tpu.memref_slice %arg4[%mul3A_4, %dma_start3A_145] : memref<160x1000xi32, #tpu.memory_space<hbm>> -> memref<5x1000xi32, #tpu.memory_space<hbm>>
      %dma_start3A_147 = arith.constant 0 : i32
      %dma_start3A_148 = tpu.memref_slice %arg4[%mul3A_4, %dma_start3A_147] : memref<160x1000xi32, #tpu.memory_space<hbm>> -> memref<5x1000xi32, #tpu.memory_space<hbm>>
      tpu.enqueue_dma source(%dma_start3A_148 : memref<5x1000xi32, #tpu.memory_space<hbm>>) target(%arg8 : memref<5x1000xi32, #tpu.memory_space<vmem>>) target_semaphore(%run_scoped3A_144 : memref<!tpu.dma_semaphore, #tpu.memory_space<semaphore_mem>>)
      %dma_wait3A_149 = arith.constant 0 : i32
      %dma_wait3A_150 = tpu.memref_slice %arg4[%mul3A_4, %dma_wait3A_149] : memref<160x1000xi32, #tpu.memory_space<hbm>> -> memref<5x1000xi32, #tpu.memory_space<hbm>>
      %dma_wait3A_151 = arith.constant 0 : i32
      %dma_wait3A_152 = tpu.memref_slice %arg4[%mul3A_4, %dma_wait3A_151] : memref<160x1000xi32, #tpu.memory_space<hbm>> -> memref<5x1000xi32, #tpu.memory_space<hbm>>
      tpu.wait_dma2 semaphore(%run_scoped3A_144 : memref<!tpu.dma_semaphore, #tpu.memory_space<semaphore_mem>>) src(%dma_wait3A_152 : memref<5x1000xi32, #tpu.memory_space<hbm>>) dst(%arg8 : memref<5x1000xi32, #tpu.memory_space<vmem>>)
      tpu.yield
    }) : () -> ()
    %mul3A_5 = arith.constant 632 : i32
    %mul3A_6 = arith.muli %arg1, %mul3A_5 : i32
    %mul3A_7 = arith.constant 632 : i32
    %mul3A_8 = arith.muli %arg1, %mul3A_7 : i32
    "tpu.region"() ({
      %run_scoped3A_144 = tpu.sem_alloc : memref<!tpu.dma_semaphore, #tpu.memory_space<semaphore_mem>>
      %dma_start3A_145 = arith.constant 0 : i32
      %dma_start3A_146 = tpu.memref_slice %arg10[%mul3A_8, %dma_start3A_145] : memref<10112x32xf32, #tpu.memory_space<vmem_shared>> -> memref<632x32xf32, #tpu.memory_space<vmem_shared>>
      %dma_start3A_147 = arith.constant 0 : i32
      %dma_start3A_148 = tpu.memref_slice %arg5[%mul3A_6, %dma_start3A_147] : memref<10112x32xf32, #tpu.memory_space<hbm>> -> memref<632x32xf32, #tpu.memory_space<hbm>>
      tpu.enqueue_dma source(%dma_start3A_148 : memref<632x32xf32, #tpu.memory_space<hbm>>) target(%dma_start3A_146 : memref<632x32xf32, #tpu.memory_space<vmem_shared>>) target_semaphore(%run_scoped3A_144 : memref<!tpu.dma_semaphore, #tpu.memory_space<semaphore_mem>>)
      %dma_wait3A_149 = arith.constant 0 : i32
      %dma_wait3A_150 = tpu.memref_slice %arg10[%mul3A_8, %dma_wait3A_149] : memref<10112x32xf32, #tpu.memory_space<vmem_shared>> -> memref<632x32xf32, #tpu.memory_space<vmem_shared>>
      %dma_wait3A_151 = arith.constant 0 : i32
      %dma_wait3A_152 = tpu.memref_slice %arg5[%mul3A_6, %dma_wait3A_151] : memref<10112x32xf32, #tpu.memory_space<hbm>> -> memref<632x32xf32, #tpu.memory_space<hbm>>
      tpu.wait_dma2 semaphore(%run_scoped3A_144 : memref<!tpu.dma_semaphore, #tpu.memory_space<semaphore_mem>>) src(%dma_wait3A_152 : memref<632x32xf32, #tpu.memory_space<hbm>>) dst(%dma_wait3A_150 : memref<632x32xf32, #tpu.memory_space<vmem_shared>>)
      tpu.yield
    }) : () -> ()
    %barrier3A = arith.constant 0 : index
    tpu.barrier barrier_id(%barrier3A)
    %dma_start3A = arith.constant 0 : i32
    %dma_start3A_9 = arith.constant 0 : i32
    %dma_start3A_10 = arith.constant 0 : i32
    %dma_start3A_11 = arith.constant 0 : i32
    %dma_start3A_12 = tpu.memref_slice %arg9[%dma_start3A_9, %dma_start3A_10, %dma_start3A_11] : memref<2x1000x32xf32, #tpu.memory_space<vmem>> -> memref<1x1000x32xf32, #tpu.memory_space<vmem>>
    %dma_start3A_13 = tpu.memref_squeeze %dma_start3A_12 : memref<1x1000x32xf32, #tpu.memory_space<vmem>> -> memref<1000x32xf32, #tpu.memory_space<vmem>>
    %dma_start3A_14 = arith.constant 0 : i32
    %dma_start3A_15 = tpu.memref_slice %arg7[%dma_start3A, %dma_start3A_14] : memref<5x1000xi32, #tpu.memory_space<vmem>> -> memref<1x1000xi32, #tpu.memory_space<vmem>>
    %dma_start3A_16 = tpu.memref_squeeze %dma_start3A_15 : memref<1x1000xi32, #tpu.memory_space<vmem>> -> memref<1000xi32, #tpu.memory_space<vmem>>
    %dma_start3A_17 = arith.constant 0 : i32
    %dma_start3A_18 = arith.constant 0 : i32
    %dma_start3A_19 = tpu.memref_slice %arg2[%dma_start3A_17, %dma_start3A_18] : memref<10000x32xf32, #tpu.memory_space<hbm>> -> memref<10000x32xf32, #tpu.memory_space<hbm>>
    tpu.enqueue_indirect_dma source(%dma_start3A_19 : memref<10000x32xf32, #tpu.memory_space<hbm>>) target(%dma_start3A_13 : memref<1000x32xf32, #tpu.memory_space<vmem>>) offsets(%dma_start3A_16 : memref<1000xi32, #tpu.memory_space<vmem>>) semaphore(%arg11 : memref<!tpu.dma_semaphore, #tpu.memory_space<semaphore_mem>>)
    %dma_start3A_20 = arith.constant 1 : i32
    %dma_start3A_21 = arith.constant 1 : i32
    %dma_start3A_22 = arith.constant 0 : i32
    %dma_start3A_23 = arith.constant 0 : i32
    %dma_start3A_24 = tpu.memref_slice %arg9[%dma_start3A_21, %dma_start3A_22, %dma_start3A_23] : memref<2x1000x32xf32, #tpu.memory_space<vmem>> -> memref<1x1000x32xf32, #tpu.memory_space<vmem>>
    %dma_start3A_25 = tpu.memref_squeeze %dma_start3A_24 : memref<1x1000x32xf32, #tpu.memory_space<vmem>> -> memref<1000x32xf32, #tpu.memory_space<vmem>>
    %dma_start3A_26 = arith.constant 0 : i32
    %dma_start3A_27 = tpu.memref_slice %arg7[%dma_start3A_20, %dma_start3A_26] : memref<5x1000xi32, #tpu.memory_space<vmem>> -> memref<1x1000xi32, #tpu.memory_space<vmem>>
    %dma_start3A_28 = tpu.memref_squeeze %dma_start3A_27 : memref<1x1000xi32, #tpu.memory_space<vmem>> -> memref<1000xi32, #tpu.memory_space<vmem>>
    %dma_start3A_29 = arith.constant 0 : i32
    %dma_start3A_30 = arith.constant 0 : i32
    %dma_start3A_31 = tpu.memref_slice %arg2[%dma_start3A_29, %dma_start3A_30] : memref<10000x32xf32, #tpu.memory_space<hbm>> -> memref<10000x32xf32, #tpu.memory_space<hbm>>
    tpu.enqueue_indirect_dma source(%dma_start3A_31 : memref<10000x32xf32, #tpu.memory_space<hbm>>) target(%dma_start3A_25 : memref<1000x32xf32, #tpu.memory_space<vmem>>) offsets(%dma_start3A_28 : memref<1000xi32, #tpu.memory_space<vmem>>) semaphore(%arg11 : memref<!tpu.dma_semaphore, #tpu.memory_space<semaphore_mem>>)
    %dma_wait3A = arith.constant 0 : i32
    %dma_wait3A_32 = arith.constant 0 : i32
    %dma_wait3A_33 = arith.constant 0 : i32
    %dma_wait3A_34 = arith.constant 0 : i32
    %dma_wait3A_35 = tpu.memref_slice %arg9[%dma_wait3A_32, %dma_wait3A_33, %dma_wait3A_34] : memref<2x1000x32xf32, #tpu.memory_space<vmem>> -> memref<1x1000x32xf32, #tpu.memory_space<vmem>>
    %dma_wait3A_36 = tpu.memref_squeeze %dma_wait3A_35 : memref<1x1000x32xf32, #tpu.memory_space<vmem>> -> memref<1000x32xf32, #tpu.memory_space<vmem>>
    %dma_wait3A_37 = arith.constant 0 : i32
    %dma_wait3A_38 = tpu.memref_slice %arg7[%dma_wait3A, %dma_wait3A_37] : memref<5x1000xi32, #tpu.memory_space<vmem>> -> memref<1x1000xi32, #tpu.memory_space<vmem>>
    %dma_wait3A_39 = tpu.memref_squeeze %dma_wait3A_38 : memref<1x1000xi32, #tpu.memory_space<vmem>> -> memref<1000xi32, #tpu.memory_space<vmem>>
    %dma_wait3A_40 = arith.constant 0 : i32
    %dma_wait3A_41 = arith.constant 0 : i32
    %dma_wait3A_42 = tpu.memref_slice %arg2[%dma_wait3A_40, %dma_wait3A_41] : memref<10000x32xf32, #tpu.memory_space<hbm>> -> memref<10000x32xf32, #tpu.memory_space<hbm>>
    tpu.wait_indirect_dma semaphore(%arg11 : memref<!tpu.dma_semaphore, #tpu.memory_space<semaphore_mem>>) src(%dma_wait3A_42 : memref<10000x32xf32, #tpu.memory_space<hbm>>) dst(%dma_wait3A_36 : memref<1000x32xf32, #tpu.memory_space<vmem>>)
    %run_scoped3A = arith.constant 0 : i32
    %run_scoped3A_43 = arith.constant 0 : i32
    "tpu.region"() ({
      %run_scoped3A_144 = tpu.sem_alloc : memref<!tpu.dma_semaphore, #tpu.memory_space<semaphore_mem>>
      %dma_start3A_145 = arith.constant 0 : i32
      %dma_start3A_146 = arith.constant 0 : i32
      %dma_start3A_147 = tpu.memref_slice %arg9[%run_scoped3A, %dma_start3A_145, %dma_start3A_146] : memref<2x1000x32xf32, #tpu.memory_space<vmem>> -> memref<1x1000x32xf32, #tpu.memory_space<vmem>>
      %dma_start3A_148 = tpu.memref_squeeze %dma_start3A_147 : memref<1x1000x32xf32, #tpu.memory_space<vmem>> -> memref<1000x32xf32, #tpu.memory_space<vmem>>
      %dma_start3A_149 = arith.constant 0 : i32
      %dma_start3A_150 = tpu.memref_slice %arg8[%run_scoped3A_43, %dma_start3A_149] : memref<5x1000xi32, #tpu.memory_space<vmem>> -> memref<1x1000xi32, #tpu.memory_space<vmem>>
      %dma_start3A_151 = tpu.memref_squeeze %dma_start3A_150 : memref<1x1000xi32, #tpu.memory_space<vmem>> -> memref<1000xi32, #tpu.memory_space<vmem>>
      %dma_start3A_152 = arith.constant 0 : i32
      %dma_start3A_153 = arith.constant 0 : i32
      %dma_start3A_154 = tpu.memref_slice %arg10[%dma_start3A_152, %dma_start3A_153] : memref<10112x32xf32, #tpu.memory_space<vmem_shared>> -> memref<10112x32xf32, #tpu.memory_space<vmem_shared>>
      tpu.enqueue_indirect_dma source(%dma_start3A_148 : memref<1000x32xf32, #tpu.memory_space<vmem>>) target(%dma_start3A_154 : memref<10112x32xf32, #tpu.memory_space<vmem_shared>>) offsets(%dma_start3A_151 : memref<1000xi32, #tpu.memory_space<vmem>>) semaphore(%run_scoped3A_144 : memref<!tpu.dma_semaphore, #tpu.memory_space<semaphore_mem>>) {add = true}
      %dma_wait3A_155 = arith.constant 0 : i32
      %dma_wait3A_156 = arith.constant 0 : i32
      %dma_wait3A_157 = tpu.memref_slice %arg9[%run_scoped3A, %dma_wait3A_155, %dma_wait3A_156] : memref<2x1000x32xf32, #tpu.memory_space<vmem>> -> memref<1x1000x32xf32, #tpu.memory_space<vmem>>
      %dma_wait3A_158 = tpu.memref_squeeze %dma_wait3A_157 : memref<1x1000x32xf32, #tpu.memory_space<vmem>> -> memref<1000x32xf32, #tpu.memory_space<vmem>>
      %dma_wait3A_159 = arith.constant 0 : i32
      %dma_wait3A_160 = tpu.memref_slice %arg8[%run_scoped3A_43, %dma_wait3A_159] : memref<5x1000xi32, #tpu.memory_space<vmem>> -> memref<1x1000xi32, #tpu.memory_space<vmem>>
      %dma_wait3A_161 = tpu.memref_squeeze %dma_wait3A_160 : memref<1x1000xi32, #tpu.memory_space<vmem>> -> memref<1000xi32, #tpu.memory_space<vmem>>
      %dma_wait3A_162 = arith.constant 0 : i32
      %dma_wait3A_163 = arith.constant 0 : i32
      %dma_wait3A_164 = tpu.memref_slice %arg10[%dma_wait3A_162, %dma_wait3A_163] : memref<10112x32xf32, #tpu.memory_space<vmem_shared>> -> memref<10112x32xf32, #tpu.memory_space<vmem_shared>>
      tpu.wait_indirect_dma semaphore(%run_scoped3A_144 : memref<!tpu.dma_semaphore, #tpu.memory_space<semaphore_mem>>) src(%dma_wait3A_158 : memref<1000x32xf32, #tpu.memory_space<vmem>>) dst(%dma_wait3A_164 : memref<10112x32xf32, #tpu.memory_space<vmem_shared>>)
      tpu.yield
    }) : () -> ()
    %dma_start3A_44 = arith.constant 2 : i32
    %dma_start3A_45 = arith.constant 0 : i32
    %dma_start3A_46 = arith.constant 0 : i32
    %dma_start3A_47 = arith.constant 0 : i32
    %dma_start3A_48 = tpu.memref_slice %arg9[%dma_start3A_45, %dma_start3A_46, %dma_start3A_47] : memref<2x1000x32xf32, #tpu.memory_space<vmem>> -> memref<1x1000x32xf32, #tpu.memory_space<vmem>>
    %dma_start3A_49 = tpu.memref_squeeze %dma_start3A_48 : memref<1x1000x32xf32, #tpu.memory_space<vmem>> -> memref<1000x32xf32, #tpu.memory_space<vmem>>
    %dma_start3A_50 = arith.constant 0 : i32
    %dma_start3A_51 = tpu.memref_slice %arg7[%dma_start3A_44, %dma_start3A_50] : memref<5x1000xi32, #tpu.memory_space<vmem>> -> memref<1x1000xi32, #tpu.memory_space<vmem>>
    %dma_start3A_52 = tpu.memref_squeeze %dma_start3A_51 : memref<1x1000xi32, #tpu.memory_space<vmem>> -> memref<1000xi32, #tpu.memory_space<vmem>>
    %dma_start3A_53 = arith.constant 0 : i32
    %dma_start3A_54 = arith.constant 0 : i32
    %dma_start3A_55 = tpu.memref_slice %arg2[%dma_start3A_53, %dma_start3A_54] : memref<10000x32xf32, #tpu.memory_space<hbm>> -> memref<10000x32xf32, #tpu.memory_space<hbm>>
    tpu.enqueue_indirect_dma source(%dma_start3A_55 : memref<10000x32xf32, #tpu.memory_space<hbm>>) target(%dma_start3A_49 : memref<1000x32xf32, #tpu.memory_space<vmem>>) offsets(%dma_start3A_52 : memref<1000xi32, #tpu.memory_space<vmem>>) semaphore(%arg11 : memref<!tpu.dma_semaphore, #tpu.memory_space<semaphore_mem>>)
    %dma_wait3A_56 = arith.constant 1 : i32
    %dma_wait3A_57 = arith.constant 1 : i32
    %dma_wait3A_58 = arith.constant 0 : i32
    %dma_wait3A_59 = arith.constant 0 : i32
    %dma_wait3A_60 = tpu.memref_slice %arg9[%dma_wait3A_57, %dma_wait3A_58, %dma_wait3A_59] : memref<2x1000x32xf32, #tpu.memory_space<vmem>> -> memref<1x1000x32xf32, #tpu.memory_space<vmem>>
    %dma_wait3A_61 = tpu.memref_squeeze %dma_wait3A_60 : memref<1x1000x32xf32, #tpu.memory_space<vmem>> -> memref<1000x32xf32, #tpu.memory_space<vmem>>
    %dma_wait3A_62 = arith.constant 0 : i32
    %dma_wait3A_63 = tpu.memref_slice %arg7[%dma_wait3A_56, %dma_wait3A_62] : memref<5x1000xi32, #tpu.memory_space<vmem>> -> memref<1x1000xi32, #tpu.memory_space<vmem>>
    %dma_wait3A_64 = tpu.memref_squeeze %dma_wait3A_63 : memref<1x1000xi32, #tpu.memory_space<vmem>> -> memref<1000xi32, #tpu.memory_space<vmem>>
    %dma_wait3A_65 = arith.constant 0 : i32
    %dma_wait3A_66 = arith.constant 0 : i32
    %dma_wait3A_67 = tpu.memref_slice %arg2[%dma_wait3A_65, %dma_wait3A_66] : memref<10000x32xf32, #tpu.memory_space<hbm>> -> memref<10000x32xf32, #tpu.memory_space<hbm>>
    tpu.wait_indirect_dma semaphore(%arg11 : memref<!tpu.dma_semaphore, #tpu.memory_space<semaphore_mem>>) src(%dma_wait3A_67 : memref<10000x32xf32, #tpu.memory_space<hbm>>) dst(%dma_wait3A_61 : memref<1000x32xf32, #tpu.memory_space<vmem>>)
    %run_scoped3A_68 = arith.constant 1 : i32
    %run_scoped3A_69 = arith.constant 1 : i32
    "tpu.region"() ({
      %run_scoped3A_144 = tpu.sem_alloc : memref<!tpu.dma_semaphore, #tpu.memory_space<semaphore_mem>>
      %dma_start3A_145 = arith.constant 0 : i32
      %dma_start3A_146 = arith.constant 0 : i32
      %dma_start3A_147 = tpu.memref_slice %arg9[%run_scoped3A_68, %dma_start3A_145, %dma_start3A_146] : memref<2x1000x32xf32, #tpu.memory_space<vmem>> -> memref<1x1000x32xf32, #tpu.memory_space<vmem>>
      %dma_start3A_148 = tpu.memref_squeeze %dma_start3A_147 : memref<1x1000x32xf32, #tpu.memory_space<vmem>> -> memref<1000x32xf32, #tpu.memory_space<vmem>>
      %dma_start3A_149 = arith.constant 0 : i32
      %dma_start3A_150 = tpu.memref_slice %arg8[%run_scoped3A_69, %dma_start3A_149] : memref<5x1000xi32, #tpu.memory_space<vmem>> -> memref<1x1000xi32, #tpu.memory_space<vmem>>
      %dma_start3A_151 = tpu.memref_squeeze %dma_start3A_150 : memref<1x1000xi32, #tpu.memory_space<vmem>> -> memref<1000xi32, #tpu.memory_space<vmem>>
      %dma_start3A_152 = arith.constant 0 : i32
      %dma_start3A_153 = arith.constant 0 : i32
      %dma_start3A_154 = tpu.memref_slice %arg10[%dma_start3A_152, %dma_start3A_153] : memref<10112x32xf32, #tpu.memory_space<vmem_shared>> -> memref<10112x32xf32, #tpu.memory_space<vmem_shared>>
      tpu.enqueue_indirect_dma source(%dma_start3A_148 : memref<1000x32xf32, #tpu.memory_space<vmem>>) target(%dma_start3A_154 : memref<10112x32xf32, #tpu.memory_space<vmem_shared>>) offsets(%dma_start3A_151 : memref<1000xi32, #tpu.memory_space<vmem>>) semaphore(%run_scoped3A_144 : memref<!tpu.dma_semaphore, #tpu.memory_space<semaphore_mem>>) {add = true}
      %dma_wait3A_155 = arith.constant 0 : i32
      %dma_wait3A_156 = arith.constant 0 : i32
      %dma_wait3A_157 = tpu.memref_slice %arg9[%run_scoped3A_68, %dma_wait3A_155, %dma_wait3A_156] : memref<2x1000x32xf32, #tpu.memory_space<vmem>> -> memref<1x1000x32xf32, #tpu.memory_space<vmem>>
      %dma_wait3A_158 = tpu.memref_squeeze %dma_wait3A_157 : memref<1x1000x32xf32, #tpu.memory_space<vmem>> -> memref<1000x32xf32, #tpu.memory_space<vmem>>
      %dma_wait3A_159 = arith.constant 0 : i32
      %dma_wait3A_160 = tpu.memref_slice %arg8[%run_scoped3A_69, %dma_wait3A_159] : memref<5x1000xi32, #tpu.memory_space<vmem>> -> memref<1x1000xi32, #tpu.memory_space<vmem>>
      %dma_wait3A_161 = tpu.memref_squeeze %dma_wait3A_160 : memref<1x1000xi32, #tpu.memory_space<vmem>> -> memref<1000xi32, #tpu.memory_space<vmem>>
      %dma_wait3A_162 = arith.constant 0 : i32
      %dma_wait3A_163 = arith.constant 0 : i32
      %dma_wait3A_164 = tpu.memref_slice %arg10[%dma_wait3A_162, %dma_wait3A_163] : memref<10112x32xf32, #tpu.memory_space<vmem_shared>> -> memref<10112x32xf32, #tpu.memory_space<vmem_shared>>
      tpu.wait_indirect_dma semaphore(%run_scoped3A_144 : memref<!tpu.dma_semaphore, #tpu.memory_space<semaphore_mem>>) src(%dma_wait3A_158 : memref<1000x32xf32, #tpu.memory_space<vmem>>) dst(%dma_wait3A_164 : memref<10112x32xf32, #tpu.memory_space<vmem_shared>>)
      tpu.yield
    }) : () -> ()
    %dma_start3A_70 = arith.constant 3 : i32
    %dma_start3A_71 = arith.constant 1 : i32
    %dma_start3A_72 = arith.constant 0 : i32
    %dma_start3A_73 = arith.constant 0 : i32
    %dma_start3A_74 = tpu.memref_slice %arg9[%dma_start3A_71, %dma_start3A_72, %dma_start3A_73] : memref<2x1000x32xf32, #tpu.memory_space<vmem>> -> memref<1x1000x32xf32, #tpu.memory_space<vmem>>
    %dma_start3A_75 = tpu.memref_squeeze %dma_start3A_74 : memref<1x1000x32xf32, #tpu.memory_space<vmem>> -> memref<1000x32xf32, #tpu.memory_space<vmem>>
    %dma_start3A_76 = arith.constant 0 : i32
    %dma_start3A_77 = tpu.memref_slice %arg7[%dma_start3A_70, %dma_start3A_76] : memref<5x1000xi32, #tpu.memory_space<vmem>> -> memref<1x1000xi32, #tpu.memory_space<vmem>>
    %dma_start3A_78 = tpu.memref_squeeze %dma_start3A_77 : memref<1x1000xi32, #tpu.memory_space<vmem>> -> memref<1000xi32, #tpu.memory_space<vmem>>
    %dma_start3A_79 = arith.constant 0 : i32
    %dma_start3A_80 = arith.constant 0 : i32
    %dma_start3A_81 = tpu.memref_slice %arg2[%dma_start3A_79, %dma_start3A_80] : memref<10000x32xf32, #tpu.memory_space<hbm>> -> memref<10000x32xf32, #tpu.memory_space<hbm>>
    tpu.enqueue_indirect_dma source(%dma_start3A_81 : memref<10000x32xf32, #tpu.memory_space<hbm>>) target(%dma_start3A_75 : memref<1000x32xf32, #tpu.memory_space<vmem>>) offsets(%dma_start3A_78 : memref<1000xi32, #tpu.memory_space<vmem>>) semaphore(%arg11 : memref<!tpu.dma_semaphore, #tpu.memory_space<semaphore_mem>>)
    %dma_wait3A_82 = arith.constant 2 : i32
    %dma_wait3A_83 = arith.constant 0 : i32
    %dma_wait3A_84 = arith.constant 0 : i32
    %dma_wait3A_85 = arith.constant 0 : i32
    %dma_wait3A_86 = tpu.memref_slice %arg9[%dma_wait3A_83, %dma_wait3A_84, %dma_wait3A_85] : memref<2x1000x32xf32, #tpu.memory_space<vmem>> -> memref<1x1000x32xf32, #tpu.memory_space<vmem>>
    %dma_wait3A_87 = tpu.memref_squeeze %dma_wait3A_86 : memref<1x1000x32xf32, #tpu.memory_space<vmem>> -> memref<1000x32xf32, #tpu.memory_space<vmem>>
    %dma_wait3A_88 = arith.constant 0 : i32
    %dma_wait3A_89 = tpu.memref_slice %arg7[%dma_wait3A_82, %dma_wait3A_88] : memref<5x1000xi32, #tpu.memory_space<vmem>> -> memref<1x1000xi32, #tpu.memory_space<vmem>>
    %dma_wait3A_90 = tpu.memref_squeeze %dma_wait3A_89 : memref<1x1000xi32, #tpu.memory_space<vmem>> -> memref<1000xi32, #tpu.memory_space<vmem>>
    %dma_wait3A_91 = arith.constant 0 : i32
    %dma_wait3A_92 = arith.constant 0 : i32
    %dma_wait3A_93 = tpu.memref_slice %arg2[%dma_wait3A_91, %dma_wait3A_92] : memref<10000x32xf32, #tpu.memory_space<hbm>> -> memref<10000x32xf32, #tpu.memory_space<hbm>>
    tpu.wait_indirect_dma semaphore(%arg11 : memref<!tpu.dma_semaphore, #tpu.memory_space<semaphore_mem>>) src(%dma_wait3A_93 : memref<10000x32xf32, #tpu.memory_space<hbm>>) dst(%dma_wait3A_87 : memref<1000x32xf32, #tpu.memory_space<vmem>>)
    %run_scoped3A_94 = arith.constant 0 : i32
    %run_scoped3A_95 = arith.constant 2 : i32
    "tpu.region"() ({
      %run_scoped3A_144 = tpu.sem_alloc : memref<!tpu.dma_semaphore, #tpu.memory_space<semaphore_mem>>
      %dma_start3A_145 = arith.constant 0 : i32
      %dma_start3A_146 = arith.constant 0 : i32
      %dma_start3A_147 = tpu.memref_slice %arg9[%run_scoped3A_94, %dma_start3A_145, %dma_start3A_146] : memref<2x1000x32xf32, #tpu.memory_space<vmem>> -> memref<1x1000x32xf32, #tpu.memory_space<vmem>>
      %dma_start3A_148 = tpu.memref_squeeze %dma_start3A_147 : memref<1x1000x32xf32, #tpu.memory_space<vmem>> -> memref<1000x32xf32, #tpu.memory_space<vmem>>
      %dma_start3A_149 = arith.constant 0 : i32
      %dma_start3A_150 = tpu.memref_slice %arg8[%run_scoped3A_95, %dma_start3A_149] : memref<5x1000xi32, #tpu.memory_space<vmem>> -> memref<1x1000xi32, #tpu.memory_space<vmem>>
      %dma_start3A_151 = tpu.memref_squeeze %dma_start3A_150 : memref<1x1000xi32, #tpu.memory_space<vmem>> -> memref<1000xi32, #tpu.memory_space<vmem>>
      %dma_start3A_152 = arith.constant 0 : i32
      %dma_start3A_153 = arith.constant 0 : i32
      %dma_start3A_154 = tpu.memref_slice %arg10[%dma_start3A_152, %dma_start3A_153] : memref<10112x32xf32, #tpu.memory_space<vmem_shared>> -> memref<10112x32xf32, #tpu.memory_space<vmem_shared>>
      tpu.enqueue_indirect_dma source(%dma_start3A_148 : memref<1000x32xf32, #tpu.memory_space<vmem>>) target(%dma_start3A_154 : memref<10112x32xf32, #tpu.memory_space<vmem_shared>>) offsets(%dma_start3A_151 : memref<1000xi32, #tpu.memory_space<vmem>>) semaphore(%run_scoped3A_144 : memref<!tpu.dma_semaphore, #tpu.memory_space<semaphore_mem>>) {add = true}
      %dma_wait3A_155 = arith.constant 0 : i32
      %dma_wait3A_156 = arith.constant 0 : i32
      %dma_wait3A_157 = tpu.memref_slice %arg9[%run_scoped3A_94, %dma_wait3A_155, %dma_wait3A_156] : memref<2x1000x32xf32, #tpu.memory_space<vmem>> -> memref<1x1000x32xf32, #tpu.memory_space<vmem>>
      %dma_wait3A_158 = tpu.memref_squeeze %dma_wait3A_157 : memref<1x1000x32xf32, #tpu.memory_space<vmem>> -> memref<1000x32xf32, #tpu.memory_space<vmem>>
      %dma_wait3A_159 = arith.constant 0 : i32
      %dma_wait3A_160 = tpu.memref_slice %arg8[%run_scoped3A_95, %dma_wait3A_159] : memref<5x1000xi32, #tpu.memory_space<vmem>> -> memref<1x1000xi32, #tpu.memory_space<vmem>>
      %dma_wait3A_161 = tpu.memref_squeeze %dma_wait3A_160 : memref<1x1000xi32, #tpu.memory_space<vmem>> -> memref<1000xi32, #tpu.memory_space<vmem>>
      %dma_wait3A_162 = arith.constant 0 : i32
      %dma_wait3A_163 = arith.constant 0 : i32
      %dma_wait3A_164 = tpu.memref_slice %arg10[%dma_wait3A_162, %dma_wait3A_163] : memref<10112x32xf32, #tpu.memory_space<vmem_shared>> -> memref<10112x32xf32, #tpu.memory_space<vmem_shared>>
      tpu.wait_indirect_dma semaphore(%run_scoped3A_144 : memref<!tpu.dma_semaphore, #tpu.memory_space<semaphore_mem>>) src(%dma_wait3A_158 : memref<1000x32xf32, #tpu.memory_space<vmem>>) dst(%dma_wait3A_164 : memref<10112x32xf32, #tpu.memory_space<vmem_shared>>)
      tpu.yield
    }) : () -> ()
    %dma_start3A_96 = arith.constant 4 : i32
    %dma_start3A_97 = arith.constant 0 : i32
    %dma_start3A_98 = arith.constant 0 : i32
    %dma_start3A_99 = arith.constant 0 : i32
    %dma_start3A_100 = tpu.memref_slice %arg9[%dma_start3A_97, %dma_start3A_98, %dma_start3A_99] : memref<2x1000x32xf32, #tpu.memory_space<vmem>> -> memref<1x1000x32xf32, #tpu.memory_space<vmem>>
    %dma_start3A_101 = tpu.memref_squeeze %dma_start3A_100 : memref<1x1000x32xf32, #tpu.memory_space<vmem>> -> memref<1000x32xf32, #tpu.memory_space<vmem>>
    %dma_start3A_102 = arith.constant 0 : i32
    %dma_start3A_103 = tpu.memref_slice %arg7[%dma_start3A_96, %dma_start3A_102] : memref<5x1000xi32, #tpu.memory_space<vmem>> -> memref<1x1000xi32, #tpu.memory_space<vmem>>
    %dma_start3A_104 = tpu.memref_squeeze %dma_start3A_103 : memref<1x1000xi32, #tpu.memory_space<vmem>> -> memref<1000xi32, #tpu.memory_space<vmem>>
    %dma_start3A_105 = arith.constant 0 : i32
    %dma_start3A_106 = arith.constant 0 : i32
    %dma_start3A_107 = tpu.memref_slice %arg2[%dma_start3A_105, %dma_start3A_106] : memref<10000x32xf32, #tpu.memory_space<hbm>> -> memref<10000x32xf32, #tpu.memory_space<hbm>>
    tpu.enqueue_indirect_dma source(%dma_start3A_107 : memref<10000x32xf32, #tpu.memory_space<hbm>>) target(%dma_start3A_101 : memref<1000x32xf32, #tpu.memory_space<vmem>>) offsets(%dma_start3A_104 : memref<1000xi32, #tpu.memory_space<vmem>>) semaphore(%arg11 : memref<!tpu.dma_semaphore, #tpu.memory_space<semaphore_mem>>)
    %dma_wait3A_108 = arith.constant 3 : i32
    %dma_wait3A_109 = arith.constant 1 : i32
    %dma_wait3A_110 = arith.constant 0 : i32
    %dma_wait3A_111 = arith.constant 0 : i32
    %dma_wait3A_112 = tpu.memref_slice %arg9[%dma_wait3A_109, %dma_wait3A_110, %dma_wait3A_111] : memref<2x1000x32xf32, #tpu.memory_space<vmem>> -> memref<1x1000x32xf32, #tpu.memory_space<vmem>>
    %dma_wait3A_113 = tpu.memref_squeeze %dma_wait3A_112 : memref<1x1000x32xf32, #tpu.memory_space<vmem>> -> memref<1000x32xf32, #tpu.memory_space<vmem>>
    %dma_wait3A_114 = arith.constant 0 : i32
    %dma_wait3A_115 = tpu.memref_slice %arg7[%dma_wait3A_108, %dma_wait3A_114] : memref<5x1000xi32, #tpu.memory_space<vmem>> -> memref<1x1000xi32, #tpu.memory_space<vmem>>
    %dma_wait3A_116 = tpu.memref_squeeze %dma_wait3A_115 : memref<1x1000xi32, #tpu.memory_space<vmem>> -> memref<1000xi32, #tpu.memory_space<vmem>>
    %dma_wait3A_117 = arith.constant 0 : i32
    %dma_wait3A_118 = arith.constant 0 : i32
    %dma_wait3A_119 = tpu.memref_slice %arg2[%dma_wait3A_117, %dma_wait3A_118] : memref<10000x32xf32, #tpu.memory_space<hbm>> -> memref<10000x32xf32, #tpu.memory_space<hbm>>
    tpu.wait_indirect_dma semaphore(%arg11 : memref<!tpu.dma_semaphore, #tpu.memory_space<semaphore_mem>>) src(%dma_wait3A_119 : memref<10000x32xf32, #tpu.memory_space<hbm>>) dst(%dma_wait3A_113 : memref<1000x32xf32, #tpu.memory_space<vmem>>)
    %run_scoped3A_120 = arith.constant 1 : i32
    %run_scoped3A_121 = arith.constant 3 : i32
    "tpu.region"() ({
      %run_scoped3A_144 = tpu.sem_alloc : memref<!tpu.dma_semaphore, #tpu.memory_space<semaphore_mem>>
      %dma_start3A_145 = arith.constant 0 : i32
      %dma_start3A_146 = arith.constant 0 : i32
      %dma_start3A_147 = tpu.memref_slice %arg9[%run_scoped3A_120, %dma_start3A_145, %dma_start3A_146] : memref<2x1000x32xf32, #tpu.memory_space<vmem>> -> memref<1x1000x32xf32, #tpu.memory_space<vmem>>
      %dma_start3A_148 = tpu.memref_squeeze %dma_start3A_147 : memref<1x1000x32xf32, #tpu.memory_space<vmem>> -> memref<1000x32xf32, #tpu.memory_space<vmem>>
      %dma_start3A_149 = arith.constant 0 : i32
      %dma_start3A_150 = tpu.memref_slice %arg8[%run_scoped3A_121, %dma_start3A_149] : memref<5x1000xi32, #tpu.memory_space<vmem>> -> memref<1x1000xi32, #tpu.memory_space<vmem>>
      %dma_start3A_151 = tpu.memref_squeeze %dma_start3A_150 : memref<1x1000xi32, #tpu.memory_space<vmem>> -> memref<1000xi32, #tpu.memory_space<vmem>>
      %dma_start3A_152 = arith.constant 0 : i32
      %dma_start3A_153 = arith.constant 0 : i32
      %dma_start3A_154 = tpu.memref_slice %arg10[%dma_start3A_152, %dma_start3A_153] : memref<10112x32xf32, #tpu.memory_space<vmem_shared>> -> memref<10112x32xf32, #tpu.memory_space<vmem_shared>>
      tpu.enqueue_indirect_dma source(%dma_start3A_148 : memref<1000x32xf32, #tpu.memory_space<vmem>>) target(%dma_start3A_154 : memref<10112x32xf32, #tpu.memory_space<vmem_shared>>) offsets(%dma_start3A_151 : memref<1000xi32, #tpu.memory_space<vmem>>) semaphore(%run_scoped3A_144 : memref<!tpu.dma_semaphore, #tpu.memory_space<semaphore_mem>>) {add = true}
      %dma_wait3A_155 = arith.constant 0 : i32
      %dma_wait3A_156 = arith.constant 0 : i32
      %dma_wait3A_157 = tpu.memref_slice %arg9[%run_scoped3A_120, %dma_wait3A_155, %dma_wait3A_156] : memref<2x1000x32xf32, #tpu.memory_space<vmem>> -> memref<1x1000x32xf32, #tpu.memory_space<vmem>>
      %dma_wait3A_158 = tpu.memref_squeeze %dma_wait3A_157 : memref<1x1000x32xf32, #tpu.memory_space<vmem>> -> memref<1000x32xf32, #tpu.memory_space<vmem>>
      %dma_wait3A_159 = arith.constant 0 : i32
      %dma_wait3A_160 = tpu.memref_slice %arg8[%run_scoped3A_121, %dma_wait3A_159] : memref<5x1000xi32, #tpu.memory_space<vmem>> -> memref<1x1000xi32, #tpu.memory_space<vmem>>
      %dma_wait3A_161 = tpu.memref_squeeze %dma_wait3A_160 : memref<1x1000xi32, #tpu.memory_space<vmem>> -> memref<1000xi32, #tpu.memory_space<vmem>>
      %dma_wait3A_162 = arith.constant 0 : i32
      %dma_wait3A_163 = arith.constant 0 : i32
      %dma_wait3A_164 = tpu.memref_slice %arg10[%dma_wait3A_162, %dma_wait3A_163] : memref<10112x32xf32, #tpu.memory_space<vmem_shared>> -> memref<10112x32xf32, #tpu.memory_space<vmem_shared>>
      tpu.wait_indirect_dma semaphore(%run_scoped3A_144 : memref<!tpu.dma_semaphore, #tpu.memory_space<semaphore_mem>>) src(%dma_wait3A_158 : memref<1000x32xf32, #tpu.memory_space<vmem>>) dst(%dma_wait3A_164 : memref<10112x32xf32, #tpu.memory_space<vmem_shared>>)
      tpu.yield
    }) : () -> ()
    %dma_wait3A_122 = arith.constant 4 : i32
    %dma_wait3A_123 = arith.constant 0 : i32
    %dma_wait3A_124 = arith.constant 0 : i32
    %dma_wait3A_125 = arith.constant 0 : i32
    %dma_wait3A_126 = tpu.memref_slice %arg9[%dma_wait3A_123, %dma_wait3A_124, %dma_wait3A_125] : memref<2x1000x32xf32, #tpu.memory_space<vmem>> -> memref<1x1000x32xf32, #tpu.memory_space<vmem>>
    %dma_wait3A_127 = tpu.memref_squeeze %dma_wait3A_126 : memref<1x1000x32xf32, #tpu.memory_space<vmem>> -> memref<1000x32xf32, #tpu.memory_space<vmem>>
    %dma_wait3A_128 = arith.constant 0 : i32
    %dma_wait3A_129 = tpu.memref_slice %arg7[%dma_wait3A_122, %dma_wait3A_128] : memref<5x1000xi32, #tpu.memory_space<vmem>> -> memref<1x1000xi32, #tpu.memory_space<vmem>>
    %dma_wait3A_130 = tpu.memref_squeeze %dma_wait3A_129 : memref<1x1000xi32, #tpu.memory_space<vmem>> -> memref<1000xi32, #tpu.memory_space<vmem>>
    %dma_wait3A_131 = arith.constant 0 : i32
    %dma_wait3A_132 = arith.constant 0 : i32
    %dma_wait3A_133 = tpu.memref_slice %arg2[%dma_wait3A_131, %dma_wait3A_132] : memref<10000x32xf32, #tpu.memory_space<hbm>> -> memref<10000x32xf32, #tpu.memory_space<hbm>>
    tpu.wait_indirect_dma semaphore(%arg11 : memref<!tpu.dma_semaphore, #tpu.memory_space<semaphore_mem>>) src(%dma_wait3A_133 : memref<10000x32xf32, #tpu.memory_space<hbm>>) dst(%dma_wait3A_127 : memref<1000x32xf32, #tpu.memory_space<vmem>>)
    %run_scoped3A_134 = arith.constant 0 : i32
    %run_scoped3A_135 = arith.constant 4 : i32
    "tpu.region"() ({
      %run_scoped3A_144 = tpu.sem_alloc : memref<!tpu.dma_semaphore, #tpu.memory_space<semaphore_mem>>
      %dma_start3A_145 = arith.constant 0 : i32
      %dma_start3A_146 = arith.constant 0 : i32
      %dma_start3A_147 = tpu.memref_slice %arg9[%run_scoped3A_134, %dma_start3A_145, %dma_start3A_146] : memref<2x1000x32xf32, #tpu.memory_space<vmem>> -> memref<1x1000x32xf32, #tpu.memory_space<vmem>>
      %dma_start3A_148 = tpu.memref_squeeze %dma_start3A_147 : memref<1x1000x32xf32, #tpu.memory_space<vmem>> -> memref<1000x32xf32, #tpu.memory_space<vmem>>
      %dma_start3A_149 = arith.constant 0 : i32
      %dma_start3A_150 = tpu.memref_slice %arg8[%run_scoped3A_135, %dma_start3A_149] : memref<5x1000xi32, #tpu.memory_space<vmem>> -> memref<1x1000xi32, #tpu.memory_space<vmem>>
      %dma_start3A_151 = tpu.memref_squeeze %dma_start3A_150 : memref<1x1000xi32, #tpu.memory_space<vmem>> -> memref<1000xi32, #tpu.memory_space<vmem>>
      %dma_start3A_152 = arith.constant 0 : i32
      %dma_start3A_153 = arith.constant 0 : i32
      %dma_start3A_154 = tpu.memref_slice %arg10[%dma_start3A_152, %dma_start3A_153] : memref<10112x32xf32, #tpu.memory_space<vmem_shared>> -> memref<10112x32xf32, #tpu.memory_space<vmem_shared>>
      tpu.enqueue_indirect_dma source(%dma_start3A_148 : memref<1000x32xf32, #tpu.memory_space<vmem>>) target(%dma_start3A_154 : memref<10112x32xf32, #tpu.memory_space<vmem_shared>>) offsets(%dma_start3A_151 : memref<1000xi32, #tpu.memory_space<vmem>>) semaphore(%run_scoped3A_144 : memref<!tpu.dma_semaphore, #tpu.memory_space<semaphore_mem>>) {add = true}
      %dma_wait3A_155 = arith.constant 0 : i32
      %dma_wait3A_156 = arith.constant 0 : i32
      %dma_wait3A_157 = tpu.memref_slice %arg9[%run_scoped3A_134, %dma_wait3A_155, %dma_wait3A_156] : memref<2x1000x32xf32, #tpu.memory_space<vmem>> -> memref<1x1000x32xf32, #tpu.memory_space<vmem>>
      %dma_wait3A_158 = tpu.memref_squeeze %dma_wait3A_157 : memref<1x1000x32xf32, #tpu.memory_space<vmem>> -> memref<1000x32xf32, #tpu.memory_space<vmem>>
      %dma_wait3A_159 = arith.constant 0 : i32
      %dma_wait3A_160 = tpu.memref_slice %arg8[%run_scoped3A_135, %dma_wait3A_159] : memref<5x1000xi32, #tpu.memory_space<vmem>> -> memref<1x1000xi32, #tpu.memory_space<vmem>>
      %dma_wait3A_161 = tpu.memref_squeeze %dma_wait3A_160 : memref<1x1000xi32, #tpu.memory_space<vmem>> -> memref<1000xi32, #tpu.memory_space<vmem>>
      %dma_wait3A_162 = arith.constant 0 : i32
      %dma_wait3A_163 = arith.constant 0 : i32
      %dma_wait3A_164 = tpu.memref_slice %arg10[%dma_wait3A_162, %dma_wait3A_163] : memref<10112x32xf32, #tpu.memory_space<vmem_shared>> -> memref<10112x32xf32, #tpu.memory_space<vmem_shared>>
      tpu.wait_indirect_dma semaphore(%run_scoped3A_144 : memref<!tpu.dma_semaphore, #tpu.memory_space<semaphore_mem>>) src(%dma_wait3A_158 : memref<1000x32xf32, #tpu.memory_space<vmem>>) dst(%dma_wait3A_164 : memref<10112x32xf32, #tpu.memory_space<vmem_shared>>)
      tpu.yield
    }) : () -> ()
    %barrier3A_136 = arith.constant 0 : index
    tpu.barrier barrier_id(%barrier3A_136)
    %mul3A_137 = arith.constant 632 : i32
    %mul3A_138 = arith.muli %arg1, %mul3A_137 : i32
    %mul3A_139 = arith.constant 10112 : i32
    %mul3A_140 = arith.muli %arg0, %mul3A_139 : i32
    %mul3A_141 = arith.constant 632 : i32
    %mul3A_142 = arith.muli %arg1, %mul3A_141 : i32
    %add3A_143 = arith.addi %mul3A_140, %mul3A_142 : i32
    "tpu.region"() ({
      %run_scoped3A_144 = tpu.sem_alloc : memref<!tpu.dma_semaphore, #tpu.memory_space<semaphore_mem>>
      %dma_start3A_145 = arith.constant 0 : i32
      %dma_start3A_146 = tpu.memref_slice %arg6[%add3A_143, %dma_start3A_145] : memref<20224x32xf32, #tpu.memory_space<hbm>> -> memref<632x32xf32, #tpu.memory_space<hbm>>
      %dma_start3A_147 = arith.constant 0 : i32
      %dma_start3A_148 = tpu.memref_slice %arg10[%mul3A_138, %dma_start3A_147] : memref<10112x32xf32, #tpu.memory_space<vmem_shared>> -> memref<632x32xf32, #tpu.memory_space<vmem_shared>>
      tpu.enqueue_dma source(%dma_start3A_148 : memref<632x32xf32, #tpu.memory_space<vmem_shared>>) target(%dma_start3A_146 : memref<632x32xf32, #tpu.memory_space<hbm>>) target_semaphore(%run_scoped3A_144 : memref<!tpu.dma_semaphore, #tpu.memory_space<semaphore_mem>>)
      %dma_wait3A_149 = arith.constant 0 : i32
      %dma_wait3A_150 = tpu.memref_slice %arg6[%add3A_143, %dma_wait3A_149] : memref<20224x32xf32, #tpu.memory_space<hbm>> -> memref<632x32xf32, #tpu.memory_space<hbm>>
      %dma_wait3A_151 = arith.constant 0 : i32
      %dma_wait3A_152 = tpu.memref_slice %arg10[%mul3A_138, %dma_wait3A_151] : memref<10112x32xf32, #tpu.memory_space<vmem_shared>> -> memref<632x32xf32, #tpu.memory_space<vmem_shared>>
      tpu.wait_dma2 semaphore(%run_scoped3A_144 : memref<!tpu.dma_semaphore, #tpu.memory_space<semaphore_mem>>) src(%dma_wait3A_152 : memref<632x32xf32, #tpu.memory_space<vmem_shared>>) dst(%dma_wait3A_150 : memref<632x32xf32, #tpu.memory_space<hbm>>)
      tpu.yield
    }) : () -> ()
    return
  }
}

module attributes {stable_mosaic.version = 14 : i64} {
  func.func @body(%arg0: memref<10000x32xf32, #tpu.memory_space<vmem>>, %arg1: memref<32x32xf32, #tpu.memory_space<vmem>>, %arg2: memref<1x32xf32, #tpu.memory_space<vmem>>, %arg3: memref<10000x32xf32, #tpu.memory_space<vmem>>) attributes {dimension_semantics = [], scalar_prefetch = 0 : i64, scratch_operands = 0 : i64, tpu.core_type = #tpu.core_type<tc>} {
    %get3A = arith.constant 0 : index
    %get3A_0 = arith.constant 0 : index
    %get3A_1 = vector.load %arg0[%get3A, %get3A_0] : memref<10000x32xf32, #tpu.memory_space<vmem>>, vector<10000x32xf32>
    %get3A_2 = arith.constant 0 : index
    %get3A_3 = arith.constant 0 : index
    %get3A_4 = vector.load %arg1[%get3A_2, %get3A_3] : memref<32x32xf32, #tpu.memory_space<vmem>>, vector<32x32xf32>
    %dot_general3A = arith.constant dense<0.000000e+00> : vector<10000x32xf32>
    %dot_general3A_5 = tpu.matmul %get3A_1, %get3A_4, %dot_general3A {dimension_numbers = #tpu.dot_dimension_numbers<[1], [0], [0], [1], [0, 0, 1, 1], [], []>, transpose_lhs_hint = false} : vector<10000x32xf32>, vector<32x32xf32>, vector<10000x32xf32> -> vector<10000x32xf32>
    %get3A_6 = arith.constant 0 : index
    %get3A_7 = arith.constant 0 : index
    %get3A_8 = vector.load %arg2[%get3A_6, %get3A_7] : memref<1x32xf32, #tpu.memory_space<vmem>>, vector<1x32xf32>
    %add3A = vector.broadcast %get3A_8 : vector<1x32xf32> to vector<10000x32xf32>
    %add3A_9 = arith.addf %dot_general3A_5, %add3A : vector<10000x32xf32>
    %max3A = arith.constant 0.000000e+00 : f32
    %max3A_10 = vector.broadcast %max3A : f32 to vector<10000x32xf32>
    %max3A_11 = arith.maximumf %add3A_9, %max3A_10 : vector<10000x32xf32>
    %swap3A = arith.constant 0 : index
    %swap3A_12 = arith.constant 0 : index
    %swap3A_13 = vector.load %arg3[%swap3A, %swap3A_12] : memref<10000x32xf32, #tpu.memory_space<vmem>>, vector<10000x32xf32>
    tpu.vector_store %arg3[%swap3A, %swap3A_12], %max3A_11 {strides = array<i32>} : memref<10000x32xf32, #tpu.memory_space<vmem>>, vector<10000x32xf32>,
    return
  }
}

module attributes {stable_mosaic.version = 14 : i64} {
  func.func @body(%arg0: i32, %arg1: memref<2000x16xf32, #tpu.memory_space<vmem>>, %arg2: memref<2000x32xf32, #tpu.memory_space<vmem>>, %arg3: memref<16x64xf32, #tpu.memory_space<vmem>>, %arg4: memref<1x64xf32, #tpu.memory_space<vmem>>, %arg5: memref<1x64xf32, #tpu.memory_space<vmem>>, %arg6: memref<1x64xf32, #tpu.memory_space<vmem>>, %arg7: memref<64x1024xbf16, #tpu.memory_space<vmem>>, %arg8: memref<1056x32xbf16, #tpu.memory_space<vmem>>, %arg9: memref<2000x32xf32, #tpu.memory_space<vmem>>) attributes {dimension_semantics = [#tpu.dimension_semantics<arbitrary>], iteration_bounds = array<i64: 80>, scalar_prefetch = 0 : i64, scratch_operands = 0 : i64, tpu.core_type = #tpu.core_type<tc>, window_params = [{transform_indices = @transform_0, window_bounds = array<i64: 2000, 16>}, {transform_indices = @transform_1, window_bounds = array<i64: 2000, 32>}, {pipeline_mode = #tpu.pipeline_mode<synchronous>, transform_indices = @transform_2, window_bounds = array<i64: 16, 64>}, {pipeline_mode = #tpu.pipeline_mode<synchronous>, transform_indices = @transform_3, window_bounds = array<i64: 1, 64>}, {pipeline_mode = #tpu.pipeline_mode<synchronous>, transform_indices = @transform_4, window_bounds = array<i64: 1, 64>}, {pipeline_mode = #tpu.pipeline_mode<synchronous>, transform_indices = @transform_5, window_bounds = array<i64: 1, 64>}, {pipeline_mode = #tpu.pipeline_mode<synchronous>, transform_indices = @transform_6, window_bounds = array<i64: 64, 1024>}, {pipeline_mode = #tpu.pipeline_mode<synchronous>, transform_indices = @transform_7, window_bounds = array<i64: 1056, 32>}, {transform_indices = @transform_8, window_bounds = array<i64: 2000, 32>}]} {
    %get3A = arith.constant 0 : index
    %get3A_0 = arith.constant 0 : index
    %get3A_1 = vector.load %arg1[%get3A, %get3A_0] : memref<2000x16xf32, #tpu.memory_space<vmem>>, vector<2000x16xf32>
    %get3A_2 = arith.constant 0 : index
    %get3A_3 = arith.constant 0 : index
    %get3A_4 = vector.load %arg3[%get3A_2, %get3A_3] : memref<16x64xf32, #tpu.memory_space<vmem>>, vector<16x64xf32>
    %dot_general3A = arith.constant dense<0.000000e+00> : vector<2000x64xf32>
    %dot_general3A_5 = tpu.matmul %get3A_1, %get3A_4, %dot_general3A {dimension_numbers = #tpu.dot_dimension_numbers<[1], [0], [0], [1], [0, 0, 1, 1], [], []>, transpose_lhs_hint = false} : vector<2000x16xf32>, vector<16x64xf32>, vector<2000x64xf32> -> vector<2000x64xf32>
    %get3A_6 = arith.constant 0 : index
    %get3A_7 = arith.constant 0 : index
    %get3A_8 = vector.load %arg4[%get3A_6, %get3A_7] : memref<1x64xf32, #tpu.memory_space<vmem>>, vector<1x64xf32>
    %add3A = vector.broadcast %get3A_8 : vector<1x64xf32> to vector<2000x64xf32>
    %add3A_9 = arith.addf %dot_general3A_5, %add3A : vector<2000x64xf32>
    %max3A = arith.constant 0.000000e+00 : f32
    %max3A_10 = vector.broadcast %max3A : f32 to vector<2000x64xf32>
    %max3A_11 = arith.maximumf %add3A_9, %max3A_10 : vector<2000x64xf32>
    %reduce_sum3A = arith.constant dense<0.000000e+00> : vector<2000xf32>
    %reduce_sum3A_12 = vector.multi_reduction <add>, %max3A_11, %reduce_sum3A [1] : vector<2000x64xf32> to vector<2000xf32>
    %broadcast_in_dim3A = vector.shape_cast %reduce_sum3A_12 : vector<2000xf32> to vector<2000x1xf32>
    %div3A = arith.constant 6.400000e+01 : f32
    %div3A_13 = vector.broadcast %div3A : f32 to vector<2000x1xf32>
    %div3A_14 = arith.divf %broadcast_in_dim3A, %div3A_13 : vector<2000x1xf32>
    %sub3A = vector.broadcast %div3A_14 : vector<2000x1xf32> to vector<2000x64xf32>
    %sub3A_15 = arith.subf %max3A_11, %sub3A : vector<2000x64xf32>
    %integer_pow3A = arith.mulf %sub3A_15, %sub3A_15 : vector<2000x64xf32>
    %reduce_sum3A_16 = arith.constant dense<0.000000e+00> : vector<2000xf32>
    %reduce_sum3A_17 = vector.multi_reduction <add>, %integer_pow3A, %reduce_sum3A_16 [1] : vector<2000x64xf32> to vector<2000xf32>
    %broadcast_in_dim3A_18 = vector.shape_cast %reduce_sum3A_17 : vector<2000xf32> to vector<2000x1xf32>
    %div3A_19 = arith.constant 6.400000e+01 : f32
    %div3A_20 = vector.broadcast %div3A_19 : f32 to vector<2000x1xf32>
    %div3A_21 = arith.divf %broadcast_in_dim3A_18, %div3A_20 : vector<2000x1xf32>
    %sub3A_22 = vector.broadcast %div3A_14 : vector<2000x1xf32> to vector<2000x64xf32>
    %sub3A_23 = arith.subf %max3A_11, %sub3A_22 : vector<2000x64xf32>
    %add3A_24 = arith.constant 9.99999974E-6 : f32
    %add3A_25 = vector.broadcast %add3A_24 : f32 to vector<2000x1xf32>
    %add3A_26 = arith.addf %div3A_21, %add3A_25 : vector<2000x1xf32>
    %sqrt3A = math.sqrt %add3A_26 : vector<2000x1xf32>
    %div3A_27 = vector.broadcast %sqrt3A : vector<2000x1xf32> to vector<2000x64xf32>
    %div3A_28 = arith.divf %sub3A_23, %div3A_27 : vector<2000x64xf32>
    %get3A_29 = arith.constant 0 : index
    %get3A_30 = arith.constant 0 : index
    %get3A_31 = vector.load %arg5[%get3A_29, %get3A_30] : memref<1x64xf32, #tpu.memory_space<vmem>>, vector<1x64xf32>
    %mul3A = vector.broadcast %get3A_31 : vector<1x64xf32> to vector<2000x64xf32>
    %mul3A_32 = arith.mulf %div3A_28, %mul3A : vector<2000x64xf32>
    %get3A_33 = arith.constant 0 : index
    %get3A_34 = arith.constant 0 : index
    %get3A_35 = vector.load %arg6[%get3A_33, %get3A_34] : memref<1x64xf32, #tpu.memory_space<vmem>>, vector<1x64xf32>
    %add3A_36 = vector.broadcast %get3A_35 : vector<1x64xf32> to vector<2000x64xf32>
    %add3A_37 = arith.addf %mul3A_32, %add3A_36 : vector<2000x64xf32>
    %convert_element_type3A = arith.truncf %add3A_37 : vector<2000x64xf32> to vector<2000x64xbf16>
    %get3A_38 = arith.constant 0 : index
    %get3A_39 = arith.constant 0 : index
    %get3A_40 = vector.load %arg7[%get3A_38, %get3A_39] : memref<64x1024xbf16, #tpu.memory_space<vmem>>, vector<64x1024xbf16>
    %dot_general3A_41 = arith.constant dense<0.000000e+00> : vector<2000x1024xf32>
    %dot_general3A_42 = tpu.matmul %convert_element_type3A, %get3A_40, %dot_general3A_41 {dimension_numbers = #tpu.dot_dimension_numbers<[1], [0], [0], [1], [0, 0, 1, 1], [], []>, transpose_lhs_hint = false} : vector<2000x64xbf16>, vector<64x1024xbf16>, vector<2000x1024xf32> -> vector<2000x1024xf32>
    %get3A_43 = arith.constant 0 : index
    %get3A_44 = arith.constant 0 : index
    %get3A_45 = vector.load %arg2[%get3A_43, %get3A_44] : memref<2000x32xf32, #tpu.memory_space<vmem>>, vector<2000x32xf32>
    %tile3A = tpu.concatenate %get3A_45, %get3A_45, %get3A_45, %get3A_45, %get3A_45, %get3A_45, %get3A_45, %get3A_45, %get3A_45, %get3A_45, %get3A_45, %get3A_45, %get3A_45, %get3A_45, %get3A_45, %get3A_45, %get3A_45, %get3A_45, %get3A_45, %get3A_45, %get3A_45, %get3A_45, %get3A_45, %get3A_45, %get3A_45, %get3A_45, %get3A_45, %get3A_45, %get3A_45, %get3A_45, %get3A_45, %get3A_45 in 1 : vector<2000x32xf32>, vector<2000x32xf32>, vector<2000x32xf32>, vector<2000x32xf32>, vector<2000x32xf32>, vector<2000x32xf32>, vector<2000x32xf32>, vector<2000x32xf32>, vector<2000x32xf32>, vector<2000x32xf32>, vector<2000x32xf32>, vector<2000x32xf32>, vector<2000x32xf32>, vector<2000x32xf32>, vector<2000x32xf32>, vector<2000x32xf32>, vector<2000x32xf32>, vector<2000x32xf32>, vector<2000x32xf32>, vector<2000x32xf32>, vector<2000x32xf32>, vector<2000x32xf32>, vector<2000x32xf32>, vector<2000x32xf32>, vector<2000x32xf32>, vector<2000x32xf32>, vector<2000x32xf32>, vector<2000x32xf32>, vector<2000x32xf32>, vector<2000x32xf32>, vector<2000x32xf32>, vector<2000x32xf32> -> vector<2000x1024xf32>
    %mul3A_46 = arith.mulf %dot_general3A_42, %tile3A : vector<2000x1024xf32>
    %concatenate3A = tpu.concatenate %mul3A_46, %get3A_45 in 1 : vector<2000x1024xf32>, vector<2000x32xf32> -> vector<2000x1056xf32>
    %convert_element_type3A_47 = arith.truncf %concatenate3A : vector<2000x1056xf32> to vector<2000x1056xbf16>
    %get3A_48 = arith.constant 0 : index
    %get3A_49 = arith.constant 0 : index
    %get3A_50 = vector.load %arg8[%get3A_48, %get3A_49] : memref<1056x32xbf16, #tpu.memory_space<vmem>>, vector<1056x32xbf16>
    %dot_general3A_51 = arith.constant dense<0.000000e+00> : vector<2000x32xf32>
    %dot_general3A_52 = tpu.matmul %convert_element_type3A_47, %get3A_50, %dot_general3A_51 {dimension_numbers = #tpu.dot_dimension_numbers<[1], [0], [0], [1], [0, 0, 1, 1], [], []>, transpose_lhs_hint = false} : vector<2000x1056xbf16>, vector<1056x32xbf16>, vector<2000x32xf32> -> vector<2000x32xf32>
    %swap3A = arith.constant 0 : index
    %swap3A_53 = arith.constant 0 : index
    %swap3A_54 = vector.load %arg9[%swap3A, %swap3A_53] : memref<2000x32xf32, #tpu.memory_space<vmem>>, vector<2000x32xf32>
    tpu.vector_store %arg9[%swap3A, %swap3A_53], %dot_general3A_52 {strides = array<i32>} : memref<2000x32xf32, #tpu.memory_space<vmem>>, vector<2000x32xf32>,
    return
  }
  func.func @transform_0(%arg0: i32) -> (i32, i32) {
    %c0_i32 = arith.constant 0 : i32
    %c0_i32_0 = arith.constant 0 : i32
    return %arg0, %c0_i32 : i32, i32
  }
  func.func @transform_1(%arg0: i32) -> (i32, i32) {
    %c0_i32 = arith.constant 0 : i32
    %c0_i32_0 = arith.constant 0 : i32
    return %arg0, %c0_i32 : i32, i32
  }
  func.func @transform_2(%arg0: i32) -> (i32, i32) {
    %c0_i32 = arith.constant 0 : i32
    %c0_i32_0 = arith.constant 0 : i32
    %c0_i32_1 = arith.constant 0 : i32
    return %c0_i32, %c0_i32_0 : i32, i32
  }
  func.func @transform_3(%arg0: i32) -> (i32, i32) {
    %c0_i32 = arith.constant 0 : i32
    %c0_i32_0 = arith.constant 0 : i32
    %c0_i32_1 = arith.constant 0 : i32
    return %c0_i32, %c0_i32_0 : i32, i32
  }
  func.func @transform_4(%arg0: i32) -> (i32, i32) {
    %c0_i32 = arith.constant 0 : i32
    %c0_i32_0 = arith.constant 0 : i32
    %c0_i32_1 = arith.constant 0 : i32
    return %c0_i32, %c0_i32_0 : i32, i32
  }
  func.func @transform_5(%arg0: i32) -> (i32, i32) {
    %c0_i32 = arith.constant 0 : i32
    %c0_i32_0 = arith.constant 0 : i32
    %c0_i32_1 = arith.constant 0 : i32
    return %c0_i32, %c0_i32_0 : i32, i32
  }
  func.func @transform_6(%arg0: i32) -> (i32, i32) {
    %c0_i32 = arith.constant 0 : i32
    %c0_i32_0 = arith.constant 0 : i32
    %c0_i32_1 = arith.constant 0 : i32
    return %c0_i32, %c0_i32_0 : i32, i32
  }
  func.func @transform_7(%arg0: i32) -> (i32, i32) {
    %c0_i32 = arith.constant 0 : i32
    %c0_i32_0 = arith.constant 0 : i32
    %c0_i32_1 = arith.constant 0 : i32
    return %c0_i32, %c0_i32_0 : i32, i32
  }
  func.func @transform_8(%arg0: i32) -> (i32, i32) {
    %c0_i32 = arith.constant 0 : i32
    %c0_i32_0 = arith.constant 0 : i32
    return %arg0, %c0_i32 : i32, i32
  }
}

module attributes {stable_mosaic.version = 14 : i64} {
  func.func @body(%arg0: memref<20224x32xf32, #tpu.memory_space<vmem>>, %arg1: memref<20224x16xf32, #tpu.memory_space<vmem>>, %arg2: memref<10000x32xf32, #tpu.memory_space<vmem>>, %arg3: memref<1x32xf32, #tpu.memory_space<vmem>>, %arg4: memref<32x32xf32, #tpu.memory_space<vmem>>, %arg5: memref<32x32xf32, #tpu.memory_space<vmem>>, %arg6: memref<1x32xf32, #tpu.memory_space<vmem>>, %arg7: memref<10000x32xf32, #tpu.memory_space<vmem>>, %arg8: memref<10000x1xf32, #tpu.memory_space<vmem>>) attributes {dimension_semantics = [], scalar_prefetch = 0 : i64, scratch_operands = 0 : i64, tpu.core_type = #tpu.core_type<tc>} {
    %get3A = arith.constant 0 : index
    %get3A_0 = arith.constant 0 : index
    %get3A_1 = vector.load %arg0[%get3A, %get3A_0] : memref<20224x32xf32, #tpu.memory_space<vmem>>, vector<10000x32xf32>
    %get3A_2 = arith.constant 10112 : index
    %get3A_3 = arith.constant 0 : index
    %get3A_4 = vector.load %arg0[%get3A_2, %get3A_3] : memref<20224x32xf32, #tpu.memory_space<vmem>>, vector<10000x32xf32>
    %add3A = arith.addf %get3A_1, %get3A_4 : vector<10000x32xf32>
    %get3A_5 = arith.constant 0 : index
    %get3A_6 = arith.constant 0 : index
    %get3A_7 = vector.load %arg1[%get3A_5, %get3A_6] : memref<20224x16xf32, #tpu.memory_space<vmem>>, vector<10000x1xf32>
    %get3A_8 = arith.constant 10112 : index
    %get3A_9 = arith.constant 0 : index
    %get3A_10 = vector.load %arg1[%get3A_8, %get3A_9] : memref<20224x16xf32, #tpu.memory_space<vmem>>, vector<10000x1xf32>
    %add3A_11 = arith.addf %get3A_7, %get3A_10 : vector<10000x1xf32>
    %max3A = arith.constant 1.000000e+00 : f32
    %max3A_12 = vector.broadcast %max3A : f32 to vector<10000x1xf32>
    %max3A_13 = arith.maximumf %add3A_11, %max3A_12 : vector<10000x1xf32>
    %div3A = arith.constant 1.000000e+00 : f32
    %div3A_14 = vector.broadcast %div3A : f32 to vector<10000x1xf32>
    %div3A_15 = arith.divf %div3A_14, %max3A_13 : vector<10000x1xf32>
    %swap3A = arith.constant 0 : index
    %swap3A_16 = arith.constant 0 : index
    %swap3A_17 = vector.load %arg8[%swap3A, %swap3A_16] : memref<10000x1xf32, #tpu.memory_space<vmem>>, vector<10000x1xf32>
    tpu.vector_store %arg8[%swap3A, %swap3A_16], %div3A_15 {strides = array<i32>} : memref<10000x1xf32, #tpu.memory_space<vmem>>, vector<10000x1xf32>,
    %get3A_18 = arith.constant 0 : index
    %get3A_19 = arith.constant 0 : index
    %get3A_20 = vector.load %arg2[%get3A_18, %get3A_19] : memref<10000x32xf32, #tpu.memory_space<vmem>>, vector<10000x32xf32>
    %mul3A = vector.broadcast %div3A_15 : vector<10000x1xf32> to vector<10000x32xf32>
    %mul3A_21 = arith.mulf %add3A, %mul3A : vector<10000x32xf32>
    %add3A_22 = arith.addf %mul3A_21, %get3A_20 : vector<10000x32xf32>
    %get3A_23 = arith.constant 0 : index
    %get3A_24 = arith.constant 0 : index
    %get3A_25 = vector.load %arg3[%get3A_23, %get3A_24] : memref<1x32xf32, #tpu.memory_space<vmem>>, vector<1x32xf32>
    %add3A_26 = vector.broadcast %get3A_25 : vector<1x32xf32> to vector<10000x32xf32>
    %add3A_27 = arith.addf %add3A_22, %add3A_26 : vector<10000x32xf32>
    %max3A_28 = arith.constant 0.000000e+00 : f32
    %max3A_29 = vector.broadcast %max3A_28 : f32 to vector<10000x32xf32>
    %max3A_30 = arith.maximumf %add3A_27, %max3A_29 : vector<10000x32xf32>
    %get3A_31 = arith.constant 0 : index
    %get3A_32 = arith.constant 0 : index
    %get3A_33 = vector.load %arg4[%get3A_31, %get3A_32] : memref<32x32xf32, #tpu.memory_space<vmem>>, vector<32x32xf32>
    %dot_general3A = arith.constant dense<0.000000e+00> : vector<10000x32xf32>
    %dot_general3A_34 = tpu.matmul %max3A_30, %get3A_33, %dot_general3A {dimension_numbers = #tpu.dot_dimension_numbers<[1], [0], [0], [1], [0, 0, 1, 1], [], []>, transpose_lhs_hint = false} : vector<10000x32xf32>, vector<32x32xf32>, vector<10000x32xf32> -> vector<10000x32xf32>
    %get3A_35 = arith.constant 0 : index
    %get3A_36 = arith.constant 0 : index
    %get3A_37 = vector.load %arg5[%get3A_35, %get3A_36] : memref<32x32xf32, #tpu.memory_space<vmem>>, vector<32x32xf32>
    %dot_general3A_38 = arith.constant dense<0.000000e+00> : vector<10000x32xf32>
    %dot_general3A_39 = tpu.matmul %get3A_20, %get3A_37, %dot_general3A_38 {dimension_numbers = #tpu.dot_dimension_numbers<[1], [0], [0], [1], [0, 0, 1, 1], [], []>, transpose_lhs_hint = false} : vector<10000x32xf32>, vector<32x32xf32>, vector<10000x32xf32> -> vector<10000x32xf32>
    %add3A_40 = arith.addf %dot_general3A_34, %dot_general3A_39 : vector<10000x32xf32>
    %get3A_41 = arith.constant 0 : index
    %get3A_42 = arith.constant 0 : index
    %get3A_43 = vector.load %arg6[%get3A_41, %get3A_42] : memref<1x32xf32, #tpu.memory_space<vmem>>, vector<1x32xf32>
    %add3A_44 = vector.broadcast %get3A_43 : vector<1x32xf32> to vector<10000x32xf32>
    %add3A_45 = arith.addf %add3A_40, %add3A_44 : vector<10000x32xf32>
    %swap3A_46 = arith.constant 0 : index
    %swap3A_47 = arith.constant 0 : index
    %swap3A_48 = vector.load %arg7[%swap3A_46, %swap3A_47] : memref<10000x32xf32, #tpu.memory_space<vmem>>, vector<10000x32xf32>
    tpu.vector_store %arg7[%swap3A_46, %swap3A_47], %add3A_45 {strides = array<i32>} : memref<10000x32xf32, #tpu.memory_space<vmem>>, vector<10000x32xf32>,
    return
  }
}

module attributes {stable_mosaic.version = 14 : i64} {
  func.func @body(%arg0: memref<20224x32xf32, #tpu.memory_space<vmem>>, %arg1: memref<10000x1xf32, #tpu.memory_space<vmem>>, %arg2: memref<10000x32xf32, #tpu.memory_space<vmem>>, %arg3: memref<1x32xf32, #tpu.memory_space<vmem>>, %arg4: memref<32x32xf32, #tpu.memory_space<vmem>>, %arg5: memref<32x32xf32, #tpu.memory_space<vmem>>, %arg6: memref<1x32xf32, #tpu.memory_space<vmem>>, %arg7: memref<10000x32xf32, #tpu.memory_space<vmem>>) attributes {dimension_semantics = [], scalar_prefetch = 0 : i64, scratch_operands = 0 : i64, tpu.core_type = #tpu.core_type<tc>} {
    %get3A = arith.constant 0 : index
    %get3A_0 = arith.constant 0 : index
    %get3A_1 = vector.load %arg0[%get3A, %get3A_0] : memref<20224x32xf32, #tpu.memory_space<vmem>>, vector<10000x32xf32>
    %get3A_2 = arith.constant 10112 : index
    %get3A_3 = arith.constant 0 : index
    %get3A_4 = vector.load %arg0[%get3A_2, %get3A_3] : memref<20224x32xf32, #tpu.memory_space<vmem>>, vector<10000x32xf32>
    %add3A = arith.addf %get3A_1, %get3A_4 : vector<10000x32xf32>
    %get3A_5 = arith.constant 0 : index
    %get3A_6 = arith.constant 0 : index
    %get3A_7 = vector.load %arg2[%get3A_5, %get3A_6] : memref<10000x32xf32, #tpu.memory_space<vmem>>, vector<10000x32xf32>
    %get3A_8 = arith.constant 0 : index
    %get3A_9 = arith.constant 0 : index
    %get3A_10 = vector.load %arg1[%get3A_8, %get3A_9] : memref<10000x1xf32, #tpu.memory_space<vmem>>, vector<10000x1xf32>
    %mul3A = vector.broadcast %get3A_10 : vector<10000x1xf32> to vector<10000x32xf32>
    %mul3A_11 = arith.mulf %add3A, %mul3A : vector<10000x32xf32>
    %add3A_12 = arith.addf %mul3A_11, %get3A_7 : vector<10000x32xf32>
    %get3A_13 = arith.constant 0 : index
    %get3A_14 = arith.constant 0 : index
    %get3A_15 = vector.load %arg3[%get3A_13, %get3A_14] : memref<1x32xf32, #tpu.memory_space<vmem>>, vector<1x32xf32>
    %add3A_16 = vector.broadcast %get3A_15 : vector<1x32xf32> to vector<10000x32xf32>
    %add3A_17 = arith.addf %add3A_12, %add3A_16 : vector<10000x32xf32>
    %max3A = arith.constant 0.000000e+00 : f32
    %max3A_18 = vector.broadcast %max3A : f32 to vector<10000x32xf32>
    %max3A_19 = arith.maximumf %add3A_17, %max3A_18 : vector<10000x32xf32>
    %get3A_20 = arith.constant 0 : index
    %get3A_21 = arith.constant 0 : index
    %get3A_22 = vector.load %arg4[%get3A_20, %get3A_21] : memref<32x32xf32, #tpu.memory_space<vmem>>, vector<32x32xf32>
    %dot_general3A = arith.constant dense<0.000000e+00> : vector<10000x32xf32>
    %dot_general3A_23 = tpu.matmul %max3A_19, %get3A_22, %dot_general3A {dimension_numbers = #tpu.dot_dimension_numbers<[1], [0], [0], [1], [0, 0, 1, 1], [], []>, transpose_lhs_hint = false} : vector<10000x32xf32>, vector<32x32xf32>, vector<10000x32xf32> -> vector<10000x32xf32>
    %get3A_24 = arith.constant 0 : index
    %get3A_25 = arith.constant 0 : index
    %get3A_26 = vector.load %arg5[%get3A_24, %get3A_25] : memref<32x32xf32, #tpu.memory_space<vmem>>, vector<32x32xf32>
    %dot_general3A_27 = arith.constant dense<0.000000e+00> : vector<10000x32xf32>
    %dot_general3A_28 = tpu.matmul %get3A_7, %get3A_26, %dot_general3A_27 {dimension_numbers = #tpu.dot_dimension_numbers<[1], [0], [0], [1], [0, 0, 1, 1], [], []>, transpose_lhs_hint = false} : vector<10000x32xf32>, vector<32x32xf32>, vector<10000x32xf32> -> vector<10000x32xf32>
    %add3A_29 = arith.addf %dot_general3A_23, %dot_general3A_28 : vector<10000x32xf32>
    %get3A_30 = arith.constant 0 : index
    %get3A_31 = arith.constant 0 : index
    %get3A_32 = vector.load %arg6[%get3A_30, %get3A_31] : memref<1x32xf32, #tpu.memory_space<vmem>>, vector<1x32xf32>
    %add3A_33 = vector.broadcast %get3A_32 : vector<1x32xf32> to vector<10000x32xf32>
    %add3A_34 = arith.addf %add3A_29, %add3A_33 : vector<10000x32xf32>
    %swap3A = arith.constant 0 : index
    %swap3A_35 = arith.constant 0 : index
    %swap3A_36 = vector.load %arg7[%swap3A, %swap3A_35] : memref<10000x32xf32, #tpu.memory_space<vmem>>, vector<10000x32xf32>
    tpu.vector_store %arg7[%swap3A, %swap3A_35], %add3A_34 {strides = array<i32>} : memref<10000x32xf32, #tpu.memory_space<vmem>>, vector<10000x32xf32>,
    return
  }
}

module attributes {stable_mosaic.version = 14 : i64} {
  func.func @body(%arg0: memref<20224x32xf32, #tpu.memory_space<vmem>>, %arg1: memref<10000x1xf32, #tpu.memory_space<vmem>>, %arg2: memref<10000x32xf32, #tpu.memory_space<vmem>>, %arg3: memref<10000x32xf32, #tpu.memory_space<vmem>>, %arg4: memref<32x32xf32, #tpu.memory_space<vmem>>, %arg5: memref<32x32xf32, #tpu.memory_space<vmem>>, %arg6: memref<1x32xf32, #tpu.memory_space<vmem>>, %arg7: memref<10000x32xf32, #tpu.memory_space<vmem>>) attributes {dimension_semantics = [], scalar_prefetch = 0 : i64, scratch_operands = 0 : i64, tpu.core_type = #tpu.core_type<tc>} {
    %get3A = arith.constant 0 : index
    %get3A_0 = arith.constant 0 : index
    %get3A_1 = vector.load %arg0[%get3A, %get3A_0] : memref<20224x32xf32, #tpu.memory_space<vmem>>, vector<10000x32xf32>
    %get3A_2 = arith.constant 10112 : index
    %get3A_3 = arith.constant 0 : index
    %get3A_4 = vector.load %arg0[%get3A_2, %get3A_3] : memref<20224x32xf32, #tpu.memory_space<vmem>>, vector<10000x32xf32>
    %add3A = arith.addf %get3A_1, %get3A_4 : vector<10000x32xf32>
    %get3A_5 = arith.constant 0 : index
    %get3A_6 = arith.constant 0 : index
    %get3A_7 = vector.load %arg1[%get3A_5, %get3A_6] : memref<10000x1xf32, #tpu.memory_space<vmem>>, vector<10000x1xf32>
    %mul3A = vector.broadcast %get3A_7 : vector<10000x1xf32> to vector<10000x32xf32>
    %mul3A_8 = arith.mulf %add3A, %mul3A : vector<10000x32xf32>
    %get3A_9 = arith.constant 0 : index
    %get3A_10 = arith.constant 0 : index
    %get3A_11 = vector.load %arg2[%get3A_9, %get3A_10] : memref<10000x32xf32, #tpu.memory_space<vmem>>, vector<10000x32xf32>
    %get3A_12 = arith.constant 0 : index
    %get3A_13 = arith.constant 0 : index
    %get3A_14 = vector.load %arg4[%get3A_12, %get3A_13] : memref<32x32xf32, #tpu.memory_space<vmem>>, vector<32x32xf32>
    %dot_general3A = arith.constant dense<0.000000e+00> : vector<10000x32xf32>
    %dot_general3A_15 = tpu.matmul %get3A_11, %get3A_14, %dot_general3A {dimension_numbers = #tpu.dot_dimension_numbers<[1], [0], [0], [1], [0, 0, 1, 1], [], []>, transpose_lhs_hint = false} : vector<10000x32xf32>, vector<32x32xf32>, vector<10000x32xf32> -> vector<10000x32xf32>
    %get3A_16 = arith.constant 0 : index
    %get3A_17 = arith.constant 0 : index
    %get3A_18 = vector.load %arg5[%get3A_16, %get3A_17] : memref<32x32xf32, #tpu.memory_space<vmem>>, vector<32x32xf32>
    %dot_general3A_19 = arith.constant dense<0.000000e+00> : vector<10000x32xf32>
    %dot_general3A_20 = tpu.matmul %mul3A_8, %get3A_18, %dot_general3A_19 {dimension_numbers = #tpu.dot_dimension_numbers<[1], [0], [0], [1], [0, 0, 1, 1], [], []>, transpose_lhs_hint = false} : vector<10000x32xf32>, vector<32x32xf32>, vector<10000x32xf32> -> vector<10000x32xf32>
    %add3A_21 = arith.addf %dot_general3A_15, %dot_general3A_20 : vector<10000x32xf32>
    %get3A_22 = arith.constant 0 : index
    %get3A_23 = arith.constant 0 : index
    %get3A_24 = vector.load %arg6[%get3A_22, %get3A_23] : memref<1x32xf32, #tpu.memory_space<vmem>>, vector<1x32xf32>
    %add3A_25 = vector.broadcast %get3A_24 : vector<1x32xf32> to vector<10000x32xf32>
    %add3A_26 = arith.addf %add3A_21, %add3A_25 : vector<10000x32xf32>
    %get3A_27 = arith.constant 0 : index
    %get3A_28 = arith.constant 0 : index
    %get3A_29 = vector.load %arg3[%get3A_27, %get3A_28] : memref<10000x32xf32, #tpu.memory_space<vmem>>, vector<10000x32xf32>
    %add3A_30 = arith.addf %add3A_26, %get3A_29 : vector<10000x32xf32>
    %swap3A = arith.constant 0 : index
    %swap3A_31 = arith.constant 0 : index
    %swap3A_32 = vector.load %arg7[%swap3A, %swap3A_31] : memref<10000x32xf32, #tpu.memory_space<vmem>>, vector<10000x32xf32>
    tpu.vector_store %arg7[%swap3A, %swap3A_31], %add3A_30 {strides = array<i32>} : memref<10000x32xf32, #tpu.memory_space<vmem>>, vector<10000x32xf32>,
    return
  }
}

</mosaic_0001>

<sc_bundles>
// kernel: kernel.13.cloned.1.call-start
scs
__scs_entry_jumppad:
0x0: {  	(pc) =	sbr.rel $0x88, $3  }
0x1: {  	(tag) =	ssettag $0x0;
	lr =	simm.s32 $0x1  }
0x2: {  	[smem:$0x3F91] =	sst lr;
	_ =	strace $0xD0000000  }
0x3: {  	_ = 	snop  }
0x4: {  	_ = 	snop  }
0x5: {  	_ = 	snop  }
0x6: {  	_ = 	snop  }
0x7: {  	_ = 	snop  }
__scs_overlays_trampoline_lowered:
0x8: {  	[smem:$0x3FA0] =	sst s0  }
0x9: {  	[smem:$0x3FA1] =	sst s1  }
0xa: {  	[smem:$0x3FA2] =	sst s2  }
0xb: {  	[smem:$0x3FA3] =	sst s3  }
0xc: {  	[smem:$0x3FA4] =	sst s4  }
0xd: {  	[smem:$0x3FA5] =	sst s5  }
0xe: {  	[smem:$0x3FA6] =	sst s6  }
0xf: {  	[smem:$0x3FA7] =	sst s7  }
0x10: {  	[smem:$0x3FA8] =	sst s8  }
0x11: {  	[smem:$0x3FA9] =	sst s9;
	s0 =	simm.s32 @!p0 $0x0  }
0x12: {  	s1 =	sld [smem:$0x3F8F];
	s0 =	simm.s32 @p0 $0x1  }
0x13: {  	[smem:$0x3FAA] =	sst s0;
	s0 =	simm.s32 @!p1 $0x0  }
0x14: {  	s2 =	sld [smem:$0x3F8E];
	s0 =	simm.s32 @p1 $0x1  }
0x15: {  	[smem:$0x3FAB] =	sst s0;
	s0 =	simm.s32 @!p2 $0x0  }
0x16: {  	s3 =	sld [smem:$0x3FDB];
	s0 =	simm.s32 @p2 $0x1  }
0x17: {  	s4 =	simm.s32 $0x1BF5;
	[smem:$0x3FAD] =	sst s0  }
0x18: {  	s0 =	sld [smem:$0x3F90];
	_ =	swait.ge [sflag:s4], $0x0  }
0x19: {  	s7 =	sld [smem:$0x3F91]  }
0x1a: {  	s8 =	sadd.s32 $0xFFFFE003, lr  }
0x1b: {  	s9 =	sadd.s32 $0xFFFFFEF7, lr;
	s5 =	simm.s32 $0xFFFFFFFF;
	p2 =	slt.u32 s8, $0xFFFFF086  }
0x1c: {  	p1 =	slt.u32 s9, $0xF7A;
	s5 =	simm.s32 @!p2 $0x0  }
0x1d: {  	s5 =	simm.s32 @p1 $0x1;
	p0 =	seq.s32 s7, s2  }
0x1e: {  	s7 =	smul.u32 @!p0 $0xF7A, s2;
	p2 =	seq.s32 @!p0 s5, $0x0  }
0x1f: {  	s9 =	smul.u32 $0xF7A, s1;
	s8 =	simm.s32 @!p0 $0x1BF5;
	p2 =	por !p2, p0  }
0x20: {  	[sflag:s8] =	ssyncset.s32 @!p0 $0xFFFFF086;
	s6 =	sadd.s32 @!p0 s3, s7;
	s7 =	simm.s32 @!p0 $0x108  }
0x21: {  	s3 =	sadd.s32 s3, s9;
	s6 =	sadd.s32 @!p0 $0x88, s6;
	s7 =	simm.s32 @p2 $0x1082  }
0x22: {  	[simem:s7], [sflag:s8] =	dma.local @!p0 [hbm:s6], $0xF7A  }
0x23: {  	s9 =	sor.u32 $0xD0000000, s2;
	s6 =	simm.s32 $0x108;
	_ =	swait.ge @!p0 [sflag:s8], $0x0  }
0x24: {  	s3 =	sadd.s32 $0x88, s3;
	s6 =	simm.s32 @!p1 $0x1082;
	[sflag:s4] =	ssyncset.s32 $0xFFFFF086  }
0x25: {  	[simem:s6], [sflag:s4] =	dma.local [hbm:s3], $0xF7A  }
0x26: {  	[smem:$0x3F91] =	sst s1;
	(tag) =	ssettag s2;
	_ =	strace s9  }
0x27: {  	s1 =	sld [smem:$0x3FA1]  }
0x28: {  	s2 =	sld [smem:$0x3FA2]  }
0x29: {  	s4 =	sld [smem:$0x3FA4]  }
0x2a: {  	p0 =	seq.s32 s5, $0x0;
	s5 =	sld [smem:$0x3FA5]  }
0x2b: {  	s6 =	sld [smem:$0x3FA6]  }
0x2c: {  	s7 =	sld [smem:$0x3FA7]  }
0x2d: {  	s3 =	simm.s32 $0x108;
	s8 =	sld [smem:$0x3FA8]  }
0x2e: {  	s3 =	simm.s32 @!p0 $0x1082;
	s9 =	sld [smem:$0x3FA9]  }
0x2f: {  	lr =	sadd.s32 s0, s3;
	s0 =	sld [smem:$0x3FA0]  }
0x30: {  	s3 =	sld [smem:$0x3FA3]  }
0x31: {  	[smem:$0x3FAC] =	sst s10  }
0x32: {  	s10 =	sld [smem:$0x3FAA];
	_ =	sdelay $0x3  }
0x33: {  	p0 =	seq.s32 s10, $0x1;
	s10 =	sld [smem:$0x3FAC];
	_ =	sdelay $0x3  }
0x34: {  	[smem:$0x3FAC] =	sst s10  }
0x35: {  	s10 =	sld [smem:$0x3FAB];
	_ =	sdelay $0x3  }
0x36: {  	p1 =	seq.s32 s10, $0x1;
	s10 =	sld [smem:$0x3FAC];
	_ =	sdelay $0x3  }
0x37: {  	[smem:$0x3FAC] =	sst s10  }
0x38: {  	s10 =	sld [smem:$0x3FAD]  }
0x39: {  	_ = 	snop;
	(pc) =	sbr.ind lr, $3  }
0x3a: {  	_ = 	snop  }
0x3b: {  	_ = 	snop  }
0x3c: {  	p2 =	seq.s32 s10, $0x1;
	s10 =	sld [smem:$0x3FAC]  }
0x3d: {  	_ =	shalt  }
0x3e: {  	_ =	shalt  }
0x3f: {  	_ =	shalt  }
0x40: {  	_ =	shalt  }
0x41: {  	_ =	shalt  }
0x42: {  	_ =	shalt  }
0x43: {  	_ =	shalt  }
0x44: {  	_ =	shalt  }
0x45: {  	_ =	shalt  }
0x46: {  	_ =	shalt  }
0x47: {  	_ =	shalt  }
0x48: {  	_ =	shalt  }
0x49: {  	_ =	shalt  }
0x4a: {  	_ =	shalt  }
0x4b: {  	_ =	shalt  }
0x4c: {  	_ =	shalt  }
0x4d: {  	_ =	shalt  }
0x4e: {  	_ =	shalt  }
0x4f: {  	_ =	shalt  }
0x50: {  	_ =	shalt  }
0x51: {  	_ =	shalt  }
0x52: {  	_ =	shalt  }
0x53: {  	_ =	shalt  }
0x54: {  	_ =	shalt  }
0x55: {  	_ =	shalt  }
0x56: {  	_ =	shalt  }
0x57: {  	_ =	shalt  }
0x58: {  	_ =	shalt  }
0x59: {  	_ =	shalt  }
0x5a: {  	_ =	shalt  }
0x5b: {  	_ =	shalt  }
0x5c: {  	_ =	shalt  }
0x5d: {  	_ =	shalt  }
0x5e: {  	_ =	shalt  }
0x5f: {  	_ =	shalt  }
0x60: {  	_ =	shalt  }
0x61: {  	_ =	shalt  }
0x62: {  	_ =	shalt  }
0x63: {  	_ =	shalt  }
0x64: {  	_ =	shalt  }
0x65: {  	_ =	shalt  }
0x66: {  	_ =	shalt  }
0x67: {  	_ =	shalt  }
0x68: {  	_ =	shalt  }
0x69: {  	_ =	shalt  }
0x6a: {  	_ =	shalt  }
0x6b: {  	_ =	shalt  }
0x6c: {  	_ =	shalt  }
0x6d: {  	_ =	shalt  }
0x6e: {  	_ =	shalt  }
0x6f: {  	_ =	shalt  }
0x70: {  	_ =	shalt  }
0x71: {  	_ =	shalt  }
0x72: {  	_ =	shalt  }
0x73: {  	_ =	shalt  }
0x74: {  	_ =	shalt  }
0x75: {  	_ =	shalt  }
0x76: {  	_ =	shalt  }
0x77: {  	_ =	shalt  }
0x78: {  	_ =	shalt  }
0x79: {  	_ =	shalt  }
0x7a: {  	_ =	shalt  }
0x7b: {  	_ =	shalt  }
0x7c: {  	_ =	shalt  }
0x7d: {  	_ =	shalt  }
0x7e: {  	_ =	shalt  }
0x7f: {  	_ =	shalt  }
0x80: {  	_ =	shalt  }
0x81: {  	_ =	shalt  }
0x82: {  	_ =	shalt  }
0x83: {  	_ =	shalt  }
0x84: {  	_ =	shalt  }
0x85: {  	_ =	shalt  }
0x86: {  	_ =	shalt  }
0x87: {  	_ =	shalt  }
.Lfunc_end0:
.L_simem_size_0:
called_computation_lowered:
.L_overlay_start_0:
0x88: {  	s2 =	sld [smem:$0x3FD9]  }
0x89: {  	s3 =	sld [smem:$0x3FFE];
	_ =	sdelay $0x1  }
0x8a: {  	s1 =	srdreg.scid  }
0x8b: {  	s0 =	sand.u32 $0x1, s1  }
0x8c: {  	s17 =	sshll.u32 s0, $0xA;
	s2 =	sadd.s32 s3, s2  }
0x8d: {  	s2 =	sadd.s32 s2, s17  }
0x8e: {  	[smem:$0x3FB8] =	sst s2  }
0x8f: {  	_ = 	snop  }
0x90: {  	s2 =	sld [smem:$0x3FD0];
	(tm) =	ssettm $0x1  }
0x91: {  	s18 =	sld [smem:$0x3FFB];
	_ =	sdelay $0x3  }
0x92: {  	_ =	strace s18  }
0x93: {  	s3 =	sld [smem:$0x3FFC];
	_ =	sdelay $0x3  }
0x94: {  	_ =	strace s3  }
0x95: {  	s3 =	sld [smem:$0x3FFD];
	_ =	sdelay $0x3  }
0x96: {  	_ =	strace s3  }
0x97: {  	_ =	strace $0x8FFFFFFF  }
0x98: {  	s19 =	sld [smem:$0x3FDB];
	_ =	sdelay $0x1  }
0x99: {  	s4 =	simm.s32 $_scs_section_size  }
0x9a: {  	s5 =	simm.s32 $_size__tile_overlayer_lowered;
	s6 =	simm.s32 $_tile_overlayer_lowered  }
0x9b: {  	s22 =	simm.s32 $0x1BFF;
	s21 =	sshll.u32 s6, $0x1;
	s3 =	sadd.s32 s4, s19  }
0x9c: {  	s7 =	simm.s32 $0x0;
	s20 =	sshll.u32 s5, $0x1;
	s5 =	sadd.s32 s21, s3  }
0x9d: {  	[timem:s7], [sflag:s22] =	dma.local [hbm:s5], s20  }
0x9e: {  	_ =	swait.ge [sflag:s22], s20  }
0x9f: {  	s4 =	ssub.s32 $0x0, s20;
	[sflag:s22] =	ssyncset.done $0x0  }
0xa0: {  	[sflag:s22] =	ssyncadd.s32 s4;
	_ =	sdelay $0x1  }
0xa1: {  	s23 =	simm.s32 $0x1B8B  }
0xa2: {  	_ =	swait.ge [sflag:s23], $0x1  }
0xa3: {  	[sflag:s23] =	ssyncset.done $0x0  }
0xa4: {  	s25 =	simm.s32 $0x1B8E;
	s24 =	sld [smem:$0x3FFE];
	[sflag:s23] =	ssyncadd.s32 $0xFFFFFFFF  }
0xa5: {  	s26 =	simm.s32 $execute0_lowered;
	[smem:$0x3FD2] =	sst s25  }
0xa6: {  	s5 =	sshll.u32 s26, $0x1;
	_ =	strace $0x80000046;
	[dreg:$0x1] =	wrdreg $0xFFFFFFFF  }
0xa7: {  	s28 =	simm.s32 $_size_execute0_lowered;
	s3 =	sadd.s32 s3, s5;
	[dreg:$0x0] =	wrdreg $0x0  }
0xa8: {  	s5 =	sshll.u32 s28, $0x1;
	[dreg:$0x2] =	wrdreg s3  }
0xa9: {  	[dreg:$0x3] =	wrdreg s5  }
0xaa: {  	[dreg:$0x4] =	wrdreg $0xC0  }
0xab: {  	_ =	task [dreg:s7], $0x5FFFF  }
0xac: {  	[dreg:$0x1] =	wrdreg $0xFFFFFFFF  }
0xad: {  	[dreg:$0x0] =	wrdreg $0x60  }
0xae: {  	[dreg:$0x2] =	wrdreg s2  }
0xaf: {  	[dreg:$0x3] =	wrdreg s24  }
0xb0: {  	[dreg:$0x4] =	wrdreg $0x9  }
0xb1: {  	_ =	task.clear_ibuf [dreg:s7], $0x5FFFF;
	_ =	strace $0x90000046  }
0xb2: {  	s29 =	simm.s32 $0x9;
	_ =	strace $0x80000048  }
0xb3: {  	_ =	swait.ge [sflag:s29], $0x1  }
0xb4: {  	[sflag:s29] =	ssyncadd.s32 $0xFFFFFFFF  }
0xb5: {  	_ =	strace $0x90000048  }
0xb6: {  	_ =	sfence  }
0xb7: {  	s30 =	sld [smem:$0x0];
	_ =	sdelay $0x2  }
0xb8: {  	s31 =	sshll.u32 s1, $0xD;
	s1 =	sshrl.u32 s1, $0x2  }
0xb9: {  	s3 =	sand.u32 $0x4000, s31;
	s1 =	sadd.s32 s1, s30  }
0xba: {  	s0 =	sor.u32 s3, s0;
	s1 =	sshll.u32 s1, $0x11  }
0xbb: {  	s0 =	sor.u32 s1, s0  }
0xbc: {  	s0 =	sadd.s32 $0x8F2B, s0  }
0xbd: {  	[sflag:s0] =	ssyncadd.remote.s32 $0x1  }
0xbe: {  	_ =	sfence.sel $0xFFFF  }
0xbf: {  	[dreg:$0x0] =	wrdreg $0xFFFFFFFF;
	(pc) =	sbr.abs _section_cstart, $3  }
0xc0: {  	[dreg:$0x1] =	wrdreg $0xFFFFFFFF  }
0xc1: {  	_ =	task.clear_ibuf [dreg:s7], $0x2FFFF;
	_ =	strace $0x9FFFFFFF  }
0xc2: {  	(tm) =	ssettm $0x7FFFFFFF  }
0xc3: {  	_ =	shalt  }
tec
execute0_lowered:
.L_overlay_start_1:
0x0: {  	(tag) =	ssettag $0x1  }
0x1: {  	s1 =	srdreg.scid;
	s0 =	stileid.u32  }
0x2: {  	s18 =	sand.u32 $0x1, s1;
	s30 =	sshll.u32 s0, $0x1  }
0x3: {  	s12 =	sor.u32 s18, s30  }
0x4: {  	s2 =	rddreg [dreg:$0x0];
	s4 =	smul.u32 $0x271, s12  }
0x5: {  	s10 =	rddreg [dreg:$0x1];
	s3 =	simm.s32 $0x0  }
0x6: {  	s5 =	simm.s32 $0x3;
	[smem:$0x7FF] =	sst s3;
	s4 =	sadd.s32 s4, s10  }
0x7: {  	s1 =	rddreg [dreg:$0x2];
	_ =	strace $0x80000047;
	s4 =	sadd.s32 $0xB600, s4  }
0x8: {  	[tilespmem:s3], [sflag:$0x3] =	stream.linear.gather [hbm4b:s4+s3], $0x1388, $0x38;
	[tilespmem:$0x10D88] =	vst v63  }
0x9: {  	_ =	swait.ge [sflag:s5], $0x1388  }
0xa: {  	[sflag:s5] =	ssyncset.done $0x0  }
0xb: {  	s6 =	simm.s32 $0x3E8;
	s7 =	simm.s32 $0x1388;
	[sflag:s5] =	ssyncadd.s32 $0xFFFFEC78  }
0xc: {  	[tilespmem:s7], [sflag:$0x1] =	stream.indirect.gather [hbm4b:s2+s6], $0x20, s3, s6, $0xb8;
	[tilespmem:$0x10D88] =	vst v63  }
0xd: {  	s8 =	simm.s32 $0x9088;
	s9 =	simm.s32 $0x1  }
0xe: {  	[tilespmem:s8], [sflag:$0x1] =	stream.indirect.gather [hbm4b:s2+s6], $0x20, s6, s6, $0xb8;
	[tilespmem:$0x10D88] =	vst v63  }
0xf: {  	s11 =	smul.u32 $0x4E20, s12;
	_ =	swait.ge [sflag:s9], $0x7D00  }
0x10: {  	s13 =	sadd.s32 $0x5EA00, s10;
	[sflag:s9] =	ssyncset.done $0x0  }
0x11: {  	s11 =	sadd.s32 s13, s11;
	s10 =	simm.s32 $0x2;
	[sflag:s9] =	ssyncadd.s32 $0xFFFF8300  }
0x12: {  	[hbm4b:s11+s3] =	stream.linear.scatter [tilespmem:s7], [sflag:$0x2], $0x7D00, $0x38;
	[tilespmem:$0x10D88] =	vst v63  }
0x13: {  	_ =	swait.ge [sflag:s10], $0x7D00  }
0x14: {  	[sflag:s10] =	ssyncset.done $0x0  }
0x15: {  	s14 =	smul.u32 $0x27100, s12;
	s12 =	simm.s32 $0x7D0;
	[sflag:s10] =	ssyncadd.s32 $0xFFFF8300  }
0x16: {  	[tilespmem:s7], [sflag:$0x1] =	stream.indirect.gather [hbm4b:s2+s6], $0x20, s12, s6, $0xb8;
	[tilespmem:$0x10D88] =	vst v63  }
0x17: {  	s14 =	sshrl.u32 s14, $0x3;
	_ =	swait.ge [sflag:s9], $0x7D00  }
0x18: {  	s19 =	sadd.s32 s13, s14;
	[sflag:s9] =	ssyncset.done $0x0  }
0x19: {  	s13 =	sadd.s32 $0xFA0, s19;
	[sflag:s9] =	ssyncadd.s32 $0xFFFF8300  }
0x1a: {  	[hbm4b:s13+s3] =	stream.linear.scatter [tilespmem:s8], [sflag:$0x2], $0x7D00, $0x38;
	[tilespmem:$0x10D88] =	vst v63  }
0x1b: {  	_ =	swait.ge [sflag:s10], $0x7D00  }
0x1c: {  	[sflag:s10] =	ssyncset.done $0x0  }
0x1d: {  	s14 =	simm.s32 $0xBB8;
	[sflag:s10] =	ssyncadd.s32 $0xFFFF8300  }
0x1e: {  	[tilespmem:s8], [sflag:$0x1] =	stream.indirect.gather [hbm4b:s2+s6], $0x20, s14, s6, $0xb8;
	[tilespmem:$0x10D88] =	vst v63  }
0x1f: {  	_ =	swait.ge [sflag:s9], $0x7D00  }
0x20: {  	[sflag:s9] =	ssyncset.done $0x0  }
0x21: {  	s15 =	sadd.s32 $0x1F40, s19;
	[sflag:s9] =	ssyncadd.s32 $0xFFFF8300  }
0x22: {  	[hbm4b:s15+s3] =	stream.linear.scatter [tilespmem:s7], [sflag:$0x2], $0x7D00, $0x38;
	[tilespmem:$0x10D88] =	vst v63  }
0x23: {  	_ =	swait.ge [sflag:s10], $0x7D00  }
0x24: {  	[sflag:s10] =	ssyncset.done $0x0  }
0x25: {  	s16 =	simm.s32 $0xFA0;
	[sflag:s10] =	ssyncadd.s32 $0xFFFF8300  }
0x26: {  	[tilespmem:s7], [sflag:$0x1] =	stream.indirect.gather [hbm4b:s2+s6], $0x20, s16, s6, $0xb8;
	[tilespmem:$0x10D88] =	vst v63  }
0x27: {  	_ =	swait.ge [sflag:s9], $0x7D00  }
0x28: {  	s20 =	ssub.s32 $0x2, s18;
	[sflag:s9] =	ssyncset.done $0x0  }
0x29: {  	s31 =	sshrl.u32 s20, $0x1;
	s17 =	sadd.s32 $0x2EE0, s19;
	[sflag:s9] =	ssyncadd.s32 $0xFFFF8300  }
0x2a: {  	[hbm4b:s17+s3] =	stream.linear.scatter [tilespmem:s8], [sflag:$0x2], $0x7D00, $0x38;
	[tilespmem:$0x10D88] =	vst v63  }
0x2b: {  	s18 =	sadd.s32 $0x3E80, s19;
	s19 =	ssub.s32 s20, s31;
	_ =	swait.ge [sflag:s9], $0x7D00  }
0x2c: {  	s19 =	smax.u32 s19, $0x1;
	[sflag:s9] =	ssyncset.done $0x0  }
0x2d: {  	p0 =	sne.s32 s19, $0x1;
	[sflag:s9] =	ssyncadd.s32 $0xFFFF8300  }
0x2e: {  	[hbm4b:s18+s3] =	stream.linear.scatter [tilespmem:s7], [sflag:$0x2], $0x7D00, $0x38;
	[tilespmem:$0x10D88] =	vst v63  }
.Ltmp0:
0x2f: {  	_ =	swait.ge [sflag:s10], $0x7D00;
	(pc) =	sbr.rel @!p0 .LBB2_2-.Ltmp0, $4  }
0x30: {  	[sflag:s10] =	ssyncset.done $0x0  }
0x31: {  	[sflag:s10] =	ssyncadd.s32 $0xFFFF8300  }
0x32: {  	_ =	swait.ge [sflag:s10], $0x7D00  }
0x33: {  	s19 =	sadd.s32 $0xFFFFFFFF, s19;
	[sflag:s10] =	ssyncset.done $0x0  }
.LBB2_1:
0x34: {  	p0 =	sne.s32 s19, $0x1;
	s19 =	sadd.s32 $0xFFFFFFFF, s19;
	[sflag:s10] =	ssyncadd.s32 $0xFFFF8300  }
0x35: {  	[tilespmem:s3], [sflag:$0x3] =	stream.linear.gather [hbm4b:s4+s3], $0x1388, $0x38;
	[tilespmem:$0x10D88] =	vst v63  }
0x36: {  	_ =	swait.ge [sflag:s5], $0x1388  }
0x37: {  	[sflag:s5] =	ssyncset.done $0x0  }
0x38: {  	[sflag:s5] =	ssyncadd.s32 $0xFFFFEC78  }
0x39: {  	[tilespmem:s7], [sflag:$0x1] =	stream.indirect.gather [hbm4b:s2+s6], $0x20, s3, s6, $0xb8;
	[tilespmem:$0x10D88] =	vst v63  }
0x3a: {  	_ = 	snop  }
0x3b: {  	[tilespmem:s8], [sflag:$0x1] =	stream.indirect.gather [hbm4b:s2+s6], $0x20, s6, s6, $0xb8;
	[tilespmem:$0x10D88] =	vst v63  }
0x3c: {  	_ =	swait.ge [sflag:s9], $0x7D00  }
0x3d: {  	[sflag:s9] =	ssyncset.done $0x0  }
0x3e: {  	[sflag:s9] =	ssyncadd.s32 $0xFFFF8300  }
0x3f: {  	[hbm4b:s11+s3] =	stream.linear.scatter [tilespmem:s7], [sflag:$0x2], $0x7D00, $0x38;
	[tilespmem:$0x10D88] =	vst v63  }
0x40: {  	_ =	swait.ge [sflag:s10], $0x7D00  }
0x41: {  	[sflag:s10] =	ssyncset.done $0x0  }
0x42: {  	[sflag:s10] =	ssyncadd.s32 $0xFFFF8300  }
0x43: {  	[tilespmem:s7], [sflag:$0x1] =	stream.indirect.gather [hbm4b:s2+s6], $0x20, s12, s6, $0xb8;
	[tilespmem:$0x10D88] =	vst v63  }
0x44: {  	_ =	swait.ge [sflag:s9], $0x7D00  }
0x45: {  	[sflag:s9] =	ssyncset.done $0x0  }
0x46: {  	[sflag:s9] =	ssyncadd.s32 $0xFFFF8300  }
0x47: {  	[hbm4b:s13+s3] =	stream.linear.scatter [tilespmem:s8], [sflag:$0x2], $0x7D00, $0x38;
	[tilespmem:$0x10D88] =	vst v63  }
0x48: {  	_ =	swait.ge [sflag:s10], $0x7D00  }
0x49: {  	[sflag:s10] =	ssyncset.done $0x0  }
0x4a: {  	[sflag:s10] =	ssyncadd.s32 $0xFFFF8300  }
0x4b: {  	[tilespmem:s8], [sflag:$0x1] =	stream.indirect.gather [hbm4b:s2+s6], $0x20, s14, s6, $0xb8;
	[tilespmem:$0x10D88] =	vst v63  }
0x4c: {  	_ =	swait.ge [sflag:s9], $0x7D00  }
0x4d: {  	[sflag:s9] =	ssyncset.done $0x0  }
0x4e: {  	[sflag:s9] =	ssyncadd.s32 $0xFFFF8300  }
0x4f: {  	[hbm4b:s15+s3] =	stream.linear.scatter [tilespmem:s7], [sflag:$0x2], $0x7D00, $0x38;
	[tilespmem:$0x10D88] =	vst v63  }
0x50: {  	_ =	swait.ge [sflag:s10], $0x7D00  }
0x51: {  	[sflag:s10] =	ssyncset.done $0x0  }
0x52: {  	[sflag:s10] =	ssyncadd.s32 $0xFFFF8300  }
0x53: {  	[tilespmem:s7], [sflag:$0x1] =	stream.indirect.gather [hbm4b:s2+s6], $0x20, s16, s6, $0xb8;
	[tilespmem:$0x10D88] =	vst v63  }
0x54: {  	_ =	swait.ge [sflag:s9], $0x7D00  }
0x55: {  	[sflag:s9] =	ssyncset.done $0x0  }
0x56: {  	[sflag:s9] =	ssyncadd.s32 $0xFFFF8300  }
0x57: {  	[hbm4b:s17+s3] =	stream.linear.scatter [tilespmem:s8], [sflag:$0x2], $0x7D00, $0x38;
	[tilespmem:$0x10D88] =	vst v63  }
0x58: {  	_ =	swait.ge [sflag:s9], $0x7D00  }
0x59: {  	[sflag:s9] =	ssyncset.done $0x0  }
0x5a: {  	[sflag:s9] =	ssyncadd.s32 $0xFFFF8300  }
0x5b: {  	[hbm4b:s18+s3] =	stream.linear.scatter [tilespmem:s7], [sflag:$0x2], $0x7D00, $0x38;
	[tilespmem:$0x10D88] =	vst v63  }
.Ltmp1:
0x5c: {  	_ =	swait.ge [sflag:s10], $0x7D00;
	(pc) =	sbr.rel @p0 .LBB2_1-.Ltmp1, $4  }
0x5d: {  	[sflag:s10] =	ssyncset.done $0x0  }
0x5e: {  	[sflag:s10] =	ssyncadd.s32 $0xFFFF8300  }
0x5f: {  	_ =	swait.ge [sflag:s10], $0x7D00  }
0x60: {  	[sflag:s10] =	ssyncset.done $0x0  }
.LBB2_2:
0x61: {  	[sflag:s10] =	ssyncadd.s32 $0xFFFF8300  }
0x62: {  	_ =	sfence.sel $0x180000  }
0x63: {  	[bflag:$0x0] =	sbarrier.arrive $0xFFFF  }
0x64: {  	p0 =	sne.s32 s0, $0x0;
	_ =	strace $0x90000047  }
0x65: {  	s0 =	sadd.s32 @!p0 $0x100000, s1;
	[bflag:$0x2] =	sbarrier.arrive $0xFFFF  }
0x66: {  	[sflag:s0] =	ssyncadd.tile.s32 @!p0 $0x1;
	_ =	shalt  }
.Lfunc_end2:
_tile_overlayer_lowered:
.L_overlay_start_2:
0x67: {  	(tag) =	ssettag $0x2  }
0x68: {  	s0 =	rddreg [dreg:$0x0];
	s2 =	stileid.u32  }
0x69: {  	s1 =	rddreg [dreg:$0x1];
	p0 =	sne.s32 s2, $0x0  }
0x6a: {  	s3 =	rddreg [dreg:$0x2];
	[bflag:$0x3] =	sbarrier.arrive $0xFFFF;
	s2 =	simm.s32 @!p0 $0x1C03  }
0x6b: {  	[timem:s3], [sflag:s2] =	dma.local @!p0 [hbm:s0], s1  }
0x6c: {  	s0 =	simm.s32 @!p0 $0x3  }
0x6d: {  	_ =	swait.ge @!p0 [sflag:s0], s1  }
0x6e: {  	s1 =	ssub.s32 @!p0 $0x0, s1;
	[sflag:s0] =	ssyncset.done @!p0 $0x0  }
0x6f: {  	[sflag:s0] =	ssyncadd.s32 @!p0 s1  }
0x70: {  	[bflag:$0x3] =	sbarrier.arrive $0xFFFF  }
0x71: {  	_ =	shalt  }

// kernel: kernel.16.cloned.1.call-start
scs
__scs_entry_jumppad:
0x0: {  	(pc) =	sbr.rel $0x88, $3  }
0x1: {  	(tag) =	ssettag $0x0;
	lr =	simm.s32 $0x1  }
0x2: {  	[smem:$0x3F91] =	sst lr;
	_ =	strace $0xD0000000  }
0x3: {  	_ = 	snop  }
0x4: {  	_ = 	snop  }
0x5: {  	_ = 	snop  }
0x6: {  	_ = 	snop  }
0x7: {  	_ = 	snop  }
__scs_overlays_trampoline_lowered:
0x8: {  	[smem:$0x3FA0] =	sst s0  }
0x9: {  	[smem:$0x3FA1] =	sst s1  }
0xa: {  	[smem:$0x3FA2] =	sst s2  }
0xb: {  	[smem:$0x3FA3] =	sst s3  }
0xc: {  	[smem:$0x3FA4] =	sst s4  }
0xd: {  	[smem:$0x3FA5] =	sst s5  }
0xe: {  	[smem:$0x3FA6] =	sst s6  }
0xf: {  	[smem:$0x3FA7] =	sst s7  }
0x10: {  	[smem:$0x3FA8] =	sst s8  }
0x11: {  	[smem:$0x3FA9] =	sst s9;
	s0 =	simm.s32 @!p0 $0x0  }
0x12: {  	s1 =	sld [smem:$0x3F8F];
	s0 =	simm.s32 @p0 $0x1  }
0x13: {  	[smem:$0x3FAA] =	sst s0;
	s0 =	simm.s32 @!p1 $0x0  }
0x14: {  	s2 =	sld [smem:$0x3F8E];
	s0 =	simm.s32 @p1 $0x1  }
0x15: {  	[smem:$0x3FAB] =	sst s0;
	s0 =	simm.s32 @!p2 $0x0  }
0x16: {  	s3 =	sld [smem:$0x3FDB];
	s0 =	simm.s32 @p2 $0x1  }
0x17: {  	s4 =	simm.s32 $0x1BF5;
	[smem:$0x3FAD] =	sst s0  }
0x18: {  	s0 =	sld [smem:$0x3F90];
	_ =	swait.ge [sflag:s4], $0x0  }
0x19: {  	s7 =	sld [smem:$0x3F91]  }
0x1a: {  	s8 =	sadd.s32 $0xFFFFE003, lr  }
0x1b: {  	s9 =	sadd.s32 $0xFFFFFEF7, lr;
	s5 =	simm.s32 $0xFFFFFFFF;
	p2 =	slt.u32 s8, $0xFFFFF086  }
0x1c: {  	p1 =	slt.u32 s9, $0xF7A;
	s5 =	simm.s32 @!p2 $0x0  }
0x1d: {  	s5 =	simm.s32 @p1 $0x1;
	p0 =	seq.s32 s7, s2  }
0x1e: {  	s7 =	smul.u32 @!p0 $0xF7A, s2;
	p2 =	seq.s32 @!p0 s5, $0x0  }
0x1f: {  	s9 =	smul.u32 $0xF7A, s1;
	s8 =	simm.s32 @!p0 $0x1BF5;
	p2 =	por !p2, p0  }
0x20: {  	[sflag:s8] =	ssyncset.s32 @!p0 $0xFFFFF086;
	s6 =	sadd.s32 @!p0 s3, s7;
	s7 =	simm.s32 @!p0 $0x108  }
0x21: {  	s3 =	sadd.s32 s3, s9;
	s6 =	sadd.s32 @!p0 $0x88, s6;
	s7 =	simm.s32 @p2 $0x1082  }
0x22: {  	[simem:s7], [sflag:s8] =	dma.local @!p0 [hbm:s6], $0xF7A  }
0x23: {  	s9 =	sor.u32 $0xD0000000, s2;
	s6 =	simm.s32 $0x108;
	_ =	swait.ge @!p0 [sflag:s8], $0x0  }
0x24: {  	s3 =	sadd.s32 $0x88, s3;
	s6 =	simm.s32 @!p1 $0x1082;
	[sflag:s4] =	ssyncset.s32 $0xFFFFF086  }
0x25: {  	[simem:s6], [sflag:s4] =	dma.local [hbm:s3], $0xF7A  }
0x26: {  	[smem:$0x3F91] =	sst s1;
	(tag) =	ssettag s2;
	_ =	strace s9  }
0x27: {  	s1 =	sld [smem:$0x3FA1]  }
0x28: {  	s2 =	sld [smem:$0x3FA2]  }
0x29: {  	s4 =	sld [smem:$0x3FA4]  }
0x2a: {  	p0 =	seq.s32 s5, $0x0;
	s5 =	sld [smem:$0x3FA5]  }
0x2b: {  	s6 =	sld [smem:$0x3FA6]  }
0x2c: {  	s7 =	sld [smem:$0x3FA7]  }
0x2d: {  	s3 =	simm.s32 $0x108;
	s8 =	sld [smem:$0x3FA8]  }
0x2e: {  	s3 =	simm.s32 @!p0 $0x1082;
	s9 =	sld [smem:$0x3FA9]  }
0x2f: {  	lr =	sadd.s32 s0, s3;
	s0 =	sld [smem:$0x3FA0]  }
0x30: {  	s3 =	sld [smem:$0x3FA3]  }
0x31: {  	[smem:$0x3FAC] =	sst s10  }
0x32: {  	s10 =	sld [smem:$0x3FAA];
	_ =	sdelay $0x3  }
0x33: {  	p0 =	seq.s32 s10, $0x1;
	s10 =	sld [smem:$0x3FAC];
	_ =	sdelay $0x3  }
0x34: {  	[smem:$0x3FAC] =	sst s10  }
0x35: {  	s10 =	sld [smem:$0x3FAB];
	_ =	sdelay $0x3  }
0x36: {  	p1 =	seq.s32 s10, $0x1;
	s10 =	sld [smem:$0x3FAC];
	_ =	sdelay $0x3  }
0x37: {  	[smem:$0x3FAC] =	sst s10  }
0x38: {  	s10 =	sld [smem:$0x3FAD]  }
0x39: {  	_ = 	snop;
	(pc) =	sbr.ind lr, $3  }
0x3a: {  	_ = 	snop  }
0x3b: {  	_ = 	snop  }
0x3c: {  	p2 =	seq.s32 s10, $0x1;
	s10 =	sld [smem:$0x3FAC]  }
0x3d: {  	_ =	shalt  }
0x3e: {  	_ =	shalt  }
0x3f: {  	_ =	shalt  }
0x40: {  	_ =	shalt  }
0x41: {  	_ =	shalt  }
0x42: {  	_ =	shalt  }
0x43: {  	_ =	shalt  }
0x44: {  	_ =	shalt  }
0x45: {  	_ =	shalt  }
0x46: {  	_ =	shalt  }
0x47: {  	_ =	shalt  }
0x48: {  	_ =	shalt  }
0x49: {  	_ =	shalt  }
0x4a: {  	_ =	shalt  }
0x4b: {  	_ =	shalt  }
0x4c: {  	_ =	shalt  }
0x4d: {  	_ =	shalt  }
0x4e: {  	_ =	shalt  }
0x4f: {  	_ =	shalt  }
0x50: {  	_ =	shalt  }
0x51: {  	_ =	shalt  }
0x52: {  	_ =	shalt  }
0x53: {  	_ =	shalt  }
0x54: {  	_ =	shalt  }
0x55: {  	_ =	shalt  }
0x56: {  	_ =	shalt  }
0x57: {  	_ =	shalt  }
0x58: {  	_ =	shalt  }
0x59: {  	_ =	shalt  }
0x5a: {  	_ =	shalt  }
0x5b: {  	_ =	shalt  }
0x5c: {  	_ =	shalt  }
0x5d: {  	_ =	shalt  }
0x5e: {  	_ =	shalt  }
0x5f: {  	_ =	shalt  }
0x60: {  	_ =	shalt  }
0x61: {  	_ =	shalt  }
0x62: {  	_ =	shalt  }
0x63: {  	_ =	shalt  }
0x64: {  	_ =	shalt  }
0x65: {  	_ =	shalt  }
0x66: {  	_ =	shalt  }
0x67: {  	_ =	shalt  }
0x68: {  	_ =	shalt  }
0x69: {  	_ =	shalt  }
0x6a: {  	_ =	shalt  }
0x6b: {  	_ =	shalt  }
0x6c: {  	_ =	shalt  }
0x6d: {  	_ =	shalt  }
0x6e: {  	_ =	shalt  }
0x6f: {  	_ =	shalt  }
0x70: {  	_ =	shalt  }
0x71: {  	_ =	shalt  }
0x72: {  	_ =	shalt  }
0x73: {  	_ =	shalt  }
0x74: {  	_ =	shalt  }
0x75: {  	_ =	shalt  }
0x76: {  	_ =	shalt  }
0x77: {  	_ =	shalt  }
0x78: {  	_ =	shalt  }
0x79: {  	_ =	shalt  }
0x7a: {  	_ =	shalt  }
0x7b: {  	_ =	shalt  }
0x7c: {  	_ =	shalt  }
0x7d: {  	_ =	shalt  }
0x7e: {  	_ =	shalt  }
0x7f: {  	_ =	shalt  }
0x80: {  	_ =	shalt  }
0x81: {  	_ =	shalt  }
0x82: {  	_ =	shalt  }
0x83: {  	_ =	shalt  }
0x84: {  	_ =	shalt  }
0x85: {  	_ =	shalt  }
0x86: {  	_ =	shalt  }
0x87: {  	_ =	shalt  }
.Lfunc_end0:
.L_simem_size_0:
called_computation.1_lowered:
.L_overlay_start_0:
0x88: {  	s2 =	sld [smem:$0x3FD9]  }
0x89: {  	s3 =	sld [smem:$0x3FFE];
	_ =	sdelay $0x1  }
0x8a: {  	s1 =	srdreg.scid  }
0x8b: {  	s0 =	sand.u32 $0x1, s1  }
0x8c: {  	s17 =	sshll.u32 s0, $0xA;
	s2 =	sadd.s32 s3, s2  }
0x8d: {  	s2 =	sadd.s32 s2, s17  }
0x8e: {  	[smem:$0x3FB8] =	sst s2  }
0x8f: {  	_ = 	snop  }
0x90: {  	s2 =	sld [smem:$0x3FD0];
	(tm) =	ssettm $0x1  }
0x91: {  	s18 =	sld [smem:$0x3FFB];
	_ =	sdelay $0x3  }
0x92: {  	_ =	strace s18  }
0x93: {  	s3 =	sld [smem:$0x3FFC];
	_ =	sdelay $0x3  }
0x94: {  	_ =	strace s3  }
0x95: {  	s3 =	sld [smem:$0x3FFD];
	_ =	sdelay $0x3  }
0x96: {  	_ =	strace s3  }
0x97: {  	_ =	strace $0x8FFFFFFF  }
0x98: {  	s19 =	sld [smem:$0x3FDB];
	_ =	sdelay $0x1  }
0x99: {  	s4 =	simm.s32 $_scs_section_size  }
0x9a: {  	s5 =	simm.s32 $_size__tile_overlayer_lowered;
	s6 =	simm.s32 $_tile_overlayer_lowered  }
0x9b: {  	s22 =	simm.s32 $0x1BFF;
	s21 =	sshll.u32 s6, $0x1;
	s3 =	sadd.s32 s4, s19  }
0x9c: {  	s7 =	simm.s32 $0x0;
	s20 =	sshll.u32 s5, $0x1;
	s5 =	sadd.s32 s21, s3  }
0x9d: {  	[timem:s7], [sflag:s22] =	dma.local [hbm:s5], s20  }
0x9e: {  	_ =	swait.ge [sflag:s22], s20  }
0x9f: {  	s4 =	ssub.s32 $0x0, s20;
	[sflag:s22] =	ssyncset.done $0x0  }
0xa0: {  	[sflag:s22] =	ssyncadd.s32 s4;
	_ =	sdelay $0x1  }
0xa1: {  	s23 =	simm.s32 $0x1B8B  }
0xa2: {  	_ =	swait.ge [sflag:s23], $0x1  }
0xa3: {  	[sflag:s23] =	ssyncset.done $0x0  }
0xa4: {  	s25 =	simm.s32 $0x1B8E;
	s24 =	sld [smem:$0x3FFE];
	[sflag:s23] =	ssyncadd.s32 $0xFFFFFFFF  }
0xa5: {  	s26 =	simm.s32 $execute0_lowered;
	[smem:$0x3FD2] =	sst s25  }
0xa6: {  	s5 =	sshll.u32 s26, $0x1;
	_ =	strace $0x80000049;
	[dreg:$0x1] =	wrdreg $0xFFFFFFFF  }
0xa7: {  	s28 =	simm.s32 $_size_execute0_lowered;
	s3 =	sadd.s32 s3, s5;
	[dreg:$0x0] =	wrdreg $0x0  }
0xa8: {  	s5 =	sshll.u32 s28, $0x1;
	[dreg:$0x2] =	wrdreg s3  }
0xa9: {  	[dreg:$0x3] =	wrdreg s5  }
0xaa: {  	[dreg:$0x4] =	wrdreg $0xC0  }
0xab: {  	_ =	task [dreg:s7], $0x5FFFF  }
0xac: {  	[dreg:$0x1] =	wrdreg $0xFFFFFFFF  }
0xad: {  	[dreg:$0x0] =	wrdreg $0x60  }
0xae: {  	[dreg:$0x2] =	wrdreg s24  }
0xaf: {  	[dreg:$0x3] =	wrdreg s2  }
0xb0: {  	[dreg:$0x4] =	wrdreg $0x10D880  }
0xb1: {  	[dreg:$0x5] =	wrdreg $0x19B080  }
0xb2: {  	[dreg:$0x6] =	wrdreg $0x9  }
0xb3: {  	_ =	task.clear_ibuf [dreg:s7], $0x7FFFF;
	_ =	strace $0x90000049  }
0xb4: {  	s29 =	simm.s32 $0x9;
	_ =	strace $0x8000004B  }
0xb5: {  	_ =	swait.ge [sflag:s29], $0x1  }
0xb6: {  	[sflag:s29] =	ssyncadd.s32 $0xFFFFFFFF  }
0xb7: {  	_ =	strace $0x9000004B  }
0xb8: {  	_ =	sfence  }
0xb9: {  	s30 =	sld [smem:$0x0];
	_ =	sdelay $0x2  }
0xba: {  	s31 =	sshll.u32 s1, $0xD;
	s1 =	sshrl.u32 s1, $0x2  }
0xbb: {  	s3 =	sand.u32 $0x4000, s31;
	s1 =	sadd.s32 s1, s30  }
0xbc: {  	s0 =	sor.u32 s3, s0;
	s1 =	sshll.u32 s1, $0x11  }
0xbd: {  	s0 =	sor.u32 s1, s0  }
0xbe: {  	s0 =	sadd.s32 $0x8F2B, s0  }
0xbf: {  	[sflag:s0] =	ssyncadd.remote.s32 $0x1  }
0xc0: {  	_ =	sfence.sel $0xFFFF  }
0xc1: {  	[dreg:$0x0] =	wrdreg $0xFFFFFFFF;
	(pc) =	sbr.abs _section_cstart, $3  }
0xc2: {  	[dreg:$0x1] =	wrdreg $0xFFFFFFFF  }
0xc3: {  	_ =	task.clear_ibuf [dreg:s7], $0x2FFFF;
	_ =	strace $0x9FFFFFFF  }
0xc4: {  	(tm) =	ssettm $0x7FFFFFFF  }
0xc5: {  	_ =	shalt  }
tec
execute0_lowered:
.L_overlay_start_1:
0x0: {  	(tag) =	ssettag $0x1  }
0x1: {  	s28 =	rddreg [dreg:$0x0]  }
0x2: {  	s1 =	srdreg.scid;
	s0 =	stileid.u32  }
0x3: {  	s7 =	rddreg [dreg:$0x1];
	s26 =	sand.u32 $0x1, s1;
	s25 =	sshll.u32 s0, $0x1  }
0x4: {  	s2 =	rddreg [dreg:$0x2];
	s14 =	sor.u32 s26, s25  }
0x5: {  	s3 =	rddreg [dreg:$0x3];
	s5 =	smul.u32 $0x271, s14  }
0x6: {  	s4 =	simm.s32 $0x0;
	s6 =	simm.s32 $0x2;
	s1 =	rddreg [dreg:$0x4]  }
0x7: {  	[smem:$0x7FF] =	sst s4;
	s10 =	smul.u32 $0x2780, s0;
	s5 =	sadd.s32 s5, s28  }
0x8: {  	s8 =	smul.u32 $0x4F00, s0;
	_ =	strace $0x8000004A;
	s5 =	sadd.s32 $0x6600, s5  }
0x9: {  	[tilespmem:s4], [sflag:$0x2] =	stream.linear.gather [hbm4b:s5+s4], $0x1388, $0x38;
	[tilespmem:$0x1C288] =	vst v63  }
0xa: {  	s9 =	sadd.s32 s8, s2;
	s8 =	sshrl.u32 s8, $0x3;
	_ =	swait.ge [sflag:s6], $0x1388  }
0xb: {  	s30 =	sshll.u32 s0, $0x6;
	s7 =	sadd.s32 s7, s8;
	[sflag:s6] =	ssyncset.done $0x0  }
0xc: {  	s8 =	sor.u32 $0x1C02, s30;
	s9 =	sshrl.u32 s9, $0x3;
	[sflag:s6] =	ssyncadd.s32 $0xFFFFEC78  }
0xd: {  	[spmem:s9], [sflag:s8] =	dma.local [hbm:s7], $0x9E0  }
0xe: {  	s11 =	sshrl.u32 s10, $0x3;
	_ =	swait.ge [sflag:s6], $0x9E0  }
0xf: {  	s12 =	sadd.s32 s10, s3;
	s11 =	sadd.s32 s11, s28;
	[sflag:s6] =	ssyncset.done $0x0  }
0x10: {  	s10 =	sadd.s32 $0x36BE00, s11;
	s11 =	sshrl.u32 s12, $0x3;
	[sflag:s6] =	ssyncadd.s32 $0xFFFFF620  }
0x11: {  	[spmem:s11], [sflag:s8] =	dma.local [hbm:s10], $0x4F0  }
0x12: {  	_ =	swait.ge [sflag:s6], $0x4F0  }
0x13: {  	s13 =	simm.s32 $0x15C88;
	[sflag:s6] =	ssyncset.done $0x0  }
0x14: {  	s15 =	smul.u32 $0x4E20, s14;
	s12 =	sadd.s32 $0x370E00, s28;
	[sflag:s6] =	ssyncadd.s32 $0xFFFFFB10  }
0x15: {  	[tilespmem:s13], [sflag:$0x2] =	stream.linear.gather [hbm4b:s12+s4], $0x3E80, $0x38;
	[tilespmem:$0x1C288] =	vst v63  }
0x16: {  	s16 =	smul.u32 $0x27100, s14;
	_ =	swait.ge [sflag:s6], $0x3E80  }
0x17: {  	s17 =	sadd.s32 $0x5EA00, s28;
	[sflag:s6] =	ssyncset.done $0x0  }
0x18: {  	s14 =	sadd.s32 s17, s15;
	s31 =	sshrl.u32 s16, $0x3;
	[sflag:s6] =	ssyncadd.s32 $0xFFFFC180  }
0x19: {  	s15 =	simm.s32 $0x1388;
	s23 =	sadd.s32 s17, s31;
	[bflag:$0x0] =	sbarrier.arrive $0xFFFF  }
0x1a: {  	[tilespmem:s15], [sflag:$0x1] =	stream.linear.gather [hbm4b:s14+s4], $0x7D00, $0x38;
	[tilespmem:$0x1C288] =	vst v63  }
0x1b: {  	s18 =	simm.s32 $0x1;
	s17 =	simm.s32 $0x9088;
	s16 =	sadd.s32 $0xFA0, s23  }
0x1c: {  	[tilespmem:s17], [sflag:$0x1] =	stream.linear.gather [hbm4b:s16+s4], $0x7D00, $0x38;
	[tilespmem:$0x1C288] =	vst v63  }
0x1d: {  	_ =	swait.ge [sflag:s18], $0x7D00  }
0x1e: {  	[sflag:s18] =	ssyncset.done $0x0  }
0x1f: {  	s19 =	simm.s32 $0x3E8;
	[sflag:s18] =	ssyncadd.s32 $0xFFFF8300  }
0x20: {  	[spmem:s2] =	stream.indirect.scatter.add.f32 [tilespmem:s15], [sflag:$0x2], $0x20, s4, s19, $0xb8;
	[tilespmem:$0x1C288] =	vst v63  }
0x21: {  	_ =	swait.ge [sflag:s6], $0x7D00  }
0x22: {  	[sflag:s6] =	ssyncset.done $0x0  }
0x23: {  	[sflag:s6] =	ssyncadd.s32 $0xFFFF8300  }
0x24: {  	[spmem:s3] =	stream.indirect.scatter.add.f32 [tilespmem:s13], [sflag:$0x2], $0x10, s4, s19, $0xb8;
	[tilespmem:$0x1C288] =	vst v63  }
0x25: {  	_ =	swait.ge [sflag:s6], $0x3E80  }
0x26: {  	[sflag:s6] =	ssyncset.done $0x0  }
0x27: {  	s20 =	sadd.s32 $0x1F40, s23;
	[sflag:s6] =	ssyncadd.s32 $0xFFFFC180  }
0x28: {  	[tilespmem:s15], [sflag:$0x1] =	stream.linear.gather [hbm4b:s20+s4], $0x7D00, $0x38;
	[tilespmem:$0x1C288] =	vst v63  }
0x29: {  	_ =	swait.ge [sflag:s18], $0x7D00  }
0x2a: {  	[sflag:s18] =	ssyncset.done $0x0  }
0x2b: {  	[sflag:s18] =	ssyncadd.s32 $0xFFFF8300  }
0x2c: {  	[spmem:s2] =	stream.indirect.scatter.add.f32 [tilespmem:s17], [sflag:$0x2], $0x20, s19, s19, $0xb8;
	[tilespmem:$0x1C288] =	vst v63  }
0x2d: {  	_ =	swait.ge [sflag:s6], $0x7D00  }
0x2e: {  	[sflag:s6] =	ssyncset.done $0x0  }
0x2f: {  	[sflag:s6] =	ssyncadd.s32 $0xFFFF8300  }
0x30: {  	[spmem:s3] =	stream.indirect.scatter.add.f32 [tilespmem:s13], [sflag:$0x2], $0x10, s19, s19, $0xb8;
	[tilespmem:$0x1C288] =	vst v63  }
0x31: {  	_ =	swait.ge [sflag:s6], $0x3E80  }
0x32: {  	[sflag:s6] =	ssyncset.done $0x0  }
0x33: {  	s21 =	sadd.s32 $0x2EE0, s23;
	[sflag:s6] =	ssyncadd.s32 $0xFFFFC180  }
0x34: {  	[tilespmem:s17], [sflag:$0x1] =	stream.linear.gather [hbm4b:s21+s4], $0x7D00, $0x38;
	[tilespmem:$0x1C288] =	vst v63  }
0x35: {  	_ =	swait.ge [sflag:s18], $0x7D00  }
0x36: {  	[sflag:s18] =	ssyncset.done $0x0  }
0x37: {  	s22 =	simm.s32 $0x7D0;
	[sflag:s18] =	ssyncadd.s32 $0xFFFF8300  }
0x38: {  	[spmem:s2] =	stream.indirect.scatter.add.f32 [tilespmem:s15], [sflag:$0x2], $0x20, s22, s19, $0xb8;
	[tilespmem:$0x1C288] =	vst v63  }
0x39: {  	_ =	swait.ge [sflag:s6], $0x7D00  }
0x3a: {  	[sflag:s6] =	ssyncset.done $0x0  }
0x3b: {  	[sflag:s6] =	ssyncadd.s32 $0xFFFF8300  }
0x3c: {  	[spmem:s3] =	stream.indirect.scatter.add.f32 [tilespmem:s13], [sflag:$0x2], $0x10, s22, s19, $0xb8;
	[tilespmem:$0x1C288] =	vst v63  }
0x3d: {  	_ =	swait.ge [sflag:s6], $0x3E80  }
0x3e: {  	[sflag:s6] =	ssyncset.done $0x0  }
0x3f: {  	s23 =	sadd.s32 $0x3E80, s23;
	[sflag:s6] =	ssyncadd.s32 $0xFFFFC180  }
0x40: {  	[tilespmem:s15], [sflag:$0x1] =	stream.linear.gather [hbm4b:s23+s4], $0x7D00, $0x38;
	[tilespmem:$0x1C288] =	vst v63  }
0x41: {  	_ =	swait.ge [sflag:s18], $0x7D00  }
0x42: {  	[sflag:s18] =	ssyncset.done $0x0  }
0x43: {  	s24 =	simm.s32 $0xBB8;
	[sflag:s18] =	ssyncadd.s32 $0xFFFF8300  }
0x44: {  	[spmem:s2] =	stream.indirect.scatter.add.f32 [tilespmem:s17], [sflag:$0x2], $0x20, s24, s19, $0xb8;
	[tilespmem:$0x1C288] =	vst v63  }
0x45: {  	_ =	swait.ge [sflag:s6], $0x7D00  }
0x46: {  	[sflag:s6] =	ssyncset.done $0x0  }
0x47: {  	[sflag:s6] =	ssyncadd.s32 $0xFFFF8300  }
0x48: {  	[spmem:s3] =	stream.indirect.scatter.add.f32 [tilespmem:s13], [sflag:$0x2], $0x10, s24, s19, $0xb8;
	[tilespmem:$0x1C288] =	vst v63  }
0x49: {  	_ =	swait.ge [sflag:s6], $0x3E80  }
0x4a: {  	[sflag:s6] =	ssyncset.done $0x0  }
0x4b: {  	[sflag:s6] =	ssyncadd.s32 $0xFFFFC180  }
0x4c: {  	_ =	swait.ge [sflag:s18], $0x7D00  }
0x4d: {  	s29 =	smul.u32 $0x278, s0;
	[sflag:s18] =	ssyncset.done $0x0  }
0x4e: {  	s25 =	simm.s32 $0xFA0;
	s30 =	smul.u32 $0x2780, s26;
	[sflag:s18] =	ssyncadd.s32 $0xFFFF8300  }
0x4f: {  	[spmem:s2] =	stream.indirect.scatter.add.f32 [tilespmem:s15], [sflag:$0x2], $0x20, s25, s19, $0xb8;
	[tilespmem:$0x1C288] =	vst v63  }
0x50: {  	_ =	swait.ge [sflag:s6], $0x7D00  }
0x51: {  	s29 =	sadd.s32 s29, s30;
	[sflag:s6] =	ssyncset.done $0x0  }
0x52: {  	s31 =	ssub.s32 $0x2, s26;
	s30 =	sshll.u32 s29, $0x2;
	[sflag:s6] =	ssyncadd.s32 $0xFFFF8300  }
0x53: {  	[spmem:s3] =	stream.indirect.scatter.add.f32 [tilespmem:s13], [sflag:$0x2], $0x10, s25, s19, $0xb8;
	[tilespmem:$0x1C288] =	vst v63  }
0x54: {  	s29 =	sshll.u32 s29, $0x1;
	s30 =	sadd.s32 s30, s28;
	_ =	swait.ge [sflag:s6], $0x3E80  }
0x55: {  	s26 =	sadd.s32 $0x37B400, s30;
	s30 =	sshrl.u32 s31, $0x1;
	[sflag:s6] =	ssyncset.done $0x0  }
0x56: {  	s28 =	sadd.s32 s29, s28;
	s29 =	ssub.s32 s31, s30;
	[sflag:s6] =	ssyncadd.s32 $0xFFFFC180  }
0x57: {  	s29 =	smax.u32 s29, $0x1;
	[bflag:$0x0] =	sbarrier.arrive $0xFFFF  }
0x58: {  	[hbm:s26], [sflag:s8] =	dma.local [spmem:s9], $0x9E0  }
0x59: {  	p0 =	sne.s32 s29, $0x1;
	_ =	swait.ge [sflag:s6], $0x9E0  }
.Ltmp0:
0x5a: {  	[sflag:s6] =	ssyncset.done $0x0;
	(pc) =	sbr.rel @!p0 .LBB2_2-.Ltmp0, $4  }
0x5b: {  	s28 =	sadd.s32 $0x371600, s28;
	[sflag:s6] =	ssyncadd.s32 $0xFFFFF620  }
0x5c: {  	[hbm:s28], [sflag:s8] =	dma.local [spmem:s11], $0x4F0  }
0x5d: {  	_ =	swait.ge [sflag:s6], $0x4F0  }
0x5e: {  	s29 =	sadd.s32 $0xFFFFFFFF, s29;
	[sflag:s6] =	ssyncset.done $0x0  }
.LBB2_1:
0x5f: {  	p0 =	sne.s32 s29, $0x1;
	s29 =	sadd.s32 $0xFFFFFFFF, s29;
	[sflag:s6] =	ssyncadd.s32 $0xFFFFFB10  }
0x60: {  	[tilespmem:s4], [sflag:$0x2] =	stream.linear.gather [hbm4b:s5+s4], $0x1388, $0x38;
	[tilespmem:$0x1C288] =	vst v63  }
0x61: {  	_ =	swait.ge [sflag:s6], $0x1388  }
0x62: {  	[sflag:s6] =	ssyncset.done $0x0  }
0x63: {  	[sflag:s6] =	ssyncadd.s32 $0xFFFFEC78  }
0x64: {  	[spmem:s9], [sflag:s8] =	dma.local [hbm:s7], $0x9E0  }
0x65: {  	_ =	swait.ge [sflag:s6], $0x9E0  }
0x66: {  	[sflag:s6] =	ssyncset.done $0x0  }
0x67: {  	[sflag:s6] =	ssyncadd.s32 $0xFFFFF620  }
0x68: {  	[spmem:s11], [sflag:s8] =	dma.local [hbm:s10], $0x4F0  }
0x69: {  	_ =	swait.ge [sflag:s6], $0x4F0  }
0x6a: {  	[sflag:s6] =	ssyncset.done $0x0  }
0x6b: {  	[sflag:s6] =	ssyncadd.s32 $0xFFFFFB10  }
0x6c: {  	[tilespmem:s13], [sflag:$0x2] =	stream.linear.gather [hbm4b:s12+s4], $0x3E80, $0x38;
	[tilespmem:$0x1C288] =	vst v63  }
0x6d: {  	_ =	swait.ge [sflag:s6], $0x3E80  }
0x6e: {  	[sflag:s6] =	ssyncset.done $0x0  }
0x6f: {  	[sflag:s6] =	ssyncadd.s32 $0xFFFFC180  }
0x70: {  	[bflag:$0x0] =	sbarrier.arrive $0xFFFF  }
0x71: {  	[tilespmem:s15], [sflag:$0x1] =	stream.linear.gather [hbm4b:s14+s4], $0x7D00, $0x38;
	[tilespmem:$0x1C288] =	vst v63  }
0x72: {  	_ = 	snop  }
0x73: {  	[tilespmem:s17], [sflag:$0x1] =	stream.linear.gather [hbm4b:s16+s4], $0x7D00, $0x38;
	[tilespmem:$0x1C288] =	vst v63  }
0x74: {  	_ =	swait.ge [sflag:s18], $0x7D00  }
0x75: {  	[sflag:s18] =	ssyncset.done $0x0  }
0x76: {  	[sflag:s18] =	ssyncadd.s32 $0xFFFF8300  }
0x77: {  	[spmem:s2] =	stream.indirect.scatter.add.f32 [tilespmem:s15], [sflag:$0x2], $0x20, s4, s19, $0xb8;
	[tilespmem:$0x1C288] =	vst v63  }
0x78: {  	_ =	swait.ge [sflag:s6], $0x7D00  }
0x79: {  	[sflag:s6] =	ssyncset.done $0x0  }
0x7a: {  	[sflag:s6] =	ssyncadd.s32 $0xFFFF8300  }
0x7b: {  	[spmem:s3] =	stream.indirect.scatter.add.f32 [tilespmem:s13], [sflag:$0x2], $0x10, s4, s19, $0xb8;
	[tilespmem:$0x1C288] =	vst v63  }
0x7c: {  	_ =	swait.ge [sflag:s6], $0x3E80  }
0x7d: {  	[sflag:s6] =	ssyncset.done $0x0  }
0x7e: {  	[sflag:s6] =	ssyncadd.s32 $0xFFFFC180  }
0x7f: {  	[tilespmem:s15], [sflag:$0x1] =	stream.linear.gather [hbm4b:s20+s4], $0x7D00, $0x38;
	[tilespmem:$0x1C288] =	vst v63  }
0x80: {  	_ =	swait.ge [sflag:s18], $0x7D00  }
0x81: {  	[sflag:s18] =	ssyncset.done $0x0  }
0x82: {  	[sflag:s18] =	ssyncadd.s32 $0xFFFF8300  }
0x83: {  	[spmem:s2] =	stream.indirect.scatter.add.f32 [tilespmem:s17], [sflag:$0x2], $0x20, s19, s19, $0xb8;
	[tilespmem:$0x1C288] =	vst v63  }
0x84: {  	_ =	swait.ge [sflag:s6], $0x7D00  }
0x85: {  	[sflag:s6] =	ssyncset.done $0x0  }
0x86: {  	[sflag:s6] =	ssyncadd.s32 $0xFFFF8300  }
0x87: {  	[spmem:s3] =	stream.indirect.scatter.add.f32 [tilespmem:s13], [sflag:$0x2], $0x10, s19, s19, $0xb8;
	[tilespmem:$0x1C288] =	vst v63  }
0x88: {  	_ =	swait.ge [sflag:s6], $0x3E80  }
0x89: {  	[sflag:s6] =	ssyncset.done $0x0  }
0x8a: {  	[sflag:s6] =	ssyncadd.s32 $0xFFFFC180  }
0x8b: {  	[tilespmem:s17], [sflag:$0x1] =	stream.linear.gather [hbm4b:s21+s4], $0x7D00, $0x38;
	[tilespmem:$0x1C288] =	vst v63  }
0x8c: {  	_ =	swait.ge [sflag:s18], $0x7D00  }
0x8d: {  	[sflag:s18] =	ssyncset.done $0x0  }
0x8e: {  	[sflag:s18] =	ssyncadd.s32 $0xFFFF8300  }
0x8f: {  	[spmem:s2] =	stream.indirect.scatter.add.f32 [tilespmem:s15], [sflag:$0x2], $0x20, s22, s19, $0xb8;
	[tilespmem:$0x1C288] =	vst v63  }
0x90: {  	_ =	swait.ge [sflag:s6], $0x7D00  }
0x91: {  	[sflag:s6] =	ssyncset.done $0x0  }
0x92: {  	[sflag:s6] =	ssyncadd.s32 $0xFFFF8300  }
0x93: {  	[spmem:s3] =	stream.indirect.scatter.add.f32 [tilespmem:s13], [sflag:$0x2], $0x10, s22, s19, $0xb8;
	[tilespmem:$0x1C288] =	vst v63  }
0x94: {  	_ =	swait.ge [sflag:s6], $0x3E80  }
0x95: {  	[sflag:s6] =	ssyncset.done $0x0  }
0x96: {  	[sflag:s6] =	ssyncadd.s32 $0xFFFFC180  }
0x97: {  	[tilespmem:s15], [sflag:$0x1] =	stream.linear.gather [hbm4b:s23+s4], $0x7D00, $0x38;
	[tilespmem:$0x1C288] =	vst v63  }
0x98: {  	_ =	swait.ge [sflag:s18], $0x7D00  }
0x99: {  	[sflag:s18] =	ssyncset.done $0x0  }
0x9a: {  	[sflag:s18] =	ssyncadd.s32 $0xFFFF8300  }
0x9b: {  	[spmem:s2] =	stream.indirect.scatter.add.f32 [tilespmem:s17], [sflag:$0x2], $0x20, s24, s19, $0xb8;
	[tilespmem:$0x1C288] =	vst v63  }
0x9c: {  	_ =	swait.ge [sflag:s6], $0x7D00  }
0x9d: {  	[sflag:s6] =	ssyncset.done $0x0  }
0x9e: {  	[sflag:s6] =	ssyncadd.s32 $0xFFFF8300  }
0x9f: {  	[spmem:s3] =	stream.indirect.scatter.add.f32 [tilespmem:s13], [sflag:$0x2], $0x10, s24, s19, $0xb8;
	[tilespmem:$0x1C288] =	vst v63  }
0xa0: {  	_ =	swait.ge [sflag:s6], $0x3E80  }
0xa1: {  	[sflag:s6] =	ssyncset.done $0x0  }
0xa2: {  	[sflag:s6] =	ssyncadd.s32 $0xFFFFC180  }
0xa3: {  	_ =	swait.ge [sflag:s18], $0x7D00  }
0xa4: {  	[sflag:s18] =	ssyncset.done $0x0  }
0xa5: {  	[sflag:s18] =	ssyncadd.s32 $0xFFFF8300  }
0xa6: {  	[spmem:s2] =	stream.indirect.scatter.add.f32 [tilespmem:s15], [sflag:$0x2], $0x20, s25, s19, $0xb8;
	[tilespmem:$0x1C288] =	vst v63  }
0xa7: {  	_ =	swait.ge [sflag:s6], $0x7D00  }
0xa8: {  	[sflag:s6] =	ssyncset.done $0x0  }
0xa9: {  	[sflag:s6] =	ssyncadd.s32 $0xFFFF8300  }
0xaa: {  	[spmem:s3] =	stream.indirect.scatter.add.f32 [tilespmem:s13], [sflag:$0x2], $0x10, s25, s19, $0xb8;
	[tilespmem:$0x1C288] =	vst v63  }
0xab: {  	_ =	swait.ge [sflag:s6], $0x3E80  }
0xac: {  	[sflag:s6] =	ssyncset.done $0x0  }
0xad: {  	[sflag:s6] =	ssyncadd.s32 $0xFFFFC180  }
0xae: {  	[bflag:$0x0] =	sbarrier.arrive $0xFFFF  }
0xaf: {  	[hbm:s26], [sflag:s8] =	dma.local [spmem:s9], $0x9E0  }
0xb0: {  	_ =	swait.ge [sflag:s6], $0x9E0  }
.Ltmp1:
0xb1: {  	[sflag:s6] =	ssyncset.done $0x0;
	(pc) =	sbr.rel @p0 .LBB2_1-.Ltmp1, $4  }
0xb2: {  	[sflag:s6] =	ssyncadd.s32 $0xFFFFF620  }
0xb3: {  	[hbm:s28], [sflag:s8] =	dma.local [spmem:s11], $0x4F0  }
0xb4: {  	_ =	swait.ge [sflag:s6], $0x4F0  }
0xb5: {  	[sflag:s6] =	ssyncset.done $0x0  }
.LBB2_2:
0xb6: {  	[sflag:s6] =	ssyncadd.s32 $0xFFFFFB10  }
0xb7: {  	_ =	sfence.sel $0x180000  }
0xb8: {  	[bflag:$0x0] =	sbarrier.arrive $0xFFFF  }
0xb9: {  	p0 =	sne.s32 s0, $0x0;
	_ =	strace $0x9000004A  }
0xba: {  	s0 =	sadd.s32 @!p0 $0x100000, s1;
	[bflag:$0x2] =	sbarrier.arrive $0xFFFF  }
0xbb: {  	[sflag:s0] =	ssyncadd.tile.s32 @!p0 $0x1;
	_ =	shalt  }
.Lfunc_end2:
_tile_overlayer_lowered:
.L_overlay_start_2:
0xbc: {  	(tag) =	ssettag $0x2  }
0xbd: {  	s0 =	rddreg [dreg:$0x0];
	s2 =	stileid.u32  }
0xbe: {  	s1 =	rddreg [dreg:$0x1];
	p0 =	sne.s32 s2, $0x0  }
0xbf: {  	s3 =	rddreg [dreg:$0x2];
	[bflag:$0x3] =	sbarrier.arrive $0xFFFF;
	s2 =	simm.s32 @!p0 $0x1C02  }
0xc0: {  	[timem:s3], [sflag:s2] =	dma.local @!p0 [hbm:s0], s1  }
0xc1: {  	s0 =	simm.s32 @!p0 $0x2  }
0xc2: {  	_ =	swait.ge @!p0 [sflag:s0], s1  }
0xc3: {  	s1 =	ssub.s32 @!p0 $0x0, s1;
	[sflag:s0] =	ssyncset.done @!p0 $0x0  }
0xc4: {  	[sflag:s0] =	ssyncadd.s32 @!p0 s1  }
0xc5: {  	[bflag:$0x3] =	sbarrier.arrive $0xFFFF  }
0xc6: {  	_ =	shalt  }

// kernel: kernel.19.cloned.1.call-start
scs
__scs_entry_jumppad:
0x0: {  	(pc) =	sbr.rel $0x88, $3  }
0x1: {  	(tag) =	ssettag $0x0;
	lr =	simm.s32 $0x1  }
0x2: {  	[smem:$0x3F91] =	sst lr;
	_ =	strace $0xD0000000  }
0x3: {  	_ = 	snop  }
0x4: {  	_ = 	snop  }
0x5: {  	_ = 	snop  }
0x6: {  	_ = 	snop  }
0x7: {  	_ = 	snop  }
__scs_overlays_trampoline_lowered:
0x8: {  	[smem:$0x3FA0] =	sst s0  }
0x9: {  	[smem:$0x3FA1] =	sst s1  }
0xa: {  	[smem:$0x3FA2] =	sst s2  }
0xb: {  	[smem:$0x3FA3] =	sst s3  }
0xc: {  	[smem:$0x3FA4] =	sst s4  }
0xd: {  	[smem:$0x3FA5] =	sst s5  }
0xe: {  	[smem:$0x3FA6] =	sst s6  }
0xf: {  	[smem:$0x3FA7] =	sst s7  }
0x10: {  	[smem:$0x3FA8] =	sst s8  }
0x11: {  	[smem:$0x3FA9] =	sst s9;
	s0 =	simm.s32 @!p0 $0x0  }
0x12: {  	s1 =	sld [smem:$0x3F8F];
	s0 =	simm.s32 @p0 $0x1  }
0x13: {  	[smem:$0x3FAA] =	sst s0;
	s0 =	simm.s32 @!p1 $0x0  }
0x14: {  	s2 =	sld [smem:$0x3F8E];
	s0 =	simm.s32 @p1 $0x1  }
0x15: {  	[smem:$0x3FAB] =	sst s0;
	s0 =	simm.s32 @!p2 $0x0  }
0x16: {  	s3 =	sld [smem:$0x3FDB];
	s0 =	simm.s32 @p2 $0x1  }
0x17: {  	s4 =	simm.s32 $0x1BF5;
	[smem:$0x3FAD] =	sst s0  }
0x18: {  	s0 =	sld [smem:$0x3F90];
	_ =	swait.ge [sflag:s4], $0x0  }
0x19: {  	s7 =	sld [smem:$0x3F91]  }
0x1a: {  	s8 =	sadd.s32 $0xFFFFE003, lr  }
0x1b: {  	s9 =	sadd.s32 $0xFFFFFEF7, lr;
	s5 =	simm.s32 $0xFFFFFFFF;
	p2 =	slt.u32 s8, $0xFFFFF086  }
0x1c: {  	p1 =	slt.u32 s9, $0xF7A;
	s5 =	simm.s32 @!p2 $0x0  }
0x1d: {  	s5 =	simm.s32 @p1 $0x1;
	p0 =	seq.s32 s7, s2  }
0x1e: {  	s7 =	smul.u32 @!p0 $0xF7A, s2;
	p2 =	seq.s32 @!p0 s5, $0x0  }
0x1f: {  	s9 =	smul.u32 $0xF7A, s1;
	s8 =	simm.s32 @!p0 $0x1BF5;
	p2 =	por !p2, p0  }
0x20: {  	[sflag:s8] =	ssyncset.s32 @!p0 $0xFFFFF086;
	s6 =	sadd.s32 @!p0 s3, s7;
	s7 =	simm.s32 @!p0 $0x108  }
0x21: {  	s3 =	sadd.s32 s3, s9;
	s6 =	sadd.s32 @!p0 $0x88, s6;
	s7 =	simm.s32 @p2 $0x1082  }
0x22: {  	[simem:s7], [sflag:s8] =	dma.local @!p0 [hbm:s6], $0xF7A  }
0x23: {  	s9 =	sor.u32 $0xD0000000, s2;
	s6 =	simm.s32 $0x108;
	_ =	swait.ge @!p0 [sflag:s8], $0x0  }
0x24: {  	s3 =	sadd.s32 $0x88, s3;
	s6 =	simm.s32 @!p1 $0x1082;
	[sflag:s4] =	ssyncset.s32 $0xFFFFF086  }
0x25: {  	[simem:s6], [sflag:s4] =	dma.local [hbm:s3], $0xF7A  }
0x26: {  	[smem:$0x3F91] =	sst s1;
	(tag) =	ssettag s2;
	_ =	strace s9  }
0x27: {  	s1 =	sld [smem:$0x3FA1]  }
0x28: {  	s2 =	sld [smem:$0x3FA2]  }
0x29: {  	s4 =	sld [smem:$0x3FA4]  }
0x2a: {  	p0 =	seq.s32 s5, $0x0;
	s5 =	sld [smem:$0x3FA5]  }
0x2b: {  	s6 =	sld [smem:$0x3FA6]  }
0x2c: {  	s7 =	sld [smem:$0x3FA7]  }
0x2d: {  	s3 =	simm.s32 $0x108;
	s8 =	sld [smem:$0x3FA8]  }
0x2e: {  	s3 =	simm.s32 @!p0 $0x1082;
	s9 =	sld [smem:$0x3FA9]  }
0x2f: {  	lr =	sadd.s32 s0, s3;
	s0 =	sld [smem:$0x3FA0]  }
0x30: {  	s3 =	sld [smem:$0x3FA3]  }
0x31: {  	[smem:$0x3FAC] =	sst s10  }
0x32: {  	s10 =	sld [smem:$0x3FAA];
	_ =	sdelay $0x3  }
0x33: {  	p0 =	seq.s32 s10, $0x1;
	s10 =	sld [smem:$0x3FAC];
	_ =	sdelay $0x3  }
0x34: {  	[smem:$0x3FAC] =	sst s10  }
0x35: {  	s10 =	sld [smem:$0x3FAB];
	_ =	sdelay $0x3  }
0x36: {  	p1 =	seq.s32 s10, $0x1;
	s10 =	sld [smem:$0x3FAC];
	_ =	sdelay $0x3  }
0x37: {  	[smem:$0x3FAC] =	sst s10  }
0x38: {  	s10 =	sld [smem:$0x3FAD]  }
0x39: {  	_ = 	snop;
	(pc) =	sbr.ind lr, $3  }
0x3a: {  	_ = 	snop  }
0x3b: {  	_ = 	snop  }
0x3c: {  	p2 =	seq.s32 s10, $0x1;
	s10 =	sld [smem:$0x3FAC]  }
0x3d: {  	_ =	shalt  }
0x3e: {  	_ =	shalt  }
0x3f: {  	_ =	shalt  }
0x40: {  	_ =	shalt  }
0x41: {  	_ =	shalt  }
0x42: {  	_ =	shalt  }
0x43: {  	_ =	shalt  }
0x44: {  	_ =	shalt  }
0x45: {  	_ =	shalt  }
0x46: {  	_ =	shalt  }
0x47: {  	_ =	shalt  }
0x48: {  	_ =	shalt  }
0x49: {  	_ =	shalt  }
0x4a: {  	_ =	shalt  }
0x4b: {  	_ =	shalt  }
0x4c: {  	_ =	shalt  }
0x4d: {  	_ =	shalt  }
0x4e: {  	_ =	shalt  }
0x4f: {  	_ =	shalt  }
0x50: {  	_ =	shalt  }
0x51: {  	_ =	shalt  }
0x52: {  	_ =	shalt  }
0x53: {  	_ =	shalt  }
0x54: {  	_ =	shalt  }
0x55: {  	_ =	shalt  }
0x56: {  	_ =	shalt  }
0x57: {  	_ =	shalt  }
0x58: {  	_ =	shalt  }
0x59: {  	_ =	shalt  }
0x5a: {  	_ =	shalt  }
0x5b: {  	_ =	shalt  }
0x5c: {  	_ =	shalt  }
0x5d: {  	_ =	shalt  }
0x5e: {  	_ =	shalt  }
0x5f: {  	_ =	shalt  }
0x60: {  	_ =	shalt  }
0x61: {  	_ =	shalt  }
0x62: {  	_ =	shalt  }
0x63: {  	_ =	shalt  }
0x64: {  	_ =	shalt  }
0x65: {  	_ =	shalt  }
0x66: {  	_ =	shalt  }
0x67: {  	_ =	shalt  }
0x68: {  	_ =	shalt  }
0x69: {  	_ =	shalt  }
0x6a: {  	_ =	shalt  }
0x6b: {  	_ =	shalt  }
0x6c: {  	_ =	shalt  }
0x6d: {  	_ =	shalt  }
0x6e: {  	_ =	shalt  }
0x6f: {  	_ =	shalt  }
0x70: {  	_ =	shalt  }
0x71: {  	_ =	shalt  }
0x72: {  	_ =	shalt  }
0x73: {  	_ =	shalt  }
0x74: {  	_ =	shalt  }
0x75: {  	_ =	shalt  }
0x76: {  	_ =	shalt  }
0x77: {  	_ =	shalt  }
0x78: {  	_ =	shalt  }
0x79: {  	_ =	shalt  }
0x7a: {  	_ =	shalt  }
0x7b: {  	_ =	shalt  }
0x7c: {  	_ =	shalt  }
0x7d: {  	_ =	shalt  }
0x7e: {  	_ =	shalt  }
0x7f: {  	_ =	shalt  }
0x80: {  	_ =	shalt  }
0x81: {  	_ =	shalt  }
0x82: {  	_ =	shalt  }
0x83: {  	_ =	shalt  }
0x84: {  	_ =	shalt  }
0x85: {  	_ =	shalt  }
0x86: {  	_ =	shalt  }
0x87: {  	_ =	shalt  }
.Lfunc_end0:
.L_simem_size_0:
called_computation.2_lowered:
.L_overlay_start_0:
0x88: {  	s2 =	sld [smem:$0x3FD9]  }
0x89: {  	s3 =	sld [smem:$0x3FFE];
	_ =	sdelay $0x1  }
0x8a: {  	s1 =	srdreg.scid  }
0x8b: {  	s0 =	sand.u32 $0x1, s1  }
0x8c: {  	s16 =	sshll.u32 s0, $0xA;
	s2 =	sadd.s32 s3, s2  }
0x8d: {  	s2 =	sadd.s32 s2, s16  }
0x8e: {  	[smem:$0x3FB8] =	sst s2  }
0x8f: {  	_ = 	snop  }
0x90: {  	(tm) =	ssettm $0x1  }
0x91: {  	s17 =	sld [smem:$0x3FFB];
	_ =	sdelay $0x3  }
0x92: {  	_ =	strace s17  }
0x93: {  	s2 =	sld [smem:$0x3FFC];
	_ =	sdelay $0x3  }
0x94: {  	_ =	strace s2  }
0x95: {  	s2 =	sld [smem:$0x3FFD];
	_ =	sdelay $0x3  }
0x96: {  	_ =	strace s2  }
0x97: {  	_ =	strace $0x8FFFFFFF  }
0x98: {  	s18 =	sld [smem:$0x3FDB];
	_ =	sdelay $0x1  }
0x99: {  	s19 =	simm.s32 $_scs_section_size  }
0x9a: {  	s4 =	simm.s32 $_size__tile_overlayer_lowered;
	s5 =	simm.s32 $_tile_overlayer_lowered  }
0x9b: {  	s22 =	simm.s32 $0x1BFF;
	s21 =	sshll.u32 s5, $0x1;
	s2 =	sadd.s32 s19, s18  }
0x9c: {  	s6 =	simm.s32 $0x0;
	s20 =	sshll.u32 s4, $0x1;
	s4 =	sadd.s32 s21, s2  }
0x9d: {  	[timem:s6], [sflag:s22] =	dma.local [hbm:s4], s20  }
0x9e: {  	_ =	swait.ge [sflag:s22], s20  }
0x9f: {  	s3 =	ssub.s32 $0x0, s20;
	[sflag:s22] =	ssyncset.done $0x0  }
0xa0: {  	[sflag:s22] =	ssyncadd.s32 s3;
	_ =	sdelay $0x1  }
0xa1: {  	s23 =	simm.s32 $0x1B8B  }
0xa2: {  	_ =	swait.ge [sflag:s23], $0x1  }
0xa3: {  	[sflag:s23] =	ssyncset.done $0x0  }
0xa4: {  	s25 =	simm.s32 $0x1B8E;
	s24 =	sld [smem:$0x3FFE];
	[sflag:s23] =	ssyncadd.s32 $0xFFFFFFFF  }
0xa5: {  	s26 =	simm.s32 $execute0_lowered;
	[smem:$0x3FD2] =	sst s25  }
0xa6: {  	s4 =	sshll.u32 s26, $0x1;
	_ =	strace $0x8000004C;
	[dreg:$0x1] =	wrdreg $0xFFFFFFFF  }
0xa7: {  	s28 =	simm.s32 $_size_execute0_lowered;
	s2 =	sadd.s32 s2, s4;
	[dreg:$0x0] =	wrdreg $0x0  }
0xa8: {  	s4 =	sshll.u32 s28, $0x1;
	[dreg:$0x2] =	wrdreg s2  }
0xa9: {  	[dreg:$0x3] =	wrdreg s4  }
0xaa: {  	[dreg:$0x4] =	wrdreg $0xC0  }
0xab: {  	_ =	task [dreg:s6], $0x5FFFF  }
0xac: {  	[dreg:$0x1] =	wrdreg $0xFFFFFFFF  }
0xad: {  	[dreg:$0x0] =	wrdreg $0x60  }
0xae: {  	[dreg:$0x2] =	wrdreg s24  }
0xaf: {  	[dreg:$0x3] =	wrdreg $0x9  }
0xb0: {  	_ =	task.clear_ibuf [dreg:s6], $0x4FFFF;
	_ =	strace $0x9000004C  }
0xb1: {  	s29 =	simm.s32 $0x9;
	_ =	strace $0x8000004E  }
0xb2: {  	_ =	swait.ge [sflag:s29], $0x1  }
0xb3: {  	[sflag:s29] =	ssyncadd.s32 $0xFFFFFFFF  }
0xb4: {  	_ =	strace $0x9000004E  }
0xb5: {  	_ =	sfence  }
0xb6: {  	s30 =	sld [smem:$0x0];
	_ =	sdelay $0x2  }
0xb7: {  	s31 =	sshll.u32 s1, $0xD;
	s1 =	sshrl.u32 s1, $0x2  }
0xb8: {  	s3 =	sand.u32 $0x4000, s31;
	s1 =	sadd.s32 s1, s30  }
0xb9: {  	s0 =	sor.u32 s3, s0;
	s1 =	sshll.u32 s1, $0x11  }
0xba: {  	s0 =	sor.u32 s1, s0  }
0xbb: {  	s0 =	sadd.s32 $0x8F2B, s0  }
0xbc: {  	[sflag:s0] =	ssyncadd.remote.s32 $0x1  }
0xbd: {  	_ =	sfence.sel $0xFFFF  }
0xbe: {  	[dreg:$0x0] =	wrdreg $0xFFFFFFFF;
	(pc) =	sbr.abs _section_cstart, $3  }
0xbf: {  	[dreg:$0x1] =	wrdreg $0xFFFFFFFF  }
0xc0: {  	_ =	task.clear_ibuf [dreg:s6], $0x2FFFF;
	_ =	strace $0x9FFFFFFF  }
0xc1: {  	(tm) =	ssettm $0x7FFFFFFF  }
tec
execute0_lowered:
.L_overlay_start_1:
0x0: {  	(tag) =	ssettag $0x1  }
0x1: {  	s1 =	srdreg.scid;
	s0 =	stileid.u32  }
0x2: {  	s18 =	sand.u32 $0x1, s1;
	s30 =	sshll.u32 s0, $0x1  }
0x3: {  	s12 =	sor.u32 s18, s30  }
0x4: {  	s3 =	smul.u32 $0x271, s12  }
0x5: {  	s10 =	rddreg [dreg:$0x0];
	s2 =	simm.s32 $0x0  }
0x6: {  	s4 =	simm.s32 $0x3;
	[smem:$0x7FF] =	sst s2;
	s3 =	sadd.s32 s3, s10  }
0x7: {  	s1 =	rddreg [dreg:$0x1];
	_ =	strace $0x8000004D;
	s3 =	sadd.s32 $0xB600, s3  }
0x8: {  	[tilespmem:s2], [sflag:$0x3] =	stream.linear.gather [hbm4b:s3+s2], $0x1388, $0x38;
	[tilespmem:$0x10D88] =	vst v63  }
0x9: {  	_ =	swait.ge [sflag:s4], $0x1388  }
0xa: {  	s6 =	simm.s32 $0x3E8;
	[sflag:s4] =	ssyncset.done $0x0  }
0xb: {  	s7 =	simm.s32 $0x1388;
	s5 =	sadd.s32 $0x36BE00, s10;
	[sflag:s4] =	ssyncadd.s32 $0xFFFFEC78  }
0xc: {  	[tilespmem:s7], [sflag:$0x1] =	stream.indirect.gather [hbm4b:s5+s6], $0x20, s2, s6, $0xb8;
	[tilespmem:$0x10D88] =	vst v63  }
0xd: {  	s8 =	simm.s32 $0x9088;
	s9 =	simm.s32 $0x1  }
0xe: {  	[tilespmem:s8], [sflag:$0x1] =	stream.indirect.gather [hbm4b:s5+s6], $0x20, s6, s6, $0xb8;
	[tilespmem:$0x10D88] =	vst v63  }
0xf: {  	s11 =	smul.u32 $0x4E20, s12;
	_ =	swait.ge [sflag:s9], $0x7D00  }
0x10: {  	s13 =	sadd.s32 $0x38F400, s10;
	[sflag:s9] =	ssyncset.done $0x0  }
0x11: {  	s11 =	sadd.s32 s13, s11;
	s10 =	simm.s32 $0x2;
	[sflag:s9] =	ssyncadd.s32 $0xFFFF8300  }
0x12: {  	[hbm4b:s11+s2] =	stream.linear.scatter [tilespmem:s7], [sflag:$0x2], $0x7D00, $0x38;
	[tilespmem:$0x10D88] =	vst v63  }
0x13: {  	_ =	swait.ge [sflag:s10], $0x7D00  }
0x14: {  	[sflag:s10] =	ssyncset.done $0x0  }
0x15: {  	s14 =	smul.u32 $0x27100, s12;
	s12 =	simm.s32 $0x7D0;
	[sflag:s10] =	ssyncadd.s32 $0xFFFF8300  }
0x16: {  	[tilespmem:s7], [sflag:$0x1] =	stream.indirect.gather [hbm4b:s5+s6], $0x20, s12, s6, $0xb8;
	[tilespmem:$0x10D88] =	vst v63  }
0x17: {  	s14 =	sshrl.u32 s14, $0x3;
	_ =	swait.ge [sflag:s9], $0x7D00  }
0x18: {  	s19 =	sadd.s32 s13, s14;
	[sflag:s9] =	ssyncset.done $0x0  }
0x19: {  	s13 =	sadd.s32 $0xFA0, s19;
	[sflag:s9] =	ssyncadd.s32 $0xFFFF8300  }
0x1a: {  	[hbm4b:s13+s2] =	stream.linear.scatter [tilespmem:s8], [sflag:$0x2], $0x7D00, $0x38;
	[tilespmem:$0x10D88] =	vst v63  }
0x1b: {  	_ =	swait.ge [sflag:s10], $0x7D00  }
0x1c: {  	[sflag:s10] =	ssyncset.done $0x0  }
0x1d: {  	s14 =	simm.s32 $0xBB8;
	[sflag:s10] =	ssyncadd.s32 $0xFFFF8300  }
0x1e: {  	[tilespmem:s8], [sflag:$0x1] =	stream.indirect.gather [hbm4b:s5+s6], $0x20, s14, s6, $0xb8;
	[tilespmem:$0x10D88] =	vst v63  }
0x1f: {  	_ =	swait.ge [sflag:s9], $0x7D00  }
0x20: {  	[sflag:s9] =	ssyncset.done $0x0  }
0x21: {  	s15 =	sadd.s32 $0x1F40, s19;
	[sflag:s9] =	ssyncadd.s32 $0xFFFF8300  }
0x22: {  	[hbm4b:s15+s2] =	stream.linear.scatter [tilespmem:s7], [sflag:$0x2], $0x7D00, $0x38;
	[tilespmem:$0x10D88] =	vst v63  }
0x23: {  	_ =	swait.ge [sflag:s10], $0x7D00  }
0x24: {  	[sflag:s10] =	ssyncset.done $0x0  }
0x25: {  	s16 =	simm.s32 $0xFA0;
	[sflag:s10] =	ssyncadd.s32 $0xFFFF8300  }
0x26: {  	[tilespmem:s7], [sflag:$0x1] =	stream.indirect.gather [hbm4b:s5+s6], $0x20, s16, s6, $0xb8;
	[tilespmem:$0x10D88] =	vst v63  }
0x27: {  	_ =	swait.ge [sflag:s9], $0x7D00  }
0x28: {  	s20 =	ssub.s32 $0x2, s18;
	[sflag:s9] =	ssyncset.done $0x0  }
0x29: {  	s31 =	sshrl.u32 s20, $0x1;
	s17 =	sadd.s32 $0x2EE0, s19;
	[sflag:s9] =	ssyncadd.s32 $0xFFFF8300  }
0x2a: {  	[hbm4b:s17+s2] =	stream.linear.scatter [tilespmem:s8], [sflag:$0x2], $0x7D00, $0x38;
	[tilespmem:$0x10D88] =	vst v63  }
0x2b: {  	s18 =	sadd.s32 $0x3E80, s19;
	s19 =	ssub.s32 s20, s31;
	_ =	swait.ge [sflag:s9], $0x7D00  }
0x2c: {  	s19 =	smax.u32 s19, $0x1;
	[sflag:s9] =	ssyncset.done $0x0  }
0x2d: {  	p0 =	sne.s32 s19, $0x1;
	[sflag:s9] =	ssyncadd.s32 $0xFFFF8300  }
0x2e: {  	[hbm4b:s18+s2] =	stream.linear.scatter [tilespmem:s7], [sflag:$0x2], $0x7D00, $0x38;
	[tilespmem:$0x10D88] =	vst v63  }
.Ltmp0:
0x2f: {  	_ =	swait.ge [sflag:s10], $0x7D00;
	(pc) =	sbr.rel @!p0 .LBB2_2-.Ltmp0, $4  }
0x30: {  	[sflag:s10] =	ssyncset.done $0x0  }
0x31: {  	[sflag:s10] =	ssyncadd.s32 $0xFFFF8300  }
0x32: {  	_ =	swait.ge [sflag:s10], $0x7D00  }
0x33: {  	s19 =	sadd.s32 $0xFFFFFFFF, s19;
	[sflag:s10] =	ssyncset.done $0x0  }
.LBB2_1:
0x34: {  	p0 =	sne.s32 s19, $0x1;
	s19 =	sadd.s32 $0xFFFFFFFF, s19;
	[sflag:s10] =	ssyncadd.s32 $0xFFFF8300  }
0x35: {  	[tilespmem:s2], [sflag:$0x3] =	stream.linear.gather [hbm4b:s3+s2], $0x1388, $0x38;
	[tilespmem:$0x10D88] =	vst v63  }
0x36: {  	_ =	swait.ge [sflag:s4], $0x1388  }
0x37: {  	[sflag:s4] =	ssyncset.done $0x0  }
0x38: {  	[sflag:s4] =	ssyncadd.s32 $0xFFFFEC78  }
0x39: {  	[tilespmem:s7], [sflag:$0x1] =	stream.indirect.gather [hbm4b:s5+s6], $0x20, s2, s6, $0xb8;
	[tilespmem:$0x10D88] =	vst v63  }
0x3a: {  	_ = 	snop  }
0x3b: {  	[tilespmem:s8], [sflag:$0x1] =	stream.indirect.gather [hbm4b:s5+s6], $0x20, s6, s6, $0xb8;
	[tilespmem:$0x10D88] =	vst v63  }
0x3c: {  	_ =	swait.ge [sflag:s9], $0x7D00  }
0x3d: {  	[sflag:s9] =	ssyncset.done $0x0  }
0x3e: {  	[sflag:s9] =	ssyncadd.s32 $0xFFFF8300  }
0x3f: {  	[hbm4b:s11+s2] =	stream.linear.scatter [tilespmem:s7], [sflag:$0x2], $0x7D00, $0x38;
	[tilespmem:$0x10D88] =	vst v63  }
0x40: {  	_ =	swait.ge [sflag:s10], $0x7D00  }
0x41: {  	[sflag:s10] =	ssyncset.done $0x0  }
0x42: {  	[sflag:s10] =	ssyncadd.s32 $0xFFFF8300  }
0x43: {  	[tilespmem:s7], [sflag:$0x1] =	stream.indirect.gather [hbm4b:s5+s6], $0x20, s12, s6, $0xb8;
	[tilespmem:$0x10D88] =	vst v63  }
0x44: {  	_ =	swait.ge [sflag:s9], $0x7D00  }
0x45: {  	[sflag:s9] =	ssyncset.done $0x0  }
0x46: {  	[sflag:s9] =	ssyncadd.s32 $0xFFFF8300  }
0x47: {  	[hbm4b:s13+s2] =	stream.linear.scatter [tilespmem:s8], [sflag:$0x2], $0x7D00, $0x38;
	[tilespmem:$0x10D88] =	vst v63  }
0x48: {  	_ =	swait.ge [sflag:s10], $0x7D00  }
0x49: {  	[sflag:s10] =	ssyncset.done $0x0  }
0x4a: {  	[sflag:s10] =	ssyncadd.s32 $0xFFFF8300  }
0x4b: {  	[tilespmem:s8], [sflag:$0x1] =	stream.indirect.gather [hbm4b:s5+s6], $0x20, s14, s6, $0xb8;
	[tilespmem:$0x10D88] =	vst v63  }
0x4c: {  	_ =	swait.ge [sflag:s9], $0x7D00  }
0x4d: {  	[sflag:s9] =	ssyncset.done $0x0  }
0x4e: {  	[sflag:s9] =	ssyncadd.s32 $0xFFFF8300  }
0x4f: {  	[hbm4b:s15+s2] =	stream.linear.scatter [tilespmem:s7], [sflag:$0x2], $0x7D00, $0x38;
	[tilespmem:$0x10D88] =	vst v63  }
0x50: {  	_ =	swait.ge [sflag:s10], $0x7D00  }
0x51: {  	[sflag:s10] =	ssyncset.done $0x0  }
0x52: {  	[sflag:s10] =	ssyncadd.s32 $0xFFFF8300  }
0x53: {  	[tilespmem:s7], [sflag:$0x1] =	stream.indirect.gather [hbm4b:s5+s6], $0x20, s16, s6, $0xb8;
	[tilespmem:$0x10D88] =	vst v63  }
0x54: {  	_ =	swait.ge [sflag:s9], $0x7D00  }
0x55: {  	[sflag:s9] =	ssyncset.done $0x0  }
0x56: {  	[sflag:s9] =	ssyncadd.s32 $0xFFFF8300  }
0x57: {  	[hbm4b:s17+s2] =	stream.linear.scatter [tilespmem:s8], [sflag:$0x2], $0x7D00, $0x38;
	[tilespmem:$0x10D88] =	vst v63  }
0x58: {  	_ =	swait.ge [sflag:s9], $0x7D00  }
0x59: {  	[sflag:s9] =	ssyncset.done $0x0  }
0x5a: {  	[sflag:s9] =	ssyncadd.s32 $0xFFFF8300  }
0x5b: {  	[hbm4b:s18+s2] =	stream.linear.scatter [tilespmem:s7], [sflag:$0x2], $0x7D00, $0x38;
	[tilespmem:$0x10D88] =	vst v63  }
.Ltmp1:
0x5c: {  	_ =	swait.ge [sflag:s10], $0x7D00;
	(pc) =	sbr.rel @p0 .LBB2_1-.Ltmp1, $4  }
0x5d: {  	[sflag:s10] =	ssyncset.done $0x0  }
0x5e: {  	[sflag:s10] =	ssyncadd.s32 $0xFFFF8300  }
0x5f: {  	_ =	swait.ge [sflag:s10], $0x7D00  }
0x60: {  	[sflag:s10] =	ssyncset.done $0x0  }
.LBB2_2:
0x61: {  	[sflag:s10] =	ssyncadd.s32 $0xFFFF8300  }
0x62: {  	_ =	sfence.sel $0x180000  }
0x63: {  	[bflag:$0x0] =	sbarrier.arrive $0xFFFF  }
0x64: {  	p0 =	sne.s32 s0, $0x0;
	_ =	strace $0x9000004D  }
0x65: {  	s0 =	sadd.s32 @!p0 $0x100000, s1;
	[bflag:$0x2] =	sbarrier.arrive $0xFFFF  }
0x66: {  	[sflag:s0] =	ssyncadd.tile.s32 @!p0 $0x1;
	_ =	shalt  }
.Lfunc_end2:
_tile_overlayer_lowered:
.L_overlay_start_2:
0x67: {  	(tag) =	ssettag $0x2  }
0x68: {  	s0 =	rddreg [dreg:$0x0];
	s2 =	stileid.u32  }
0x69: {  	s1 =	rddreg [dreg:$0x1];
	p0 =	sne.s32 s2, $0x0  }
0x6a: {  	s3 =	rddreg [dreg:$0x2];
	[bflag:$0x3] =	sbarrier.arrive $0xFFFF;
	s2 =	simm.s32 @!p0 $0x1C03  }
0x6b: {  	[timem:s3], [sflag:s2] =	dma.local @!p0 [hbm:s0], s1  }
0x6c: {  	s0 =	simm.s32 @!p0 $0x3  }
0x6d: {  	_ =	swait.ge @!p0 [sflag:s0], s1  }
0x6e: {  	s1 =	ssub.s32 @!p0 $0x0, s1;
	[sflag:s0] =	ssyncset.done @!p0 $0x0  }
0x6f: {  	[sflag:s0] =	ssyncadd.s32 @!p0 s1  }
0x70: {  	[bflag:$0x3] =	sbarrier.arrive $0xFFFF  }
0x71: {  	_ =	shalt  }

// kernel: kernel.22.cloned.1.call-start
scs
__scs_entry_jumppad:
0x0: {  	(pc) =	sbr.rel $0x88, $3  }
0x1: {  	(tag) =	ssettag $0x0;
	lr =	simm.s32 $0x1  }
0x2: {  	[smem:$0x3F91] =	sst lr;
	_ =	strace $0xD0000000  }
0x3: {  	_ = 	snop  }
0x4: {  	_ = 	snop  }
0x5: {  	_ = 	snop  }
0x6: {  	_ = 	snop  }
0x7: {  	_ = 	snop  }
__scs_overlays_trampoline_lowered:
0x8: {  	[smem:$0x3FA0] =	sst s0  }
0x9: {  	[smem:$0x3FA1] =	sst s1  }
0xa: {  	[smem:$0x3FA2] =	sst s2  }
0xb: {  	[smem:$0x3FA3] =	sst s3  }
0xc: {  	[smem:$0x3FA4] =	sst s4  }
0xd: {  	[smem:$0x3FA5] =	sst s5  }
0xe: {  	[smem:$0x3FA6] =	sst s6  }
0xf: {  	[smem:$0x3FA7] =	sst s7  }
0x10: {  	[smem:$0x3FA8] =	sst s8  }
0x11: {  	[smem:$0x3FA9] =	sst s9;
	s0 =	simm.s32 @!p0 $0x0  }
0x12: {  	s1 =	sld [smem:$0x3F8F];
	s0 =	simm.s32 @p0 $0x1  }
0x13: {  	[smem:$0x3FAA] =	sst s0;
	s0 =	simm.s32 @!p1 $0x0  }
0x14: {  	s2 =	sld [smem:$0x3F8E];
	s0 =	simm.s32 @p1 $0x1  }
0x15: {  	[smem:$0x3FAB] =	sst s0;
	s0 =	simm.s32 @!p2 $0x0  }
0x16: {  	s3 =	sld [smem:$0x3FDB];
	s0 =	simm.s32 @p2 $0x1  }
0x17: {  	s4 =	simm.s32 $0x1BF5;
	[smem:$0x3FAD] =	sst s0  }
0x18: {  	s0 =	sld [smem:$0x3F90];
	_ =	swait.ge [sflag:s4], $0x0  }
0x19: {  	s7 =	sld [smem:$0x3F91]  }
0x1a: {  	s8 =	sadd.s32 $0xFFFFE003, lr  }
0x1b: {  	s9 =	sadd.s32 $0xFFFFFEF7, lr;
	s5 =	simm.s32 $0xFFFFFFFF;
	p2 =	slt.u32 s8, $0xFFFFF086  }
0x1c: {  	p1 =	slt.u32 s9, $0xF7A;
	s5 =	simm.s32 @!p2 $0x0  }
0x1d: {  	s5 =	simm.s32 @p1 $0x1;
	p0 =	seq.s32 s7, s2  }
0x1e: {  	s7 =	smul.u32 @!p0 $0xF7A, s2;
	p2 =	seq.s32 @!p0 s5, $0x0  }
0x1f: {  	s9 =	smul.u32 $0xF7A, s1;
	s8 =	simm.s32 @!p0 $0x1BF5;
	p2 =	por !p2, p0  }
0x20: {  	[sflag:s8] =	ssyncset.s32 @!p0 $0xFFFFF086;
	s6 =	sadd.s32 @!p0 s3, s7;
	s7 =	simm.s32 @!p0 $0x108  }
0x21: {  	s3 =	sadd.s32 s3, s9;
	s6 =	sadd.s32 @!p0 $0x88, s6;
	s7 =	simm.s32 @p2 $0x1082  }
0x22: {  	[simem:s7], [sflag:s8] =	dma.local @!p0 [hbm:s6], $0xF7A  }
0x23: {  	s9 =	sor.u32 $0xD0000000, s2;
	s6 =	simm.s32 $0x108;
	_ =	swait.ge @!p0 [sflag:s8], $0x0  }
0x24: {  	s3 =	sadd.s32 $0x88, s3;
	s6 =	simm.s32 @!p1 $0x1082;
	[sflag:s4] =	ssyncset.s32 $0xFFFFF086  }
0x25: {  	[simem:s6], [sflag:s4] =	dma.local [hbm:s3], $0xF7A  }
0x26: {  	[smem:$0x3F91] =	sst s1;
	(tag) =	ssettag s2;
	_ =	strace s9  }
0x27: {  	s1 =	sld [smem:$0x3FA1]  }
0x28: {  	s2 =	sld [smem:$0x3FA2]  }
0x29: {  	s4 =	sld [smem:$0x3FA4]  }
0x2a: {  	p0 =	seq.s32 s5, $0x0;
	s5 =	sld [smem:$0x3FA5]  }
0x2b: {  	s6 =	sld [smem:$0x3FA6]  }
0x2c: {  	s7 =	sld [smem:$0x3FA7]  }
0x2d: {  	s3 =	simm.s32 $0x108;
	s8 =	sld [smem:$0x3FA8]  }
0x2e: {  	s3 =	simm.s32 @!p0 $0x1082;
	s9 =	sld [smem:$0x3FA9]  }
0x2f: {  	lr =	sadd.s32 s0, s3;
	s0 =	sld [smem:$0x3FA0]  }
0x30: {  	s3 =	sld [smem:$0x3FA3]  }
0x31: {  	[smem:$0x3FAC] =	sst s10  }
0x32: {  	s10 =	sld [smem:$0x3FAA];
	_ =	sdelay $0x3  }
0x33: {  	p0 =	seq.s32 s10, $0x1;
	s10 =	sld [smem:$0x3FAC];
	_ =	sdelay $0x3  }
0x34: {  	[smem:$0x3FAC] =	sst s10  }
0x35: {  	s10 =	sld [smem:$0x3FAB];
	_ =	sdelay $0x3  }
0x36: {  	p1 =	seq.s32 s10, $0x1;
	s10 =	sld [smem:$0x3FAC];
	_ =	sdelay $0x3  }
0x37: {  	[smem:$0x3FAC] =	sst s10  }
0x38: {  	s10 =	sld [smem:$0x3FAD]  }
0x39: {  	_ = 	snop;
	(pc) =	sbr.ind lr, $3  }
0x3a: {  	_ = 	snop  }
0x3b: {  	_ = 	snop  }
0x3c: {  	p2 =	seq.s32 s10, $0x1;
	s10 =	sld [smem:$0x3FAC]  }
0x3d: {  	_ =	shalt  }
0x3e: {  	_ =	shalt  }
0x3f: {  	_ =	shalt  }
0x40: {  	_ =	shalt  }
0x41: {  	_ =	shalt  }
0x42: {  	_ =	shalt  }
0x43: {  	_ =	shalt  }
0x44: {  	_ =	shalt  }
0x45: {  	_ =	shalt  }
0x46: {  	_ =	shalt  }
0x47: {  	_ =	shalt  }
0x48: {  	_ =	shalt  }
0x49: {  	_ =	shalt  }
0x4a: {  	_ =	shalt  }
0x4b: {  	_ =	shalt  }
0x4c: {  	_ =	shalt  }
0x4d: {  	_ =	shalt  }
0x4e: {  	_ =	shalt  }
0x4f: {  	_ =	shalt  }
0x50: {  	_ =	shalt  }
0x51: {  	_ =	shalt  }
0x52: {  	_ =	shalt  }
0x53: {  	_ =	shalt  }
0x54: {  	_ =	shalt  }
0x55: {  	_ =	shalt  }
0x56: {  	_ =	shalt  }
0x57: {  	_ =	shalt  }
0x58: {  	_ =	shalt  }
0x59: {  	_ =	shalt  }
0x5a: {  	_ =	shalt  }
0x5b: {  	_ =	shalt  }
0x5c: {  	_ =	shalt  }
0x5d: {  	_ =	shalt  }
0x5e: {  	_ =	shalt  }
0x5f: {  	_ =	shalt  }
0x60: {  	_ =	shalt  }
0x61: {  	_ =	shalt  }
0x62: {  	_ =	shalt  }
0x63: {  	_ =	shalt  }
0x64: {  	_ =	shalt  }
0x65: {  	_ =	shalt  }
0x66: {  	_ =	shalt  }
0x67: {  	_ =	shalt  }
0x68: {  	_ =	shalt  }
0x69: {  	_ =	shalt  }
0x6a: {  	_ =	shalt  }
0x6b: {  	_ =	shalt  }
0x6c: {  	_ =	shalt  }
0x6d: {  	_ =	shalt  }
0x6e: {  	_ =	shalt  }
0x6f: {  	_ =	shalt  }
0x70: {  	_ =	shalt  }
0x71: {  	_ =	shalt  }
0x72: {  	_ =	shalt  }
0x73: {  	_ =	shalt  }
0x74: {  	_ =	shalt  }
0x75: {  	_ =	shalt  }
0x76: {  	_ =	shalt  }
0x77: {  	_ =	shalt  }
0x78: {  	_ =	shalt  }
0x79: {  	_ =	shalt  }
0x7a: {  	_ =	shalt  }
0x7b: {  	_ =	shalt  }
0x7c: {  	_ =	shalt  }
0x7d: {  	_ =	shalt  }
0x7e: {  	_ =	shalt  }
0x7f: {  	_ =	shalt  }
0x80: {  	_ =	shalt  }
0x81: {  	_ =	shalt  }
0x82: {  	_ =	shalt  }
0x83: {  	_ =	shalt  }
0x84: {  	_ =	shalt  }
0x85: {  	_ =	shalt  }
0x86: {  	_ =	shalt  }
0x87: {  	_ =	shalt  }
.Lfunc_end0:
.L_simem_size_0:
called_computation.3_lowered:
.L_overlay_start_0:
0x88: {  	s2 =	sld [smem:$0x3FD9]  }
0x89: {  	s3 =	sld [smem:$0x3FFE];
	_ =	sdelay $0x1  }
0x8a: {  	s1 =	srdreg.scid  }
0x8b: {  	s0 =	sand.u32 $0x1, s1  }
0x8c: {  	s17 =	sshll.u32 s0, $0xA;
	s2 =	sadd.s32 s3, s2  }
0x8d: {  	s2 =	sadd.s32 s2, s17  }
0x8e: {  	[smem:$0x3FB8] =	sst s2  }
0x8f: {  	_ = 	snop  }
0x90: {  	s2 =	sld [smem:$0x3FD0];
	(tm) =	ssettm $0x1  }
0x91: {  	s18 =	sld [smem:$0x3FFB];
	_ =	sdelay $0x3  }
0x92: {  	_ =	strace s18  }
0x93: {  	s3 =	sld [smem:$0x3FFC];
	_ =	sdelay $0x3  }
0x94: {  	_ =	strace s3  }
0x95: {  	s3 =	sld [smem:$0x3FFD];
	_ =	sdelay $0x3  }
0x96: {  	_ =	strace s3  }
0x97: {  	_ =	strace $0x8FFFFFFF  }
0x98: {  	s19 =	sld [smem:$0x3FDB];
	_ =	sdelay $0x1  }
0x99: {  	s4 =	simm.s32 $_scs_section_size  }
0x9a: {  	s5 =	simm.s32 $_size__tile_overlayer_lowered;
	s6 =	simm.s32 $_tile_overlayer_lowered  }
0x9b: {  	s22 =	simm.s32 $0x1BFF;
	s21 =	sshll.u32 s6, $0x1;
	s3 =	sadd.s32 s4, s19  }
0x9c: {  	s7 =	simm.s32 $0x0;
	s20 =	sshll.u32 s5, $0x1;
	s5 =	sadd.s32 s21, s3  }
0x9d: {  	[timem:s7], [sflag:s22] =	dma.local [hbm:s5], s20  }
0x9e: {  	_ =	swait.ge [sflag:s22], s20  }
0x9f: {  	s4 =	ssub.s32 $0x0, s20;
	[sflag:s22] =	ssyncset.done $0x0  }
0xa0: {  	[sflag:s22] =	ssyncadd.s32 s4;
	_ =	sdelay $0x1  }
0xa1: {  	s23 =	simm.s32 $0x1B8B  }
0xa2: {  	_ =	swait.ge [sflag:s23], $0x1  }
0xa3: {  	[sflag:s23] =	ssyncset.done $0x0  }
0xa4: {  	s25 =	simm.s32 $0x1B8E;
	s24 =	sld [smem:$0x3FFE];
	[sflag:s23] =	ssyncadd.s32 $0xFFFFFFFF  }
0xa5: {  	s26 =	simm.s32 $execute0_lowered;
	[smem:$0x3FD2] =	sst s25  }
0xa6: {  	s5 =	sshll.u32 s26, $0x1;
	_ =	strace $0x8000004F;
	[dreg:$0x1] =	wrdreg $0xFFFFFFFF  }
0xa7: {  	s28 =	simm.s32 $_size_execute0_lowered;
	s3 =	sadd.s32 s3, s5;
	[dreg:$0x0] =	wrdreg $0x0  }
0xa8: {  	s5 =	sshll.u32 s28, $0x1;
	[dreg:$0x2] =	wrdreg s3  }
0xa9: {  	[dreg:$0x3] =	wrdreg s5  }
0xaa: {  	[dreg:$0x4] =	wrdreg $0xC0  }
0xab: {  	_ =	task [dreg:s7], $0x5FFFF  }
0xac: {  	[dreg:$0x1] =	wrdreg $0xFFFFFFFF  }
0xad: {  	[dreg:$0x0] =	wrdreg $0x60  }
0xae: {  	[dreg:$0x2] =	wrdreg s24  }
0xaf: {  	[dreg:$0x3] =	wrdreg s2  }
0xb0: {  	[dreg:$0x4] =	wrdreg $0x10D880  }
0xb1: {  	[dreg:$0x5] =	wrdreg $0x9  }
0xb2: {  	_ =	task.clear_ibuf [dreg:s7], $0x6FFFF;
	_ =	strace $0x9000004F  }
0xb3: {  	s29 =	simm.s32 $0x9;
	_ =	strace $0x80000051  }
0xb4: {  	_ =	swait.ge [sflag:s29], $0x1  }
0xb5: {  	[sflag:s29] =	ssyncadd.s32 $0xFFFFFFFF  }
0xb6: {  	_ =	strace $0x90000051  }
0xb7: {  	_ =	sfence  }
0xb8: {  	s30 =	sld [smem:$0x0];
	_ =	sdelay $0x2  }
0xb9: {  	s31 =	sshll.u32 s1, $0xD;
	s1 =	sshrl.u32 s1, $0x2  }
0xba: {  	s3 =	sand.u32 $0x4000, s31;
	s1 =	sadd.s32 s1, s30  }
0xbb: {  	s0 =	sor.u32 s3, s0;
	s1 =	sshll.u32 s1, $0x11  }
0xbc: {  	s0 =	sor.u32 s1, s0  }
0xbd: {  	s0 =	sadd.s32 $0x8F2B, s0  }
0xbe: {  	[sflag:s0] =	ssyncadd.remote.s32 $0x1  }
0xbf: {  	_ =	sfence.sel $0xFFFF  }
0xc0: {  	[dreg:$0x0] =	wrdreg $0xFFFFFFFF;
	(pc) =	sbr.abs _section_cstart, $3  }
0xc1: {  	[dreg:$0x1] =	wrdreg $0xFFFFFFFF  }
0xc2: {  	_ =	task.clear_ibuf [dreg:s7], $0x2FFFF;
	_ =	strace $0x9FFFFFFF  }
0xc3: {  	(tm) =	ssettm $0x7FFFFFFF  }
tec
execute0_lowered:
.L_overlay_start_1:
0x0: {  	(tag) =	ssettag $0x1  }
0x1: {  	s1 =	srdreg.scid;
	s0 =	stileid.u32  }
0x2: {  	s21 =	rddreg [dreg:$0x0];
	s22 =	sand.u32 $0x1, s1;
	s28 =	sshll.u32 s0, $0x1  }
0x3: {  	s6 =	rddreg [dreg:$0x1];
	s9 =	sor.u32 s22, s28  }
0x4: {  	s2 =	rddreg [dreg:$0x2];
	s4 =	smul.u32 $0x271, s9  }
0x5: {  	s3 =	simm.s32 $0x0;
	s5 =	simm.s32 $0x2;
	s1 =	rddreg [dreg:$0x3]  }
0x6: {  	[smem:$0x7FF] =	sst s3;
	s7 =	smul.u32 $0x4F00, s0;
	s4 =	sadd.s32 s4, s21  }
0x7: {  	s29 =	sshll.u32 s0, $0x6;
	_ =	strace $0x80000050;
	s4 =	sadd.s32 $0x6600, s4  }
0x8: {  	[tilespmem:s3], [sflag:$0x2] =	stream.linear.gather [hbm4b:s4+s3], $0x1388, $0x38;
	[tilespmem:$0x15C88] =	vst v63  }
0x9: {  	s8 =	sshrl.u32 s7, $0x3;
	s10 =	sadd.s32 s7, s2;
	_ =	swait.ge [sflag:s5], $0x1388  }
0xa: {  	s11 =	smul.u32 $0x4E20, s9;
	s7 =	sor.u32 $0x1C02, s29;
	[sflag:s5] =	ssyncset.done $0x0  }
0xb: {  	s6 =	sadd.s32 s6, s8;
	s8 =	sshrl.u32 s10, $0x3;
	[sflag:s5] =	ssyncadd.s32 $0xFFFFEC78  }
0xc: {  	[spmem:s8], [sflag:s7] =	dma.local [hbm:s6], $0x9E0  }
0xd: {  	s30 =	smul.u32 $0x27100, s9;
	_ =	swait.ge [sflag:s5], $0x9E0  }
0xe: {  	s12 =	sadd.s32 $0x85C00, s21;
	[sflag:s5] =	ssyncset.done $0x0  }
0xf: {  	s9 =	sadd.s32 s12, s11;
	s10 =	sshrl.u32 s30, $0x3;
	[sflag:s5] =	ssyncadd.s32 $0xFFFFF620  }
0x10: {  	s18 =	sadd.s32 s12, s10;
	s10 =	simm.s32 $0x1388;
	[bflag:$0x0] =	sbarrier.arrive $0xFFFF  }
0x11: {  	[tilespmem:s10], [sflag:$0x1] =	stream.linear.gather [hbm4b:s9+s3], $0x7D00, $0x38;
	[tilespmem:$0x15C88] =	vst v63  }
0x12: {  	s13 =	simm.s32 $0x1;
	s12 =	simm.s32 $0x9088;
	s11 =	sadd.s32 $0xFA0, s18  }
0x13: {  	[tilespmem:s12], [sflag:$0x1] =	stream.linear.gather [hbm4b:s11+s3], $0x7D00, $0x38;
	[tilespmem:$0x15C88] =	vst v63  }
0x14: {  	_ =	swait.ge [sflag:s13], $0x7D00  }
0x15: {  	[sflag:s13] =	ssyncset.done $0x0  }
0x16: {  	s14 =	simm.s32 $0x3E8;
	[sflag:s13] =	ssyncadd.s32 $0xFFFF8300  }
0x17: {  	[spmem:s2] =	stream.indirect.scatter.add.f32 [tilespmem:s10], [sflag:$0x2], $0x20, s3, s14, $0xb8;
	[tilespmem:$0x15C88] =	vst v63  }
0x18: {  	_ =	swait.ge [sflag:s5], $0x7D00  }
0x19: {  	[sflag:s5] =	ssyncset.done $0x0  }
0x1a: {  	s15 =	sadd.s32 $0x1F40, s18;
	[sflag:s5] =	ssyncadd.s32 $0xFFFF8300  }
0x1b: {  	[tilespmem:s10], [sflag:$0x1] =	stream.linear.gather [hbm4b:s15+s3], $0x7D00, $0x38;
	[tilespmem:$0x15C88] =	vst v63  }
0x1c: {  	_ =	swait.ge [sflag:s13], $0x7D00  }
0x1d: {  	[sflag:s13] =	ssyncset.done $0x0  }
0x1e: {  	[sflag:s13] =	ssyncadd.s32 $0xFFFF8300  }
0x1f: {  	[spmem:s2] =	stream.indirect.scatter.add.f32 [tilespmem:s12], [sflag:$0x2], $0x20, s14, s14, $0xb8;
	[tilespmem:$0x15C88] =	vst v63  }
0x20: {  	_ =	swait.ge [sflag:s5], $0x7D00  }
0x21: {  	[sflag:s5] =	ssyncset.done $0x0  }
0x22: {  	s16 =	sadd.s32 $0x2EE0, s18;
	[sflag:s5] =	ssyncadd.s32 $0xFFFF8300  }
0x23: {  	[tilespmem:s12], [sflag:$0x1] =	stream.linear.gather [hbm4b:s16+s3], $0x7D00, $0x38;
	[tilespmem:$0x15C88] =	vst v63  }
0x24: {  	_ =	swait.ge [sflag:s13], $0x7D00  }
0x25: {  	[sflag:s13] =	ssyncset.done $0x0  }
0x26: {  	s17 =	simm.s32 $0x7D0;
	[sflag:s13] =	ssyncadd.s32 $0xFFFF8300  }
0x27: {  	[spmem:s2] =	stream.indirect.scatter.add.f32 [tilespmem:s10], [sflag:$0x2], $0x20, s17, s14, $0xb8;
	[tilespmem:$0x15C88] =	vst v63  }
0x28: {  	_ =	swait.ge [sflag:s5], $0x7D00  }
0x29: {  	[sflag:s5] =	ssyncset.done $0x0  }
0x2a: {  	s18 =	sadd.s32 $0x3E80, s18;
	[sflag:s5] =	ssyncadd.s32 $0xFFFF8300  }
0x2b: {  	[tilespmem:s10], [sflag:$0x1] =	stream.linear.gather [hbm4b:s18+s3], $0x7D00, $0x38;
	[tilespmem:$0x15C88] =	vst v63  }
0x2c: {  	_ =	swait.ge [sflag:s13], $0x7D00  }
0x2d: {  	[sflag:s13] =	ssyncset.done $0x0  }
0x2e: {  	s19 =	simm.s32 $0xBB8;
	[sflag:s13] =	ssyncadd.s32 $0xFFFF8300  }
0x2f: {  	[spmem:s2] =	stream.indirect.scatter.add.f32 [tilespmem:s12], [sflag:$0x2], $0x20, s19, s14, $0xb8;
	[tilespmem:$0x15C88] =	vst v63  }
0x30: {  	_ =	swait.ge [sflag:s5], $0x7D00  }
0x31: {  	[sflag:s5] =	ssyncset.done $0x0  }
0x32: {  	[sflag:s5] =	ssyncadd.s32 $0xFFFF8300  }
0x33: {  	s24 =	smul.u32 $0x9E00, s22;
	s22 =	ssub.s32 $0x2, s22;
	_ =	swait.ge [sflag:s13], $0x7D00  }
0x34: {  	s20 =	simm.s32 $0xFA0;
	s31 =	sshrl.u32 s22, $0x1;
	[sflag:s13] =	ssyncset.done $0x0  }
0x35: {  	s23 =	smul.u32 $0x9E0, s0;
	s22 =	ssub.s32 s22, s31;
	[sflag:s13] =	ssyncadd.s32 $0xFFFF8300  }
0x36: {  	[spmem:s2] =	stream.indirect.scatter.add.f32 [tilespmem:s10], [sflag:$0x2], $0x20, s20, s14, $0xb8;
	[tilespmem:$0x15C88] =	vst v63  }
0x37: {  	s22 =	smax.u32 s22, $0x1;
	_ =	swait.ge [sflag:s5], $0x7D00  }
0x38: {  	s23 =	sadd.s32 s23, s24;
	p0 =	sne.s32 s22, $0x1;
	[sflag:s5] =	ssyncset.done $0x0  }
.Ltmp0:
0x39: {  	s21 =	sadd.s32 s23, s21;
	[sflag:s5] =	ssyncadd.s32 $0xFFFF8300;
	(pc) =	sbr.rel @!p0 .LBB2_2-.Ltmp0, $4  }
0x3a: {  	s21 =	sadd.s32 $0x122000, s21;
	[bflag:$0x0] =	sbarrier.arrive $0xFFFF  }
0x3b: {  	[hbm:s21], [sflag:s7] =	dma.local [spmem:s8], $0x9E0  }
0x3c: {  	_ =	swait.ge [sflag:s5], $0x9E0  }
0x3d: {  	s22 =	sadd.s32 $0xFFFFFFFF, s22;
	[sflag:s5] =	ssyncset.done $0x0  }
.LBB2_1:
0x3e: {  	p0 =	sne.s32 s22, $0x1;
	s22 =	sadd.s32 $0xFFFFFFFF, s22;
	[sflag:s5] =	ssyncadd.s32 $0xFFFFF620  }
0x3f: {  	[tilespmem:s3], [sflag:$0x2] =	stream.linear.gather [hbm4b:s4+s3], $0x1388, $0x38;
	[tilespmem:$0x15C88] =	vst v63  }
0x40: {  	_ =	swait.ge [sflag:s5], $0x1388  }
0x41: {  	[sflag:s5] =	ssyncset.done $0x0  }
0x42: {  	[sflag:s5] =	ssyncadd.s32 $0xFFFFEC78  }
0x43: {  	[spmem:s8], [sflag:s7] =	dma.local [hbm:s6], $0x9E0  }
0x44: {  	_ =	swait.ge [sflag:s5], $0x9E0  }
0x45: {  	[sflag:s5] =	ssyncset.done $0x0  }
0x46: {  	[sflag:s5] =	ssyncadd.s32 $0xFFFFF620  }
0x47: {  	[bflag:$0x0] =	sbarrier.arrive $0xFFFF  }
0x48: {  	[tilespmem:s10], [sflag:$0x1] =	stream.linear.gather [hbm4b:s9+s3], $0x7D00, $0x38;
	[tilespmem:$0x15C88] =	vst v63  }
0x49: {  	_ = 	snop  }
0x4a: {  	[tilespmem:s12], [sflag:$0x1] =	stream.linear.gather [hbm4b:s11+s3], $0x7D00, $0x38;
	[tilespmem:$0x15C88] =	vst v63  }
0x4b: {  	_ =	swait.ge [sflag:s13], $0x7D00  }
0x4c: {  	[sflag:s13] =	ssyncset.done $0x0  }
0x4d: {  	[sflag:s13] =	ssyncadd.s32 $0xFFFF8300  }
0x4e: {  	[spmem:s2] =	stream.indirect.scatter.add.f32 [tilespmem:s10], [sflag:$0x2], $0x20, s3, s14, $0xb8;
	[tilespmem:$0x15C88] =	vst v63  }
0x4f: {  	_ =	swait.ge [sflag:s5], $0x7D00  }
0x50: {  	[sflag:s5] =	ssyncset.done $0x0  }
0x51: {  	[sflag:s5] =	ssyncadd.s32 $0xFFFF8300  }
0x52: {  	[tilespmem:s10], [sflag:$0x1] =	stream.linear.gather [hbm4b:s15+s3], $0x7D00, $0x38;
	[tilespmem:$0x15C88] =	vst v63  }
0x53: {  	_ =	swait.ge [sflag:s13], $0x7D00  }
0x54: {  	[sflag:s13] =	ssyncset.done $0x0  }
0x55: {  	[sflag:s13] =	ssyncadd.s32 $0xFFFF8300  }
0x56: {  	[spmem:s2] =	stream.indirect.scatter.add.f32 [tilespmem:s12], [sflag:$0x2], $0x20, s14, s14, $0xb8;
	[tilespmem:$0x15C88] =	vst v63  }
0x57: {  	_ =	swait.ge [sflag:s5], $0x7D00  }
0x58: {  	[sflag:s5] =	ssyncset.done $0x0  }
0x59: {  	[sflag:s5] =	ssyncadd.s32 $0xFFFF8300  }
0x5a: {  	[tilespmem:s12], [sflag:$0x1] =	stream.linear.gather [hbm4b:s16+s3], $0x7D00, $0x38;
	[tilespmem:$0x15C88] =	vst v63  }
0x5b: {  	_ =	swait.ge [sflag:s13], $0x7D00  }
0x5c: {  	[sflag:s13] =	ssyncset.done $0x0  }
0x5d: {  	[sflag:s13] =	ssyncadd.s32 $0xFFFF8300  }
0x5e: {  	[spmem:s2] =	stream.indirect.scatter.add.f32 [tilespmem:s10], [sflag:$0x2], $0x20, s17, s14, $0xb8;
	[tilespmem:$0x15C88] =	vst v63  }
0x5f: {  	_ =	swait.ge [sflag:s5], $0x7D00  }
0x60: {  	[sflag:s5] =	ssyncset.done $0x0  }
0x61: {  	[sflag:s5] =	ssyncadd.s32 $0xFFFF8300  }
0x62: {  	[tilespmem:s10], [sflag:$0x1] =	stream.linear.gather [hbm4b:s18+s3], $0x7D00, $0x38;
	[tilespmem:$0x15C88] =	vst v63  }
0x63: {  	_ =	swait.ge [sflag:s13], $0x7D00  }
0x64: {  	[sflag:s13] =	ssyncset.done $0x0  }
0x65: {  	[sflag:s13] =	ssyncadd.s32 $0xFFFF8300  }
0x66: {  	[spmem:s2] =	stream.indirect.scatter.add.f32 [tilespmem:s12], [sflag:$0x2], $0x20, s19, s14, $0xb8;
	[tilespmem:$0x15C88] =	vst v63  }
0x67: {  	_ =	swait.ge [sflag:s5], $0x7D00  }
0x68: {  	[sflag:s5] =	ssyncset.done $0x0  }
0x69: {  	[sflag:s5] =	ssyncadd.s32 $0xFFFF8300  }
0x6a: {  	_ =	swait.ge [sflag:s13], $0x7D00  }
0x6b: {  	[sflag:s13] =	ssyncset.done $0x0  }
0x6c: {  	[sflag:s13] =	ssyncadd.s32 $0xFFFF8300  }
0x6d: {  	[spmem:s2] =	stream.indirect.scatter.add.f32 [tilespmem:s10], [sflag:$0x2], $0x20, s20, s14, $0xb8;
	[tilespmem:$0x15C88] =	vst v63  }
0x6e: {  	_ =	swait.ge [sflag:s5], $0x7D00  }
0x6f: {  	[sflag:s5] =	ssyncset.done $0x0  }
.Ltmp1:
0x70: {  	[sflag:s5] =	ssyncadd.s32 $0xFFFF8300;
	(pc) =	sbr.rel @p0 .LBB2_1-.Ltmp1, $4  }
0x71: {  	[bflag:$0x0] =	sbarrier.arrive $0xFFFF  }
0x72: {  	[hbm:s21], [sflag:s7] =	dma.local [spmem:s8], $0x9E0  }
0x73: {  	_ =	swait.ge [sflag:s5], $0x9E0  }
0x74: {  	[sflag:s5] =	ssyncset.done $0x0  }
.LBB2_2:
0x75: {  	[sflag:s5] =	ssyncadd.s32 $0xFFFFF620  }
0x76: {  	_ =	sfence.sel $0x180000  }
0x77: {  	[bflag:$0x0] =	sbarrier.arrive $0xFFFF  }
0x78: {  	p0 =	sne.s32 s0, $0x0;
	_ =	strace $0x90000050  }
0x79: {  	s0 =	sadd.s32 @!p0 $0x100000, s1;
	[bflag:$0x2] =	sbarrier.arrive $0xFFFF  }
0x7a: {  	[sflag:s0] =	ssyncadd.tile.s32 @!p0 $0x1;
	_ =	shalt  }
.Lfunc_end2:
_tile_overlayer_lowered:
.L_overlay_start_2:
0x7b: {  	(tag) =	ssettag $0x2  }
0x7c: {  	s0 =	rddreg [dreg:$0x0];
	s2 =	stileid.u32  }
0x7d: {  	s1 =	rddreg [dreg:$0x1];
	p0 =	sne.s32 s2, $0x0  }
0x7e: {  	s3 =	rddreg [dreg:$0x2];
	[bflag:$0x3] =	sbarrier.arrive $0xFFFF;
	s2 =	simm.s32 @!p0 $0x1C02  }
0x7f: {  	[timem:s3], [sflag:s2] =	dma.local @!p0 [hbm:s0], s1  }
0x80: {  	s0 =	simm.s32 @!p0 $0x2  }
0x81: {  	_ =	swait.ge @!p0 [sflag:s0], s1  }
0x82: {  	s1 =	ssub.s32 @!p0 $0x0, s1;
	[sflag:s0] =	ssyncset.done @!p0 $0x0  }
0x83: {  	[sflag:s0] =	ssyncadd.s32 @!p0 s1  }
0x84: {  	[bflag:$0x3] =	sbarrier.arrive $0xFFFF  }
0x85: {  	_ =	shalt  }

// kernel: kernel.25.cloned.1.call-start
scs
__scs_entry_jumppad:
0x0: {  	(pc) =	sbr.rel $0x88, $3  }
0x1: {  	(tag) =	ssettag $0x0;
	lr =	simm.s32 $0x1  }
0x2: {  	[smem:$0x3F91] =	sst lr;
	_ =	strace $0xD0000000  }
0x3: {  	_ = 	snop  }
0x4: {  	_ = 	snop  }
0x5: {  	_ = 	snop  }
0x6: {  	_ = 	snop  }
0x7: {  	_ = 	snop  }
__scs_overlays_trampoline_lowered:
0x8: {  	[smem:$0x3FA0] =	sst s0  }
0x9: {  	[smem:$0x3FA1] =	sst s1  }
0xa: {  	[smem:$0x3FA2] =	sst s2  }
0xb: {  	[smem:$0x3FA3] =	sst s3  }
0xc: {  	[smem:$0x3FA4] =	sst s4  }
0xd: {  	[smem:$0x3FA5] =	sst s5  }
0xe: {  	[smem:$0x3FA6] =	sst s6  }
0xf: {  	[smem:$0x3FA7] =	sst s7  }
0x10: {  	[smem:$0x3FA8] =	sst s8  }
0x11: {  	[smem:$0x3FA9] =	sst s9;
	s0 =	simm.s32 @!p0 $0x0  }
0x12: {  	s1 =	sld [smem:$0x3F8F];
	s0 =	simm.s32 @p0 $0x1  }
0x13: {  	[smem:$0x3FAA] =	sst s0;
	s0 =	simm.s32 @!p1 $0x0  }
0x14: {  	s2 =	sld [smem:$0x3F8E];
	s0 =	simm.s32 @p1 $0x1  }
0x15: {  	[smem:$0x3FAB] =	sst s0;
	s0 =	simm.s32 @!p2 $0x0  }
0x16: {  	s3 =	sld [smem:$0x3FDB];
	s0 =	simm.s32 @p2 $0x1  }
0x17: {  	s4 =	simm.s32 $0x1BF5;
	[smem:$0x3FAD] =	sst s0  }
0x18: {  	s0 =	sld [smem:$0x3F90];
	_ =	swait.ge [sflag:s4], $0x0  }
0x19: {  	s7 =	sld [smem:$0x3F91]  }
0x1a: {  	s8 =	sadd.s32 $0xFFFFE003, lr  }
0x1b: {  	s9 =	sadd.s32 $0xFFFFFEF7, lr;
	s5 =	simm.s32 $0xFFFFFFFF;
	p2 =	slt.u32 s8, $0xFFFFF086  }
0x1c: {  	p1 =	slt.u32 s9, $0xF7A;
	s5 =	simm.s32 @!p2 $0x0  }
0x1d: {  	s5 =	simm.s32 @p1 $0x1;
	p0 =	seq.s32 s7, s2  }
0x1e: {  	s7 =	smul.u32 @!p0 $0xF7A, s2;
	p2 =	seq.s32 @!p0 s5, $0x0  }
0x1f: {  	s9 =	smul.u32 $0xF7A, s1;
	s8 =	simm.s32 @!p0 $0x1BF5;
	p2 =	por !p2, p0  }
0x20: {  	[sflag:s8] =	ssyncset.s32 @!p0 $0xFFFFF086;
	s6 =	sadd.s32 @!p0 s3, s7;
	s7 =	simm.s32 @!p0 $0x108  }
0x21: {  	s3 =	sadd.s32 s3, s9;
	s6 =	sadd.s32 @!p0 $0x88, s6;
	s7 =	simm.s32 @p2 $0x1082  }
0x22: {  	[simem:s7], [sflag:s8] =	dma.local @!p0 [hbm:s6], $0xF7A  }
0x23: {  	s9 =	sor.u32 $0xD0000000, s2;
	s6 =	simm.s32 $0x108;
	_ =	swait.ge @!p0 [sflag:s8], $0x0  }
0x24: {  	s3 =	sadd.s32 $0x88, s3;
	s6 =	simm.s32 @!p1 $0x1082;
	[sflag:s4] =	ssyncset.s32 $0xFFFFF086  }
0x25: {  	[simem:s6], [sflag:s4] =	dma.local [hbm:s3], $0xF7A  }
0x26: {  	[smem:$0x3F91] =	sst s1;
	(tag) =	ssettag s2;
	_ =	strace s9  }
0x27: {  	s1 =	sld [smem:$0x3FA1]  }
0x28: {  	s2 =	sld [smem:$0x3FA2]  }
0x29: {  	s4 =	sld [smem:$0x3FA4]  }
0x2a: {  	p0 =	seq.s32 s5, $0x0;
	s5 =	sld [smem:$0x3FA5]  }
0x2b: {  	s6 =	sld [smem:$0x3FA6]  }
0x2c: {  	s7 =	sld [smem:$0x3FA7]  }
0x2d: {  	s3 =	simm.s32 $0x108;
	s8 =	sld [smem:$0x3FA8]  }
0x2e: {  	s3 =	simm.s32 @!p0 $0x1082;
	s9 =	sld [smem:$0x3FA9]  }
0x2f: {  	lr =	sadd.s32 s0, s3;
	s0 =	sld [smem:$0x3FA0]  }
0x30: {  	s3 =	sld [smem:$0x3FA3]  }
0x31: {  	[smem:$0x3FAC] =	sst s10  }
0x32: {  	s10 =	sld [smem:$0x3FAA];
	_ =	sdelay $0x3  }
0x33: {  	p0 =	seq.s32 s10, $0x1;
	s10 =	sld [smem:$0x3FAC];
	_ =	sdelay $0x3  }
0x34: {  	[smem:$0x3FAC] =	sst s10  }
0x35: {  	s10 =	sld [smem:$0x3FAB];
	_ =	sdelay $0x3  }
0x36: {  	p1 =	seq.s32 s10, $0x1;
	s10 =	sld [smem:$0x3FAC];
	_ =	sdelay $0x3  }
0x37: {  	[smem:$0x3FAC] =	sst s10  }
0x38: {  	s10 =	sld [smem:$0x3FAD]  }
0x39: {  	_ = 	snop;
	(pc) =	sbr.ind lr, $3  }
0x3a: {  	_ = 	snop  }
0x3b: {  	_ = 	snop  }
0x3c: {  	p2 =	seq.s32 s10, $0x1;
	s10 =	sld [smem:$0x3FAC]  }
0x3d: {  	_ =	shalt  }
0x3e: {  	_ =	shalt  }
0x3f: {  	_ =	shalt  }
0x40: {  	_ =	shalt  }
0x41: {  	_ =	shalt  }
0x42: {  	_ =	shalt  }
0x43: {  	_ =	shalt  }
0x44: {  	_ =	shalt  }
0x45: {  	_ =	shalt  }
0x46: {  	_ =	shalt  }
0x47: {  	_ =	shalt  }
0x48: {  	_ =	shalt  }
0x49: {  	_ =	shalt  }
0x4a: {  	_ =	shalt  }
0x4b: {  	_ =	shalt  }
0x4c: {  	_ =	shalt  }
0x4d: {  	_ =	shalt  }
0x4e: {  	_ =	shalt  }
0x4f: {  	_ =	shalt  }
0x50: {  	_ =	shalt  }
0x51: {  	_ =	shalt  }
0x52: {  	_ =	shalt  }
0x53: {  	_ =	shalt  }
0x54: {  	_ =	shalt  }
0x55: {  	_ =	shalt  }
0x56: {  	_ =	shalt  }
0x57: {  	_ =	shalt  }
0x58: {  	_ =	shalt  }
0x59: {  	_ =	shalt  }
0x5a: {  	_ =	shalt  }
0x5b: {  	_ =	shalt  }
0x5c: {  	_ =	shalt  }
0x5d: {  	_ =	shalt  }
0x5e: {  	_ =	shalt  }
0x5f: {  	_ =	shalt  }
0x60: {  	_ =	shalt  }
0x61: {  	_ =	shalt  }
0x62: {  	_ =	shalt  }
0x63: {  	_ =	shalt  }
0x64: {  	_ =	shalt  }
0x65: {  	_ =	shalt  }
0x66: {  	_ =	shalt  }
0x67: {  	_ =	shalt  }
0x68: {  	_ =	shalt  }
0x69: {  	_ =	shalt  }
0x6a: {  	_ =	shalt  }
0x6b: {  	_ =	shalt  }
0x6c: {  	_ =	shalt  }
0x6d: {  	_ =	shalt  }
0x6e: {  	_ =	shalt  }
0x6f: {  	_ =	shalt  }
0x70: {  	_ =	shalt  }
0x71: {  	_ =	shalt  }
0x72: {  	_ =	shalt  }
0x73: {  	_ =	shalt  }
0x74: {  	_ =	shalt  }
0x75: {  	_ =	shalt  }
0x76: {  	_ =	shalt  }
0x77: {  	_ =	shalt  }
0x78: {  	_ =	shalt  }
0x79: {  	_ =	shalt  }
0x7a: {  	_ =	shalt  }
0x7b: {  	_ =	shalt  }
0x7c: {  	_ =	shalt  }
0x7d: {  	_ =	shalt  }
0x7e: {  	_ =	shalt  }
0x7f: {  	_ =	shalt  }
0x80: {  	_ =	shalt  }
0x81: {  	_ =	shalt  }
0x82: {  	_ =	shalt  }
0x83: {  	_ =	shalt  }
0x84: {  	_ =	shalt  }
0x85: {  	_ =	shalt  }
0x86: {  	_ =	shalt  }
0x87: {  	_ =	shalt  }
.Lfunc_end0:
.L_simem_size_0:
called_computation.4_lowered:
.L_overlay_start_0:
0x88: {  	s2 =	sld [smem:$0x3FD9]  }
0x89: {  	s3 =	sld [smem:$0x3FFE];
	_ =	sdelay $0x1  }
0x8a: {  	s1 =	srdreg.scid  }
0x8b: {  	s0 =	sand.u32 $0x1, s1  }
0x8c: {  	s17 =	sshll.u32 s0, $0xA;
	s2 =	sadd.s32 s3, s2  }
0x8d: {  	s2 =	sadd.s32 s2, s17  }
0x8e: {  	[smem:$0x3FB8] =	sst s2  }
0x8f: {  	_ = 	snop  }
0x90: {  	s2 =	sld [smem:$0x3FD0];
	(tm) =	ssettm $0x1  }
0x91: {  	s18 =	sld [smem:$0x3FFB];
	_ =	sdelay $0x3  }
0x92: {  	_ =	strace s18  }
0x93: {  	s3 =	sld [smem:$0x3FFC];
	_ =	sdelay $0x3  }
0x94: {  	_ =	strace s3  }
0x95: {  	s3 =	sld [smem:$0x3FFD];
	_ =	sdelay $0x3  }
0x96: {  	_ =	strace s3  }
0x97: {  	_ =	strace $0x8FFFFFFF  }
0x98: {  	s19 =	sld [smem:$0x3FDB];
	_ =	sdelay $0x1  }
0x99: {  	s4 =	simm.s32 $_scs_section_size  }
0x9a: {  	s5 =	simm.s32 $_size__tile_overlayer_lowered;
	s6 =	simm.s32 $_tile_overlayer_lowered  }
0x9b: {  	s22 =	simm.s32 $0x1BFF;
	s21 =	sshll.u32 s6, $0x1;
	s3 =	sadd.s32 s4, s19  }
0x9c: {  	s7 =	simm.s32 $0x0;
	s20 =	sshll.u32 s5, $0x1;
	s5 =	sadd.s32 s21, s3  }
0x9d: {  	[timem:s7], [sflag:s22] =	dma.local [hbm:s5], s20  }
0x9e: {  	_ =	swait.ge [sflag:s22], s20  }
0x9f: {  	s4 =	ssub.s32 $0x0, s20;
	[sflag:s22] =	ssyncset.done $0x0  }
0xa0: {  	[sflag:s22] =	ssyncadd.s32 s4;
	_ =	sdelay $0x1  }
0xa1: {  	s23 =	simm.s32 $0x1B8B  }
0xa2: {  	_ =	swait.ge [sflag:s23], $0x1  }
0xa3: {  	[sflag:s23] =	ssyncset.done $0x0  }
0xa4: {  	s25 =	simm.s32 $0x1B8E;
	s24 =	sld [smem:$0x3FFE];
	[sflag:s23] =	ssyncadd.s32 $0xFFFFFFFF  }
0xa5: {  	s26 =	simm.s32 $execute0_lowered;
	[smem:$0x3FD2] =	sst s25  }
0xa6: {  	s5 =	sshll.u32 s26, $0x1;
	_ =	strace $0x80000052;
	[dreg:$0x1] =	wrdreg $0xFFFFFFFF  }
0xa7: {  	s28 =	simm.s32 $_size_execute0_lowered;
	s3 =	sadd.s32 s3, s5;
	[dreg:$0x0] =	wrdreg $0x0  }
0xa8: {  	s5 =	sshll.u32 s28, $0x1;
	[dreg:$0x2] =	wrdreg s3  }
0xa9: {  	[dreg:$0x3] =	wrdreg s5  }
0xaa: {  	[dreg:$0x4] =	wrdreg $0xC0  }
0xab: {  	_ =	task [dreg:s7], $0x5FFFF  }
0xac: {  	[dreg:$0x1] =	wrdreg $0xFFFFFFFF  }
0xad: {  	[dreg:$0x0] =	wrdreg $0x60  }
0xae: {  	[dreg:$0x2] =	wrdreg s24  }
0xaf: {  	[dreg:$0x3] =	wrdreg s2  }
0xb0: {  	[dreg:$0x4] =	wrdreg $0x121100  }
0xb1: {  	[dreg:$0x5] =	wrdreg $0x9  }
0xb2: {  	_ =	task.clear_ibuf [dreg:s7], $0x6FFFF;
	_ =	strace $0x90000052  }
0xb3: {  	s29 =	simm.s32 $0x9;
	_ =	strace $0x80000054  }
0xb4: {  	_ =	swait.ge [sflag:s29], $0x1  }
0xb5: {  	[sflag:s29] =	ssyncadd.s32 $0xFFFFFFFF  }
0xb6: {  	_ =	strace $0x90000054  }
0xb7: {  	_ =	sfence  }
0xb8: {  	s30 =	sld [smem:$0x0];
	_ =	sdelay $0x2  }
0xb9: {  	s31 =	sshll.u32 s1, $0xD;
	s1 =	sshrl.u32 s1, $0x2  }
0xba: {  	s3 =	sand.u32 $0x4000, s31;
	s1 =	sadd.s32 s1, s30  }
0xbb: {  	s0 =	sor.u32 s3, s0;
	s1 =	sshll.u32 s1, $0x11  }
0xbc: {  	s0 =	sor.u32 s1, s0  }
0xbd: {  	s0 =	sadd.s32 $0x8F2B, s0  }
0xbe: {  	[sflag:s0] =	ssyncadd.remote.s32 $0x1  }
0xbf: {  	_ =	sfence.sel $0xFFFF  }
0xc0: {  	[dreg:$0x0] =	wrdreg $0xFFFFFFFF;
	(pc) =	sbr.abs _section_cstart, $3  }
0xc1: {  	[dreg:$0x1] =	wrdreg $0xFFFFFFFF  }
0xc2: {  	_ =	task.clear_ibuf [dreg:s7], $0x2FFFF;
	_ =	strace $0x9FFFFFFF  }
0xc3: {  	(tm) =	ssettm $0x7FFFFFFF  }
tec
execute0_lowered:
.L_overlay_start_1:
0x0: {  	(tag) =	ssettag $0x1  }
0x1: {  	s1 =	srdreg.scid;
	s0 =	stileid.u32  }
0x2: {  	s23 =	rddreg [dreg:$0x0];
	s24 =	sand.u32 $0x1, s1;
	s29 =	sshll.u32 s0, $0x1  }
0x3: {  	s8 =	rddreg [dreg:$0x1];
	s1 =	sor.u32 s24, s29  }
0x4: {  	s2 =	rddreg [dreg:$0x2];
	s3 =	simm.s32 $0x0;
	s4 =	smul.u32 $0x271, s1  }
0x5: {  	[smem:$0x7FF] =	sst s3  }
0x6: {  	s1 =	rddreg [dreg:$0x3];
	s6 =	sadd.s32 s4, s23  }
0x7: {  	_ =	strace $0x80000053;
	s4 =	simm.s32 $0x2;
	s5 =	sadd.s32 $0xB600, s6  }
0x8: {  	[tilespmem:s3], [sflag:$0x2] =	stream.linear.gather [hbm4b:s5+s3], $0x1388, $0x38;
	[tilespmem:$0x17010] =	vst v63  }
0x9: {  	_ =	swait.ge [sflag:s4], $0x1388  }
0xa: {  	s7 =	simm.s32 $0x1388;
	[sflag:s4] =	ssyncset.done $0x0  }
0xb: {  	s9 =	smul.u32 $0x4F00, s0;
	s6 =	sadd.s32 $0x6600, s6;
	[sflag:s4] =	ssyncadd.s32 $0xFFFFEC78  }
0xc: {  	[tilespmem:s7], [sflag:$0x2] =	stream.linear.gather [hbm4b:s6+s3], $0x1388, $0x38;
	[tilespmem:$0x17010] =	vst v63  }
0xd: {  	s10 =	sadd.s32 s9, s2;
	s9 =	sshrl.u32 s9, $0x3;
	_ =	swait.ge [sflag:s4], $0x1388  }
0xe: {  	s30 =	sshll.u32 s0, $0x6;
	s8 =	sadd.s32 s8, s9;
	[sflag:s4] =	ssyncset.done $0x0  }
0xf: {  	s9 =	sor.u32 $0x1C02, s30;
	s10 =	sshrl.u32 s10, $0x3;
	[sflag:s4] =	ssyncadd.s32 $0xFFFFEC78  }
0x10: {  	[spmem:s10], [sflag:s9] =	dma.local [hbm:s8], $0x9E0  }
0x11: {  	_ =	swait.ge [sflag:s4], $0x9E0  }
0x12: {  	[sflag:s4] =	ssyncset.done $0x0  }
0x13: {  	s12 =	simm.s32 $0x3E8;
	[sflag:s4] =	ssyncadd.s32 $0xFFFFF620  }
0x14: {  	s13 =	simm.s32 $0x2710;
	s11 =	sadd.s32 $0x37800, s23;
	[bflag:$0x0] =	sbarrier.arrive $0xFFFF  }
0x15: {  	[tilespmem:s13], [sflag:$0x1] =	stream.indirect.gather [hbm4b:s11+s12], $0x20, s3, s12, $0xb8;
	[tilespmem:$0x17010] =	vst v63  }
0x16: {  	s14 =	simm.s32 $0xA410;
	s15 =	simm.s32 $0x1  }
0x17: {  	[tilespmem:s14], [sflag:$0x1] =	stream.indirect.gather [hbm4b:s11+s12], $0x20, s12, s12, $0xb8;
	[tilespmem:$0x17010] =	vst v63  }
0x18: {  	_ =	swait.ge [sflag:s15], $0x7D00  }
0x19: {  	[sflag:s15] =	ssyncset.done $0x0  }
0x1a: {  	[sflag:s15] =	ssyncadd.s32 $0xFFFF8300  }
0x1b: {  	[spmem:s2] =	stream.indirect.scatter.add.f32 [tilespmem:s13], [sflag:$0x2], $0x20, s7, s12, $0xb8;
	[tilespmem:$0x17010] =	vst v63  }
0x1c: {  	_ =	swait.ge [sflag:s4], $0x7D00  }
0x1d: {  	[sflag:s4] =	ssyncset.done $0x0  }
0x1e: {  	s16 =	simm.s32 $0x7D0;
	[sflag:s4] =	ssyncadd.s32 $0xFFFF8300  }
0x1f: {  	[tilespmem:s13], [sflag:$0x1] =	stream.indirect.gather [hbm4b:s11+s12], $0x20, s16, s12, $0xb8;
	[tilespmem:$0x17010] =	vst v63  }
0x20: {  	_ =	swait.ge [sflag:s15], $0x7D00  }
0x21: {  	[sflag:s15] =	ssyncset.done $0x0  }
0x22: {  	s17 =	simm.s32 $0x1770;
	[sflag:s15] =	ssyncadd.s32 $0xFFFF8300  }
0x23: {  	[spmem:s2] =	stream.indirect.scatter.add.f32 [tilespmem:s14], [sflag:$0x2], $0x20, s17, s12, $0xb8;
	[tilespmem:$0x17010] =	vst v63  }
0x24: {  	_ =	swait.ge [sflag:s4], $0x7D00  }
0x25: {  	[sflag:s4] =	ssyncset.done $0x0  }
0x26: {  	s18 =	simm.s32 $0xBB8;
	[sflag:s4] =	ssyncadd.s32 $0xFFFF8300  }
0x27: {  	[tilespmem:s14], [sflag:$0x1] =	stream.indirect.gather [hbm4b:s11+s12], $0x20, s18, s12, $0xb8;
	[tilespmem:$0x17010] =	vst v63  }
0x28: {  	_ =	swait.ge [sflag:s15], $0x7D00  }
0x29: {  	[sflag:s15] =	ssyncset.done $0x0  }
0x2a: {  	s19 =	simm.s32 $0x1B58;
	[sflag:s15] =	ssyncadd.s32 $0xFFFF8300  }
0x2b: {  	[spmem:s2] =	stream.indirect.scatter.add.f32 [tilespmem:s13], [sflag:$0x2], $0x20, s19, s12, $0xb8;
	[tilespmem:$0x17010] =	vst v63  }
0x2c: {  	_ =	swait.ge [sflag:s4], $0x7D00  }
0x2d: {  	[sflag:s4] =	ssyncset.done $0x0  }
0x2e: {  	s20 =	simm.s32 $0xFA0;
	[sflag:s4] =	ssyncadd.s32 $0xFFFF8300  }
0x2f: {  	[tilespmem:s13], [sflag:$0x1] =	stream.indirect.gather [hbm4b:s11+s12], $0x20, s20, s12, $0xb8;
	[tilespmem:$0x17010] =	vst v63  }
0x30: {  	_ =	swait.ge [sflag:s15], $0x7D00  }
0x31: {  	[sflag:s15] =	ssyncset.done $0x0  }
0x32: {  	s21 =	simm.s32 $0x1F40;
	[sflag:s15] =	ssyncadd.s32 $0xFFFF8300  }
0x33: {  	[spmem:s2] =	stream.indirect.scatter.add.f32 [tilespmem:s14], [sflag:$0x2], $0x20, s21, s12, $0xb8;
	[tilespmem:$0x17010] =	vst v63  }
0x34: {  	_ =	swait.ge [sflag:s4], $0x7D00  }
0x35: {  	[sflag:s4] =	ssyncset.done $0x0  }
0x36: {  	[sflag:s4] =	ssyncadd.s32 $0xFFFF8300  }
0x37: {  	s25 =	smul.u32 $0x9E00, s24;
	s24 =	ssub.s32 $0x2, s24;
	_ =	swait.ge [sflag:s15], $0x7D00  }
0x38: {  	s22 =	simm.s32 $0x2328;
	s31 =	sshrl.u32 s24, $0x1;
	[sflag:s15] =	ssyncset.done $0x0  }
0x39: {  	s26 =	smul.u32 $0x9E0, s0;
	s24 =	ssub.s32 s24, s31;
	[sflag:s15] =	ssyncadd.s32 $0xFFFF8300  }
0x3a: {  	[spmem:s2] =	stream.indirect.scatter.add.f32 [tilespmem:s13], [sflag:$0x2], $0x20, s22, s12, $0xb8;
	[tilespmem:$0x17010] =	vst v63  }
0x3b: {  	s24 =	smax.u32 s24, $0x1;
	_ =	swait.ge [sflag:s4], $0x7D00  }
0x3c: {  	s25 =	sadd.s32 s26, s25;
	p0 =	sne.s32 s24, $0x1;
	[sflag:s4] =	ssyncset.done $0x0  }
.Ltmp0:
0x3d: {  	s23 =	sadd.s32 s25, s23;
	[sflag:s4] =	ssyncadd.s32 $0xFFFF8300;
	(pc) =	sbr.rel @!p0 .LBB2_2-.Ltmp0, $4  }
0x3e: {  	s23 =	sadd.s32 $0x41600, s23;
	[bflag:$0x0] =	sbarrier.arrive $0xFFFF  }
0x3f: {  	[hbm:s23], [sflag:s9] =	dma.local [spmem:s10], $0x9E0  }
0x40: {  	_ =	swait.ge [sflag:s4], $0x9E0  }
0x41: {  	s24 =	sadd.s32 $0xFFFFFFFF, s24;
	[sflag:s4] =	ssyncset.done $0x0  }
.LBB2_1:
0x42: {  	p0 =	sne.s32 s24, $0x1;
	s24 =	sadd.s32 $0xFFFFFFFF, s24;
	[sflag:s4] =	ssyncadd.s32 $0xFFFFF620  }
0x43: {  	[tilespmem:s3], [sflag:$0x2] =	stream.linear.gather [hbm4b:s5+s3], $0x1388, $0x38;
	[tilespmem:$0x17010] =	vst v63  }
0x44: {  	_ =	swait.ge [sflag:s4], $0x1388  }
0x45: {  	[sflag:s4] =	ssyncset.done $0x0  }
0x46: {  	[sflag:s4] =	ssyncadd.s32 $0xFFFFEC78  }
0x47: {  	[tilespmem:s7], [sflag:$0x2] =	stream.linear.gather [hbm4b:s6+s3], $0x1388, $0x38;
	[tilespmem:$0x17010] =	vst v63  }
0x48: {  	_ =	swait.ge [sflag:s4], $0x1388  }
0x49: {  	[sflag:s4] =	ssyncset.done $0x0  }
0x4a: {  	[sflag:s4] =	ssyncadd.s32 $0xFFFFEC78  }
0x4b: {  	[spmem:s10], [sflag:s9] =	dma.local [hbm:s8], $0x9E0  }
0x4c: {  	_ =	swait.ge [sflag:s4], $0x9E0  }
0x4d: {  	[sflag:s4] =	ssyncset.done $0x0  }
0x4e: {  	[sflag:s4] =	ssyncadd.s32 $0xFFFFF620  }
0x4f: {  	[bflag:$0x0] =	sbarrier.arrive $0xFFFF  }
0x50: {  	[tilespmem:s13], [sflag:$0x1] =	stream.indirect.gather [hbm4b:s11+s12], $0x20, s3, s12, $0xb8;
	[tilespmem:$0x17010] =	vst v63  }
0x51: {  	_ = 	snop  }
0x52: {  	[tilespmem:s14], [sflag:$0x1] =	stream.indirect.gather [hbm4b:s11+s12], $0x20, s12, s12, $0xb8;
	[tilespmem:$0x17010] =	vst v63  }
0x53: {  	_ =	swait.ge [sflag:s15], $0x7D00  }
0x54: {  	[sflag:s15] =	ssyncset.done $0x0  }
0x55: {  	[sflag:s15] =	ssyncadd.s32 $0xFFFF8300  }
0x56: {  	[spmem:s2] =	stream.indirect.scatter.add.f32 [tilespmem:s13], [sflag:$0x2], $0x20, s7, s12, $0xb8;
	[tilespmem:$0x17010] =	vst v63  }
0x57: {  	_ =	swait.ge [sflag:s4], $0x7D00  }
0x58: {  	[sflag:s4] =	ssyncset.done $0x0  }
0x59: {  	[sflag:s4] =	ssyncadd.s32 $0xFFFF8300  }
0x5a: {  	[tilespmem:s13], [sflag:$0x1] =	stream.indirect.gather [hbm4b:s11+s12], $0x20, s16, s12, $0xb8;
	[tilespmem:$0x17010] =	vst v63  }
0x5b: {  	_ =	swait.ge [sflag:s15], $0x7D00  }
0x5c: {  	[sflag:s15] =	ssyncset.done $0x0  }
0x5d: {  	[sflag:s15] =	ssyncadd.s32 $0xFFFF8300  }
0x5e: {  	[spmem:s2] =	stream.indirect.scatter.add.f32 [tilespmem:s14], [sflag:$0x2], $0x20, s17, s12, $0xb8;
	[tilespmem:$0x17010] =	vst v63  }
0x5f: {  	_ =	swait.ge [sflag:s4], $0x7D00  }
0x60: {  	[sflag:s4] =	ssyncset.done $0x0  }
0x61: {  	[sflag:s4] =	ssyncadd.s32 $0xFFFF8300  }
0x62: {  	[tilespmem:s14], [sflag:$0x1] =	stream.indirect.gather [hbm4b:s11+s12], $0x20, s18, s12, $0xb8;
	[tilespmem:$0x17010] =	vst v63  }
0x63: {  	_ =	swait.ge [sflag:s15], $0x7D00  }
0x64: {  	[sflag:s15] =	ssyncset.done $0x0  }
0x65: {  	[sflag:s15] =	ssyncadd.s32 $0xFFFF8300  }
0x66: {  	[spmem:s2] =	stream.indirect.scatter.add.f32 [tilespmem:s13], [sflag:$0x2], $0x20, s19, s12, $0xb8;
	[tilespmem:$0x17010] =	vst v63  }
0x67: {  	_ =	swait.ge [sflag:s4], $0x7D00  }
0x68: {  	[sflag:s4] =	ssyncset.done $0x0  }
0x69: {  	[sflag:s4] =	ssyncadd.s32 $0xFFFF8300  }
0x6a: {  	[tilespmem:s13], [sflag:$0x1] =	stream.indirect.gather [hbm4b:s11+s12], $0x20, s20, s12, $0xb8;
	[tilespmem:$0x17010] =	vst v63  }
0x6b: {  	_ =	swait.ge [sflag:s15], $0x7D00  }
0x6c: {  	[sflag:s15] =	ssyncset.done $0x0  }
0x6d: {  	[sflag:s15] =	ssyncadd.s32 $0xFFFF8300  }
0x6e: {  	[spmem:s2] =	stream.indirect.scatter.add.f32 [tilespmem:s14], [sflag:$0x2], $0x20, s21, s12, $0xb8;
	[tilespmem:$0x17010] =	vst v63  }
0x6f: {  	_ =	swait.ge [sflag:s4], $0x7D00  }
0x70: {  	[sflag:s4] =	ssyncset.done $0x0  }
0x71: {  	[sflag:s4] =	ssyncadd.s32 $0xFFFF8300  }
0x72: {  	_ =	swait.ge [sflag:s15], $0x7D00  }
0x73: {  	[sflag:s15] =	ssyncset.done $0x0  }
0x74: {  	[sflag:s15] =	ssyncadd.s32 $0xFFFF8300  }
0x75: {  	[spmem:s2] =	stream.indirect.scatter.add.f32 [tilespmem:s13], [sflag:$0x2], $0x20, s22, s12, $0xb8;
	[tilespmem:$0x17010] =	vst v63  }
0x76: {  	_ =	swait.ge [sflag:s4], $0x7D00  }
0x77: {  	[sflag:s4] =	ssyncset.done $0x0  }
.Ltmp1:
0x78: {  	[sflag:s4] =	ssyncadd.s32 $0xFFFF8300;
	(pc) =	sbr.rel @p0 .LBB2_1-.Ltmp1, $4  }
0x79: {  	[bflag:$0x0] =	sbarrier.arrive $0xFFFF  }
0x7a: {  	[hbm:s23], [sflag:s9] =	dma.local [spmem:s10], $0x9E0  }
0x7b: {  	_ =	swait.ge [sflag:s4], $0x9E0  }
0x7c: {  	[sflag:s4] =	ssyncset.done $0x0  }
.LBB2_2:
0x7d: {  	[sflag:s4] =	ssyncadd.s32 $0xFFFFF620  }
0x7e: {  	_ =	sfence.sel $0x180000  }
0x7f: {  	[bflag:$0x0] =	sbarrier.arrive $0xFFFF  }
0x80: {  	p0 =	sne.s32 s0, $0x0;
	_ =	strace $0x90000053  }
0x81: {  	s0 =	sadd.s32 @!p0 $0x100000, s1;
	[bflag:$0x2] =	sbarrier.arrive $0xFFFF  }
0x82: {  	[sflag:s0] =	ssyncadd.tile.s32 @!p0 $0x1;
	_ =	shalt  }
.Lfunc_end2:
_tile_overlayer_lowered:
.L_overlay_start_2:
0x83: {  	(tag) =	ssettag $0x2  }
0x84: {  	s0 =	rddreg [dreg:$0x0];
	s2 =	stileid.u32  }
0x85: {  	s1 =	rddreg [dreg:$0x1];
	p0 =	sne.s32 s2, $0x0  }
0x86: {  	s3 =	rddreg [dreg:$0x2];
	[bflag:$0x3] =	sbarrier.arrive $0xFFFF;
	s2 =	simm.s32 @!p0 $0x1C02  }
0x87: {  	[timem:s3], [sflag:s2] =	dma.local @!p0 [hbm:s0], s1  }
0x88: {  	s0 =	simm.s32 @!p0 $0x2  }
0x89: {  	_ =	swait.ge @!p0 [sflag:s0], s1  }
0x8a: {  	s1 =	ssub.s32 @!p0 $0x0, s1;
	[sflag:s0] =	ssyncset.done @!p0 $0x0  }
0x8b: {  	[sflag:s0] =	ssyncadd.s32 @!p0 s1  }
0x8c: {  	[bflag:$0x3] =	sbarrier.arrive $0xFFFF  }
0x8d: {  	_ =	shalt  }

</sc_bundles>
